<compile_context>
chip_gen: v7x
topology: tpu7x:2x2x1
jax: 0.10.2.dev20260603
libtpu: 0.0.44.dev20260713+nightly
codegen_flags: <defaults>
</compile_context>

<pallas_src>
import functools

import jax
import jax.numpy as jnp
from jax import lax
from jax.experimental import pallas as pl
from jax.experimental.pallas import tpu as pltpu
from jax.experimental.pallas import tpu_sc as plsc

N_ROWS = 65536
N_COLS = 65536
NNZ = 64
Q = 256
TOP_K = 10

NS = 16
L = 16
QPT = Q // NS
HALF = N_ROWS // 2
SLICE = N_ROWS // NS
NCHUNK = SLICE // L


def _sc_retrieve(qidx, qvals, rtab, vtab):
  mesh = plsc.VectorSubcoreMesh(
      core_axis_name="c", subcore_axis_name="s", num_cores=2, num_subcores=NS)

  @functools.partial(
      pl.kernel,
      out_type=(
          jax.ShapeDtypeStruct((L,), jnp.float32),
          jax.ShapeDtypeStruct((L,), jnp.int32),
      ),
      mesh=mesh,
      compiler_params=pltpu.CompilerParams(
          needs_layout_passes=False, use_tc_tiling_on_sc=False),
      scratch_types=[
          pltpu.VMEM((L,), jnp.int32),
          pltpu.VMEM((8, 128), jnp.float32),
          pltpu.VMEM((QPT, NNZ), jnp.int32),
          pltpu.VMEM((QPT, NNZ), jnp.float32),
          pltpu.VMEM((8, 128), jnp.int32),
          pltpu.VMEM((8, 128), jnp.float32),
          pltpu.VMEM((8, 128), jnp.int32),
          pltpu.VMEM((8, 128), jnp.float32),
          pltpu.VMEM((SLICE,), jnp.float32),
          pltpu.VMEM((NS * L,), jnp.float32),
          pltpu.VMEM((NS * L,), jnp.int32),
          pltpu.VMEM_SHARED((HALF,), jnp.float32),
          pltpu.VMEM_SHARED((HALF,), jnp.float32),
          pltpu.VMEM_SHARED((NS * L,), jnp.float32),
          pltpu.VMEM_SHARED((NS * L,), jnp.int32),
          pltpu.SemaphoreType.DMA,
          pltpu.SemaphoreType.DMA,
      ],
  )
  def k(qidx_h, qve_h, rtab_h, vtab_h, ovals_h, oidx_h,
        qidx_v, qvexp, rrows, vrows, silo, svlo, sihi, svhi,
        slicebuf, mv, mi, acc_lo, acc_hi, candv, candi, sem1, sem2):
    s = lax.axis_index("s")
    c = lax.axis_index("c")
    qbase = s * QPT
    iota = lax.iota(jnp.int32, L)

    @pl.when(c == 0)
    def _work():
      pltpu.sync_copy(qidx_h.at[pl.ds(qbase, QPT)], qidx_v)
      pltpu.sync_copy(qve_h.at[s], qvexp)
      cp1 = pltpu.async_copy(rtab_h.at[qidx_v], rrows, sem1)
      cp2 = pltpu.async_copy(vtab_h.at[qidx_v], vrows, sem2)

      zv = jnp.zeros((L,), jnp.float32)
      for i in range(NCHUNK // 2):
        slicebuf[pl.ds(i * L, L)] = zv
      zslice = slicebuf.at[pl.ds(0, SLICE // 2)]
      pltpu.sync_copy(zslice, acc_lo.at[pl.ds(s * (SLICE // 2), SLICE // 2)])
      pltpu.sync_copy(zslice, acc_hi.at[pl.ds(s * (SLICE // 2), SLICE // 2)])

      cp1.wait()
      cp2.wait()

      spread = s * L + iota
      for q in range(QPT):
        for j in range(NNZ // L):
          flat = q * NNZ + j * L
          r = rrows[q, pl.ds(j * L, L)]
          v = (vrows[q, pl.ds(j * L, L)]
               * qvexp[flat // 128, pl.ds(flat % 128, L)])
          in_lo = r < HALF
          row, col = flat // 128, flat % 128
          silo[row, pl.ds(col, L)] = jnp.where(in_lo, r, spread)
          svlo[row, pl.ds(col, L)] = jnp.where(in_lo, v, 0.0)
          sihi[row, pl.ds(col, L)] = jnp.where(in_lo, spread, r - HALF)
          svhi[row, pl.ds(col, L)] = jnp.where(in_lo, 0.0, v)

      plsc.subcore_barrier()
      for jj in range(8):
        pltpu.sync_copy(svlo.at[jj], acc_lo.at[silo.at[jj]], add=True)
        pltpu.sync_copy(svhi.at[jj], acc_hi.at[sihi.at[jj]], add=True)
      plsc.subcore_barrier()

      @pl.when(s < NS // 2)
      def _read_lo():
        pltpu.sync_copy(acc_lo.at[pl.ds(s * SLICE, SLICE)], slicebuf)

      @pl.when(s >= NS // 2)
      def _read_hi():
        pltpu.sync_copy(
            acc_hi.at[pl.ds((s - NS // 2) * SLICE, SLICE)], slicebuf)

      gbase = s * SLICE
      tv = slicebuf[pl.ds(0, L)]
      ti = gbase + iota
      tv, ti = plsc.sort_key_val(tv, ti)

      def body(j, carry):
        tv, ti = carry
        cvv = slicebuf[pl.ds(j * L, L)]
        cii = gbase + j * L + iota
        cvv, cii = plsc.sort_key_val(cvv, cii, descending=True)
        take_t = tv >= cvv
        return tuple(plsc.sort_key_val(
            jnp.where(take_t, tv, cvv), jnp.where(take_t, ti, cii)))

      tv, ti = lax.fori_loop(1, NCHUNK, body, (tv, ti))
      tv, ti = plsc.sort_key_val(tv, ti, descending=True)

      mv[pl.ds(0, L)] = tv
      mi[pl.ds(0, L)] = ti
      pltpu.sync_copy(mv.at[pl.ds(0, L)], candv.at[pl.ds(s * L, L)])
      pltpu.sync_copy(mi.at[pl.ds(0, L)], candi.at[pl.ds(s * L, L)])
      plsc.subcore_barrier()

      @pl.when(s == 0)
      def _merge():
        pltpu.sync_copy(candv, mv)
        pltpu.sync_copy(candi, mi)
        fv = mv[pl.ds(0, L)]
        fi = mi[pl.ds(0, L)]
        fv, fi = plsc.sort_key_val(fv, fi)

        def mbody(t, carry):
          fv, fi = carry
          cvv = mv[pl.ds(t * L, L)]
          cii = mi[pl.ds(t * L, L)]
          take_t = fv >= cvv
          return tuple(plsc.sort_key_val(
              jnp.where(take_t, fv, cvv), jnp.where(take_t, fi, cii)))

        fv, fi = lax.fori_loop(1, NS, mbody, (fv, fi))
        fv, fi = plsc.sort_key_val(fv, fi, descending=True)
        mv[pl.ds(0, L)] = fv
        mi[pl.ds(0, L)] = fi
        pltpu.sync_copy(mv.at[pl.ds(0, L)], ovals_h)
        pltpu.sync_copy(mi.at[pl.ds(0, L)], oidx_h)

  return k(qidx, qvals, rtab, vtab)


def kernel(indices, values, ccol, rindices, cvalues):
  del ccol
  qidx = indices.reshape(Q)
  qve = jnp.repeat(values.reshape(Q), NNZ).reshape(NS, 8, 128)
  rtab = rindices.reshape(N_COLS, NNZ)
  vtab = cvalues.reshape(N_COLS, NNZ)
  ov, oi = _sc_retrieve(qidx, qve, rtab, vtab)
  return [ov[:TOP_K], oi[:TOP_K]]

# --- scband reference (transcript-rebuilt; emitter-appended) ---
"""Pipeline reference for scband-csrsparse-retrieval-model-iterative-thread-safe-57947698758425 (READ-ONLY COPY).

The authoritative reference and input builder live on the scoring server;
editing this copy changes nothing except your own understanding.
"""

import jax, jax.numpy as jnp
import numpy as np

N_ROWS = 65536
N_COLS = 65536
NNZ_PER_COL = 64
Q = 256
TOP_K = 10


def setup_inputs(seed: int = 0) -> dict:
    key = jax.random.key(seed)
    k1, k2, k3, k4 = jax.random.split(key, 4)
    # CSR/CSC storage materialized per init_kwargs: fixed 64 nnz per column
    ccol = jnp.arange(N_COLS + 1, dtype=jnp.int32) * NNZ_PER_COL
    rindices = jax.random.randint(k1, (N_COLS * NNZ_PER_COL,), 0, N_ROWS, dtype=jnp.int32)
    cvalues = jax.random.normal(k2, (N_COLS * NNZ_PER_COL,), dtype=jnp.float32)
    # forward args
    indices = jax.random.randint(k3, (1, Q), 0, N_COLS, dtype=jnp.int32)
    values = jax.random.normal(k4, (1, Q), dtype=jnp.float32)
    return {"indices": indices, "values": values, "ccol": ccol, "rindices": rindices, "cvalues": cvalues}


def reference(indices, values, ccol, rindices, cvalues):
    # indices/values come in with a leading batch dim of 1, squeezed like the torch code
    idx = indices.squeeze(0)
    vals = values.squeeze(0)
    # per-query-column segment start pointers (ccol[idx] .. ccol[idx+1]); segments are
    # fixed-length (NNZ_PER_COL) in this instantiation, so the python loop over columns
    # is vectorized as a [Q, NNZ_PER_COL] gather.
    start = ccol[idx]
    gather_idx = start[:, None] + jnp.arange(NNZ_PER_COL, dtype=start.dtype)[None, :]
    v_indices = rindices[gather_idx]                 # [Q, NNZ_PER_COL] destination rows
    v_values = cvalues[gather_idx] * vals[:, None]   # scale each column's nnz by query value
    accumulated = jnp.zeros((N_ROWS,), dtype=jnp.float32).at[v_indices.reshape(-1)].add(v_values.reshape(-1))
    return jax.lax.top_k(accumulated, TOP_K)

if __name__ == "__main__":
    import jax
    _d = setup_inputs()
    print(jax.jit(kernel)(*tuple(_d.values())))

</pallas_src>

<mosaic_0001>
#map = affine_map<(d0, d1) -> (0)>
#map1 = affine_map<(d0, d1) -> (0, 0, 0)>
#map2 = affine_map<(d0, d1) -> (0, 0)>
module attributes {stable_mosaic.version = 14 : i64} {
  func.func @k(%arg0: i32, %arg1: i32, %arg2: memref<256xi32, #tpu.memory_space<hbm>>, %arg3: memref<16x8x128xf32, #tpu.memory_space<hbm>>, %arg4: memref<65536x64xi32, #tpu.memory_space<hbm>>, %arg5: memref<65536x64xf32, #tpu.memory_space<hbm>>, %arg6: memref<16xf32, #tpu.memory_space<hbm>>, %arg7: memref<16xi32, #tpu.memory_space<hbm>>, %arg8: memref<16xi32, #tpu.memory_space<vmem>>, %arg9: memref<8x128xf32, #tpu.memory_space<vmem>>, %arg10: memref<16x64xi32, #tpu.memory_space<vmem>>, %arg11: memref<16x64xf32, #tpu.memory_space<vmem>>, %arg12: memref<8x128xi32, #tpu.memory_space<vmem>>, %arg13: memref<8x128xf32, #tpu.memory_space<vmem>>, %arg14: memref<8x128xi32, #tpu.memory_space<vmem>>, %arg15: memref<8x128xf32, #tpu.memory_space<vmem>>, %arg16: memref<4096xf32, #tpu.memory_space<vmem>>, %arg17: memref<256xf32, #tpu.memory_space<vmem>>, %arg18: memref<256xi32, #tpu.memory_space<vmem>>, %arg19: memref<32768xf32, #tpu.memory_space<vmem_shared>>, %arg20: memref<32768xf32, #tpu.memory_space<vmem_shared>>, %arg21: memref<256xf32, #tpu.memory_space<vmem_shared>>, %arg22: memref<256xi32, #tpu.memory_space<vmem_shared>>, %arg23: memref<!tpu.dma_semaphore, #tpu.memory_space<semaphore_mem>>, %arg24: memref<!tpu.dma_semaphore, #tpu.memory_space<semaphore_mem>>) attributes {dimension_semantics = [#tpu.dimension_semantics<core_parallel>, #tpu.dimension_semantics<subcore_parallel>], iteration_bounds = array<i64: 2, 16>, scalar_prefetch = 0 : i64, scratch_operands = 17 : i64, tpu.core_type = #tpu.core_type<sc_vector_subcore>, window_params = [{transform_indices = #map}, {transform_indices = #map1}, {transform_indices = #map2}, {transform_indices = #map2}, {transform_indices = #map}, {transform_indices = #map}]} {
    %mul3A = arith.constant 16 : i32
    %mul3A_0 = arith.muli %arg1, %mul3A : i32
    %iota3A = tpu.iota {dimensions = array<i32: 0>} : vector<16xi32>
    %eq3A = arith.constant 0 : i32
    %eq3A_1 = arith.cmpi eq, %arg0, %eq3A : i32
    %convert_element_type3A = arith.extui %eq3A_1 : i1 to i32
    %cond3A = arith.constant 0 : i32
    %cond3A_2 = arith.cmpi ne, %convert_element_type3A, %cond3A : i32
    scf.if %cond3A_2 {
      "tpu.region"() ({
        %run_scoped3A_3096 = tpu.sem_alloc : memref<!tpu.dma_semaphore, #tpu.memory_space<semaphore_mem>>
        %dma_start3A_3097 = tpu.memref_slice %arg2[%mul3A_0] : memref<256xi32, #tpu.memory_space<hbm>> -> memref<16xi32, #tpu.memory_space<hbm>>
        %dma_start3A_3098 = tpu.memref_slice %arg2[%mul3A_0] : memref<256xi32, #tpu.memory_space<hbm>> -> memref<16xi32, #tpu.memory_space<hbm>>
        tpu.enqueue_dma source(%dma_start3A_3098 : memref<16xi32, #tpu.memory_space<hbm>>) target(%arg8 : memref<16xi32, #tpu.memory_space<vmem>>) target_semaphore(%run_scoped3A_3096 : memref<!tpu.dma_semaphore, #tpu.memory_space<semaphore_mem>>)
        %dma_wait3A_3099 = tpu.memref_slice %arg2[%mul3A_0] : memref<256xi32, #tpu.memory_space<hbm>> -> memref<16xi32, #tpu.memory_space<hbm>>
        %dma_wait3A_3100 = tpu.memref_slice %arg2[%mul3A_0] : memref<256xi32, #tpu.memory_space<hbm>> -> memref<16xi32, #tpu.memory_space<hbm>>
        tpu.wait_dma2 semaphore(%run_scoped3A_3096 : memref<!tpu.dma_semaphore, #tpu.memory_space<semaphore_mem>>) src(%dma_wait3A_3100 : memref<16xi32, #tpu.memory_space<hbm>>) dst(%arg8 : memref<16xi32, #tpu.memory_space<vmem>>)
        tpu.yield
      }) : () -> ()
      "tpu.region"() ({
        %run_scoped3A_3096 = tpu.sem_alloc : memref<!tpu.dma_semaphore, #tpu.memory_space<semaphore_mem>>
        %dma_start3A_3097 = arith.constant 0 : i32
        %dma_start3A_3098 = arith.constant 0 : i32
        %dma_start3A_3099 = tpu.memref_slice %arg3[%arg1, %dma_start3A_3097, %dma_start3A_3098] : memref<16x8x128xf32, #tpu.memory_space<hbm>> -> memref<1x8x128xf32, #tpu.memory_space<hbm>>
        %dma_start3A_3100 = tpu.memref_squeeze %dma_start3A_3099 : memref<1x8x128xf32, #tpu.memory_space<hbm>> -> memref<8x128xf32, #tpu.memory_space<hbm>>
        %dma_start3A_3101 = arith.constant 0 : i32
        %dma_start3A_3102 = arith.constant 0 : i32
        %dma_start3A_3103 = tpu.memref_slice %arg3[%arg1, %dma_start3A_3101, %dma_start3A_3102] : memref<16x8x128xf32, #tpu.memory_space<hbm>> -> memref<1x8x128xf32, #tpu.memory_space<hbm>>
        %dma_start3A_3104 = tpu.memref_squeeze %dma_start3A_3103 : memref<1x8x128xf32, #tpu.memory_space<hbm>> -> memref<8x128xf32, #tpu.memory_space<hbm>>
        tpu.enqueue_dma source(%dma_start3A_3104 : memref<8x128xf32, #tpu.memory_space<hbm>>) target(%arg9 : memref<8x128xf32, #tpu.memory_space<vmem>>) target_semaphore(%run_scoped3A_3096 : memref<!tpu.dma_semaphore, #tpu.memory_space<semaphore_mem>>)
        %dma_wait3A_3105 = arith.constant 0 : i32
        %dma_wait3A_3106 = arith.constant 0 : i32
        %dma_wait3A_3107 = tpu.memref_slice %arg3[%arg1, %dma_wait3A_3105, %dma_wait3A_3106] : memref<16x8x128xf32, #tpu.memory_space<hbm>> -> memref<1x8x128xf32, #tpu.memory_space<hbm>>
        %dma_wait3A_3108 = tpu.memref_squeeze %dma_wait3A_3107 : memref<1x8x128xf32, #tpu.memory_space<hbm>> -> memref<8x128xf32, #tpu.memory_space<hbm>>
        %dma_wait3A_3109 = arith.constant 0 : i32
        %dma_wait3A_3110 = arith.constant 0 : i32
        %dma_wait3A_3111 = tpu.memref_slice %arg3[%arg1, %dma_wait3A_3109, %dma_wait3A_3110] : memref<16x8x128xf32, #tpu.memory_space<hbm>> -> memref<1x8x128xf32, #tpu.memory_space<hbm>>
        %dma_wait3A_3112 = tpu.memref_squeeze %dma_wait3A_3111 : memref<1x8x128xf32, #tpu.memory_space<hbm>> -> memref<8x128xf32, #tpu.memory_space<hbm>>
        tpu.wait_dma2 semaphore(%run_scoped3A_3096 : memref<!tpu.dma_semaphore, #tpu.memory_space<semaphore_mem>>) src(%dma_wait3A_3112 : memref<8x128xf32, #tpu.memory_space<hbm>>) dst(%arg9 : memref<8x128xf32, #tpu.memory_space<vmem>>)
        tpu.yield
      }) : () -> ()
      %dma_start3A = arith.constant 0 : i32
      %dma_start3A_3 = arith.constant 0 : i32
      %dma_start3A_4 = tpu.memref_slice %arg4[%dma_start3A, %dma_start3A_3] : memref<65536x64xi32, #tpu.memory_space<hbm>> -> memref<65536x64xi32, #tpu.memory_space<hbm>>
      tpu.enqueue_indirect_dma source(%dma_start3A_4 : memref<65536x64xi32, #tpu.memory_space<hbm>>) target(%arg10 : memref<16x64xi32, #tpu.memory_space<vmem>>) offsets(%arg8 : memref<16xi32, #tpu.memory_space<vmem>>) semaphore(%arg23 : memref<!tpu.dma_semaphore, #tpu.memory_space<semaphore_mem>>)
      %dma_start3A_5 = arith.constant 0 : i32
      %dma_start3A_6 = arith.constant 0 : i32
      %dma_start3A_7 = tpu.memref_slice %arg5[%dma_start3A_5, %dma_start3A_6] : memref<65536x64xf32, #tpu.memory_space<hbm>> -> memref<65536x64xf32, #tpu.memory_space<hbm>>
      tpu.enqueue_indirect_dma source(%dma_start3A_7 : memref<65536x64xf32, #tpu.memory_space<hbm>>) target(%arg11 : memref<16x64xf32, #tpu.memory_space<vmem>>) offsets(%arg8 : memref<16xi32, #tpu.memory_space<vmem>>) semaphore(%arg24 : memref<!tpu.dma_semaphore, #tpu.memory_space<semaphore_mem>>)
      %broadcast_in_dim3A = arith.constant 0.000000e+00 : f32
      %broadcast_in_dim3A_8 = vector.broadcast %broadcast_in_dim3A : f32 to vector<16xf32>
      %swap3A = arith.constant 0 : index
      %swap3A_9 = tpu.vector_load %arg16[%swap3A] {strides = array<i32>} : memref<4096xf32, #tpu.memory_space<vmem>>, vector<16xf32>,
      tpu.vector_store %arg16[%swap3A], %broadcast_in_dim3A_8 {strides = array<i32>} : memref<4096xf32, #tpu.memory_space<vmem>>, vector<16xf32>,
      %swap3A_10 = arith.constant 16 : index
      %swap3A_11 = tpu.vector_load %arg16[%swap3A_10] {strides = array<i32>} : memref<4096xf32, #tpu.memory_space<vmem>>, vector<16xf32>,
      tpu.vector_store %arg16[%swap3A_10], %broadcast_in_dim3A_8 {strides = array<i32>} : memref<4096xf32, #tpu.memory_space<vmem>>, vector<16xf32>,
      %swap3A_12 = arith.constant 32 : index
      %swap3A_13 = tpu.vector_load %arg16[%swap3A_12] {strides = array<i32>} : memref<4096xf32, #tpu.memory_space<vmem>>, vector<16xf32>,
      tpu.vector_store %arg16[%swap3A_12], %broadcast_in_dim3A_8 {strides = array<i32>} : memref<4096xf32, #tpu.memory_space<vmem>>, vector<16xf32>,
      %swap3A_14 = arith.constant 48 : index
      %swap3A_15 = tpu.vector_load %arg16[%swap3A_14] {strides = array<i32>} : memref<4096xf32, #tpu.memory_space<vmem>>, vector<16xf32>,
      tpu.vector_store %arg16[%swap3A_14], %broadcast_in_dim3A_8 {strides = array<i32>} : memref<4096xf32, #tpu.memory_space<vmem>>, vector<16xf32>,
      %swap3A_16 = arith.constant 64 : index
      %swap3A_17 = tpu.vector_load %arg16[%swap3A_16] {strides = array<i32>} : memref<4096xf32, #tpu.memory_space<vmem>>, vector<16xf32>,
      tpu.vector_store %arg16[%swap3A_16], %broadcast_in_dim3A_8 {strides = array<i32>} : memref<4096xf32, #tpu.memory_space<vmem>>, vector<16xf32>,
      %swap3A_18 = arith.constant 80 : index
      %swap3A_19 = tpu.vector_load %arg16[%swap3A_18] {strides = array<i32>} : memref<4096xf32, #tpu.memory_space<vmem>>, vector<16xf32>,
      tpu.vector_store %arg16[%swap3A_18], %broadcast_in_dim3A_8 {strides = array<i32>} : memref<4096xf32, #tpu.memory_space<vmem>>, vector<16xf32>,
      %swap3A_20 = arith.constant 96 : index
      %swap3A_21 = tpu.vector_load %arg16[%swap3A_20] {strides = array<i32>} : memref<4096xf32, #tpu.memory_space<vmem>>, vector<16xf32>,
      tpu.vector_store %arg16[%swap3A_20], %broadcast_in_dim3A_8 {strides = array<i32>} : memref<4096xf32, #tpu.memory_space<vmem>>, vector<16xf32>,
      %swap3A_22 = arith.constant 112 : index
      %swap3A_23 = tpu.vector_load %arg16[%swap3A_22] {strides = array<i32>} : memref<4096xf32, #tpu.memory_space<vmem>>, vector<16xf32>,
      tpu.vector_store %arg16[%swap3A_22], %broadcast_in_dim3A_8 {strides = array<i32>} : memref<4096xf32, #tpu.memory_space<vmem>>, vector<16xf32>,
      %swap3A_24 = arith.constant 128 : index
      %swap3A_25 = tpu.vector_load %arg16[%swap3A_24] {strides = array<i32>} : memref<4096xf32, #tpu.memory_space<vmem>>, vector<16xf32>,
      tpu.vector_store %arg16[%swap3A_24], %broadcast_in_dim3A_8 {strides = array<i32>} : memref<4096xf32, #tpu.memory_space<vmem>>, vector<16xf32>,
      %swap3A_26 = arith.constant 144 : index
      %swap3A_27 = tpu.vector_load %arg16[%swap3A_26] {strides = array<i32>} : memref<4096xf32, #tpu.memory_space<vmem>>, vector<16xf32>,
      tpu.vector_store %arg16[%swap3A_26], %broadcast_in_dim3A_8 {strides = array<i32>} : memref<4096xf32, #tpu.memory_space<vmem>>, vector<16xf32>,
      %swap3A_28 = arith.constant 160 : index
      %swap3A_29 = tpu.vector_load %arg16[%swap3A_28] {strides = array<i32>} : memref<4096xf32, #tpu.memory_space<vmem>>, vector<16xf32>,
      tpu.vector_store %arg16[%swap3A_28], %broadcast_in_dim3A_8 {strides = array<i32>} : memref<4096xf32, #tpu.memory_space<vmem>>, vector<16xf32>,
      %swap3A_30 = arith.constant 176 : index
      %swap3A_31 = tpu.vector_load %arg16[%swap3A_30] {strides = array<i32>} : memref<4096xf32, #tpu.memory_space<vmem>>, vector<16xf32>,
      tpu.vector_store %arg16[%swap3A_30], %broadcast_in_dim3A_8 {strides = array<i32>} : memref<4096xf32, #tpu.memory_space<vmem>>, vector<16xf32>,
      %swap3A_32 = arith.constant 192 : index
      %swap3A_33 = tpu.vector_load %arg16[%swap3A_32] {strides = array<i32>} : memref<4096xf32, #tpu.memory_space<vmem>>, vector<16xf32>,
      tpu.vector_store %arg16[%swap3A_32], %broadcast_in_dim3A_8 {strides = array<i32>} : memref<4096xf32, #tpu.memory_space<vmem>>, vector<16xf32>,
      %swap3A_34 = arith.constant 208 : index
      %swap3A_35 = tpu.vector_load %arg16[%swap3A_34] {strides = array<i32>} : memref<4096xf32, #tpu.memory_space<vmem>>, vector<16xf32>,
      tpu.vector_store %arg16[%swap3A_34], %broadcast_in_dim3A_8 {strides = array<i32>} : memref<4096xf32, #tpu.memory_space<vmem>>, vector<16xf32>,
      %swap3A_36 = arith.constant 224 : index
      %swap3A_37 = tpu.vector_load %arg16[%swap3A_36] {strides = array<i32>} : memref<4096xf32, #tpu.memory_space<vmem>>, vector<16xf32>,
      tpu.vector_store %arg16[%swap3A_36], %broadcast_in_dim3A_8 {strides = array<i32>} : memref<4096xf32, #tpu.memory_space<vmem>>, vector<16xf32>,
      %swap3A_38 = arith.constant 240 : index
      %swap3A_39 = tpu.vector_load %arg16[%swap3A_38] {strides = array<i32>} : memref<4096xf32, #tpu.memory_space<vmem>>, vector<16xf32>,
      tpu.vector_store %arg16[%swap3A_38], %broadcast_in_dim3A_8 {strides = array<i32>} : memref<4096xf32, #tpu.memory_space<vmem>>, vector<16xf32>,
      %swap3A_40 = arith.constant 256 : index
      %swap3A_41 = tpu.vector_load %arg16[%swap3A_40] {strides = array<i32>} : memref<4096xf32, #tpu.memory_space<vmem>>, vector<16xf32>,
      tpu.vector_store %arg16[%swap3A_40], %broadcast_in_dim3A_8 {strides = array<i32>} : memref<4096xf32, #tpu.memory_space<vmem>>, vector<16xf32>,
      %swap3A_42 = arith.constant 272 : index
      %swap3A_43 = tpu.vector_load %arg16[%swap3A_42] {strides = array<i32>} : memref<4096xf32, #tpu.memory_space<vmem>>, vector<16xf32>,
      tpu.vector_store %arg16[%swap3A_42], %broadcast_in_dim3A_8 {strides = array<i32>} : memref<4096xf32, #tpu.memory_space<vmem>>, vector<16xf32>,
      %swap3A_44 = arith.constant 288 : index
      %swap3A_45 = tpu.vector_load %arg16[%swap3A_44] {strides = array<i32>} : memref<4096xf32, #tpu.memory_space<vmem>>, vector<16xf32>,
      tpu.vector_store %arg16[%swap3A_44], %broadcast_in_dim3A_8 {strides = array<i32>} : memref<4096xf32, #tpu.memory_space<vmem>>, vector<16xf32>,
      %swap3A_46 = arith.constant 304 : index
      %swap3A_47 = tpu.vector_load %arg16[%swap3A_46] {strides = array<i32>} : memref<4096xf32, #tpu.memory_space<vmem>>, vector<16xf32>,
      tpu.vector_store %arg16[%swap3A_46], %broadcast_in_dim3A_8 {strides = array<i32>} : memref<4096xf32, #tpu.memory_space<vmem>>, vector<16xf32>,
      %swap3A_48 = arith.constant 320 : index
      %swap3A_49 = tpu.vector_load %arg16[%swap3A_48] {strides = array<i32>} : memref<4096xf32, #tpu.memory_space<vmem>>, vector<16xf32>,
      tpu.vector_store %arg16[%swap3A_48], %broadcast_in_dim3A_8 {strides = array<i32>} : memref<4096xf32, #tpu.memory_space<vmem>>, vector<16xf32>,
      %swap3A_50 = arith.constant 336 : index
      %swap3A_51 = tpu.vector_load %arg16[%swap3A_50] {strides = array<i32>} : memref<4096xf32, #tpu.memory_space<vmem>>, vector<16xf32>,
      tpu.vector_store %arg16[%swap3A_50], %broadcast_in_dim3A_8 {strides = array<i32>} : memref<4096xf32, #tpu.memory_space<vmem>>, vector<16xf32>,
      %swap3A_52 = arith.constant 352 : index
      %swap3A_53 = tpu.vector_load %arg16[%swap3A_52] {strides = array<i32>} : memref<4096xf32, #tpu.memory_space<vmem>>, vector<16xf32>,
      tpu.vector_store %arg16[%swap3A_52], %broadcast_in_dim3A_8 {strides = array<i32>} : memref<4096xf32, #tpu.memory_space<vmem>>, vector<16xf32>,
      %swap3A_54 = arith.constant 368 : index
      %swap3A_55 = tpu.vector_load %arg16[%swap3A_54] {strides = array<i32>} : memref<4096xf32, #tpu.memory_space<vmem>>, vector<16xf32>,
      tpu.vector_store %arg16[%swap3A_54], %broadcast_in_dim3A_8 {strides = array<i32>} : memref<4096xf32, #tpu.memory_space<vmem>>, vector<16xf32>,
      %swap3A_56 = arith.constant 384 : index
      %swap3A_57 = tpu.vector_load %arg16[%swap3A_56] {strides = array<i32>} : memref<4096xf32, #tpu.memory_space<vmem>>, vector<16xf32>,
      tpu.vector_store %arg16[%swap3A_56], %broadcast_in_dim3A_8 {strides = array<i32>} : memref<4096xf32, #tpu.memory_space<vmem>>, vector<16xf32>,
      %swap3A_58 = arith.constant 400 : index
      %swap3A_59 = tpu.vector_load %arg16[%swap3A_58] {strides = array<i32>} : memref<4096xf32, #tpu.memory_space<vmem>>, vector<16xf32>,
      tpu.vector_store %arg16[%swap3A_58], %broadcast_in_dim3A_8 {strides = array<i32>} : memref<4096xf32, #tpu.memory_space<vmem>>, vector<16xf32>,
      %swap3A_60 = arith.constant 416 : index
      %swap3A_61 = tpu.vector_load %arg16[%swap3A_60] {strides = array<i32>} : memref<4096xf32, #tpu.memory_space<vmem>>, vector<16xf32>,
      tpu.vector_store %arg16[%swap3A_60], %broadcast_in_dim3A_8 {strides = array<i32>} : memref<4096xf32, #tpu.memory_space<vmem>>, vector<16xf32>,
      %swap3A_62 = arith.constant 432 : index
      %swap3A_63 = tpu.vector_load %arg16[%swap3A_62] {strides = array<i32>} : memref<4096xf32, #tpu.memory_space<vmem>>, vector<16xf32>,
      tpu.vector_store %arg16[%swap3A_62], %broadcast_in_dim3A_8 {strides = array<i32>} : memref<4096xf32, #tpu.memory_space<vmem>>, vector<16xf32>,
      %swap3A_64 = arith.constant 448 : index
      %swap3A_65 = tpu.vector_load %arg16[%swap3A_64] {strides = array<i32>} : memref<4096xf32, #tpu.memory_space<vmem>>, vector<16xf32>,
      tpu.vector_store %arg16[%swap3A_64], %broadcast_in_dim3A_8 {strides = array<i32>} : memref<4096xf32, #tpu.memory_space<vmem>>, vector<16xf32>,
      %swap3A_66 = arith.constant 464 : index
      %swap3A_67 = tpu.vector_load %arg16[%swap3A_66] {strides = array<i32>} : memref<4096xf32, #tpu.memory_space<vmem>>, vector<16xf32>,
      tpu.vector_store %arg16[%swap3A_66], %broadcast_in_dim3A_8 {strides = array<i32>} : memref<4096xf32, #tpu.memory_space<vmem>>, vector<16xf32>,
      %swap3A_68 = arith.constant 480 : index
      %swap3A_69 = tpu.vector_load %arg16[%swap3A_68] {strides = array<i32>} : memref<4096xf32, #tpu.memory_space<vmem>>, vector<16xf32>,
      tpu.vector_store %arg16[%swap3A_68], %broadcast_in_dim3A_8 {strides = array<i32>} : memref<4096xf32, #tpu.memory_space<vmem>>, vector<16xf32>,
      %swap3A_70 = arith.constant 496 : index
      %swap3A_71 = tpu.vector_load %arg16[%swap3A_70] {strides = array<i32>} : memref<4096xf32, #tpu.memory_space<vmem>>, vector<16xf32>,
      tpu.vector_store %arg16[%swap3A_70], %broadcast_in_dim3A_8 {strides = array<i32>} : memref<4096xf32, #tpu.memory_space<vmem>>, vector<16xf32>,
      %swap3A_72 = arith.constant 512 : index
      %swap3A_73 = tpu.vector_load %arg16[%swap3A_72] {strides = array<i32>} : memref<4096xf32, #tpu.memory_space<vmem>>, vector<16xf32>,
      tpu.vector_store %arg16[%swap3A_72], %broadcast_in_dim3A_8 {strides = array<i32>} : memref<4096xf32, #tpu.memory_space<vmem>>, vector<16xf32>,
      %swap3A_74 = arith.constant 528 : index
      %swap3A_75 = tpu.vector_load %arg16[%swap3A_74] {strides = array<i32>} : memref<4096xf32, #tpu.memory_space<vmem>>, vector<16xf32>,
      tpu.vector_store %arg16[%swap3A_74], %broadcast_in_dim3A_8 {strides = array<i32>} : memref<4096xf32, #tpu.memory_space<vmem>>, vector<16xf32>,
      %swap3A_76 = arith.constant 544 : index
      %swap3A_77 = tpu.vector_load %arg16[%swap3A_76] {strides = array<i32>} : memref<4096xf32, #tpu.memory_space<vmem>>, vector<16xf32>,
      tpu.vector_store %arg16[%swap3A_76], %broadcast_in_dim3A_8 {strides = array<i32>} : memref<4096xf32, #tpu.memory_space<vmem>>, vector<16xf32>,
      %swap3A_78 = arith.constant 560 : index
      %swap3A_79 = tpu.vector_load %arg16[%swap3A_78] {strides = array<i32>} : memref<4096xf32, #tpu.memory_space<vmem>>, vector<16xf32>,
      tpu.vector_store %arg16[%swap3A_78], %broadcast_in_dim3A_8 {strides = array<i32>} : memref<4096xf32, #tpu.memory_space<vmem>>, vector<16xf32>,
      %swap3A_80 = arith.constant 576 : index
      %swap3A_81 = tpu.vector_load %arg16[%swap3A_80] {strides = array<i32>} : memref<4096xf32, #tpu.memory_space<vmem>>, vector<16xf32>,
      tpu.vector_store %arg16[%swap3A_80], %broadcast_in_dim3A_8 {strides = array<i32>} : memref<4096xf32, #tpu.memory_space<vmem>>, vector<16xf32>,
      %swap3A_82 = arith.constant 592 : index
      %swap3A_83 = tpu.vector_load %arg16[%swap3A_82] {strides = array<i32>} : memref<4096xf32, #tpu.memory_space<vmem>>, vector<16xf32>,
      tpu.vector_store %arg16[%swap3A_82], %broadcast_in_dim3A_8 {strides = array<i32>} : memref<4096xf32, #tpu.memory_space<vmem>>, vector<16xf32>,
      %swap3A_84 = arith.constant 608 : index
      %swap3A_85 = tpu.vector_load %arg16[%swap3A_84] {strides = array<i32>} : memref<4096xf32, #tpu.memory_space<vmem>>, vector<16xf32>,
      tpu.vector_store %arg16[%swap3A_84], %broadcast_in_dim3A_8 {strides = array<i32>} : memref<4096xf32, #tpu.memory_space<vmem>>, vector<16xf32>,
      %swap3A_86 = arith.constant 624 : index
      %swap3A_87 = tpu.vector_load %arg16[%swap3A_86] {strides = array<i32>} : memref<4096xf32, #tpu.memory_space<vmem>>, vector<16xf32>,
      tpu.vector_store %arg16[%swap3A_86], %broadcast_in_dim3A_8 {strides = array<i32>} : memref<4096xf32, #tpu.memory_space<vmem>>, vector<16xf32>,
      %swap3A_88 = arith.constant 640 : index
      %swap3A_89 = tpu.vector_load %arg16[%swap3A_88] {strides = array<i32>} : memref<4096xf32, #tpu.memory_space<vmem>>, vector<16xf32>,
      tpu.vector_store %arg16[%swap3A_88], %broadcast_in_dim3A_8 {strides = array<i32>} : memref<4096xf32, #tpu.memory_space<vmem>>, vector<16xf32>,
      %swap3A_90 = arith.constant 656 : index
      %swap3A_91 = tpu.vector_load %arg16[%swap3A_90] {strides = array<i32>} : memref<4096xf32, #tpu.memory_space<vmem>>, vector<16xf32>,
      tpu.vector_store %arg16[%swap3A_90], %broadcast_in_dim3A_8 {strides = array<i32>} : memref<4096xf32, #tpu.memory_space<vmem>>, vector<16xf32>,
      %swap3A_92 = arith.constant 672 : index
      %swap3A_93 = tpu.vector_load %arg16[%swap3A_92] {strides = array<i32>} : memref<4096xf32, #tpu.memory_space<vmem>>, vector<16xf32>,
      tpu.vector_store %arg16[%swap3A_92], %broadcast_in_dim3A_8 {strides = array<i32>} : memref<4096xf32, #tpu.memory_space<vmem>>, vector<16xf32>,
      %swap3A_94 = arith.constant 688 : index
      %swap3A_95 = tpu.vector_load %arg16[%swap3A_94] {strides = array<i32>} : memref<4096xf32, #tpu.memory_space<vmem>>, vector<16xf32>,
      tpu.vector_store %arg16[%swap3A_94], %broadcast_in_dim3A_8 {strides = array<i32>} : memref<4096xf32, #tpu.memory_space<vmem>>, vector<16xf32>,
      %swap3A_96 = arith.constant 704 : index
      %swap3A_97 = tpu.vector_load %arg16[%swap3A_96] {strides = array<i32>} : memref<4096xf32, #tpu.memory_space<vmem>>, vector<16xf32>,
      tpu.vector_store %arg16[%swap3A_96], %broadcast_in_dim3A_8 {strides = array<i32>} : memref<4096xf32, #tpu.memory_space<vmem>>, vector<16xf32>,
      %swap3A_98 = arith.constant 720 : index
      %swap3A_99 = tpu.vector_load %arg16[%swap3A_98] {strides = array<i32>} : memref<4096xf32, #tpu.memory_space<vmem>>, vector<16xf32>,
      tpu.vector_store %arg16[%swap3A_98], %broadcast_in_dim3A_8 {strides = array<i32>} : memref<4096xf32, #tpu.memory_space<vmem>>, vector<16xf32>,
      %swap3A_100 = arith.constant 736 : index
      %swap3A_101 = tpu.vector_load %arg16[%swap3A_100] {strides = array<i32>} : memref<4096xf32, #tpu.memory_space<vmem>>, vector<16xf32>,
      tpu.vector_store %arg16[%swap3A_100], %broadcast_in_dim3A_8 {strides = array<i32>} : memref<4096xf32, #tpu.memory_space<vmem>>, vector<16xf32>,
      %swap3A_102 = arith.constant 752 : index
      %swap3A_103 = tpu.vector_load %arg16[%swap3A_102] {strides = array<i32>} : memref<4096xf32, #tpu.memory_space<vmem>>, vector<16xf32>,
      tpu.vector_store %arg16[%swap3A_102], %broadcast_in_dim3A_8 {strides = array<i32>} : memref<4096xf32, #tpu.memory_space<vmem>>, vector<16xf32>,
      %swap3A_104 = arith.constant 768 : index
      %swap3A_105 = tpu.vector_load %arg16[%swap3A_104] {strides = array<i32>} : memref<4096xf32, #tpu.memory_space<vmem>>, vector<16xf32>,
      tpu.vector_store %arg16[%swap3A_104], %broadcast_in_dim3A_8 {strides = array<i32>} : memref<4096xf32, #tpu.memory_space<vmem>>, vector<16xf32>,
      %swap3A_106 = arith.constant 784 : index
      %swap3A_107 = tpu.vector_load %arg16[%swap3A_106] {strides = array<i32>} : memref<4096xf32, #tpu.memory_space<vmem>>, vector<16xf32>,
      tpu.vector_store %arg16[%swap3A_106], %broadcast_in_dim3A_8 {strides = array<i32>} : memref<4096xf32, #tpu.memory_space<vmem>>, vector<16xf32>,
      %swap3A_108 = arith.constant 800 : index
      %swap3A_109 = tpu.vector_load %arg16[%swap3A_108] {strides = array<i32>} : memref<4096xf32, #tpu.memory_space<vmem>>, vector<16xf32>,
      tpu.vector_store %arg16[%swap3A_108], %broadcast_in_dim3A_8 {strides = array<i32>} : memref<4096xf32, #tpu.memory_space<vmem>>, vector<16xf32>,
      %swap3A_110 = arith.constant 816 : index
      %swap3A_111 = tpu.vector_load %arg16[%swap3A_110] {strides = array<i32>} : memref<4096xf32, #tpu.memory_space<vmem>>, vector<16xf32>,
      tpu.vector_store %arg16[%swap3A_110], %broadcast_in_dim3A_8 {strides = array<i32>} : memref<4096xf32, #tpu.memory_space<vmem>>, vector<16xf32>,
      %swap3A_112 = arith.constant 832 : index
      %swap3A_113 = tpu.vector_load %arg16[%swap3A_112] {strides = array<i32>} : memref<4096xf32, #tpu.memory_space<vmem>>, vector<16xf32>,
      tpu.vector_store %arg16[%swap3A_112], %broadcast_in_dim3A_8 {strides = array<i32>} : memref<4096xf32, #tpu.memory_space<vmem>>, vector<16xf32>,
      %swap3A_114 = arith.constant 848 : index
      %swap3A_115 = tpu.vector_load %arg16[%swap3A_114] {strides = array<i32>} : memref<4096xf32, #tpu.memory_space<vmem>>, vector<16xf32>,
      tpu.vector_store %arg16[%swap3A_114], %broadcast_in_dim3A_8 {strides = array<i32>} : memref<4096xf32, #tpu.memory_space<vmem>>, vector<16xf32>,
      %swap3A_116 = arith.constant 864 : index
      %swap3A_117 = tpu.vector_load %arg16[%swap3A_116] {strides = array<i32>} : memref<4096xf32, #tpu.memory_space<vmem>>, vector<16xf32>,
      tpu.vector_store %arg16[%swap3A_116], %broadcast_in_dim3A_8 {strides = array<i32>} : memref<4096xf32, #tpu.memory_space<vmem>>, vector<16xf32>,
      %swap3A_118 = arith.constant 880 : index
      %swap3A_119 = tpu.vector_load %arg16[%swap3A_118] {strides = array<i32>} : memref<4096xf32, #tpu.memory_space<vmem>>, vector<16xf32>,
      tpu.vector_store %arg16[%swap3A_118], %broadcast_in_dim3A_8 {strides = array<i32>} : memref<4096xf32, #tpu.memory_space<vmem>>, vector<16xf32>,
      %swap3A_120 = arith.constant 896 : index
      %swap3A_121 = tpu.vector_load %arg16[%swap3A_120] {strides = array<i32>} : memref<4096xf32, #tpu.memory_space<vmem>>, vector<16xf32>,
      tpu.vector_store %arg16[%swap3A_120], %broadcast_in_dim3A_8 {strides = array<i32>} : memref<4096xf32, #tpu.memory_space<vmem>>, vector<16xf32>,
      %swap3A_122 = arith.constant 912 : index
      %swap3A_123 = tpu.vector_load %arg16[%swap3A_122] {strides = array<i32>} : memref<4096xf32, #tpu.memory_space<vmem>>, vector<16xf32>,
      tpu.vector_store %arg16[%swap3A_122], %broadcast_in_dim3A_8 {strides = array<i32>} : memref<4096xf32, #tpu.memory_space<vmem>>, vector<16xf32>,
      %swap3A_124 = arith.constant 928 : index
      %swap3A_125 = tpu.vector_load %arg16[%swap3A_124] {strides = array<i32>} : memref<4096xf32, #tpu.memory_space<vmem>>, vector<16xf32>,
      tpu.vector_store %arg16[%swap3A_124], %broadcast_in_dim3A_8 {strides = array<i32>} : memref<4096xf32, #tpu.memory_space<vmem>>, vector<16xf32>,
      %swap3A_126 = arith.constant 944 : index
      %swap3A_127 = tpu.vector_load %arg16[%swap3A_126] {strides = array<i32>} : memref<4096xf32, #tpu.memory_space<vmem>>, vector<16xf32>,
      tpu.vector_store %arg16[%swap3A_126], %broadcast_in_dim3A_8 {strides = array<i32>} : memref<4096xf32, #tpu.memory_space<vmem>>, vector<16xf32>,
      %swap3A_128 = arith.constant 960 : index
      %swap3A_129 = tpu.vector_load %arg16[%swap3A_128] {strides = array<i32>} : memref<4096xf32, #tpu.memory_space<vmem>>, vector<16xf32>,
      tpu.vector_store %arg16[%swap3A_128], %broadcast_in_dim3A_8 {strides = array<i32>} : memref<4096xf32, #tpu.memory_space<vmem>>, vector<16xf32>,
      %swap3A_130 = arith.constant 976 : index
      %swap3A_131 = tpu.vector_load %arg16[%swap3A_130] {strides = array<i32>} : memref<4096xf32, #tpu.memory_space<vmem>>, vector<16xf32>,
      tpu.vector_store %arg16[%swap3A_130], %broadcast_in_dim3A_8 {strides = array<i32>} : memref<4096xf32, #tpu.memory_space<vmem>>, vector<16xf32>,
      %swap3A_132 = arith.constant 992 : index
      %swap3A_133 = tpu.vector_load %arg16[%swap3A_132] {strides = array<i32>} : memref<4096xf32, #tpu.memory_space<vmem>>, vector<16xf32>,
      tpu.vector_store %arg16[%swap3A_132], %broadcast_in_dim3A_8 {strides = array<i32>} : memref<4096xf32, #tpu.memory_space<vmem>>, vector<16xf32>,
      %swap3A_134 = arith.constant 1008 : index
      %swap3A_135 = tpu.vector_load %arg16[%swap3A_134] {strides = array<i32>} : memref<4096xf32, #tpu.memory_space<vmem>>, vector<16xf32>,
      tpu.vector_store %arg16[%swap3A_134], %broadcast_in_dim3A_8 {strides = array<i32>} : memref<4096xf32, #tpu.memory_space<vmem>>, vector<16xf32>,
      %swap3A_136 = arith.constant 1024 : index
      %swap3A_137 = tpu.vector_load %arg16[%swap3A_136] {strides = array<i32>} : memref<4096xf32, #tpu.memory_space<vmem>>, vector<16xf32>,
      tpu.vector_store %arg16[%swap3A_136], %broadcast_in_dim3A_8 {strides = array<i32>} : memref<4096xf32, #tpu.memory_space<vmem>>, vector<16xf32>,
      %swap3A_138 = arith.constant 1040 : index
      %swap3A_139 = tpu.vector_load %arg16[%swap3A_138] {strides = array<i32>} : memref<4096xf32, #tpu.memory_space<vmem>>, vector<16xf32>,
      tpu.vector_store %arg16[%swap3A_138], %broadcast_in_dim3A_8 {strides = array<i32>} : memref<4096xf32, #tpu.memory_space<vmem>>, vector<16xf32>,
      %swap3A_140 = arith.constant 1056 : index
      %swap3A_141 = tpu.vector_load %arg16[%swap3A_140] {strides = array<i32>} : memref<4096xf32, #tpu.memory_space<vmem>>, vector<16xf32>,
      tpu.vector_store %arg16[%swap3A_140], %broadcast_in_dim3A_8 {strides = array<i32>} : memref<4096xf32, #tpu.memory_space<vmem>>, vector<16xf32>,
      %swap3A_142 = arith.constant 1072 : index
      %swap3A_143 = tpu.vector_load %arg16[%swap3A_142] {strides = array<i32>} : memref<4096xf32, #tpu.memory_space<vmem>>, vector<16xf32>,
      tpu.vector_store %arg16[%swap3A_142], %broadcast_in_dim3A_8 {strides = array<i32>} : memref<4096xf32, #tpu.memory_space<vmem>>, vector<16xf32>,
      %swap3A_144 = arith.constant 1088 : index
      %swap3A_145 = tpu.vector_load %arg16[%swap3A_144] {strides = array<i32>} : memref<4096xf32, #tpu.memory_space<vmem>>, vector<16xf32>,
      tpu.vector_store %arg16[%swap3A_144], %broadcast_in_dim3A_8 {strides = array<i32>} : memref<4096xf32, #tpu.memory_space<vmem>>, vector<16xf32>,
      %swap3A_146 = arith.constant 1104 : index
      %swap3A_147 = tpu.vector_load %arg16[%swap3A_146] {strides = array<i32>} : memref<4096xf32, #tpu.memory_space<vmem>>, vector<16xf32>,
      tpu.vector_store %arg16[%swap3A_146], %broadcast_in_dim3A_8 {strides = array<i32>} : memref<4096xf32, #tpu.memory_space<vmem>>, vector<16xf32>,
      %swap3A_148 = arith.constant 1120 : index
      %swap3A_149 = tpu.vector_load %arg16[%swap3A_148] {strides = array<i32>} : memref<4096xf32, #tpu.memory_space<vmem>>, vector<16xf32>,
      tpu.vector_store %arg16[%swap3A_148], %broadcast_in_dim3A_8 {strides = array<i32>} : memref<4096xf32, #tpu.memory_space<vmem>>, vector<16xf32>,
      %swap3A_150 = arith.constant 1136 : index
      %swap3A_151 = tpu.vector_load %arg16[%swap3A_150] {strides = array<i32>} : memref<4096xf32, #tpu.memory_space<vmem>>, vector<16xf32>,
      tpu.vector_store %arg16[%swap3A_150], %broadcast_in_dim3A_8 {strides = array<i32>} : memref<4096xf32, #tpu.memory_space<vmem>>, vector<16xf32>,
      %swap3A_152 = arith.constant 1152 : index
      %swap3A_153 = tpu.vector_load %arg16[%swap3A_152] {strides = array<i32>} : memref<4096xf32, #tpu.memory_space<vmem>>, vector<16xf32>,
      tpu.vector_store %arg16[%swap3A_152], %broadcast_in_dim3A_8 {strides = array<i32>} : memref<4096xf32, #tpu.memory_space<vmem>>, vector<16xf32>,
      %swap3A_154 = arith.constant 1168 : index
      %swap3A_155 = tpu.vector_load %arg16[%swap3A_154] {strides = array<i32>} : memref<4096xf32, #tpu.memory_space<vmem>>, vector<16xf32>,
      tpu.vector_store %arg16[%swap3A_154], %broadcast_in_dim3A_8 {strides = array<i32>} : memref<4096xf32, #tpu.memory_space<vmem>>, vector<16xf32>,
      %swap3A_156 = arith.constant 1184 : index
      %swap3A_157 = tpu.vector_load %arg16[%swap3A_156] {strides = array<i32>} : memref<4096xf32, #tpu.memory_space<vmem>>, vector<16xf32>,
      tpu.vector_store %arg16[%swap3A_156], %broadcast_in_dim3A_8 {strides = array<i32>} : memref<4096xf32, #tpu.memory_space<vmem>>, vector<16xf32>,
      %swap3A_158 = arith.constant 1200 : index
      %swap3A_159 = tpu.vector_load %arg16[%swap3A_158] {strides = array<i32>} : memref<4096xf32, #tpu.memory_space<vmem>>, vector<16xf32>,
      tpu.vector_store %arg16[%swap3A_158], %broadcast_in_dim3A_8 {strides = array<i32>} : memref<4096xf32, #tpu.memory_space<vmem>>, vector<16xf32>,
      %swap3A_160 = arith.constant 1216 : index
      %swap3A_161 = tpu.vector_load %arg16[%swap3A_160] {strides = array<i32>} : memref<4096xf32, #tpu.memory_space<vmem>>, vector<16xf32>,
      tpu.vector_store %arg16[%swap3A_160], %broadcast_in_dim3A_8 {strides = array<i32>} : memref<4096xf32, #tpu.memory_space<vmem>>, vector<16xf32>,
      %swap3A_162 = arith.constant 1232 : index
      %swap3A_163 = tpu.vector_load %arg16[%swap3A_162] {strides = array<i32>} : memref<4096xf32, #tpu.memory_space<vmem>>, vector<16xf32>,
      tpu.vector_store %arg16[%swap3A_162], %broadcast_in_dim3A_8 {strides = array<i32>} : memref<4096xf32, #tpu.memory_space<vmem>>, vector<16xf32>,
      %swap3A_164 = arith.constant 1248 : index
      %swap3A_165 = tpu.vector_load %arg16[%swap3A_164] {strides = array<i32>} : memref<4096xf32, #tpu.memory_space<vmem>>, vector<16xf32>,
      tpu.vector_store %arg16[%swap3A_164], %broadcast_in_dim3A_8 {strides = array<i32>} : memref<4096xf32, #tpu.memory_space<vmem>>, vector<16xf32>,
      %swap3A_166 = arith.constant 1264 : index
      %swap3A_167 = tpu.vector_load %arg16[%swap3A_166] {strides = array<i32>} : memref<4096xf32, #tpu.memory_space<vmem>>, vector<16xf32>,
      tpu.vector_store %arg16[%swap3A_166], %broadcast_in_dim3A_8 {strides = array<i32>} : memref<4096xf32, #tpu.memory_space<vmem>>, vector<16xf32>,
      %swap3A_168 = arith.constant 1280 : index
      %swap3A_169 = tpu.vector_load %arg16[%swap3A_168] {strides = array<i32>} : memref<4096xf32, #tpu.memory_space<vmem>>, vector<16xf32>,
      tpu.vector_store %arg16[%swap3A_168], %broadcast_in_dim3A_8 {strides = array<i32>} : memref<4096xf32, #tpu.memory_space<vmem>>, vector<16xf32>,
      %swap3A_170 = arith.constant 1296 : index
      %swap3A_171 = tpu.vector_load %arg16[%swap3A_170] {strides = array<i32>} : memref<4096xf32, #tpu.memory_space<vmem>>, vector<16xf32>,
      tpu.vector_store %arg16[%swap3A_170], %broadcast_in_dim3A_8 {strides = array<i32>} : memref<4096xf32, #tpu.memory_space<vmem>>, vector<16xf32>,
      %swap3A_172 = arith.constant 1312 : index
      %swap3A_173 = tpu.vector_load %arg16[%swap3A_172] {strides = array<i32>} : memref<4096xf32, #tpu.memory_space<vmem>>, vector<16xf32>,
      tpu.vector_store %arg16[%swap3A_172], %broadcast_in_dim3A_8 {strides = array<i32>} : memref<4096xf32, #tpu.memory_space<vmem>>, vector<16xf32>,
      %swap3A_174 = arith.constant 1328 : index
      %swap3A_175 = tpu.vector_load %arg16[%swap3A_174] {strides = array<i32>} : memref<4096xf32, #tpu.memory_space<vmem>>, vector<16xf32>,
      tpu.vector_store %arg16[%swap3A_174], %broadcast_in_dim3A_8 {strides = array<i32>} : memref<4096xf32, #tpu.memory_space<vmem>>, vector<16xf32>,
      %swap3A_176 = arith.constant 1344 : index
      %swap3A_177 = tpu.vector_load %arg16[%swap3A_176] {strides = array<i32>} : memref<4096xf32, #tpu.memory_space<vmem>>, vector<16xf32>,
      tpu.vector_store %arg16[%swap3A_176], %broadcast_in_dim3A_8 {strides = array<i32>} : memref<4096xf32, #tpu.memory_space<vmem>>, vector<16xf32>,
      %swap3A_178 = arith.constant 1360 : index
      %swap3A_179 = tpu.vector_load %arg16[%swap3A_178] {strides = array<i32>} : memref<4096xf32, #tpu.memory_space<vmem>>, vector<16xf32>,
      tpu.vector_store %arg16[%swap3A_178], %broadcast_in_dim3A_8 {strides = array<i32>} : memref<4096xf32, #tpu.memory_space<vmem>>, vector<16xf32>,
      %swap3A_180 = arith.constant 1376 : index
      %swap3A_181 = tpu.vector_load %arg16[%swap3A_180] {strides = array<i32>} : memref<4096xf32, #tpu.memory_space<vmem>>, vector<16xf32>,
      tpu.vector_store %arg16[%swap3A_180], %broadcast_in_dim3A_8 {strides = array<i32>} : memref<4096xf32, #tpu.memory_space<vmem>>, vector<16xf32>,
      %swap3A_182 = arith.constant 1392 : index
      %swap3A_183 = tpu.vector_load %arg16[%swap3A_182] {strides = array<i32>} : memref<4096xf32, #tpu.memory_space<vmem>>, vector<16xf32>,
      tpu.vector_store %arg16[%swap3A_182], %broadcast_in_dim3A_8 {strides = array<i32>} : memref<4096xf32, #tpu.memory_space<vmem>>, vector<16xf32>,
      %swap3A_184 = arith.constant 1408 : index
      %swap3A_185 = tpu.vector_load %arg16[%swap3A_184] {strides = array<i32>} : memref<4096xf32, #tpu.memory_space<vmem>>, vector<16xf32>,
      tpu.vector_store %arg16[%swap3A_184], %broadcast_in_dim3A_8 {strides = array<i32>} : memref<4096xf32, #tpu.memory_space<vmem>>, vector<16xf32>,
      %swap3A_186 = arith.constant 1424 : index
      %swap3A_187 = tpu.vector_load %arg16[%swap3A_186] {strides = array<i32>} : memref<4096xf32, #tpu.memory_space<vmem>>, vector<16xf32>,
      tpu.vector_store %arg16[%swap3A_186], %broadcast_in_dim3A_8 {strides = array<i32>} : memref<4096xf32, #tpu.memory_space<vmem>>, vector<16xf32>,
      %swap3A_188 = arith.constant 1440 : index
      %swap3A_189 = tpu.vector_load %arg16[%swap3A_188] {strides = array<i32>} : memref<4096xf32, #tpu.memory_space<vmem>>, vector<16xf32>,
      tpu.vector_store %arg16[%swap3A_188], %broadcast_in_dim3A_8 {strides = array<i32>} : memref<4096xf32, #tpu.memory_space<vmem>>, vector<16xf32>,
      %swap3A_190 = arith.constant 1456 : index
      %swap3A_191 = tpu.vector_load %arg16[%swap3A_190] {strides = array<i32>} : memref<4096xf32, #tpu.memory_space<vmem>>, vector<16xf32>,
      tpu.vector_store %arg16[%swap3A_190], %broadcast_in_dim3A_8 {strides = array<i32>} : memref<4096xf32, #tpu.memory_space<vmem>>, vector<16xf32>,
      %swap3A_192 = arith.constant 1472 : index
      %swap3A_193 = tpu.vector_load %arg16[%swap3A_192] {strides = array<i32>} : memref<4096xf32, #tpu.memory_space<vmem>>, vector<16xf32>,
      tpu.vector_store %arg16[%swap3A_192], %broadcast_in_dim3A_8 {strides = array<i32>} : memref<4096xf32, #tpu.memory_space<vmem>>, vector<16xf32>,
      %swap3A_194 = arith.constant 1488 : index
      %swap3A_195 = tpu.vector_load %arg16[%swap3A_194] {strides = array<i32>} : memref<4096xf32, #tpu.memory_space<vmem>>, vector<16xf32>,
      tpu.vector_store %arg16[%swap3A_194], %broadcast_in_dim3A_8 {strides = array<i32>} : memref<4096xf32, #tpu.memory_space<vmem>>, vector<16xf32>,
      %swap3A_196 = arith.constant 1504 : index
      %swap3A_197 = tpu.vector_load %arg16[%swap3A_196] {strides = array<i32>} : memref<4096xf32, #tpu.memory_space<vmem>>, vector<16xf32>,
      tpu.vector_store %arg16[%swap3A_196], %broadcast_in_dim3A_8 {strides = array<i32>} : memref<4096xf32, #tpu.memory_space<vmem>>, vector<16xf32>,
      %swap3A_198 = arith.constant 1520 : index
      %swap3A_199 = tpu.vector_load %arg16[%swap3A_198] {strides = array<i32>} : memref<4096xf32, #tpu.memory_space<vmem>>, vector<16xf32>,
      tpu.vector_store %arg16[%swap3A_198], %broadcast_in_dim3A_8 {strides = array<i32>} : memref<4096xf32, #tpu.memory_space<vmem>>, vector<16xf32>,
      %swap3A_200 = arith.constant 1536 : index
      %swap3A_201 = tpu.vector_load %arg16[%swap3A_200] {strides = array<i32>} : memref<4096xf32, #tpu.memory_space<vmem>>, vector<16xf32>,
      tpu.vector_store %arg16[%swap3A_200], %broadcast_in_dim3A_8 {strides = array<i32>} : memref<4096xf32, #tpu.memory_space<vmem>>, vector<16xf32>,
      %swap3A_202 = arith.constant 1552 : index
      %swap3A_203 = tpu.vector_load %arg16[%swap3A_202] {strides = array<i32>} : memref<4096xf32, #tpu.memory_space<vmem>>, vector<16xf32>,
      tpu.vector_store %arg16[%swap3A_202], %broadcast_in_dim3A_8 {strides = array<i32>} : memref<4096xf32, #tpu.memory_space<vmem>>, vector<16xf32>,
      %swap3A_204 = arith.constant 1568 : index
      %swap3A_205 = tpu.vector_load %arg16[%swap3A_204] {strides = array<i32>} : memref<4096xf32, #tpu.memory_space<vmem>>, vector<16xf32>,
      tpu.vector_store %arg16[%swap3A_204], %broadcast_in_dim3A_8 {strides = array<i32>} : memref<4096xf32, #tpu.memory_space<vmem>>, vector<16xf32>,
      %swap3A_206 = arith.constant 1584 : index
      %swap3A_207 = tpu.vector_load %arg16[%swap3A_206] {strides = array<i32>} : memref<4096xf32, #tpu.memory_space<vmem>>, vector<16xf32>,
      tpu.vector_store %arg16[%swap3A_206], %broadcast_in_dim3A_8 {strides = array<i32>} : memref<4096xf32, #tpu.memory_space<vmem>>, vector<16xf32>,
      %swap3A_208 = arith.constant 1600 : index
      %swap3A_209 = tpu.vector_load %arg16[%swap3A_208] {strides = array<i32>} : memref<4096xf32, #tpu.memory_space<vmem>>, vector<16xf32>,
      tpu.vector_store %arg16[%swap3A_208], %broadcast_in_dim3A_8 {strides = array<i32>} : memref<4096xf32, #tpu.memory_space<vmem>>, vector<16xf32>,
      %swap3A_210 = arith.constant 1616 : index
      %swap3A_211 = tpu.vector_load %arg16[%swap3A_210] {strides = array<i32>} : memref<4096xf32, #tpu.memory_space<vmem>>, vector<16xf32>,
      tpu.vector_store %arg16[%swap3A_210], %broadcast_in_dim3A_8 {strides = array<i32>} : memref<4096xf32, #tpu.memory_space<vmem>>, vector<16xf32>,
      %swap3A_212 = arith.constant 1632 : index
      %swap3A_213 = tpu.vector_load %arg16[%swap3A_212] {strides = array<i32>} : memref<4096xf32, #tpu.memory_space<vmem>>, vector<16xf32>,
      tpu.vector_store %arg16[%swap3A_212], %broadcast_in_dim3A_8 {strides = array<i32>} : memref<4096xf32, #tpu.memory_space<vmem>>, vector<16xf32>,
      %swap3A_214 = arith.constant 1648 : index
      %swap3A_215 = tpu.vector_load %arg16[%swap3A_214] {strides = array<i32>} : memref<4096xf32, #tpu.memory_space<vmem>>, vector<16xf32>,
      tpu.vector_store %arg16[%swap3A_214], %broadcast_in_dim3A_8 {strides = array<i32>} : memref<4096xf32, #tpu.memory_space<vmem>>, vector<16xf32>,
      %swap3A_216 = arith.constant 1664 : index
      %swap3A_217 = tpu.vector_load %arg16[%swap3A_216] {strides = array<i32>} : memref<4096xf32, #tpu.memory_space<vmem>>, vector<16xf32>,
      tpu.vector_store %arg16[%swap3A_216], %broadcast_in_dim3A_8 {strides = array<i32>} : memref<4096xf32, #tpu.memory_space<vmem>>, vector<16xf32>,
      %swap3A_218 = arith.constant 1680 : index
      %swap3A_219 = tpu.vector_load %arg16[%swap3A_218] {strides = array<i32>} : memref<4096xf32, #tpu.memory_space<vmem>>, vector<16xf32>,
      tpu.vector_store %arg16[%swap3A_218], %broadcast_in_dim3A_8 {strides = array<i32>} : memref<4096xf32, #tpu.memory_space<vmem>>, vector<16xf32>,
      %swap3A_220 = arith.constant 1696 : index
      %swap3A_221 = tpu.vector_load %arg16[%swap3A_220] {strides = array<i32>} : memref<4096xf32, #tpu.memory_space<vmem>>, vector<16xf32>,
      tpu.vector_store %arg16[%swap3A_220], %broadcast_in_dim3A_8 {strides = array<i32>} : memref<4096xf32, #tpu.memory_space<vmem>>, vector<16xf32>,
      %swap3A_222 = arith.constant 1712 : index
      %swap3A_223 = tpu.vector_load %arg16[%swap3A_222] {strides = array<i32>} : memref<4096xf32, #tpu.memory_space<vmem>>, vector<16xf32>,
      tpu.vector_store %arg16[%swap3A_222], %broadcast_in_dim3A_8 {strides = array<i32>} : memref<4096xf32, #tpu.memory_space<vmem>>, vector<16xf32>,
      %swap3A_224 = arith.constant 1728 : index
      %swap3A_225 = tpu.vector_load %arg16[%swap3A_224] {strides = array<i32>} : memref<4096xf32, #tpu.memory_space<vmem>>, vector<16xf32>,
      tpu.vector_store %arg16[%swap3A_224], %broadcast_in_dim3A_8 {strides = array<i32>} : memref<4096xf32, #tpu.memory_space<vmem>>, vector<16xf32>,
      %swap3A_226 = arith.constant 1744 : index
      %swap3A_227 = tpu.vector_load %arg16[%swap3A_226] {strides = array<i32>} : memref<4096xf32, #tpu.memory_space<vmem>>, vector<16xf32>,
      tpu.vector_store %arg16[%swap3A_226], %broadcast_in_dim3A_8 {strides = array<i32>} : memref<4096xf32, #tpu.memory_space<vmem>>, vector<16xf32>,
      %swap3A_228 = arith.constant 1760 : index
      %swap3A_229 = tpu.vector_load %arg16[%swap3A_228] {strides = array<i32>} : memref<4096xf32, #tpu.memory_space<vmem>>, vector<16xf32>,
      tpu.vector_store %arg16[%swap3A_228], %broadcast_in_dim3A_8 {strides = array<i32>} : memref<4096xf32, #tpu.memory_space<vmem>>, vector<16xf32>,
      %swap3A_230 = arith.constant 1776 : index
      %swap3A_231 = tpu.vector_load %arg16[%swap3A_230] {strides = array<i32>} : memref<4096xf32, #tpu.memory_space<vmem>>, vector<16xf32>,
      tpu.vector_store %arg16[%swap3A_230], %broadcast_in_dim3A_8 {strides = array<i32>} : memref<4096xf32, #tpu.memory_space<vmem>>, vector<16xf32>,
      %swap3A_232 = arith.constant 1792 : index
      %swap3A_233 = tpu.vector_load %arg16[%swap3A_232] {strides = array<i32>} : memref<4096xf32, #tpu.memory_space<vmem>>, vector<16xf32>,
      tpu.vector_store %arg16[%swap3A_232], %broadcast_in_dim3A_8 {strides = array<i32>} : memref<4096xf32, #tpu.memory_space<vmem>>, vector<16xf32>,
      %swap3A_234 = arith.constant 1808 : index
      %swap3A_235 = tpu.vector_load %arg16[%swap3A_234] {strides = array<i32>} : memref<4096xf32, #tpu.memory_space<vmem>>, vector<16xf32>,
      tpu.vector_store %arg16[%swap3A_234], %broadcast_in_dim3A_8 {strides = array<i32>} : memref<4096xf32, #tpu.memory_space<vmem>>, vector<16xf32>,
      %swap3A_236 = arith.constant 1824 : index
      %swap3A_237 = tpu.vector_load %arg16[%swap3A_236] {strides = array<i32>} : memref<4096xf32, #tpu.memory_space<vmem>>, vector<16xf32>,
      tpu.vector_store %arg16[%swap3A_236], %broadcast_in_dim3A_8 {strides = array<i32>} : memref<4096xf32, #tpu.memory_space<vmem>>, vector<16xf32>,
      %swap3A_238 = arith.constant 1840 : index
      %swap3A_239 = tpu.vector_load %arg16[%swap3A_238] {strides = array<i32>} : memref<4096xf32, #tpu.memory_space<vmem>>, vector<16xf32>,
      tpu.vector_store %arg16[%swap3A_238], %broadcast_in_dim3A_8 {strides = array<i32>} : memref<4096xf32, #tpu.memory_space<vmem>>, vector<16xf32>,
      %swap3A_240 = arith.constant 1856 : index
      %swap3A_241 = tpu.vector_load %arg16[%swap3A_240] {strides = array<i32>} : memref<4096xf32, #tpu.memory_space<vmem>>, vector<16xf32>,
      tpu.vector_store %arg16[%swap3A_240], %broadcast_in_dim3A_8 {strides = array<i32>} : memref<4096xf32, #tpu.memory_space<vmem>>, vector<16xf32>,
      %swap3A_242 = arith.constant 1872 : index
      %swap3A_243 = tpu.vector_load %arg16[%swap3A_242] {strides = array<i32>} : memref<4096xf32, #tpu.memory_space<vmem>>, vector<16xf32>,
      tpu.vector_store %arg16[%swap3A_242], %broadcast_in_dim3A_8 {strides = array<i32>} : memref<4096xf32, #tpu.memory_space<vmem>>, vector<16xf32>,
      %swap3A_244 = arith.constant 1888 : index
      %swap3A_245 = tpu.vector_load %arg16[%swap3A_244] {strides = array<i32>} : memref<4096xf32, #tpu.memory_space<vmem>>, vector<16xf32>,
      tpu.vector_store %arg16[%swap3A_244], %broadcast_in_dim3A_8 {strides = array<i32>} : memref<4096xf32, #tpu.memory_space<vmem>>, vector<16xf32>,
      %swap3A_246 = arith.constant 1904 : index
      %swap3A_247 = tpu.vector_load %arg16[%swap3A_246] {strides = array<i32>} : memref<4096xf32, #tpu.memory_space<vmem>>, vector<16xf32>,
      tpu.vector_store %arg16[%swap3A_246], %broadcast_in_dim3A_8 {strides = array<i32>} : memref<4096xf32, #tpu.memory_space<vmem>>, vector<16xf32>,
      %swap3A_248 = arith.constant 1920 : index
      %swap3A_249 = tpu.vector_load %arg16[%swap3A_248] {strides = array<i32>} : memref<4096xf32, #tpu.memory_space<vmem>>, vector<16xf32>,
      tpu.vector_store %arg16[%swap3A_248], %broadcast_in_dim3A_8 {strides = array<i32>} : memref<4096xf32, #tpu.memory_space<vmem>>, vector<16xf32>,
      %swap3A_250 = arith.constant 1936 : index
      %swap3A_251 = tpu.vector_load %arg16[%swap3A_250] {strides = array<i32>} : memref<4096xf32, #tpu.memory_space<vmem>>, vector<16xf32>,
      tpu.vector_store %arg16[%swap3A_250], %broadcast_in_dim3A_8 {strides = array<i32>} : memref<4096xf32, #tpu.memory_space<vmem>>, vector<16xf32>,
      %swap3A_252 = arith.constant 1952 : index
      %swap3A_253 = tpu.vector_load %arg16[%swap3A_252] {strides = array<i32>} : memref<4096xf32, #tpu.memory_space<vmem>>, vector<16xf32>,
      tpu.vector_store %arg16[%swap3A_252], %broadcast_in_dim3A_8 {strides = array<i32>} : memref<4096xf32, #tpu.memory_space<vmem>>, vector<16xf32>,
      %swap3A_254 = arith.constant 1968 : index
      %swap3A_255 = tpu.vector_load %arg16[%swap3A_254] {strides = array<i32>} : memref<4096xf32, #tpu.memory_space<vmem>>, vector<16xf32>,
      tpu.vector_store %arg16[%swap3A_254], %broadcast_in_dim3A_8 {strides = array<i32>} : memref<4096xf32, #tpu.memory_space<vmem>>, vector<16xf32>,
      %swap3A_256 = arith.constant 1984 : index
      %swap3A_257 = tpu.vector_load %arg16[%swap3A_256] {strides = array<i32>} : memref<4096xf32, #tpu.memory_space<vmem>>, vector<16xf32>,
      tpu.vector_store %arg16[%swap3A_256], %broadcast_in_dim3A_8 {strides = array<i32>} : memref<4096xf32, #tpu.memory_space<vmem>>, vector<16xf32>,
      %swap3A_258 = arith.constant 2000 : index
      %swap3A_259 = tpu.vector_load %arg16[%swap3A_258] {strides = array<i32>} : memref<4096xf32, #tpu.memory_space<vmem>>, vector<16xf32>,
      tpu.vector_store %arg16[%swap3A_258], %broadcast_in_dim3A_8 {strides = array<i32>} : memref<4096xf32, #tpu.memory_space<vmem>>, vector<16xf32>,
      %swap3A_260 = arith.constant 2016 : index
      %swap3A_261 = tpu.vector_load %arg16[%swap3A_260] {strides = array<i32>} : memref<4096xf32, #tpu.memory_space<vmem>>, vector<16xf32>,
      tpu.vector_store %arg16[%swap3A_260], %broadcast_in_dim3A_8 {strides = array<i32>} : memref<4096xf32, #tpu.memory_space<vmem>>, vector<16xf32>,
      %swap3A_262 = arith.constant 2032 : index
      %swap3A_263 = tpu.vector_load %arg16[%swap3A_262] {strides = array<i32>} : memref<4096xf32, #tpu.memory_space<vmem>>, vector<16xf32>,
      tpu.vector_store %arg16[%swap3A_262], %broadcast_in_dim3A_8 {strides = array<i32>} : memref<4096xf32, #tpu.memory_space<vmem>>, vector<16xf32>,
      %mul3A_264 = arith.constant 2048 : i32
      %mul3A_265 = arith.muli %arg1, %mul3A_264 : i32
      "tpu.region"() ({
        %run_scoped3A_3096 = tpu.sem_alloc : memref<!tpu.dma_semaphore, #tpu.memory_space<semaphore_mem>>
        %dma_start3A_3097 = arith.constant 0 : i32
        %dma_start3A_3098 = tpu.memref_slice %arg16[%dma_start3A_3097] : memref<4096xf32, #tpu.memory_space<vmem>> -> memref<2048xf32, #tpu.memory_space<vmem>>
        %dma_start3A_3099 = tpu.memref_slice %arg19[%mul3A_265] : memref<32768xf32, #tpu.memory_space<vmem_shared>> -> memref<2048xf32, #tpu.memory_space<vmem_shared>>
        %dma_start3A_3100 = tpu.memref_slice %arg19[%mul3A_265] : memref<32768xf32, #tpu.memory_space<vmem_shared>> -> memref<2048xf32, #tpu.memory_space<vmem_shared>>
        %dma_start3A_3101 = arith.constant 0 : i32
        %dma_start3A_3102 = tpu.memref_slice %arg16[%dma_start3A_3101] : memref<4096xf32, #tpu.memory_space<vmem>> -> memref<2048xf32, #tpu.memory_space<vmem>>
        tpu.enqueue_dma source(%dma_start3A_3102 : memref<2048xf32, #tpu.memory_space<vmem>>) target(%dma_start3A_3100 : memref<2048xf32, #tpu.memory_space<vmem_shared>>) target_semaphore(%run_scoped3A_3096 : memref<!tpu.dma_semaphore, #tpu.memory_space<semaphore_mem>>)
        %dma_wait3A_3103 = arith.constant 0 : i32
        %dma_wait3A_3104 = tpu.memref_slice %arg16[%dma_wait3A_3103] : memref<4096xf32, #tpu.memory_space<vmem>> -> memref<2048xf32, #tpu.memory_space<vmem>>
        %dma_wait3A_3105 = tpu.memref_slice %arg19[%mul3A_265] : memref<32768xf32, #tpu.memory_space<vmem_shared>> -> memref<2048xf32, #tpu.memory_space<vmem_shared>>
        %dma_wait3A_3106 = tpu.memref_slice %arg19[%mul3A_265] : memref<32768xf32, #tpu.memory_space<vmem_shared>> -> memref<2048xf32, #tpu.memory_space<vmem_shared>>
        %dma_wait3A_3107 = arith.constant 0 : i32
        %dma_wait3A_3108 = tpu.memref_slice %arg16[%dma_wait3A_3107] : memref<4096xf32, #tpu.memory_space<vmem>> -> memref<2048xf32, #tpu.memory_space<vmem>>
        tpu.wait_dma2 semaphore(%run_scoped3A_3096 : memref<!tpu.dma_semaphore, #tpu.memory_space<semaphore_mem>>) src(%dma_wait3A_3108 : memref<2048xf32, #tpu.memory_space<vmem>>) dst(%dma_wait3A_3106 : memref<2048xf32, #tpu.memory_space<vmem_shared>>)
        tpu.yield
      }) : () -> ()
      %mul3A_266 = arith.constant 2048 : i32
      %mul3A_267 = arith.muli %arg1, %mul3A_266 : i32
      "tpu.region"() ({
        %run_scoped3A_3096 = tpu.sem_alloc : memref<!tpu.dma_semaphore, #tpu.memory_space<semaphore_mem>>
        %dma_start3A_3097 = arith.constant 0 : i32
        %dma_start3A_3098 = tpu.memref_slice %arg16[%dma_start3A_3097] : memref<4096xf32, #tpu.memory_space<vmem>> -> memref<2048xf32, #tpu.memory_space<vmem>>
        %dma_start3A_3099 = tpu.memref_slice %arg20[%mul3A_267] : memref<32768xf32, #tpu.memory_space<vmem_shared>> -> memref<2048xf32, #tpu.memory_space<vmem_shared>>
        %dma_start3A_3100 = tpu.memref_slice %arg20[%mul3A_267] : memref<32768xf32, #tpu.memory_space<vmem_shared>> -> memref<2048xf32, #tpu.memory_space<vmem_shared>>
        %dma_start3A_3101 = arith.constant 0 : i32
        %dma_start3A_3102 = tpu.memref_slice %arg16[%dma_start3A_3101] : memref<4096xf32, #tpu.memory_space<vmem>> -> memref<2048xf32, #tpu.memory_space<vmem>>
        tpu.enqueue_dma source(%dma_start3A_3102 : memref<2048xf32, #tpu.memory_space<vmem>>) target(%dma_start3A_3100 : memref<2048xf32, #tpu.memory_space<vmem_shared>>) target_semaphore(%run_scoped3A_3096 : memref<!tpu.dma_semaphore, #tpu.memory_space<semaphore_mem>>)
        %dma_wait3A_3103 = arith.constant 0 : i32
        %dma_wait3A_3104 = tpu.memref_slice %arg16[%dma_wait3A_3103] : memref<4096xf32, #tpu.memory_space<vmem>> -> memref<2048xf32, #tpu.memory_space<vmem>>
        %dma_wait3A_3105 = tpu.memref_slice %arg20[%mul3A_267] : memref<32768xf32, #tpu.memory_space<vmem_shared>> -> memref<2048xf32, #tpu.memory_space<vmem_shared>>
        %dma_wait3A_3106 = tpu.memref_slice %arg20[%mul3A_267] : memref<32768xf32, #tpu.memory_space<vmem_shared>> -> memref<2048xf32, #tpu.memory_space<vmem_shared>>
        %dma_wait3A_3107 = arith.constant 0 : i32
        %dma_wait3A_3108 = tpu.memref_slice %arg16[%dma_wait3A_3107] : memref<4096xf32, #tpu.memory_space<vmem>> -> memref<2048xf32, #tpu.memory_space<vmem>>
        tpu.wait_dma2 semaphore(%run_scoped3A_3096 : memref<!tpu.dma_semaphore, #tpu.memory_space<semaphore_mem>>) src(%dma_wait3A_3108 : memref<2048xf32, #tpu.memory_space<vmem>>) dst(%dma_wait3A_3106 : memref<2048xf32, #tpu.memory_space<vmem_shared>>)
        tpu.yield
      }) : () -> ()
      %dma_wait3A = arith.constant 0 : i32
      %dma_wait3A_268 = arith.constant 0 : i32
      %dma_wait3A_269 = tpu.memref_slice %arg4[%dma_wait3A, %dma_wait3A_268] : memref<65536x64xi32, #tpu.memory_space<hbm>> -> memref<65536x64xi32, #tpu.memory_space<hbm>>
      tpu.wait_indirect_dma semaphore(%arg23 : memref<!tpu.dma_semaphore, #tpu.memory_space<semaphore_mem>>) src(%dma_wait3A_269 : memref<65536x64xi32, #tpu.memory_space<hbm>>) dst(%arg10 : memref<16x64xi32, #tpu.memory_space<vmem>>)
      %dma_wait3A_270 = arith.constant 0 : i32
      %dma_wait3A_271 = arith.constant 0 : i32
      %dma_wait3A_272 = tpu.memref_slice %arg5[%dma_wait3A_270, %dma_wait3A_271] : memref<65536x64xf32, #tpu.memory_space<hbm>> -> memref<65536x64xf32, #tpu.memory_space<hbm>>
      tpu.wait_indirect_dma semaphore(%arg24 : memref<!tpu.dma_semaphore, #tpu.memory_space<semaphore_mem>>) src(%dma_wait3A_272 : memref<65536x64xf32, #tpu.memory_space<hbm>>) dst(%arg11 : memref<16x64xf32, #tpu.memory_space<vmem>>)
      %mul3A_273 = arith.constant 16 : i32
      %mul3A_274 = arith.muli %arg1, %mul3A_273 : i32
      %add3A = vector.broadcast %mul3A_274 : i32 to vector<16xi32>
      %add3A_275 = arith.addi %add3A, %iota3A : vector<16xi32>
      %get3A = arith.constant 0 : i32
      %get3A_276 = arith.index_cast %get3A : i32 to index
      %get3A_277 = arith.constant 0 : index
      %get3A_278 = tpu.vector_load %arg10[%get3A_276, %get3A_277] {strides = array<i32>} : memref<16x64xi32, #tpu.memory_space<vmem>>, vector<16xi32>,
      %get3A_279 = arith.constant 0 : i32
      %get3A_280 = arith.index_cast %get3A_279 : i32 to index
      %get3A_281 = arith.constant 0 : index
      %get3A_282 = tpu.vector_load %arg11[%get3A_280, %get3A_281] {strides = array<i32>} : memref<16x64xf32, #tpu.memory_space<vmem>>, vector<16xf32>,
      %get3A_283 = arith.constant 0 : i32
      %get3A_284 = arith.index_cast %get3A_283 : i32 to index
      %get3A_285 = arith.constant 0 : index
      %get3A_286 = tpu.vector_load %arg9[%get3A_284, %get3A_285] {strides = array<i32>} : memref<8x128xf32, #tpu.memory_space<vmem>>, vector<16xf32>,
      %mul3A_287 = arith.mulf %get3A_282, %get3A_286 : vector<16xf32>
      %lt3A = arith.constant 32768 : i32
      %lt3A_288 = vector.broadcast %lt3A : i32 to vector<16xi32>
      %lt3A_289 = arith.cmpi slt, %get3A_278, %lt3A_288 : vector<16xi32>
      %select_n3A = arith.select %lt3A_289, %get3A_278, %add3A_275 : vector<16xi1>, vector<16xi32>
      %swap3A_290 = arith.constant 0 : i32
      %swap3A_291 = arith.index_cast %swap3A_290 : i32 to index
      %swap3A_292 = arith.constant 0 : index
      %swap3A_293 = tpu.vector_load %arg12[%swap3A_291, %swap3A_292] {strides = array<i32>} : memref<8x128xi32, #tpu.memory_space<vmem>>, vector<16xi32>,
      tpu.vector_store %arg12[%swap3A_291, %swap3A_292], %select_n3A {strides = array<i32>} : memref<8x128xi32, #tpu.memory_space<vmem>>, vector<16xi32>,
      %jit3A = arith.constant 0.000000e+00 : f32
      %broadcast_in_dim3A_294 = vector.broadcast %jit3A : f32 to vector<16xf32>
      %select_n3A_295 = arith.select %lt3A_289, %mul3A_287, %broadcast_in_dim3A_294 : vector<16xi1>, vector<16xf32>
      %swap3A_296 = arith.constant 0 : i32
      %swap3A_297 = arith.index_cast %swap3A_296 : i32 to index
      %swap3A_298 = arith.constant 0 : index
      %swap3A_299 = tpu.vector_load %arg13[%swap3A_297, %swap3A_298] {strides = array<i32>} : memref<8x128xf32, #tpu.memory_space<vmem>>, vector<16xf32>,
      tpu.vector_store %arg13[%swap3A_297, %swap3A_298], %select_n3A_295 {strides = array<i32>} : memref<8x128xf32, #tpu.memory_space<vmem>>, vector<16xf32>,
      %sub3A = arith.constant 32768 : i32
      %sub3A_300 = vector.broadcast %sub3A : i32 to vector<16xi32>
      %sub3A_301 = arith.subi %get3A_278, %sub3A_300 : vector<16xi32>
      %select_n3A_302 = arith.select %lt3A_289, %add3A_275, %sub3A_301 : vector<16xi1>, vector<16xi32>
      %swap3A_303 = arith.constant 0 : i32
      %swap3A_304 = arith.index_cast %swap3A_303 : i32 to index
      %swap3A_305 = arith.constant 0 : index
      %swap3A_306 = tpu.vector_load %arg14[%swap3A_304, %swap3A_305] {strides = array<i32>} : memref<8x128xi32, #tpu.memory_space<vmem>>, vector<16xi32>,
      tpu.vector_store %arg14[%swap3A_304, %swap3A_305], %select_n3A_302 {strides = array<i32>} : memref<8x128xi32, #tpu.memory_space<vmem>>, vector<16xi32>,
      %jit3A_307 = arith.constant 0.000000e+00 : f32
      %broadcast_in_dim3A_308 = vector.broadcast %jit3A_307 : f32 to vector<16xf32>
      %select_n3A_309 = arith.select %lt3A_289, %broadcast_in_dim3A_308, %mul3A_287 : vector<16xi1>, vector<16xf32>
      %swap3A_310 = arith.constant 0 : i32
      %swap3A_311 = arith.index_cast %swap3A_310 : i32 to index
      %swap3A_312 = arith.constant 0 : index
      %swap3A_313 = tpu.vector_load %arg15[%swap3A_311, %swap3A_312] {strides = array<i32>} : memref<8x128xf32, #tpu.memory_space<vmem>>, vector<16xf32>,
      tpu.vector_store %arg15[%swap3A_311, %swap3A_312], %select_n3A_309 {strides = array<i32>} : memref<8x128xf32, #tpu.memory_space<vmem>>, vector<16xf32>,
      %get3A_314 = arith.constant 0 : i32
      %get3A_315 = arith.index_cast %get3A_314 : i32 to index
      %get3A_316 = arith.constant 16 : index
      %get3A_317 = tpu.vector_load %arg10[%get3A_315, %get3A_316] {strides = array<i32>} : memref<16x64xi32, #tpu.memory_space<vmem>>, vector<16xi32>,
      %get3A_318 = arith.constant 0 : i32
      %get3A_319 = arith.index_cast %get3A_318 : i32 to index
      %get3A_320 = arith.constant 16 : index
      %get3A_321 = tpu.vector_load %arg11[%get3A_319, %get3A_320] {strides = array<i32>} : memref<16x64xf32, #tpu.memory_space<vmem>>, vector<16xf32>,
      %get3A_322 = arith.constant 0 : i32
      %get3A_323 = arith.index_cast %get3A_322 : i32 to index
      %get3A_324 = arith.constant 16 : index
      %get3A_325 = tpu.vector_load %arg9[%get3A_323, %get3A_324] {strides = array<i32>} : memref<8x128xf32, #tpu.memory_space<vmem>>, vector<16xf32>,
      %mul3A_326 = arith.mulf %get3A_321, %get3A_325 : vector<16xf32>
      %lt3A_327 = arith.constant 32768 : i32
      %lt3A_328 = vector.broadcast %lt3A_327 : i32 to vector<16xi32>
      %lt3A_329 = arith.cmpi slt, %get3A_317, %lt3A_328 : vector<16xi32>
      %select_n3A_330 = arith.select %lt3A_329, %get3A_317, %add3A_275 : vector<16xi1>, vector<16xi32>
      %swap3A_331 = arith.constant 0 : i32
      %swap3A_332 = arith.index_cast %swap3A_331 : i32 to index
      %swap3A_333 = arith.constant 16 : index
      %swap3A_334 = tpu.vector_load %arg12[%swap3A_332, %swap3A_333] {strides = array<i32>} : memref<8x128xi32, #tpu.memory_space<vmem>>, vector<16xi32>,
      tpu.vector_store %arg12[%swap3A_332, %swap3A_333], %select_n3A_330 {strides = array<i32>} : memref<8x128xi32, #tpu.memory_space<vmem>>, vector<16xi32>,
      %jit3A_335 = arith.constant 0.000000e+00 : f32
      %broadcast_in_dim3A_336 = vector.broadcast %jit3A_335 : f32 to vector<16xf32>
      %select_n3A_337 = arith.select %lt3A_329, %mul3A_326, %broadcast_in_dim3A_336 : vector<16xi1>, vector<16xf32>
      %swap3A_338 = arith.constant 0 : i32
      %swap3A_339 = arith.index_cast %swap3A_338 : i32 to index
      %swap3A_340 = arith.constant 16 : index
      %swap3A_341 = tpu.vector_load %arg13[%swap3A_339, %swap3A_340] {strides = array<i32>} : memref<8x128xf32, #tpu.memory_space<vmem>>, vector<16xf32>,
      tpu.vector_store %arg13[%swap3A_339, %swap3A_340], %select_n3A_337 {strides = array<i32>} : memref<8x128xf32, #tpu.memory_space<vmem>>, vector<16xf32>,
      %sub3A_342 = arith.constant 32768 : i32
      %sub3A_343 = vector.broadcast %sub3A_342 : i32 to vector<16xi32>
      %sub3A_344 = arith.subi %get3A_317, %sub3A_343 : vector<16xi32>
      %select_n3A_345 = arith.select %lt3A_329, %add3A_275, %sub3A_344 : vector<16xi1>, vector<16xi32>
      %swap3A_346 = arith.constant 0 : i32
      %swap3A_347 = arith.index_cast %swap3A_346 : i32 to index
      %swap3A_348 = arith.constant 16 : index
      %swap3A_349 = tpu.vector_load %arg14[%swap3A_347, %swap3A_348] {strides = array<i32>} : memref<8x128xi32, #tpu.memory_space<vmem>>, vector<16xi32>,
      tpu.vector_store %arg14[%swap3A_347, %swap3A_348], %select_n3A_345 {strides = array<i32>} : memref<8x128xi32, #tpu.memory_space<vmem>>, vector<16xi32>,
      %jit3A_350 = arith.constant 0.000000e+00 : f32
      %broadcast_in_dim3A_351 = vector.broadcast %jit3A_350 : f32 to vector<16xf32>
      %select_n3A_352 = arith.select %lt3A_329, %broadcast_in_dim3A_351, %mul3A_326 : vector<16xi1>, vector<16xf32>
      %swap3A_353 = arith.constant 0 : i32
      %swap3A_354 = arith.index_cast %swap3A_353 : i32 to index
      %swap3A_355 = arith.constant 16 : index
      %swap3A_356 = tpu.vector_load %arg15[%swap3A_354, %swap3A_355] {strides = array<i32>} : memref<8x128xf32, #tpu.memory_space<vmem>>, vector<16xf32>,
      tpu.vector_store %arg15[%swap3A_354, %swap3A_355], %select_n3A_352 {strides = array<i32>} : memref<8x128xf32, #tpu.memory_space<vmem>>, vector<16xf32>,
      %get3A_357 = arith.constant 0 : i32
      %get3A_358 = arith.index_cast %get3A_357 : i32 to index
      %get3A_359 = arith.constant 32 : index
      %get3A_360 = tpu.vector_load %arg10[%get3A_358, %get3A_359] {strides = array<i32>} : memref<16x64xi32, #tpu.memory_space<vmem>>, vector<16xi32>,
      %get3A_361 = arith.constant 0 : i32
      %get3A_362 = arith.index_cast %get3A_361 : i32 to index
      %get3A_363 = arith.constant 32 : index
      %get3A_364 = tpu.vector_load %arg11[%get3A_362, %get3A_363] {strides = array<i32>} : memref<16x64xf32, #tpu.memory_space<vmem>>, vector<16xf32>,
      %get3A_365 = arith.constant 0 : i32
      %get3A_366 = arith.index_cast %get3A_365 : i32 to index
      %get3A_367 = arith.constant 32 : index
      %get3A_368 = tpu.vector_load %arg9[%get3A_366, %get3A_367] {strides = array<i32>} : memref<8x128xf32, #tpu.memory_space<vmem>>, vector<16xf32>,
      %mul3A_369 = arith.mulf %get3A_364, %get3A_368 : vector<16xf32>
      %lt3A_370 = arith.constant 32768 : i32
      %lt3A_371 = vector.broadcast %lt3A_370 : i32 to vector<16xi32>
      %lt3A_372 = arith.cmpi slt, %get3A_360, %lt3A_371 : vector<16xi32>
      %select_n3A_373 = arith.select %lt3A_372, %get3A_360, %add3A_275 : vector<16xi1>, vector<16xi32>
      %swap3A_374 = arith.constant 0 : i32
      %swap3A_375 = arith.index_cast %swap3A_374 : i32 to index
      %swap3A_376 = arith.constant 32 : index
      %swap3A_377 = tpu.vector_load %arg12[%swap3A_375, %swap3A_376] {strides = array<i32>} : memref<8x128xi32, #tpu.memory_space<vmem>>, vector<16xi32>,
      tpu.vector_store %arg12[%swap3A_375, %swap3A_376], %select_n3A_373 {strides = array<i32>} : memref<8x128xi32, #tpu.memory_space<vmem>>, vector<16xi32>,
      %jit3A_378 = arith.constant 0.000000e+00 : f32
      %broadcast_in_dim3A_379 = vector.broadcast %jit3A_378 : f32 to vector<16xf32>
      %select_n3A_380 = arith.select %lt3A_372, %mul3A_369, %broadcast_in_dim3A_379 : vector<16xi1>, vector<16xf32>
      %swap3A_381 = arith.constant 0 : i32
      %swap3A_382 = arith.index_cast %swap3A_381 : i32 to index
      %swap3A_383 = arith.constant 32 : index
      %swap3A_384 = tpu.vector_load %arg13[%swap3A_382, %swap3A_383] {strides = array<i32>} : memref<8x128xf32, #tpu.memory_space<vmem>>, vector<16xf32>,
      tpu.vector_store %arg13[%swap3A_382, %swap3A_383], %select_n3A_380 {strides = array<i32>} : memref<8x128xf32, #tpu.memory_space<vmem>>, vector<16xf32>,
      %sub3A_385 = arith.constant 32768 : i32
      %sub3A_386 = vector.broadcast %sub3A_385 : i32 to vector<16xi32>
      %sub3A_387 = arith.subi %get3A_360, %sub3A_386 : vector<16xi32>
      %select_n3A_388 = arith.select %lt3A_372, %add3A_275, %sub3A_387 : vector<16xi1>, vector<16xi32>
      %swap3A_389 = arith.constant 0 : i32
      %swap3A_390 = arith.index_cast %swap3A_389 : i32 to index
      %swap3A_391 = arith.constant 32 : index
      %swap3A_392 = tpu.vector_load %arg14[%swap3A_390, %swap3A_391] {strides = array<i32>} : memref<8x128xi32, #tpu.memory_space<vmem>>, vector<16xi32>,
      tpu.vector_store %arg14[%swap3A_390, %swap3A_391], %select_n3A_388 {strides = array<i32>} : memref<8x128xi32, #tpu.memory_space<vmem>>, vector<16xi32>,
      %jit3A_393 = arith.constant 0.000000e+00 : f32
      %broadcast_in_dim3A_394 = vector.broadcast %jit3A_393 : f32 to vector<16xf32>
      %select_n3A_395 = arith.select %lt3A_372, %broadcast_in_dim3A_394, %mul3A_369 : vector<16xi1>, vector<16xf32>
      %swap3A_396 = arith.constant 0 : i32
      %swap3A_397 = arith.index_cast %swap3A_396 : i32 to index
      %swap3A_398 = arith.constant 32 : index
      %swap3A_399 = tpu.vector_load %arg15[%swap3A_397, %swap3A_398] {strides = array<i32>} : memref<8x128xf32, #tpu.memory_space<vmem>>, vector<16xf32>,
      tpu.vector_store %arg15[%swap3A_397, %swap3A_398], %select_n3A_395 {strides = array<i32>} : memref<8x128xf32, #tpu.memory_space<vmem>>, vector<16xf32>,
      %get3A_400 = arith.constant 0 : i32
      %get3A_401 = arith.index_cast %get3A_400 : i32 to index
      %get3A_402 = arith.constant 48 : index
      %get3A_403 = tpu.vector_load %arg10[%get3A_401, %get3A_402] {strides = array<i32>} : memref<16x64xi32, #tpu.memory_space<vmem>>, vector<16xi32>,
      %get3A_404 = arith.constant 0 : i32
      %get3A_405 = arith.index_cast %get3A_404 : i32 to index
      %get3A_406 = arith.constant 48 : index
      %get3A_407 = tpu.vector_load %arg11[%get3A_405, %get3A_406] {strides = array<i32>} : memref<16x64xf32, #tpu.memory_space<vmem>>, vector<16xf32>,
      %get3A_408 = arith.constant 0 : i32
      %get3A_409 = arith.index_cast %get3A_408 : i32 to index
      %get3A_410 = arith.constant 48 : index
      %get3A_411 = tpu.vector_load %arg9[%get3A_409, %get3A_410] {strides = array<i32>} : memref<8x128xf32, #tpu.memory_space<vmem>>, vector<16xf32>,
      %mul3A_412 = arith.mulf %get3A_407, %get3A_411 : vector<16xf32>
      %lt3A_413 = arith.constant 32768 : i32
      %lt3A_414 = vector.broadcast %lt3A_413 : i32 to vector<16xi32>
      %lt3A_415 = arith.cmpi slt, %get3A_403, %lt3A_414 : vector<16xi32>
      %select_n3A_416 = arith.select %lt3A_415, %get3A_403, %add3A_275 : vector<16xi1>, vector<16xi32>
      %swap3A_417 = arith.constant 0 : i32
      %swap3A_418 = arith.index_cast %swap3A_417 : i32 to index
      %swap3A_419 = arith.constant 48 : index
      %swap3A_420 = tpu.vector_load %arg12[%swap3A_418, %swap3A_419] {strides = array<i32>} : memref<8x128xi32, #tpu.memory_space<vmem>>, vector<16xi32>,
      tpu.vector_store %arg12[%swap3A_418, %swap3A_419], %select_n3A_416 {strides = array<i32>} : memref<8x128xi32, #tpu.memory_space<vmem>>, vector<16xi32>,
      %jit3A_421 = arith.constant 0.000000e+00 : f32
      %broadcast_in_dim3A_422 = vector.broadcast %jit3A_421 : f32 to vector<16xf32>
      %select_n3A_423 = arith.select %lt3A_415, %mul3A_412, %broadcast_in_dim3A_422 : vector<16xi1>, vector<16xf32>
      %swap3A_424 = arith.constant 0 : i32
      %swap3A_425 = arith.index_cast %swap3A_424 : i32 to index
      %swap3A_426 = arith.constant 48 : index
      %swap3A_427 = tpu.vector_load %arg13[%swap3A_425, %swap3A_426] {strides = array<i32>} : memref<8x128xf32, #tpu.memory_space<vmem>>, vector<16xf32>,
      tpu.vector_store %arg13[%swap3A_425, %swap3A_426], %select_n3A_423 {strides = array<i32>} : memref<8x128xf32, #tpu.memory_space<vmem>>, vector<16xf32>,
      %sub3A_428 = arith.constant 32768 : i32
      %sub3A_429 = vector.broadcast %sub3A_428 : i32 to vector<16xi32>
      %sub3A_430 = arith.subi %get3A_403, %sub3A_429 : vector<16xi32>
      %select_n3A_431 = arith.select %lt3A_415, %add3A_275, %sub3A_430 : vector<16xi1>, vector<16xi32>
      %swap3A_432 = arith.constant 0 : i32
      %swap3A_433 = arith.index_cast %swap3A_432 : i32 to index
      %swap3A_434 = arith.constant 48 : index
      %swap3A_435 = tpu.vector_load %arg14[%swap3A_433, %swap3A_434] {strides = array<i32>} : memref<8x128xi32, #tpu.memory_space<vmem>>, vector<16xi32>,
      tpu.vector_store %arg14[%swap3A_433, %swap3A_434], %select_n3A_431 {strides = array<i32>} : memref<8x128xi32, #tpu.memory_space<vmem>>, vector<16xi32>,
      %jit3A_436 = arith.constant 0.000000e+00 : f32
      %broadcast_in_dim3A_437 = vector.broadcast %jit3A_436 : f32 to vector<16xf32>
      %select_n3A_438 = arith.select %lt3A_415, %broadcast_in_dim3A_437, %mul3A_412 : vector<16xi1>, vector<16xf32>
      %swap3A_439 = arith.constant 0 : i32
      %swap3A_440 = arith.index_cast %swap3A_439 : i32 to index
      %swap3A_441 = arith.constant 48 : index
      %swap3A_442 = tpu.vector_load %arg15[%swap3A_440, %swap3A_441] {strides = array<i32>} : memref<8x128xf32, #tpu.memory_space<vmem>>, vector<16xf32>,
      tpu.vector_store %arg15[%swap3A_440, %swap3A_441], %select_n3A_438 {strides = array<i32>} : memref<8x128xf32, #tpu.memory_space<vmem>>, vector<16xf32>,
      %get3A_443 = arith.constant 1 : i32
      %get3A_444 = arith.index_cast %get3A_443 : i32 to index
      %get3A_445 = arith.constant 0 : index
      %get3A_446 = tpu.vector_load %arg10[%get3A_444, %get3A_445] {strides = array<i32>} : memref<16x64xi32, #tpu.memory_space<vmem>>, vector<16xi32>,
      %get3A_447 = arith.constant 1 : i32
      %get3A_448 = arith.index_cast %get3A_447 : i32 to index
      %get3A_449 = arith.constant 0 : index
      %get3A_450 = tpu.vector_load %arg11[%get3A_448, %get3A_449] {strides = array<i32>} : memref<16x64xf32, #tpu.memory_space<vmem>>, vector<16xf32>,
      %get3A_451 = arith.constant 0 : i32
      %get3A_452 = arith.index_cast %get3A_451 : i32 to index
      %get3A_453 = arith.constant 64 : index
      %get3A_454 = tpu.vector_load %arg9[%get3A_452, %get3A_453] {strides = array<i32>} : memref<8x128xf32, #tpu.memory_space<vmem>>, vector<16xf32>,
      %mul3A_455 = arith.mulf %get3A_450, %get3A_454 : vector<16xf32>
      %lt3A_456 = arith.constant 32768 : i32
      %lt3A_457 = vector.broadcast %lt3A_456 : i32 to vector<16xi32>
      %lt3A_458 = arith.cmpi slt, %get3A_446, %lt3A_457 : vector<16xi32>
      %select_n3A_459 = arith.select %lt3A_458, %get3A_446, %add3A_275 : vector<16xi1>, vector<16xi32>
      %swap3A_460 = arith.constant 0 : i32
      %swap3A_461 = arith.index_cast %swap3A_460 : i32 to index
      %swap3A_462 = arith.constant 64 : index
      %swap3A_463 = tpu.vector_load %arg12[%swap3A_461, %swap3A_462] {strides = array<i32>} : memref<8x128xi32, #tpu.memory_space<vmem>>, vector<16xi32>,
      tpu.vector_store %arg12[%swap3A_461, %swap3A_462], %select_n3A_459 {strides = array<i32>} : memref<8x128xi32, #tpu.memory_space<vmem>>, vector<16xi32>,
      %jit3A_464 = arith.constant 0.000000e+00 : f32
      %broadcast_in_dim3A_465 = vector.broadcast %jit3A_464 : f32 to vector<16xf32>
      %select_n3A_466 = arith.select %lt3A_458, %mul3A_455, %broadcast_in_dim3A_465 : vector<16xi1>, vector<16xf32>
      %swap3A_467 = arith.constant 0 : i32
      %swap3A_468 = arith.index_cast %swap3A_467 : i32 to index
      %swap3A_469 = arith.constant 64 : index
      %swap3A_470 = tpu.vector_load %arg13[%swap3A_468, %swap3A_469] {strides = array<i32>} : memref<8x128xf32, #tpu.memory_space<vmem>>, vector<16xf32>,
      tpu.vector_store %arg13[%swap3A_468, %swap3A_469], %select_n3A_466 {strides = array<i32>} : memref<8x128xf32, #tpu.memory_space<vmem>>, vector<16xf32>,
      %sub3A_471 = arith.constant 32768 : i32
      %sub3A_472 = vector.broadcast %sub3A_471 : i32 to vector<16xi32>
      %sub3A_473 = arith.subi %get3A_446, %sub3A_472 : vector<16xi32>
      %select_n3A_474 = arith.select %lt3A_458, %add3A_275, %sub3A_473 : vector<16xi1>, vector<16xi32>
      %swap3A_475 = arith.constant 0 : i32
      %swap3A_476 = arith.index_cast %swap3A_475 : i32 to index
      %swap3A_477 = arith.constant 64 : index
      %swap3A_478 = tpu.vector_load %arg14[%swap3A_476, %swap3A_477] {strides = array<i32>} : memref<8x128xi32, #tpu.memory_space<vmem>>, vector<16xi32>,
      tpu.vector_store %arg14[%swap3A_476, %swap3A_477], %select_n3A_474 {strides = array<i32>} : memref<8x128xi32, #tpu.memory_space<vmem>>, vector<16xi32>,
      %jit3A_479 = arith.constant 0.000000e+00 : f32
      %broadcast_in_dim3A_480 = vector.broadcast %jit3A_479 : f32 to vector<16xf32>
      %select_n3A_481 = arith.select %lt3A_458, %broadcast_in_dim3A_480, %mul3A_455 : vector<16xi1>, vector<16xf32>
      %swap3A_482 = arith.constant 0 : i32
      %swap3A_483 = arith.index_cast %swap3A_482 : i32 to index
      %swap3A_484 = arith.constant 64 : index
      %swap3A_485 = tpu.vector_load %arg15[%swap3A_483, %swap3A_484] {strides = array<i32>} : memref<8x128xf32, #tpu.memory_space<vmem>>, vector<16xf32>,
      tpu.vector_store %arg15[%swap3A_483, %swap3A_484], %select_n3A_481 {strides = array<i32>} : memref<8x128xf32, #tpu.memory_space<vmem>>, vector<16xf32>,
      %get3A_486 = arith.constant 1 : i32
      %get3A_487 = arith.index_cast %get3A_486 : i32 to index
      %get3A_488 = arith.constant 16 : index
      %get3A_489 = tpu.vector_load %arg10[%get3A_487, %get3A_488] {strides = array<i32>} : memref<16x64xi32, #tpu.memory_space<vmem>>, vector<16xi32>,
      %get3A_490 = arith.constant 1 : i32
      %get3A_491 = arith.index_cast %get3A_490 : i32 to index
      %get3A_492 = arith.constant 16 : index
      %get3A_493 = tpu.vector_load %arg11[%get3A_491, %get3A_492] {strides = array<i32>} : memref<16x64xf32, #tpu.memory_space<vmem>>, vector<16xf32>,
      %get3A_494 = arith.constant 0 : i32
      %get3A_495 = arith.index_cast %get3A_494 : i32 to index
      %get3A_496 = arith.constant 80 : index
      %get3A_497 = tpu.vector_load %arg9[%get3A_495, %get3A_496] {strides = array<i32>} : memref<8x128xf32, #tpu.memory_space<vmem>>, vector<16xf32>,
      %mul3A_498 = arith.mulf %get3A_493, %get3A_497 : vector<16xf32>
      %lt3A_499 = arith.constant 32768 : i32
      %lt3A_500 = vector.broadcast %lt3A_499 : i32 to vector<16xi32>
      %lt3A_501 = arith.cmpi slt, %get3A_489, %lt3A_500 : vector<16xi32>
      %select_n3A_502 = arith.select %lt3A_501, %get3A_489, %add3A_275 : vector<16xi1>, vector<16xi32>
      %swap3A_503 = arith.constant 0 : i32
      %swap3A_504 = arith.index_cast %swap3A_503 : i32 to index
      %swap3A_505 = arith.constant 80 : index
      %swap3A_506 = tpu.vector_load %arg12[%swap3A_504, %swap3A_505] {strides = array<i32>} : memref<8x128xi32, #tpu.memory_space<vmem>>, vector<16xi32>,
      tpu.vector_store %arg12[%swap3A_504, %swap3A_505], %select_n3A_502 {strides = array<i32>} : memref<8x128xi32, #tpu.memory_space<vmem>>, vector<16xi32>,
      %jit3A_507 = arith.constant 0.000000e+00 : f32
      %broadcast_in_dim3A_508 = vector.broadcast %jit3A_507 : f32 to vector<16xf32>
      %select_n3A_509 = arith.select %lt3A_501, %mul3A_498, %broadcast_in_dim3A_508 : vector<16xi1>, vector<16xf32>
      %swap3A_510 = arith.constant 0 : i32
      %swap3A_511 = arith.index_cast %swap3A_510 : i32 to index
      %swap3A_512 = arith.constant 80 : index
      %swap3A_513 = tpu.vector_load %arg13[%swap3A_511, %swap3A_512] {strides = array<i32>} : memref<8x128xf32, #tpu.memory_space<vmem>>, vector<16xf32>,
      tpu.vector_store %arg13[%swap3A_511, %swap3A_512], %select_n3A_509 {strides = array<i32>} : memref<8x128xf32, #tpu.memory_space<vmem>>, vector<16xf32>,
      %sub3A_514 = arith.constant 32768 : i32
      %sub3A_515 = vector.broadcast %sub3A_514 : i32 to vector<16xi32>
      %sub3A_516 = arith.subi %get3A_489, %sub3A_515 : vector<16xi32>
      %select_n3A_517 = arith.select %lt3A_501, %add3A_275, %sub3A_516 : vector<16xi1>, vector<16xi32>
      %swap3A_518 = arith.constant 0 : i32
      %swap3A_519 = arith.index_cast %swap3A_518 : i32 to index
      %swap3A_520 = arith.constant 80 : index
      %swap3A_521 = tpu.vector_load %arg14[%swap3A_519, %swap3A_520] {strides = array<i32>} : memref<8x128xi32, #tpu.memory_space<vmem>>, vector<16xi32>,
      tpu.vector_store %arg14[%swap3A_519, %swap3A_520], %select_n3A_517 {strides = array<i32>} : memref<8x128xi32, #tpu.memory_space<vmem>>, vector<16xi32>,
      %jit3A_522 = arith.constant 0.000000e+00 : f32
      %broadcast_in_dim3A_523 = vector.broadcast %jit3A_522 : f32 to vector<16xf32>
      %select_n3A_524 = arith.select %lt3A_501, %broadcast_in_dim3A_523, %mul3A_498 : vector<16xi1>, vector<16xf32>
      %swap3A_525 = arith.constant 0 : i32
      %swap3A_526 = arith.index_cast %swap3A_525 : i32 to index
      %swap3A_527 = arith.constant 80 : index
      %swap3A_528 = tpu.vector_load %arg15[%swap3A_526, %swap3A_527] {strides = array<i32>} : memref<8x128xf32, #tpu.memory_space<vmem>>, vector<16xf32>,
      tpu.vector_store %arg15[%swap3A_526, %swap3A_527], %select_n3A_524 {strides = array<i32>} : memref<8x128xf32, #tpu.memory_space<vmem>>, vector<16xf32>,
      %get3A_529 = arith.constant 1 : i32
      %get3A_530 = arith.index_cast %get3A_529 : i32 to index
      %get3A_531 = arith.constant 32 : index
      %get3A_532 = tpu.vector_load %arg10[%get3A_530, %get3A_531] {strides = array<i32>} : memref<16x64xi32, #tpu.memory_space<vmem>>, vector<16xi32>,
      %get3A_533 = arith.constant 1 : i32
      %get3A_534 = arith.index_cast %get3A_533 : i32 to index
      %get3A_535 = arith.constant 32 : index
      %get3A_536 = tpu.vector_load %arg11[%get3A_534, %get3A_535] {strides = array<i32>} : memref<16x64xf32, #tpu.memory_space<vmem>>, vector<16xf32>,
      %get3A_537 = arith.constant 0 : i32
      %get3A_538 = arith.index_cast %get3A_537 : i32 to index
      %get3A_539 = arith.constant 96 : index
      %get3A_540 = tpu.vector_load %arg9[%get3A_538, %get3A_539] {strides = array<i32>} : memref<8x128xf32, #tpu.memory_space<vmem>>, vector<16xf32>,
      %mul3A_541 = arith.mulf %get3A_536, %get3A_540 : vector<16xf32>
      %lt3A_542 = arith.constant 32768 : i32
      %lt3A_543 = vector.broadcast %lt3A_542 : i32 to vector<16xi32>
      %lt3A_544 = arith.cmpi slt, %get3A_532, %lt3A_543 : vector<16xi32>
      %select_n3A_545 = arith.select %lt3A_544, %get3A_532, %add3A_275 : vector<16xi1>, vector<16xi32>
      %swap3A_546 = arith.constant 0 : i32
      %swap3A_547 = arith.index_cast %swap3A_546 : i32 to index
      %swap3A_548 = arith.constant 96 : index
      %swap3A_549 = tpu.vector_load %arg12[%swap3A_547, %swap3A_548] {strides = array<i32>} : memref<8x128xi32, #tpu.memory_space<vmem>>, vector<16xi32>,
      tpu.vector_store %arg12[%swap3A_547, %swap3A_548], %select_n3A_545 {strides = array<i32>} : memref<8x128xi32, #tpu.memory_space<vmem>>, vector<16xi32>,
      %jit3A_550 = arith.constant 0.000000e+00 : f32
      %broadcast_in_dim3A_551 = vector.broadcast %jit3A_550 : f32 to vector<16xf32>
      %select_n3A_552 = arith.select %lt3A_544, %mul3A_541, %broadcast_in_dim3A_551 : vector<16xi1>, vector<16xf32>
      %swap3A_553 = arith.constant 0 : i32
      %swap3A_554 = arith.index_cast %swap3A_553 : i32 to index
      %swap3A_555 = arith.constant 96 : index
      %swap3A_556 = tpu.vector_load %arg13[%swap3A_554, %swap3A_555] {strides = array<i32>} : memref<8x128xf32, #tpu.memory_space<vmem>>, vector<16xf32>,
      tpu.vector_store %arg13[%swap3A_554, %swap3A_555], %select_n3A_552 {strides = array<i32>} : memref<8x128xf32, #tpu.memory_space<vmem>>, vector<16xf32>,
      %sub3A_557 = arith.constant 32768 : i32
      %sub3A_558 = vector.broadcast %sub3A_557 : i32 to vector<16xi32>
      %sub3A_559 = arith.subi %get3A_532, %sub3A_558 : vector<16xi32>
      %select_n3A_560 = arith.select %lt3A_544, %add3A_275, %sub3A_559 : vector<16xi1>, vector<16xi32>
      %swap3A_561 = arith.constant 0 : i32
      %swap3A_562 = arith.index_cast %swap3A_561 : i32 to index
      %swap3A_563 = arith.constant 96 : index
      %swap3A_564 = tpu.vector_load %arg14[%swap3A_562, %swap3A_563] {strides = array<i32>} : memref<8x128xi32, #tpu.memory_space<vmem>>, vector<16xi32>,
      tpu.vector_store %arg14[%swap3A_562, %swap3A_563], %select_n3A_560 {strides = array<i32>} : memref<8x128xi32, #tpu.memory_space<vmem>>, vector<16xi32>,
      %jit3A_565 = arith.constant 0.000000e+00 : f32
      %broadcast_in_dim3A_566 = vector.broadcast %jit3A_565 : f32 to vector<16xf32>
      %select_n3A_567 = arith.select %lt3A_544, %broadcast_in_dim3A_566, %mul3A_541 : vector<16xi1>, vector<16xf32>
      %swap3A_568 = arith.constant 0 : i32
      %swap3A_569 = arith.index_cast %swap3A_568 : i32 to index
      %swap3A_570 = arith.constant 96 : index
      %swap3A_571 = tpu.vector_load %arg15[%swap3A_569, %swap3A_570] {strides = array<i32>} : memref<8x128xf32, #tpu.memory_space<vmem>>, vector<16xf32>,
      tpu.vector_store %arg15[%swap3A_569, %swap3A_570], %select_n3A_567 {strides = array<i32>} : memref<8x128xf32, #tpu.memory_space<vmem>>, vector<16xf32>,
      %get3A_572 = arith.constant 1 : i32
      %get3A_573 = arith.index_cast %get3A_572 : i32 to index
      %get3A_574 = arith.constant 48 : index
      %get3A_575 = tpu.vector_load %arg10[%get3A_573, %get3A_574] {strides = array<i32>} : memref<16x64xi32, #tpu.memory_space<vmem>>, vector<16xi32>,
      %get3A_576 = arith.constant 1 : i32
      %get3A_577 = arith.index_cast %get3A_576 : i32 to index
      %get3A_578 = arith.constant 48 : index
      %get3A_579 = tpu.vector_load %arg11[%get3A_577, %get3A_578] {strides = array<i32>} : memref<16x64xf32, #tpu.memory_space<vmem>>, vector<16xf32>,
      %get3A_580 = arith.constant 0 : i32
      %get3A_581 = arith.index_cast %get3A_580 : i32 to index
      %get3A_582 = arith.constant 112 : index
      %get3A_583 = tpu.vector_load %arg9[%get3A_581, %get3A_582] {strides = array<i32>} : memref<8x128xf32, #tpu.memory_space<vmem>>, vector<16xf32>,
      %mul3A_584 = arith.mulf %get3A_579, %get3A_583 : vector<16xf32>
      %lt3A_585 = arith.constant 32768 : i32
      %lt3A_586 = vector.broadcast %lt3A_585 : i32 to vector<16xi32>
      %lt3A_587 = arith.cmpi slt, %get3A_575, %lt3A_586 : vector<16xi32>
      %select_n3A_588 = arith.select %lt3A_587, %get3A_575, %add3A_275 : vector<16xi1>, vector<16xi32>
      %swap3A_589 = arith.constant 0 : i32
      %swap3A_590 = arith.index_cast %swap3A_589 : i32 to index
      %swap3A_591 = arith.constant 112 : index
      %swap3A_592 = tpu.vector_load %arg12[%swap3A_590, %swap3A_591] {strides = array<i32>} : memref<8x128xi32, #tpu.memory_space<vmem>>, vector<16xi32>,
      tpu.vector_store %arg12[%swap3A_590, %swap3A_591], %select_n3A_588 {strides = array<i32>} : memref<8x128xi32, #tpu.memory_space<vmem>>, vector<16xi32>,
      %jit3A_593 = arith.constant 0.000000e+00 : f32
      %broadcast_in_dim3A_594 = vector.broadcast %jit3A_593 : f32 to vector<16xf32>
      %select_n3A_595 = arith.select %lt3A_587, %mul3A_584, %broadcast_in_dim3A_594 : vector<16xi1>, vector<16xf32>
      %swap3A_596 = arith.constant 0 : i32
      %swap3A_597 = arith.index_cast %swap3A_596 : i32 to index
      %swap3A_598 = arith.constant 112 : index
      %swap3A_599 = tpu.vector_load %arg13[%swap3A_597, %swap3A_598] {strides = array<i32>} : memref<8x128xf32, #tpu.memory_space<vmem>>, vector<16xf32>,
      tpu.vector_store %arg13[%swap3A_597, %swap3A_598], %select_n3A_595 {strides = array<i32>} : memref<8x128xf32, #tpu.memory_space<vmem>>, vector<16xf32>,
      %sub3A_600 = arith.constant 32768 : i32
      %sub3A_601 = vector.broadcast %sub3A_600 : i32 to vector<16xi32>
      %sub3A_602 = arith.subi %get3A_575, %sub3A_601 : vector<16xi32>
      %select_n3A_603 = arith.select %lt3A_587, %add3A_275, %sub3A_602 : vector<16xi1>, vector<16xi32>
      %swap3A_604 = arith.constant 0 : i32
      %swap3A_605 = arith.index_cast %swap3A_604 : i32 to index
      %swap3A_606 = arith.constant 112 : index
      %swap3A_607 = tpu.vector_load %arg14[%swap3A_605, %swap3A_606] {strides = array<i32>} : memref<8x128xi32, #tpu.memory_space<vmem>>, vector<16xi32>,
      tpu.vector_store %arg14[%swap3A_605, %swap3A_606], %select_n3A_603 {strides = array<i32>} : memref<8x128xi32, #tpu.memory_space<vmem>>, vector<16xi32>,
      %jit3A_608 = arith.constant 0.000000e+00 : f32
      %broadcast_in_dim3A_609 = vector.broadcast %jit3A_608 : f32 to vector<16xf32>
      %select_n3A_610 = arith.select %lt3A_587, %broadcast_in_dim3A_609, %mul3A_584 : vector<16xi1>, vector<16xf32>
      %swap3A_611 = arith.constant 0 : i32
      %swap3A_612 = arith.index_cast %swap3A_611 : i32 to index
      %swap3A_613 = arith.constant 112 : index
      %swap3A_614 = tpu.vector_load %arg15[%swap3A_612, %swap3A_613] {strides = array<i32>} : memref<8x128xf32, #tpu.memory_space<vmem>>, vector<16xf32>,
      tpu.vector_store %arg15[%swap3A_612, %swap3A_613], %select_n3A_610 {strides = array<i32>} : memref<8x128xf32, #tpu.memory_space<vmem>>, vector<16xf32>,
      %get3A_615 = arith.constant 2 : i32
      %get3A_616 = arith.index_cast %get3A_615 : i32 to index
      %get3A_617 = arith.constant 0 : index
      %get3A_618 = tpu.vector_load %arg10[%get3A_616, %get3A_617] {strides = array<i32>} : memref<16x64xi32, #tpu.memory_space<vmem>>, vector<16xi32>,
      %get3A_619 = arith.constant 2 : i32
      %get3A_620 = arith.index_cast %get3A_619 : i32 to index
      %get3A_621 = arith.constant 0 : index
      %get3A_622 = tpu.vector_load %arg11[%get3A_620, %get3A_621] {strides = array<i32>} : memref<16x64xf32, #tpu.memory_space<vmem>>, vector<16xf32>,
      %get3A_623 = arith.constant 1 : i32
      %get3A_624 = arith.index_cast %get3A_623 : i32 to index
      %get3A_625 = arith.constant 0 : index
      %get3A_626 = tpu.vector_load %arg9[%get3A_624, %get3A_625] {strides = array<i32>} : memref<8x128xf32, #tpu.memory_space<vmem>>, vector<16xf32>,
      %mul3A_627 = arith.mulf %get3A_622, %get3A_626 : vector<16xf32>
      %lt3A_628 = arith.constant 32768 : i32
      %lt3A_629 = vector.broadcast %lt3A_628 : i32 to vector<16xi32>
      %lt3A_630 = arith.cmpi slt, %get3A_618, %lt3A_629 : vector<16xi32>
      %select_n3A_631 = arith.select %lt3A_630, %get3A_618, %add3A_275 : vector<16xi1>, vector<16xi32>
      %swap3A_632 = arith.constant 1 : i32
      %swap3A_633 = arith.index_cast %swap3A_632 : i32 to index
      %swap3A_634 = arith.constant 0 : index
      %swap3A_635 = tpu.vector_load %arg12[%swap3A_633, %swap3A_634] {strides = array<i32>} : memref<8x128xi32, #tpu.memory_space<vmem>>, vector<16xi32>,
      tpu.vector_store %arg12[%swap3A_633, %swap3A_634], %select_n3A_631 {strides = array<i32>} : memref<8x128xi32, #tpu.memory_space<vmem>>, vector<16xi32>,
      %jit3A_636 = arith.constant 0.000000e+00 : f32
      %broadcast_in_dim3A_637 = vector.broadcast %jit3A_636 : f32 to vector<16xf32>
      %select_n3A_638 = arith.select %lt3A_630, %mul3A_627, %broadcast_in_dim3A_637 : vector<16xi1>, vector<16xf32>
      %swap3A_639 = arith.constant 1 : i32
      %swap3A_640 = arith.index_cast %swap3A_639 : i32 to index
      %swap3A_641 = arith.constant 0 : index
      %swap3A_642 = tpu.vector_load %arg13[%swap3A_640, %swap3A_641] {strides = array<i32>} : memref<8x128xf32, #tpu.memory_space<vmem>>, vector<16xf32>,
      tpu.vector_store %arg13[%swap3A_640, %swap3A_641], %select_n3A_638 {strides = array<i32>} : memref<8x128xf32, #tpu.memory_space<vmem>>, vector<16xf32>,
      %sub3A_643 = arith.constant 32768 : i32
      %sub3A_644 = vector.broadcast %sub3A_643 : i32 to vector<16xi32>
      %sub3A_645 = arith.subi %get3A_618, %sub3A_644 : vector<16xi32>
      %select_n3A_646 = arith.select %lt3A_630, %add3A_275, %sub3A_645 : vector<16xi1>, vector<16xi32>
      %swap3A_647 = arith.constant 1 : i32
      %swap3A_648 = arith.index_cast %swap3A_647 : i32 to index
      %swap3A_649 = arith.constant 0 : index
      %swap3A_650 = tpu.vector_load %arg14[%swap3A_648, %swap3A_649] {strides = array<i32>} : memref<8x128xi32, #tpu.memory_space<vmem>>, vector<16xi32>,
      tpu.vector_store %arg14[%swap3A_648, %swap3A_649], %select_n3A_646 {strides = array<i32>} : memref<8x128xi32, #tpu.memory_space<vmem>>, vector<16xi32>,
      %jit3A_651 = arith.constant 0.000000e+00 : f32
      %broadcast_in_dim3A_652 = vector.broadcast %jit3A_651 : f32 to vector<16xf32>
      %select_n3A_653 = arith.select %lt3A_630, %broadcast_in_dim3A_652, %mul3A_627 : vector<16xi1>, vector<16xf32>
      %swap3A_654 = arith.constant 1 : i32
      %swap3A_655 = arith.index_cast %swap3A_654 : i32 to index
      %swap3A_656 = arith.constant 0 : index
      %swap3A_657 = tpu.vector_load %arg15[%swap3A_655, %swap3A_656] {strides = array<i32>} : memref<8x128xf32, #tpu.memory_space<vmem>>, vector<16xf32>,
      tpu.vector_store %arg15[%swap3A_655, %swap3A_656], %select_n3A_653 {strides = array<i32>} : memref<8x128xf32, #tpu.memory_space<vmem>>, vector<16xf32>,
      %get3A_658 = arith.constant 2 : i32
      %get3A_659 = arith.index_cast %get3A_658 : i32 to index
      %get3A_660 = arith.constant 16 : index
      %get3A_661 = tpu.vector_load %arg10[%get3A_659, %get3A_660] {strides = array<i32>} : memref<16x64xi32, #tpu.memory_space<vmem>>, vector<16xi32>,
      %get3A_662 = arith.constant 2 : i32
      %get3A_663 = arith.index_cast %get3A_662 : i32 to index
      %get3A_664 = arith.constant 16 : index
      %get3A_665 = tpu.vector_load %arg11[%get3A_663, %get3A_664] {strides = array<i32>} : memref<16x64xf32, #tpu.memory_space<vmem>>, vector<16xf32>,
      %get3A_666 = arith.constant 1 : i32
      %get3A_667 = arith.index_cast %get3A_666 : i32 to index
      %get3A_668 = arith.constant 16 : index
      %get3A_669 = tpu.vector_load %arg9[%get3A_667, %get3A_668] {strides = array<i32>} : memref<8x128xf32, #tpu.memory_space<vmem>>, vector<16xf32>,
      %mul3A_670 = arith.mulf %get3A_665, %get3A_669 : vector<16xf32>
      %lt3A_671 = arith.constant 32768 : i32
      %lt3A_672 = vector.broadcast %lt3A_671 : i32 to vector<16xi32>
      %lt3A_673 = arith.cmpi slt, %get3A_661, %lt3A_672 : vector<16xi32>
      %select_n3A_674 = arith.select %lt3A_673, %get3A_661, %add3A_275 : vector<16xi1>, vector<16xi32>
      %swap3A_675 = arith.constant 1 : i32
      %swap3A_676 = arith.index_cast %swap3A_675 : i32 to index
      %swap3A_677 = arith.constant 16 : index
      %swap3A_678 = tpu.vector_load %arg12[%swap3A_676, %swap3A_677] {strides = array<i32>} : memref<8x128xi32, #tpu.memory_space<vmem>>, vector<16xi32>,
      tpu.vector_store %arg12[%swap3A_676, %swap3A_677], %select_n3A_674 {strides = array<i32>} : memref<8x128xi32, #tpu.memory_space<vmem>>, vector<16xi32>,
      %jit3A_679 = arith.constant 0.000000e+00 : f32
      %broadcast_in_dim3A_680 = vector.broadcast %jit3A_679 : f32 to vector<16xf32>
      %select_n3A_681 = arith.select %lt3A_673, %mul3A_670, %broadcast_in_dim3A_680 : vector<16xi1>, vector<16xf32>
      %swap3A_682 = arith.constant 1 : i32
      %swap3A_683 = arith.index_cast %swap3A_682 : i32 to index
      %swap3A_684 = arith.constant 16 : index
      %swap3A_685 = tpu.vector_load %arg13[%swap3A_683, %swap3A_684] {strides = array<i32>} : memref<8x128xf32, #tpu.memory_space<vmem>>, vector<16xf32>,
      tpu.vector_store %arg13[%swap3A_683, %swap3A_684], %select_n3A_681 {strides = array<i32>} : memref<8x128xf32, #tpu.memory_space<vmem>>, vector<16xf32>,
      %sub3A_686 = arith.constant 32768 : i32
      %sub3A_687 = vector.broadcast %sub3A_686 : i32 to vector<16xi32>
      %sub3A_688 = arith.subi %get3A_661, %sub3A_687 : vector<16xi32>
      %select_n3A_689 = arith.select %lt3A_673, %add3A_275, %sub3A_688 : vector<16xi1>, vector<16xi32>
      %swap3A_690 = arith.constant 1 : i32
      %swap3A_691 = arith.index_cast %swap3A_690 : i32 to index
      %swap3A_692 = arith.constant 16 : index
      %swap3A_693 = tpu.vector_load %arg14[%swap3A_691, %swap3A_692] {strides = array<i32>} : memref<8x128xi32, #tpu.memory_space<vmem>>, vector<16xi32>,
      tpu.vector_store %arg14[%swap3A_691, %swap3A_692], %select_n3A_689 {strides = array<i32>} : memref<8x128xi32, #tpu.memory_space<vmem>>, vector<16xi32>,
      %jit3A_694 = arith.constant 0.000000e+00 : f32
      %broadcast_in_dim3A_695 = vector.broadcast %jit3A_694 : f32 to vector<16xf32>
      %select_n3A_696 = arith.select %lt3A_673, %broadcast_in_dim3A_695, %mul3A_670 : vector<16xi1>, vector<16xf32>
      %swap3A_697 = arith.constant 1 : i32
      %swap3A_698 = arith.index_cast %swap3A_697 : i32 to index
      %swap3A_699 = arith.constant 16 : index
      %swap3A_700 = tpu.vector_load %arg15[%swap3A_698, %swap3A_699] {strides = array<i32>} : memref<8x128xf32, #tpu.memory_space<vmem>>, vector<16xf32>,
      tpu.vector_store %arg15[%swap3A_698, %swap3A_699], %select_n3A_696 {strides = array<i32>} : memref<8x128xf32, #tpu.memory_space<vmem>>, vector<16xf32>,
      %get3A_701 = arith.constant 2 : i32
      %get3A_702 = arith.index_cast %get3A_701 : i32 to index
      %get3A_703 = arith.constant 32 : index
      %get3A_704 = tpu.vector_load %arg10[%get3A_702, %get3A_703] {strides = array<i32>} : memref<16x64xi32, #tpu.memory_space<vmem>>, vector<16xi32>,
      %get3A_705 = arith.constant 2 : i32
      %get3A_706 = arith.index_cast %get3A_705 : i32 to index
      %get3A_707 = arith.constant 32 : index
      %get3A_708 = tpu.vector_load %arg11[%get3A_706, %get3A_707] {strides = array<i32>} : memref<16x64xf32, #tpu.memory_space<vmem>>, vector<16xf32>,
      %get3A_709 = arith.constant 1 : i32
      %get3A_710 = arith.index_cast %get3A_709 : i32 to index
      %get3A_711 = arith.constant 32 : index
      %get3A_712 = tpu.vector_load %arg9[%get3A_710, %get3A_711] {strides = array<i32>} : memref<8x128xf32, #tpu.memory_space<vmem>>, vector<16xf32>,
      %mul3A_713 = arith.mulf %get3A_708, %get3A_712 : vector<16xf32>
      %lt3A_714 = arith.constant 32768 : i32
      %lt3A_715 = vector.broadcast %lt3A_714 : i32 to vector<16xi32>
      %lt3A_716 = arith.cmpi slt, %get3A_704, %lt3A_715 : vector<16xi32>
      %select_n3A_717 = arith.select %lt3A_716, %get3A_704, %add3A_275 : vector<16xi1>, vector<16xi32>
      %swap3A_718 = arith.constant 1 : i32
      %swap3A_719 = arith.index_cast %swap3A_718 : i32 to index
      %swap3A_720 = arith.constant 32 : index
      %swap3A_721 = tpu.vector_load %arg12[%swap3A_719, %swap3A_720] {strides = array<i32>} : memref<8x128xi32, #tpu.memory_space<vmem>>, vector<16xi32>,
      tpu.vector_store %arg12[%swap3A_719, %swap3A_720], %select_n3A_717 {strides = array<i32>} : memref<8x128xi32, #tpu.memory_space<vmem>>, vector<16xi32>,
      %jit3A_722 = arith.constant 0.000000e+00 : f32
      %broadcast_in_dim3A_723 = vector.broadcast %jit3A_722 : f32 to vector<16xf32>
      %select_n3A_724 = arith.select %lt3A_716, %mul3A_713, %broadcast_in_dim3A_723 : vector<16xi1>, vector<16xf32>
      %swap3A_725 = arith.constant 1 : i32
      %swap3A_726 = arith.index_cast %swap3A_725 : i32 to index
      %swap3A_727 = arith.constant 32 : index
      %swap3A_728 = tpu.vector_load %arg13[%swap3A_726, %swap3A_727] {strides = array<i32>} : memref<8x128xf32, #tpu.memory_space<vmem>>, vector<16xf32>,
      tpu.vector_store %arg13[%swap3A_726, %swap3A_727], %select_n3A_724 {strides = array<i32>} : memref<8x128xf32, #tpu.memory_space<vmem>>, vector<16xf32>,
      %sub3A_729 = arith.constant 32768 : i32
      %sub3A_730 = vector.broadcast %sub3A_729 : i32 to vector<16xi32>
      %sub3A_731 = arith.subi %get3A_704, %sub3A_730 : vector<16xi32>
      %select_n3A_732 = arith.select %lt3A_716, %add3A_275, %sub3A_731 : vector<16xi1>, vector<16xi32>
      %swap3A_733 = arith.constant 1 : i32
      %swap3A_734 = arith.index_cast %swap3A_733 : i32 to index
      %swap3A_735 = arith.constant 32 : index
      %swap3A_736 = tpu.vector_load %arg14[%swap3A_734, %swap3A_735] {strides = array<i32>} : memref<8x128xi32, #tpu.memory_space<vmem>>, vector<16xi32>,
      tpu.vector_store %arg14[%swap3A_734, %swap3A_735], %select_n3A_732 {strides = array<i32>} : memref<8x128xi32, #tpu.memory_space<vmem>>, vector<16xi32>,
      %jit3A_737 = arith.constant 0.000000e+00 : f32
      %broadcast_in_dim3A_738 = vector.broadcast %jit3A_737 : f32 to vector<16xf32>
      %select_n3A_739 = arith.select %lt3A_716, %broadcast_in_dim3A_738, %mul3A_713 : vector<16xi1>, vector<16xf32>
      %swap3A_740 = arith.constant 1 : i32
      %swap3A_741 = arith.index_cast %swap3A_740 : i32 to index
      %swap3A_742 = arith.constant 32 : index
      %swap3A_743 = tpu.vector_load %arg15[%swap3A_741, %swap3A_742] {strides = array<i32>} : memref<8x128xf32, #tpu.memory_space<vmem>>, vector<16xf32>,
      tpu.vector_store %arg15[%swap3A_741, %swap3A_742], %select_n3A_739 {strides = array<i32>} : memref<8x128xf32, #tpu.memory_space<vmem>>, vector<16xf32>,
      %get3A_744 = arith.constant 2 : i32
      %get3A_745 = arith.index_cast %get3A_744 : i32 to index
      %get3A_746 = arith.constant 48 : index
      %get3A_747 = tpu.vector_load %arg10[%get3A_745, %get3A_746] {strides = array<i32>} : memref<16x64xi32, #tpu.memory_space<vmem>>, vector<16xi32>,
      %get3A_748 = arith.constant 2 : i32
      %get3A_749 = arith.index_cast %get3A_748 : i32 to index
      %get3A_750 = arith.constant 48 : index
      %get3A_751 = tpu.vector_load %arg11[%get3A_749, %get3A_750] {strides = array<i32>} : memref<16x64xf32, #tpu.memory_space<vmem>>, vector<16xf32>,
      %get3A_752 = arith.constant 1 : i32
      %get3A_753 = arith.index_cast %get3A_752 : i32 to index
      %get3A_754 = arith.constant 48 : index
      %get3A_755 = tpu.vector_load %arg9[%get3A_753, %get3A_754] {strides = array<i32>} : memref<8x128xf32, #tpu.memory_space<vmem>>, vector<16xf32>,
      %mul3A_756 = arith.mulf %get3A_751, %get3A_755 : vector<16xf32>
      %lt3A_757 = arith.constant 32768 : i32
      %lt3A_758 = vector.broadcast %lt3A_757 : i32 to vector<16xi32>
      %lt3A_759 = arith.cmpi slt, %get3A_747, %lt3A_758 : vector<16xi32>
      %select_n3A_760 = arith.select %lt3A_759, %get3A_747, %add3A_275 : vector<16xi1>, vector<16xi32>
      %swap3A_761 = arith.constant 1 : i32
      %swap3A_762 = arith.index_cast %swap3A_761 : i32 to index
      %swap3A_763 = arith.constant 48 : index
      %swap3A_764 = tpu.vector_load %arg12[%swap3A_762, %swap3A_763] {strides = array<i32>} : memref<8x128xi32, #tpu.memory_space<vmem>>, vector<16xi32>,
      tpu.vector_store %arg12[%swap3A_762, %swap3A_763], %select_n3A_760 {strides = array<i32>} : memref<8x128xi32, #tpu.memory_space<vmem>>, vector<16xi32>,
      %jit3A_765 = arith.constant 0.000000e+00 : f32
      %broadcast_in_dim3A_766 = vector.broadcast %jit3A_765 : f32 to vector<16xf32>
      %select_n3A_767 = arith.select %lt3A_759, %mul3A_756, %broadcast_in_dim3A_766 : vector<16xi1>, vector<16xf32>
      %swap3A_768 = arith.constant 1 : i32
      %swap3A_769 = arith.index_cast %swap3A_768 : i32 to index
      %swap3A_770 = arith.constant 48 : index
      %swap3A_771 = tpu.vector_load %arg13[%swap3A_769, %swap3A_770] {strides = array<i32>} : memref<8x128xf32, #tpu.memory_space<vmem>>, vector<16xf32>,
      tpu.vector_store %arg13[%swap3A_769, %swap3A_770], %select_n3A_767 {strides = array<i32>} : memref<8x128xf32, #tpu.memory_space<vmem>>, vector<16xf32>,
      %sub3A_772 = arith.constant 32768 : i32
      %sub3A_773 = vector.broadcast %sub3A_772 : i32 to vector<16xi32>
      %sub3A_774 = arith.subi %get3A_747, %sub3A_773 : vector<16xi32>
      %select_n3A_775 = arith.select %lt3A_759, %add3A_275, %sub3A_774 : vector<16xi1>, vector<16xi32>
      %swap3A_776 = arith.constant 1 : i32
      %swap3A_777 = arith.index_cast %swap3A_776 : i32 to index
      %swap3A_778 = arith.constant 48 : index
      %swap3A_779 = tpu.vector_load %arg14[%swap3A_777, %swap3A_778] {strides = array<i32>} : memref<8x128xi32, #tpu.memory_space<vmem>>, vector<16xi32>,
      tpu.vector_store %arg14[%swap3A_777, %swap3A_778], %select_n3A_775 {strides = array<i32>} : memref<8x128xi32, #tpu.memory_space<vmem>>, vector<16xi32>,
      %jit3A_780 = arith.constant 0.000000e+00 : f32
      %broadcast_in_dim3A_781 = vector.broadcast %jit3A_780 : f32 to vector<16xf32>
      %select_n3A_782 = arith.select %lt3A_759, %broadcast_in_dim3A_781, %mul3A_756 : vector<16xi1>, vector<16xf32>
      %swap3A_783 = arith.constant 1 : i32
      %swap3A_784 = arith.index_cast %swap3A_783 : i32 to index
      %swap3A_785 = arith.constant 48 : index
      %swap3A_786 = tpu.vector_load %arg15[%swap3A_784, %swap3A_785] {strides = array<i32>} : memref<8x128xf32, #tpu.memory_space<vmem>>, vector<16xf32>,
      tpu.vector_store %arg15[%swap3A_784, %swap3A_785], %select_n3A_782 {strides = array<i32>} : memref<8x128xf32, #tpu.memory_space<vmem>>, vector<16xf32>,
      %get3A_787 = arith.constant 3 : i32
      %get3A_788 = arith.index_cast %get3A_787 : i32 to index
      %get3A_789 = arith.constant 0 : index
      %get3A_790 = tpu.vector_load %arg10[%get3A_788, %get3A_789] {strides = array<i32>} : memref<16x64xi32, #tpu.memory_space<vmem>>, vector<16xi32>,
      %get3A_791 = arith.constant 3 : i32
      %get3A_792 = arith.index_cast %get3A_791 : i32 to index
      %get3A_793 = arith.constant 0 : index
      %get3A_794 = tpu.vector_load %arg11[%get3A_792, %get3A_793] {strides = array<i32>} : memref<16x64xf32, #tpu.memory_space<vmem>>, vector<16xf32>,
      %get3A_795 = arith.constant 1 : i32
      %get3A_796 = arith.index_cast %get3A_795 : i32 to index
      %get3A_797 = arith.constant 64 : index
      %get3A_798 = tpu.vector_load %arg9[%get3A_796, %get3A_797] {strides = array<i32>} : memref<8x128xf32, #tpu.memory_space<vmem>>, vector<16xf32>,
      %mul3A_799 = arith.mulf %get3A_794, %get3A_798 : vector<16xf32>
      %lt3A_800 = arith.constant 32768 : i32
      %lt3A_801 = vector.broadcast %lt3A_800 : i32 to vector<16xi32>
      %lt3A_802 = arith.cmpi slt, %get3A_790, %lt3A_801 : vector<16xi32>
      %select_n3A_803 = arith.select %lt3A_802, %get3A_790, %add3A_275 : vector<16xi1>, vector<16xi32>
      %swap3A_804 = arith.constant 1 : i32
      %swap3A_805 = arith.index_cast %swap3A_804 : i32 to index
      %swap3A_806 = arith.constant 64 : index
      %swap3A_807 = tpu.vector_load %arg12[%swap3A_805, %swap3A_806] {strides = array<i32>} : memref<8x128xi32, #tpu.memory_space<vmem>>, vector<16xi32>,
      tpu.vector_store %arg12[%swap3A_805, %swap3A_806], %select_n3A_803 {strides = array<i32>} : memref<8x128xi32, #tpu.memory_space<vmem>>, vector<16xi32>,
      %jit3A_808 = arith.constant 0.000000e+00 : f32
      %broadcast_in_dim3A_809 = vector.broadcast %jit3A_808 : f32 to vector<16xf32>
      %select_n3A_810 = arith.select %lt3A_802, %mul3A_799, %broadcast_in_dim3A_809 : vector<16xi1>, vector<16xf32>
      %swap3A_811 = arith.constant 1 : i32
      %swap3A_812 = arith.index_cast %swap3A_811 : i32 to index
      %swap3A_813 = arith.constant 64 : index
      %swap3A_814 = tpu.vector_load %arg13[%swap3A_812, %swap3A_813] {strides = array<i32>} : memref<8x128xf32, #tpu.memory_space<vmem>>, vector<16xf32>,
      tpu.vector_store %arg13[%swap3A_812, %swap3A_813], %select_n3A_810 {strides = array<i32>} : memref<8x128xf32, #tpu.memory_space<vmem>>, vector<16xf32>,
      %sub3A_815 = arith.constant 32768 : i32
      %sub3A_816 = vector.broadcast %sub3A_815 : i32 to vector<16xi32>
      %sub3A_817 = arith.subi %get3A_790, %sub3A_816 : vector<16xi32>
      %select_n3A_818 = arith.select %lt3A_802, %add3A_275, %sub3A_817 : vector<16xi1>, vector<16xi32>
      %swap3A_819 = arith.constant 1 : i32
      %swap3A_820 = arith.index_cast %swap3A_819 : i32 to index
      %swap3A_821 = arith.constant 64 : index
      %swap3A_822 = tpu.vector_load %arg14[%swap3A_820, %swap3A_821] {strides = array<i32>} : memref<8x128xi32, #tpu.memory_space<vmem>>, vector<16xi32>,
      tpu.vector_store %arg14[%swap3A_820, %swap3A_821], %select_n3A_818 {strides = array<i32>} : memref<8x128xi32, #tpu.memory_space<vmem>>, vector<16xi32>,
      %jit3A_823 = arith.constant 0.000000e+00 : f32
      %broadcast_in_dim3A_824 = vector.broadcast %jit3A_823 : f32 to vector<16xf32>
      %select_n3A_825 = arith.select %lt3A_802, %broadcast_in_dim3A_824, %mul3A_799 : vector<16xi1>, vector<16xf32>
      %swap3A_826 = arith.constant 1 : i32
      %swap3A_827 = arith.index_cast %swap3A_826 : i32 to index
      %swap3A_828 = arith.constant 64 : index
      %swap3A_829 = tpu.vector_load %arg15[%swap3A_827, %swap3A_828] {strides = array<i32>} : memref<8x128xf32, #tpu.memory_space<vmem>>, vector<16xf32>,
      tpu.vector_store %arg15[%swap3A_827, %swap3A_828], %select_n3A_825 {strides = array<i32>} : memref<8x128xf32, #tpu.memory_space<vmem>>, vector<16xf32>,
      %get3A_830 = arith.constant 3 : i32
      %get3A_831 = arith.index_cast %get3A_830 : i32 to index
      %get3A_832 = arith.constant 16 : index
      %get3A_833 = tpu.vector_load %arg10[%get3A_831, %get3A_832] {strides = array<i32>} : memref<16x64xi32, #tpu.memory_space<vmem>>, vector<16xi32>,
      %get3A_834 = arith.constant 3 : i32
      %get3A_835 = arith.index_cast %get3A_834 : i32 to index
      %get3A_836 = arith.constant 16 : index
      %get3A_837 = tpu.vector_load %arg11[%get3A_835, %get3A_836] {strides = array<i32>} : memref<16x64xf32, #tpu.memory_space<vmem>>, vector<16xf32>,
      %get3A_838 = arith.constant 1 : i32
      %get3A_839 = arith.index_cast %get3A_838 : i32 to index
      %get3A_840 = arith.constant 80 : index
      %get3A_841 = tpu.vector_load %arg9[%get3A_839, %get3A_840] {strides = array<i32>} : memref<8x128xf32, #tpu.memory_space<vmem>>, vector<16xf32>,
      %mul3A_842 = arith.mulf %get3A_837, %get3A_841 : vector<16xf32>
      %lt3A_843 = arith.constant 32768 : i32
      %lt3A_844 = vector.broadcast %lt3A_843 : i32 to vector<16xi32>
      %lt3A_845 = arith.cmpi slt, %get3A_833, %lt3A_844 : vector<16xi32>
      %select_n3A_846 = arith.select %lt3A_845, %get3A_833, %add3A_275 : vector<16xi1>, vector<16xi32>
      %swap3A_847 = arith.constant 1 : i32
      %swap3A_848 = arith.index_cast %swap3A_847 : i32 to index
      %swap3A_849 = arith.constant 80 : index
      %swap3A_850 = tpu.vector_load %arg12[%swap3A_848, %swap3A_849] {strides = array<i32>} : memref<8x128xi32, #tpu.memory_space<vmem>>, vector<16xi32>,
      tpu.vector_store %arg12[%swap3A_848, %swap3A_849], %select_n3A_846 {strides = array<i32>} : memref<8x128xi32, #tpu.memory_space<vmem>>, vector<16xi32>,
      %jit3A_851 = arith.constant 0.000000e+00 : f32
      %broadcast_in_dim3A_852 = vector.broadcast %jit3A_851 : f32 to vector<16xf32>
      %select_n3A_853 = arith.select %lt3A_845, %mul3A_842, %broadcast_in_dim3A_852 : vector<16xi1>, vector<16xf32>
      %swap3A_854 = arith.constant 1 : i32
      %swap3A_855 = arith.index_cast %swap3A_854 : i32 to index
      %swap3A_856 = arith.constant 80 : index
      %swap3A_857 = tpu.vector_load %arg13[%swap3A_855, %swap3A_856] {strides = array<i32>} : memref<8x128xf32, #tpu.memory_space<vmem>>, vector<16xf32>,
      tpu.vector_store %arg13[%swap3A_855, %swap3A_856], %select_n3A_853 {strides = array<i32>} : memref<8x128xf32, #tpu.memory_space<vmem>>, vector<16xf32>,
      %sub3A_858 = arith.constant 32768 : i32
      %sub3A_859 = vector.broadcast %sub3A_858 : i32 to vector<16xi32>
      %sub3A_860 = arith.subi %get3A_833, %sub3A_859 : vector<16xi32>
      %select_n3A_861 = arith.select %lt3A_845, %add3A_275, %sub3A_860 : vector<16xi1>, vector<16xi32>
      %swap3A_862 = arith.constant 1 : i32
      %swap3A_863 = arith.index_cast %swap3A_862 : i32 to index
      %swap3A_864 = arith.constant 80 : index
      %swap3A_865 = tpu.vector_load %arg14[%swap3A_863, %swap3A_864] {strides = array<i32>} : memref<8x128xi32, #tpu.memory_space<vmem>>, vector<16xi32>,
      tpu.vector_store %arg14[%swap3A_863, %swap3A_864], %select_n3A_861 {strides = array<i32>} : memref<8x128xi32, #tpu.memory_space<vmem>>, vector<16xi32>,
      %jit3A_866 = arith.constant 0.000000e+00 : f32
      %broadcast_in_dim3A_867 = vector.broadcast %jit3A_866 : f32 to vector<16xf32>
      %select_n3A_868 = arith.select %lt3A_845, %broadcast_in_dim3A_867, %mul3A_842 : vector<16xi1>, vector<16xf32>
      %swap3A_869 = arith.constant 1 : i32
      %swap3A_870 = arith.index_cast %swap3A_869 : i32 to index
      %swap3A_871 = arith.constant 80 : index
      %swap3A_872 = tpu.vector_load %arg15[%swap3A_870, %swap3A_871] {strides = array<i32>} : memref<8x128xf32, #tpu.memory_space<vmem>>, vector<16xf32>,
      tpu.vector_store %arg15[%swap3A_870, %swap3A_871], %select_n3A_868 {strides = array<i32>} : memref<8x128xf32, #tpu.memory_space<vmem>>, vector<16xf32>,
      %get3A_873 = arith.constant 3 : i32
      %get3A_874 = arith.index_cast %get3A_873 : i32 to index
      %get3A_875 = arith.constant 32 : index
      %get3A_876 = tpu.vector_load %arg10[%get3A_874, %get3A_875] {strides = array<i32>} : memref<16x64xi32, #tpu.memory_space<vmem>>, vector<16xi32>,
      %get3A_877 = arith.constant 3 : i32
      %get3A_878 = arith.index_cast %get3A_877 : i32 to index
      %get3A_879 = arith.constant 32 : index
      %get3A_880 = tpu.vector_load %arg11[%get3A_878, %get3A_879] {strides = array<i32>} : memref<16x64xf32, #tpu.memory_space<vmem>>, vector<16xf32>,
      %get3A_881 = arith.constant 1 : i32
      %get3A_882 = arith.index_cast %get3A_881 : i32 to index
      %get3A_883 = arith.constant 96 : index
      %get3A_884 = tpu.vector_load %arg9[%get3A_882, %get3A_883] {strides = array<i32>} : memref<8x128xf32, #tpu.memory_space<vmem>>, vector<16xf32>,
      %mul3A_885 = arith.mulf %get3A_880, %get3A_884 : vector<16xf32>
      %lt3A_886 = arith.constant 32768 : i32
      %lt3A_887 = vector.broadcast %lt3A_886 : i32 to vector<16xi32>
      %lt3A_888 = arith.cmpi slt, %get3A_876, %lt3A_887 : vector<16xi32>
      %select_n3A_889 = arith.select %lt3A_888, %get3A_876, %add3A_275 : vector<16xi1>, vector<16xi32>
      %swap3A_890 = arith.constant 1 : i32
      %swap3A_891 = arith.index_cast %swap3A_890 : i32 to index
      %swap3A_892 = arith.constant 96 : index
      %swap3A_893 = tpu.vector_load %arg12[%swap3A_891, %swap3A_892] {strides = array<i32>} : memref<8x128xi32, #tpu.memory_space<vmem>>, vector<16xi32>,
      tpu.vector_store %arg12[%swap3A_891, %swap3A_892], %select_n3A_889 {strides = array<i32>} : memref<8x128xi32, #tpu.memory_space<vmem>>, vector<16xi32>,
      %jit3A_894 = arith.constant 0.000000e+00 : f32
      %broadcast_in_dim3A_895 = vector.broadcast %jit3A_894 : f32 to vector<16xf32>
      %select_n3A_896 = arith.select %lt3A_888, %mul3A_885, %broadcast_in_dim3A_895 : vector<16xi1>, vector<16xf32>
      %swap3A_897 = arith.constant 1 : i32
      %swap3A_898 = arith.index_cast %swap3A_897 : i32 to index
      %swap3A_899 = arith.constant 96 : index
      %swap3A_900 = tpu.vector_load %arg13[%swap3A_898, %swap3A_899] {strides = array<i32>} : memref<8x128xf32, #tpu.memory_space<vmem>>, vector<16xf32>,
      tpu.vector_store %arg13[%swap3A_898, %swap3A_899], %select_n3A_896 {strides = array<i32>} : memref<8x128xf32, #tpu.memory_space<vmem>>, vector<16xf32>,
      %sub3A_901 = arith.constant 32768 : i32
      %sub3A_902 = vector.broadcast %sub3A_901 : i32 to vector<16xi32>
      %sub3A_903 = arith.subi %get3A_876, %sub3A_902 : vector<16xi32>
      %select_n3A_904 = arith.select %lt3A_888, %add3A_275, %sub3A_903 : vector<16xi1>, vector<16xi32>
      %swap3A_905 = arith.constant 1 : i32
      %swap3A_906 = arith.index_cast %swap3A_905 : i32 to index
      %swap3A_907 = arith.constant 96 : index
      %swap3A_908 = tpu.vector_load %arg14[%swap3A_906, %swap3A_907] {strides = array<i32>} : memref<8x128xi32, #tpu.memory_space<vmem>>, vector<16xi32>,
      tpu.vector_store %arg14[%swap3A_906, %swap3A_907], %select_n3A_904 {strides = array<i32>} : memref<8x128xi32, #tpu.memory_space<vmem>>, vector<16xi32>,
      %jit3A_909 = arith.constant 0.000000e+00 : f32
      %broadcast_in_dim3A_910 = vector.broadcast %jit3A_909 : f32 to vector<16xf32>
      %select_n3A_911 = arith.select %lt3A_888, %broadcast_in_dim3A_910, %mul3A_885 : vector<16xi1>, vector<16xf32>
      %swap3A_912 = arith.constant 1 : i32
      %swap3A_913 = arith.index_cast %swap3A_912 : i32 to index
      %swap3A_914 = arith.constant 96 : index
      %swap3A_915 = tpu.vector_load %arg15[%swap3A_913, %swap3A_914] {strides = array<i32>} : memref<8x128xf32, #tpu.memory_space<vmem>>, vector<16xf32>,
      tpu.vector_store %arg15[%swap3A_913, %swap3A_914], %select_n3A_911 {strides = array<i32>} : memref<8x128xf32, #tpu.memory_space<vmem>>, vector<16xf32>,
      %get3A_916 = arith.constant 3 : i32
      %get3A_917 = arith.index_cast %get3A_916 : i32 to index
      %get3A_918 = arith.constant 48 : index
      %get3A_919 = tpu.vector_load %arg10[%get3A_917, %get3A_918] {strides = array<i32>} : memref<16x64xi32, #tpu.memory_space<vmem>>, vector<16xi32>,
      %get3A_920 = arith.constant 3 : i32
      %get3A_921 = arith.index_cast %get3A_920 : i32 to index
      %get3A_922 = arith.constant 48 : index
      %get3A_923 = tpu.vector_load %arg11[%get3A_921, %get3A_922] {strides = array<i32>} : memref<16x64xf32, #tpu.memory_space<vmem>>, vector<16xf32>,
      %get3A_924 = arith.constant 1 : i32
      %get3A_925 = arith.index_cast %get3A_924 : i32 to index
      %get3A_926 = arith.constant 112 : index
      %get3A_927 = tpu.vector_load %arg9[%get3A_925, %get3A_926] {strides = array<i32>} : memref<8x128xf32, #tpu.memory_space<vmem>>, vector<16xf32>,
      %mul3A_928 = arith.mulf %get3A_923, %get3A_927 : vector<16xf32>
      %lt3A_929 = arith.constant 32768 : i32
      %lt3A_930 = vector.broadcast %lt3A_929 : i32 to vector<16xi32>
      %lt3A_931 = arith.cmpi slt, %get3A_919, %lt3A_930 : vector<16xi32>
      %select_n3A_932 = arith.select %lt3A_931, %get3A_919, %add3A_275 : vector<16xi1>, vector<16xi32>
      %swap3A_933 = arith.constant 1 : i32
      %swap3A_934 = arith.index_cast %swap3A_933 : i32 to index
      %swap3A_935 = arith.constant 112 : index
      %swap3A_936 = tpu.vector_load %arg12[%swap3A_934, %swap3A_935] {strides = array<i32>} : memref<8x128xi32, #tpu.memory_space<vmem>>, vector<16xi32>,
      tpu.vector_store %arg12[%swap3A_934, %swap3A_935], %select_n3A_932 {strides = array<i32>} : memref<8x128xi32, #tpu.memory_space<vmem>>, vector<16xi32>,
      %jit3A_937 = arith.constant 0.000000e+00 : f32
      %broadcast_in_dim3A_938 = vector.broadcast %jit3A_937 : f32 to vector<16xf32>
      %select_n3A_939 = arith.select %lt3A_931, %mul3A_928, %broadcast_in_dim3A_938 : vector<16xi1>, vector<16xf32>
      %swap3A_940 = arith.constant 1 : i32
      %swap3A_941 = arith.index_cast %swap3A_940 : i32 to index
      %swap3A_942 = arith.constant 112 : index
      %swap3A_943 = tpu.vector_load %arg13[%swap3A_941, %swap3A_942] {strides = array<i32>} : memref<8x128xf32, #tpu.memory_space<vmem>>, vector<16xf32>,
      tpu.vector_store %arg13[%swap3A_941, %swap3A_942], %select_n3A_939 {strides = array<i32>} : memref<8x128xf32, #tpu.memory_space<vmem>>, vector<16xf32>,
      %sub3A_944 = arith.constant 32768 : i32
      %sub3A_945 = vector.broadcast %sub3A_944 : i32 to vector<16xi32>
      %sub3A_946 = arith.subi %get3A_919, %sub3A_945 : vector<16xi32>
      %select_n3A_947 = arith.select %lt3A_931, %add3A_275, %sub3A_946 : vector<16xi1>, vector<16xi32>
      %swap3A_948 = arith.constant 1 : i32
      %swap3A_949 = arith.index_cast %swap3A_948 : i32 to index
      %swap3A_950 = arith.constant 112 : index
      %swap3A_951 = tpu.vector_load %arg14[%swap3A_949, %swap3A_950] {strides = array<i32>} : memref<8x128xi32, #tpu.memory_space<vmem>>, vector<16xi32>,
      tpu.vector_store %arg14[%swap3A_949, %swap3A_950], %select_n3A_947 {strides = array<i32>} : memref<8x128xi32, #tpu.memory_space<vmem>>, vector<16xi32>,
      %jit3A_952 = arith.constant 0.000000e+00 : f32
      %broadcast_in_dim3A_953 = vector.broadcast %jit3A_952 : f32 to vector<16xf32>
      %select_n3A_954 = arith.select %lt3A_931, %broadcast_in_dim3A_953, %mul3A_928 : vector<16xi1>, vector<16xf32>
      %swap3A_955 = arith.constant 1 : i32
      %swap3A_956 = arith.index_cast %swap3A_955 : i32 to index
      %swap3A_957 = arith.constant 112 : index
      %swap3A_958 = tpu.vector_load %arg15[%swap3A_956, %swap3A_957] {strides = array<i32>} : memref<8x128xf32, #tpu.memory_space<vmem>>, vector<16xf32>,
      tpu.vector_store %arg15[%swap3A_956, %swap3A_957], %select_n3A_954 {strides = array<i32>} : memref<8x128xf32, #tpu.memory_space<vmem>>, vector<16xf32>,
      %get3A_959 = arith.constant 4 : i32
      %get3A_960 = arith.index_cast %get3A_959 : i32 to index
      %get3A_961 = arith.constant 0 : index
      %get3A_962 = tpu.vector_load %arg10[%get3A_960, %get3A_961] {strides = array<i32>} : memref<16x64xi32, #tpu.memory_space<vmem>>, vector<16xi32>,
      %get3A_963 = arith.constant 4 : i32
      %get3A_964 = arith.index_cast %get3A_963 : i32 to index
      %get3A_965 = arith.constant 0 : index
      %get3A_966 = tpu.vector_load %arg11[%get3A_964, %get3A_965] {strides = array<i32>} : memref<16x64xf32, #tpu.memory_space<vmem>>, vector<16xf32>,
      %get3A_967 = arith.constant 2 : i32
      %get3A_968 = arith.index_cast %get3A_967 : i32 to index
      %get3A_969 = arith.constant 0 : index
      %get3A_970 = tpu.vector_load %arg9[%get3A_968, %get3A_969] {strides = array<i32>} : memref<8x128xf32, #tpu.memory_space<vmem>>, vector<16xf32>,
      %mul3A_971 = arith.mulf %get3A_966, %get3A_970 : vector<16xf32>
      %lt3A_972 = arith.constant 32768 : i32
      %lt3A_973 = vector.broadcast %lt3A_972 : i32 to vector<16xi32>
      %lt3A_974 = arith.cmpi slt, %get3A_962, %lt3A_973 : vector<16xi32>
      %select_n3A_975 = arith.select %lt3A_974, %get3A_962, %add3A_275 : vector<16xi1>, vector<16xi32>
      %swap3A_976 = arith.constant 2 : i32
      %swap3A_977 = arith.index_cast %swap3A_976 : i32 to index
      %swap3A_978 = arith.constant 0 : index
      %swap3A_979 = tpu.vector_load %arg12[%swap3A_977, %swap3A_978] {strides = array<i32>} : memref<8x128xi32, #tpu.memory_space<vmem>>, vector<16xi32>,
      tpu.vector_store %arg12[%swap3A_977, %swap3A_978], %select_n3A_975 {strides = array<i32>} : memref<8x128xi32, #tpu.memory_space<vmem>>, vector<16xi32>,
      %jit3A_980 = arith.constant 0.000000e+00 : f32
      %broadcast_in_dim3A_981 = vector.broadcast %jit3A_980 : f32 to vector<16xf32>
      %select_n3A_982 = arith.select %lt3A_974, %mul3A_971, %broadcast_in_dim3A_981 : vector<16xi1>, vector<16xf32>
      %swap3A_983 = arith.constant 2 : i32
      %swap3A_984 = arith.index_cast %swap3A_983 : i32 to index
      %swap3A_985 = arith.constant 0 : index
      %swap3A_986 = tpu.vector_load %arg13[%swap3A_984, %swap3A_985] {strides = array<i32>} : memref<8x128xf32, #tpu.memory_space<vmem>>, vector<16xf32>,
      tpu.vector_store %arg13[%swap3A_984, %swap3A_985], %select_n3A_982 {strides = array<i32>} : memref<8x128xf32, #tpu.memory_space<vmem>>, vector<16xf32>,
      %sub3A_987 = arith.constant 32768 : i32
      %sub3A_988 = vector.broadcast %sub3A_987 : i32 to vector<16xi32>
      %sub3A_989 = arith.subi %get3A_962, %sub3A_988 : vector<16xi32>
      %select_n3A_990 = arith.select %lt3A_974, %add3A_275, %sub3A_989 : vector<16xi1>, vector<16xi32>
      %swap3A_991 = arith.constant 2 : i32
      %swap3A_992 = arith.index_cast %swap3A_991 : i32 to index
      %swap3A_993 = arith.constant 0 : index
      %swap3A_994 = tpu.vector_load %arg14[%swap3A_992, %swap3A_993] {strides = array<i32>} : memref<8x128xi32, #tpu.memory_space<vmem>>, vector<16xi32>,
      tpu.vector_store %arg14[%swap3A_992, %swap3A_993], %select_n3A_990 {strides = array<i32>} : memref<8x128xi32, #tpu.memory_space<vmem>>, vector<16xi32>,
      %jit3A_995 = arith.constant 0.000000e+00 : f32
      %broadcast_in_dim3A_996 = vector.broadcast %jit3A_995 : f32 to vector<16xf32>
      %select_n3A_997 = arith.select %lt3A_974, %broadcast_in_dim3A_996, %mul3A_971 : vector<16xi1>, vector<16xf32>
      %swap3A_998 = arith.constant 2 : i32
      %swap3A_999 = arith.index_cast %swap3A_998 : i32 to index
      %swap3A_1000 = arith.constant 0 : index
      %swap3A_1001 = tpu.vector_load %arg15[%swap3A_999, %swap3A_1000] {strides = array<i32>} : memref<8x128xf32, #tpu.memory_space<vmem>>, vector<16xf32>,
      tpu.vector_store %arg15[%swap3A_999, %swap3A_1000], %select_n3A_997 {strides = array<i32>} : memref<8x128xf32, #tpu.memory_space<vmem>>, vector<16xf32>,
      %get3A_1002 = arith.constant 4 : i32
      %get3A_1003 = arith.index_cast %get3A_1002 : i32 to index
      %get3A_1004 = arith.constant 16 : index
      %get3A_1005 = tpu.vector_load %arg10[%get3A_1003, %get3A_1004] {strides = array<i32>} : memref<16x64xi32, #tpu.memory_space<vmem>>, vector<16xi32>,
      %get3A_1006 = arith.constant 4 : i32
      %get3A_1007 = arith.index_cast %get3A_1006 : i32 to index
      %get3A_1008 = arith.constant 16 : index
      %get3A_1009 = tpu.vector_load %arg11[%get3A_1007, %get3A_1008] {strides = array<i32>} : memref<16x64xf32, #tpu.memory_space<vmem>>, vector<16xf32>,
      %get3A_1010 = arith.constant 2 : i32
      %get3A_1011 = arith.index_cast %get3A_1010 : i32 to index
      %get3A_1012 = arith.constant 16 : index
      %get3A_1013 = tpu.vector_load %arg9[%get3A_1011, %get3A_1012] {strides = array<i32>} : memref<8x128xf32, #tpu.memory_space<vmem>>, vector<16xf32>,
      %mul3A_1014 = arith.mulf %get3A_1009, %get3A_1013 : vector<16xf32>
      %lt3A_1015 = arith.constant 32768 : i32
      %lt3A_1016 = vector.broadcast %lt3A_1015 : i32 to vector<16xi32>
      %lt3A_1017 = arith.cmpi slt, %get3A_1005, %lt3A_1016 : vector<16xi32>
      %select_n3A_1018 = arith.select %lt3A_1017, %get3A_1005, %add3A_275 : vector<16xi1>, vector<16xi32>
      %swap3A_1019 = arith.constant 2 : i32
      %swap3A_1020 = arith.index_cast %swap3A_1019 : i32 to index
      %swap3A_1021 = arith.constant 16 : index
      %swap3A_1022 = tpu.vector_load %arg12[%swap3A_1020, %swap3A_1021] {strides = array<i32>} : memref<8x128xi32, #tpu.memory_space<vmem>>, vector<16xi32>,
      tpu.vector_store %arg12[%swap3A_1020, %swap3A_1021], %select_n3A_1018 {strides = array<i32>} : memref<8x128xi32, #tpu.memory_space<vmem>>, vector<16xi32>,
      %jit3A_1023 = arith.constant 0.000000e+00 : f32
      %broadcast_in_dim3A_1024 = vector.broadcast %jit3A_1023 : f32 to vector<16xf32>
      %select_n3A_1025 = arith.select %lt3A_1017, %mul3A_1014, %broadcast_in_dim3A_1024 : vector<16xi1>, vector<16xf32>
      %swap3A_1026 = arith.constant 2 : i32
      %swap3A_1027 = arith.index_cast %swap3A_1026 : i32 to index
      %swap3A_1028 = arith.constant 16 : index
      %swap3A_1029 = tpu.vector_load %arg13[%swap3A_1027, %swap3A_1028] {strides = array<i32>} : memref<8x128xf32, #tpu.memory_space<vmem>>, vector<16xf32>,
      tpu.vector_store %arg13[%swap3A_1027, %swap3A_1028], %select_n3A_1025 {strides = array<i32>} : memref<8x128xf32, #tpu.memory_space<vmem>>, vector<16xf32>,
      %sub3A_1030 = arith.constant 32768 : i32
      %sub3A_1031 = vector.broadcast %sub3A_1030 : i32 to vector<16xi32>
      %sub3A_1032 = arith.subi %get3A_1005, %sub3A_1031 : vector<16xi32>
      %select_n3A_1033 = arith.select %lt3A_1017, %add3A_275, %sub3A_1032 : vector<16xi1>, vector<16xi32>
      %swap3A_1034 = arith.constant 2 : i32
      %swap3A_1035 = arith.index_cast %swap3A_1034 : i32 to index
      %swap3A_1036 = arith.constant 16 : index
      %swap3A_1037 = tpu.vector_load %arg14[%swap3A_1035, %swap3A_1036] {strides = array<i32>} : memref<8x128xi32, #tpu.memory_space<vmem>>, vector<16xi32>,
      tpu.vector_store %arg14[%swap3A_1035, %swap3A_1036], %select_n3A_1033 {strides = array<i32>} : memref<8x128xi32, #tpu.memory_space<vmem>>, vector<16xi32>,
      %jit3A_1038 = arith.constant 0.000000e+00 : f32
      %broadcast_in_dim3A_1039 = vector.broadcast %jit3A_1038 : f32 to vector<16xf32>
      %select_n3A_1040 = arith.select %lt3A_1017, %broadcast_in_dim3A_1039, %mul3A_1014 : vector<16xi1>, vector<16xf32>
      %swap3A_1041 = arith.constant 2 : i32
      %swap3A_1042 = arith.index_cast %swap3A_1041 : i32 to index
      %swap3A_1043 = arith.constant 16 : index
      %swap3A_1044 = tpu.vector_load %arg15[%swap3A_1042, %swap3A_1043] {strides = array<i32>} : memref<8x128xf32, #tpu.memory_space<vmem>>, vector<16xf32>,
      tpu.vector_store %arg15[%swap3A_1042, %swap3A_1043], %select_n3A_1040 {strides = array<i32>} : memref<8x128xf32, #tpu.memory_space<vmem>>, vector<16xf32>,
      %get3A_1045 = arith.constant 4 : i32
      %get3A_1046 = arith.index_cast %get3A_1045 : i32 to index
      %get3A_1047 = arith.constant 32 : index
      %get3A_1048 = tpu.vector_load %arg10[%get3A_1046, %get3A_1047] {strides = array<i32>} : memref<16x64xi32, #tpu.memory_space<vmem>>, vector<16xi32>,
      %get3A_1049 = arith.constant 4 : i32
      %get3A_1050 = arith.index_cast %get3A_1049 : i32 to index
      %get3A_1051 = arith.constant 32 : index
      %get3A_1052 = tpu.vector_load %arg11[%get3A_1050, %get3A_1051] {strides = array<i32>} : memref<16x64xf32, #tpu.memory_space<vmem>>, vector<16xf32>,
      %get3A_1053 = arith.constant 2 : i32
      %get3A_1054 = arith.index_cast %get3A_1053 : i32 to index
      %get3A_1055 = arith.constant 32 : index
      %get3A_1056 = tpu.vector_load %arg9[%get3A_1054, %get3A_1055] {strides = array<i32>} : memref<8x128xf32, #tpu.memory_space<vmem>>, vector<16xf32>,
      %mul3A_1057 = arith.mulf %get3A_1052, %get3A_1056 : vector<16xf32>
      %lt3A_1058 = arith.constant 32768 : i32
      %lt3A_1059 = vector.broadcast %lt3A_1058 : i32 to vector<16xi32>
      %lt3A_1060 = arith.cmpi slt, %get3A_1048, %lt3A_1059 : vector<16xi32>
      %select_n3A_1061 = arith.select %lt3A_1060, %get3A_1048, %add3A_275 : vector<16xi1>, vector<16xi32>
      %swap3A_1062 = arith.constant 2 : i32
      %swap3A_1063 = arith.index_cast %swap3A_1062 : i32 to index
      %swap3A_1064 = arith.constant 32 : index
      %swap3A_1065 = tpu.vector_load %arg12[%swap3A_1063, %swap3A_1064] {strides = array<i32>} : memref<8x128xi32, #tpu.memory_space<vmem>>, vector<16xi32>,
      tpu.vector_store %arg12[%swap3A_1063, %swap3A_1064], %select_n3A_1061 {strides = array<i32>} : memref<8x128xi32, #tpu.memory_space<vmem>>, vector<16xi32>,
      %jit3A_1066 = arith.constant 0.000000e+00 : f32
      %broadcast_in_dim3A_1067 = vector.broadcast %jit3A_1066 : f32 to vector<16xf32>
      %select_n3A_1068 = arith.select %lt3A_1060, %mul3A_1057, %broadcast_in_dim3A_1067 : vector<16xi1>, vector<16xf32>
      %swap3A_1069 = arith.constant 2 : i32
      %swap3A_1070 = arith.index_cast %swap3A_1069 : i32 to index
      %swap3A_1071 = arith.constant 32 : index
      %swap3A_1072 = tpu.vector_load %arg13[%swap3A_1070, %swap3A_1071] {strides = array<i32>} : memref<8x128xf32, #tpu.memory_space<vmem>>, vector<16xf32>,
      tpu.vector_store %arg13[%swap3A_1070, %swap3A_1071], %select_n3A_1068 {strides = array<i32>} : memref<8x128xf32, #tpu.memory_space<vmem>>, vector<16xf32>,
      %sub3A_1073 = arith.constant 32768 : i32
      %sub3A_1074 = vector.broadcast %sub3A_1073 : i32 to vector<16xi32>
      %sub3A_1075 = arith.subi %get3A_1048, %sub3A_1074 : vector<16xi32>
      %select_n3A_1076 = arith.select %lt3A_1060, %add3A_275, %sub3A_1075 : vector<16xi1>, vector<16xi32>
      %swap3A_1077 = arith.constant 2 : i32
      %swap3A_1078 = arith.index_cast %swap3A_1077 : i32 to index
      %swap3A_1079 = arith.constant 32 : index
      %swap3A_1080 = tpu.vector_load %arg14[%swap3A_1078, %swap3A_1079] {strides = array<i32>} : memref<8x128xi32, #tpu.memory_space<vmem>>, vector<16xi32>,
      tpu.vector_store %arg14[%swap3A_1078, %swap3A_1079], %select_n3A_1076 {strides = array<i32>} : memref<8x128xi32, #tpu.memory_space<vmem>>, vector<16xi32>,
      %jit3A_1081 = arith.constant 0.000000e+00 : f32
      %broadcast_in_dim3A_1082 = vector.broadcast %jit3A_1081 : f32 to vector<16xf32>
      %select_n3A_1083 = arith.select %lt3A_1060, %broadcast_in_dim3A_1082, %mul3A_1057 : vector<16xi1>, vector<16xf32>
      %swap3A_1084 = arith.constant 2 : i32
      %swap3A_1085 = arith.index_cast %swap3A_1084 : i32 to index
      %swap3A_1086 = arith.constant 32 : index
      %swap3A_1087 = tpu.vector_load %arg15[%swap3A_1085, %swap3A_1086] {strides = array<i32>} : memref<8x128xf32, #tpu.memory_space<vmem>>, vector<16xf32>,
      tpu.vector_store %arg15[%swap3A_1085, %swap3A_1086], %select_n3A_1083 {strides = array<i32>} : memref<8x128xf32, #tpu.memory_space<vmem>>, vector<16xf32>,
      %get3A_1088 = arith.constant 4 : i32
      %get3A_1089 = arith.index_cast %get3A_1088 : i32 to index
      %get3A_1090 = arith.constant 48 : index
      %get3A_1091 = tpu.vector_load %arg10[%get3A_1089, %get3A_1090] {strides = array<i32>} : memref<16x64xi32, #tpu.memory_space<vmem>>, vector<16xi32>,
      %get3A_1092 = arith.constant 4 : i32
      %get3A_1093 = arith.index_cast %get3A_1092 : i32 to index
      %get3A_1094 = arith.constant 48 : index
      %get3A_1095 = tpu.vector_load %arg11[%get3A_1093, %get3A_1094] {strides = array<i32>} : memref<16x64xf32, #tpu.memory_space<vmem>>, vector<16xf32>,
      %get3A_1096 = arith.constant 2 : i32
      %get3A_1097 = arith.index_cast %get3A_1096 : i32 to index
      %get3A_1098 = arith.constant 48 : index
      %get3A_1099 = tpu.vector_load %arg9[%get3A_1097, %get3A_1098] {strides = array<i32>} : memref<8x128xf32, #tpu.memory_space<vmem>>, vector<16xf32>,
      %mul3A_1100 = arith.mulf %get3A_1095, %get3A_1099 : vector<16xf32>
      %lt3A_1101 = arith.constant 32768 : i32
      %lt3A_1102 = vector.broadcast %lt3A_1101 : i32 to vector<16xi32>
      %lt3A_1103 = arith.cmpi slt, %get3A_1091, %lt3A_1102 : vector<16xi32>
      %select_n3A_1104 = arith.select %lt3A_1103, %get3A_1091, %add3A_275 : vector<16xi1>, vector<16xi32>
      %swap3A_1105 = arith.constant 2 : i32
      %swap3A_1106 = arith.index_cast %swap3A_1105 : i32 to index
      %swap3A_1107 = arith.constant 48 : index
      %swap3A_1108 = tpu.vector_load %arg12[%swap3A_1106, %swap3A_1107] {strides = array<i32>} : memref<8x128xi32, #tpu.memory_space<vmem>>, vector<16xi32>,
      tpu.vector_store %arg12[%swap3A_1106, %swap3A_1107], %select_n3A_1104 {strides = array<i32>} : memref<8x128xi32, #tpu.memory_space<vmem>>, vector<16xi32>,
      %jit3A_1109 = arith.constant 0.000000e+00 : f32
      %broadcast_in_dim3A_1110 = vector.broadcast %jit3A_1109 : f32 to vector<16xf32>
      %select_n3A_1111 = arith.select %lt3A_1103, %mul3A_1100, %broadcast_in_dim3A_1110 : vector<16xi1>, vector<16xf32>
      %swap3A_1112 = arith.constant 2 : i32
      %swap3A_1113 = arith.index_cast %swap3A_1112 : i32 to index
      %swap3A_1114 = arith.constant 48 : index
      %swap3A_1115 = tpu.vector_load %arg13[%swap3A_1113, %swap3A_1114] {strides = array<i32>} : memref<8x128xf32, #tpu.memory_space<vmem>>, vector<16xf32>,
      tpu.vector_store %arg13[%swap3A_1113, %swap3A_1114], %select_n3A_1111 {strides = array<i32>} : memref<8x128xf32, #tpu.memory_space<vmem>>, vector<16xf32>,
      %sub3A_1116 = arith.constant 32768 : i32
      %sub3A_1117 = vector.broadcast %sub3A_1116 : i32 to vector<16xi32>
      %sub3A_1118 = arith.subi %get3A_1091, %sub3A_1117 : vector<16xi32>
      %select_n3A_1119 = arith.select %lt3A_1103, %add3A_275, %sub3A_1118 : vector<16xi1>, vector<16xi32>
      %swap3A_1120 = arith.constant 2 : i32
      %swap3A_1121 = arith.index_cast %swap3A_1120 : i32 to index
      %swap3A_1122 = arith.constant 48 : index
      %swap3A_1123 = tpu.vector_load %arg14[%swap3A_1121, %swap3A_1122] {strides = array<i32>} : memref<8x128xi32, #tpu.memory_space<vmem>>, vector<16xi32>,
      tpu.vector_store %arg14[%swap3A_1121, %swap3A_1122], %select_n3A_1119 {strides = array<i32>} : memref<8x128xi32, #tpu.memory_space<vmem>>, vector<16xi32>,
      %jit3A_1124 = arith.constant 0.000000e+00 : f32
      %broadcast_in_dim3A_1125 = vector.broadcast %jit3A_1124 : f32 to vector<16xf32>
      %select_n3A_1126 = arith.select %lt3A_1103, %broadcast_in_dim3A_1125, %mul3A_1100 : vector<16xi1>, vector<16xf32>
      %swap3A_1127 = arith.constant 2 : i32
      %swap3A_1128 = arith.index_cast %swap3A_1127 : i32 to index
      %swap3A_1129 = arith.constant 48 : index
      %swap3A_1130 = tpu.vector_load %arg15[%swap3A_1128, %swap3A_1129] {strides = array<i32>} : memref<8x128xf32, #tpu.memory_space<vmem>>, vector<16xf32>,
      tpu.vector_store %arg15[%swap3A_1128, %swap3A_1129], %select_n3A_1126 {strides = array<i32>} : memref<8x128xf32, #tpu.memory_space<vmem>>, vector<16xf32>,
      %get3A_1131 = arith.constant 5 : i32
      %get3A_1132 = arith.index_cast %get3A_1131 : i32 to index
      %get3A_1133 = arith.constant 0 : index
      %get3A_1134 = tpu.vector_load %arg10[%get3A_1132, %get3A_1133] {strides = array<i32>} : memref<16x64xi32, #tpu.memory_space<vmem>>, vector<16xi32>,
      %get3A_1135 = arith.constant 5 : i32
      %get3A_1136 = arith.index_cast %get3A_1135 : i32 to index
      %get3A_1137 = arith.constant 0 : index
      %get3A_1138 = tpu.vector_load %arg11[%get3A_1136, %get3A_1137] {strides = array<i32>} : memref<16x64xf32, #tpu.memory_space<vmem>>, vector<16xf32>,
      %get3A_1139 = arith.constant 2 : i32
      %get3A_1140 = arith.index_cast %get3A_1139 : i32 to index
      %get3A_1141 = arith.constant 64 : index
      %get3A_1142 = tpu.vector_load %arg9[%get3A_1140, %get3A_1141] {strides = array<i32>} : memref<8x128xf32, #tpu.memory_space<vmem>>, vector<16xf32>,
      %mul3A_1143 = arith.mulf %get3A_1138, %get3A_1142 : vector<16xf32>
      %lt3A_1144 = arith.constant 32768 : i32
      %lt3A_1145 = vector.broadcast %lt3A_1144 : i32 to vector<16xi32>
      %lt3A_1146 = arith.cmpi slt, %get3A_1134, %lt3A_1145 : vector<16xi32>
      %select_n3A_1147 = arith.select %lt3A_1146, %get3A_1134, %add3A_275 : vector<16xi1>, vector<16xi32>
      %swap3A_1148 = arith.constant 2 : i32
      %swap3A_1149 = arith.index_cast %swap3A_1148 : i32 to index
      %swap3A_1150 = arith.constant 64 : index
      %swap3A_1151 = tpu.vector_load %arg12[%swap3A_1149, %swap3A_1150] {strides = array<i32>} : memref<8x128xi32, #tpu.memory_space<vmem>>, vector<16xi32>,
      tpu.vector_store %arg12[%swap3A_1149, %swap3A_1150], %select_n3A_1147 {strides = array<i32>} : memref<8x128xi32, #tpu.memory_space<vmem>>, vector<16xi32>,
      %jit3A_1152 = arith.constant 0.000000e+00 : f32
      %broadcast_in_dim3A_1153 = vector.broadcast %jit3A_1152 : f32 to vector<16xf32>
      %select_n3A_1154 = arith.select %lt3A_1146, %mul3A_1143, %broadcast_in_dim3A_1153 : vector<16xi1>, vector<16xf32>
      %swap3A_1155 = arith.constant 2 : i32
      %swap3A_1156 = arith.index_cast %swap3A_1155 : i32 to index
      %swap3A_1157 = arith.constant 64 : index
      %swap3A_1158 = tpu.vector_load %arg13[%swap3A_1156, %swap3A_1157] {strides = array<i32>} : memref<8x128xf32, #tpu.memory_space<vmem>>, vector<16xf32>,
      tpu.vector_store %arg13[%swap3A_1156, %swap3A_1157], %select_n3A_1154 {strides = array<i32>} : memref<8x128xf32, #tpu.memory_space<vmem>>, vector<16xf32>,
      %sub3A_1159 = arith.constant 32768 : i32
      %sub3A_1160 = vector.broadcast %sub3A_1159 : i32 to vector<16xi32>
      %sub3A_1161 = arith.subi %get3A_1134, %sub3A_1160 : vector<16xi32>
      %select_n3A_1162 = arith.select %lt3A_1146, %add3A_275, %sub3A_1161 : vector<16xi1>, vector<16xi32>
      %swap3A_1163 = arith.constant 2 : i32
      %swap3A_1164 = arith.index_cast %swap3A_1163 : i32 to index
      %swap3A_1165 = arith.constant 64 : index
      %swap3A_1166 = tpu.vector_load %arg14[%swap3A_1164, %swap3A_1165] {strides = array<i32>} : memref<8x128xi32, #tpu.memory_space<vmem>>, vector<16xi32>,
      tpu.vector_store %arg14[%swap3A_1164, %swap3A_1165], %select_n3A_1162 {strides = array<i32>} : memref<8x128xi32, #tpu.memory_space<vmem>>, vector<16xi32>,
      %jit3A_1167 = arith.constant 0.000000e+00 : f32
      %broadcast_in_dim3A_1168 = vector.broadcast %jit3A_1167 : f32 to vector<16xf32>
      %select_n3A_1169 = arith.select %lt3A_1146, %broadcast_in_dim3A_1168, %mul3A_1143 : vector<16xi1>, vector<16xf32>
      %swap3A_1170 = arith.constant 2 : i32
      %swap3A_1171 = arith.index_cast %swap3A_1170 : i32 to index
      %swap3A_1172 = arith.constant 64 : index
      %swap3A_1173 = tpu.vector_load %arg15[%swap3A_1171, %swap3A_1172] {strides = array<i32>} : memref<8x128xf32, #tpu.memory_space<vmem>>, vector<16xf32>,
      tpu.vector_store %arg15[%swap3A_1171, %swap3A_1172], %select_n3A_1169 {strides = array<i32>} : memref<8x128xf32, #tpu.memory_space<vmem>>, vector<16xf32>,
      %get3A_1174 = arith.constant 5 : i32
      %get3A_1175 = arith.index_cast %get3A_1174 : i32 to index
      %get3A_1176 = arith.constant 16 : index
      %get3A_1177 = tpu.vector_load %arg10[%get3A_1175, %get3A_1176] {strides = array<i32>} : memref<16x64xi32, #tpu.memory_space<vmem>>, vector<16xi32>,
      %get3A_1178 = arith.constant 5 : i32
      %get3A_1179 = arith.index_cast %get3A_1178 : i32 to index
      %get3A_1180 = arith.constant 16 : index
      %get3A_1181 = tpu.vector_load %arg11[%get3A_1179, %get3A_1180] {strides = array<i32>} : memref<16x64xf32, #tpu.memory_space<vmem>>, vector<16xf32>,
      %get3A_1182 = arith.constant 2 : i32
      %get3A_1183 = arith.index_cast %get3A_1182 : i32 to index
      %get3A_1184 = arith.constant 80 : index
      %get3A_1185 = tpu.vector_load %arg9[%get3A_1183, %get3A_1184] {strides = array<i32>} : memref<8x128xf32, #tpu.memory_space<vmem>>, vector<16xf32>,
      %mul3A_1186 = arith.mulf %get3A_1181, %get3A_1185 : vector<16xf32>
      %lt3A_1187 = arith.constant 32768 : i32
      %lt3A_1188 = vector.broadcast %lt3A_1187 : i32 to vector<16xi32>
      %lt3A_1189 = arith.cmpi slt, %get3A_1177, %lt3A_1188 : vector<16xi32>
      %select_n3A_1190 = arith.select %lt3A_1189, %get3A_1177, %add3A_275 : vector<16xi1>, vector<16xi32>
      %swap3A_1191 = arith.constant 2 : i32
      %swap3A_1192 = arith.index_cast %swap3A_1191 : i32 to index
      %swap3A_1193 = arith.constant 80 : index
      %swap3A_1194 = tpu.vector_load %arg12[%swap3A_1192, %swap3A_1193] {strides = array<i32>} : memref<8x128xi32, #tpu.memory_space<vmem>>, vector<16xi32>,
      tpu.vector_store %arg12[%swap3A_1192, %swap3A_1193], %select_n3A_1190 {strides = array<i32>} : memref<8x128xi32, #tpu.memory_space<vmem>>, vector<16xi32>,
      %jit3A_1195 = arith.constant 0.000000e+00 : f32
      %broadcast_in_dim3A_1196 = vector.broadcast %jit3A_1195 : f32 to vector<16xf32>
      %select_n3A_1197 = arith.select %lt3A_1189, %mul3A_1186, %broadcast_in_dim3A_1196 : vector<16xi1>, vector<16xf32>
      %swap3A_1198 = arith.constant 2 : i32
      %swap3A_1199 = arith.index_cast %swap3A_1198 : i32 to index
      %swap3A_1200 = arith.constant 80 : index
      %swap3A_1201 = tpu.vector_load %arg13[%swap3A_1199, %swap3A_1200] {strides = array<i32>} : memref<8x128xf32, #tpu.memory_space<vmem>>, vector<16xf32>,
      tpu.vector_store %arg13[%swap3A_1199, %swap3A_1200], %select_n3A_1197 {strides = array<i32>} : memref<8x128xf32, #tpu.memory_space<vmem>>, vector<16xf32>,
      %sub3A_1202 = arith.constant 32768 : i32
      %sub3A_1203 = vector.broadcast %sub3A_1202 : i32 to vector<16xi32>
      %sub3A_1204 = arith.subi %get3A_1177, %sub3A_1203 : vector<16xi32>
      %select_n3A_1205 = arith.select %lt3A_1189, %add3A_275, %sub3A_1204 : vector<16xi1>, vector<16xi32>
      %swap3A_1206 = arith.constant 2 : i32
      %swap3A_1207 = arith.index_cast %swap3A_1206 : i32 to index
      %swap3A_1208 = arith.constant 80 : index
      %swap3A_1209 = tpu.vector_load %arg14[%swap3A_1207, %swap3A_1208] {strides = array<i32>} : memref<8x128xi32, #tpu.memory_space<vmem>>, vector<16xi32>,
      tpu.vector_store %arg14[%swap3A_1207, %swap3A_1208], %select_n3A_1205 {strides = array<i32>} : memref<8x128xi32, #tpu.memory_space<vmem>>, vector<16xi32>,
      %jit3A_1210 = arith.constant 0.000000e+00 : f32
      %broadcast_in_dim3A_1211 = vector.broadcast %jit3A_1210 : f32 to vector<16xf32>
      %select_n3A_1212 = arith.select %lt3A_1189, %broadcast_in_dim3A_1211, %mul3A_1186 : vector<16xi1>, vector<16xf32>
      %swap3A_1213 = arith.constant 2 : i32
      %swap3A_1214 = arith.index_cast %swap3A_1213 : i32 to index
      %swap3A_1215 = arith.constant 80 : index
      %swap3A_1216 = tpu.vector_load %arg15[%swap3A_1214, %swap3A_1215] {strides = array<i32>} : memref<8x128xf32, #tpu.memory_space<vmem>>, vector<16xf32>,
      tpu.vector_store %arg15[%swap3A_1214, %swap3A_1215], %select_n3A_1212 {strides = array<i32>} : memref<8x128xf32, #tpu.memory_space<vmem>>, vector<16xf32>,
      %get3A_1217 = arith.constant 5 : i32
      %get3A_1218 = arith.index_cast %get3A_1217 : i32 to index
      %get3A_1219 = arith.constant 32 : index
      %get3A_1220 = tpu.vector_load %arg10[%get3A_1218, %get3A_1219] {strides = array<i32>} : memref<16x64xi32, #tpu.memory_space<vmem>>, vector<16xi32>,
      %get3A_1221 = arith.constant 5 : i32
      %get3A_1222 = arith.index_cast %get3A_1221 : i32 to index
      %get3A_1223 = arith.constant 32 : index
      %get3A_1224 = tpu.vector_load %arg11[%get3A_1222, %get3A_1223] {strides = array<i32>} : memref<16x64xf32, #tpu.memory_space<vmem>>, vector<16xf32>,
      %get3A_1225 = arith.constant 2 : i32
      %get3A_1226 = arith.index_cast %get3A_1225 : i32 to index
      %get3A_1227 = arith.constant 96 : index
      %get3A_1228 = tpu.vector_load %arg9[%get3A_1226, %get3A_1227] {strides = array<i32>} : memref<8x128xf32, #tpu.memory_space<vmem>>, vector<16xf32>,
      %mul3A_1229 = arith.mulf %get3A_1224, %get3A_1228 : vector<16xf32>
      %lt3A_1230 = arith.constant 32768 : i32
      %lt3A_1231 = vector.broadcast %lt3A_1230 : i32 to vector<16xi32>
      %lt3A_1232 = arith.cmpi slt, %get3A_1220, %lt3A_1231 : vector<16xi32>
      %select_n3A_1233 = arith.select %lt3A_1232, %get3A_1220, %add3A_275 : vector<16xi1>, vector<16xi32>
      %swap3A_1234 = arith.constant 2 : i32
      %swap3A_1235 = arith.index_cast %swap3A_1234 : i32 to index
      %swap3A_1236 = arith.constant 96 : index
      %swap3A_1237 = tpu.vector_load %arg12[%swap3A_1235, %swap3A_1236] {strides = array<i32>} : memref<8x128xi32, #tpu.memory_space<vmem>>, vector<16xi32>,
      tpu.vector_store %arg12[%swap3A_1235, %swap3A_1236], %select_n3A_1233 {strides = array<i32>} : memref<8x128xi32, #tpu.memory_space<vmem>>, vector<16xi32>,
      %jit3A_1238 = arith.constant 0.000000e+00 : f32
      %broadcast_in_dim3A_1239 = vector.broadcast %jit3A_1238 : f32 to vector<16xf32>
      %select_n3A_1240 = arith.select %lt3A_1232, %mul3A_1229, %broadcast_in_dim3A_1239 : vector<16xi1>, vector<16xf32>
      %swap3A_1241 = arith.constant 2 : i32
      %swap3A_1242 = arith.index_cast %swap3A_1241 : i32 to index
      %swap3A_1243 = arith.constant 96 : index
      %swap3A_1244 = tpu.vector_load %arg13[%swap3A_1242, %swap3A_1243] {strides = array<i32>} : memref<8x128xf32, #tpu.memory_space<vmem>>, vector<16xf32>,
      tpu.vector_store %arg13[%swap3A_1242, %swap3A_1243], %select_n3A_1240 {strides = array<i32>} : memref<8x128xf32, #tpu.memory_space<vmem>>, vector<16xf32>,
      %sub3A_1245 = arith.constant 32768 : i32
      %sub3A_1246 = vector.broadcast %sub3A_1245 : i32 to vector<16xi32>
      %sub3A_1247 = arith.subi %get3A_1220, %sub3A_1246 : vector<16xi32>
      %select_n3A_1248 = arith.select %lt3A_1232, %add3A_275, %sub3A_1247 : vector<16xi1>, vector<16xi32>
      %swap3A_1249 = arith.constant 2 : i32
      %swap3A_1250 = arith.index_cast %swap3A_1249 : i32 to index
      %swap3A_1251 = arith.constant 96 : index
      %swap3A_1252 = tpu.vector_load %arg14[%swap3A_1250, %swap3A_1251] {strides = array<i32>} : memref<8x128xi32, #tpu.memory_space<vmem>>, vector<16xi32>,
      tpu.vector_store %arg14[%swap3A_1250, %swap3A_1251], %select_n3A_1248 {strides = array<i32>} : memref<8x128xi32, #tpu.memory_space<vmem>>, vector<16xi32>,
      %jit3A_1253 = arith.constant 0.000000e+00 : f32
      %broadcast_in_dim3A_1254 = vector.broadcast %jit3A_1253 : f32 to vector<16xf32>
      %select_n3A_1255 = arith.select %lt3A_1232, %broadcast_in_dim3A_1254, %mul3A_1229 : vector<16xi1>, vector<16xf32>
      %swap3A_1256 = arith.constant 2 : i32
      %swap3A_1257 = arith.index_cast %swap3A_1256 : i32 to index
      %swap3A_1258 = arith.constant 96 : index
      %swap3A_1259 = tpu.vector_load %arg15[%swap3A_1257, %swap3A_1258] {strides = array<i32>} : memref<8x128xf32, #tpu.memory_space<vmem>>, vector<16xf32>,
      tpu.vector_store %arg15[%swap3A_1257, %swap3A_1258], %select_n3A_1255 {strides = array<i32>} : memref<8x128xf32, #tpu.memory_space<vmem>>, vector<16xf32>,
      %get3A_1260 = arith.constant 5 : i32
      %get3A_1261 = arith.index_cast %get3A_1260 : i32 to index
      %get3A_1262 = arith.constant 48 : index
      %get3A_1263 = tpu.vector_load %arg10[%get3A_1261, %get3A_1262] {strides = array<i32>} : memref<16x64xi32, #tpu.memory_space<vmem>>, vector<16xi32>,
      %get3A_1264 = arith.constant 5 : i32
      %get3A_1265 = arith.index_cast %get3A_1264 : i32 to index
      %get3A_1266 = arith.constant 48 : index
      %get3A_1267 = tpu.vector_load %arg11[%get3A_1265, %get3A_1266] {strides = array<i32>} : memref<16x64xf32, #tpu.memory_space<vmem>>, vector<16xf32>,
      %get3A_1268 = arith.constant 2 : i32
      %get3A_1269 = arith.index_cast %get3A_1268 : i32 to index
      %get3A_1270 = arith.constant 112 : index
      %get3A_1271 = tpu.vector_load %arg9[%get3A_1269, %get3A_1270] {strides = array<i32>} : memref<8x128xf32, #tpu.memory_space<vmem>>, vector<16xf32>,
      %mul3A_1272 = arith.mulf %get3A_1267, %get3A_1271 : vector<16xf32>
      %lt3A_1273 = arith.constant 32768 : i32
      %lt3A_1274 = vector.broadcast %lt3A_1273 : i32 to vector<16xi32>
      %lt3A_1275 = arith.cmpi slt, %get3A_1263, %lt3A_1274 : vector<16xi32>
      %select_n3A_1276 = arith.select %lt3A_1275, %get3A_1263, %add3A_275 : vector<16xi1>, vector<16xi32>
      %swap3A_1277 = arith.constant 2 : i32
      %swap3A_1278 = arith.index_cast %swap3A_1277 : i32 to index
      %swap3A_1279 = arith.constant 112 : index
      %swap3A_1280 = tpu.vector_load %arg12[%swap3A_1278, %swap3A_1279] {strides = array<i32>} : memref<8x128xi32, #tpu.memory_space<vmem>>, vector<16xi32>,
      tpu.vector_store %arg12[%swap3A_1278, %swap3A_1279], %select_n3A_1276 {strides = array<i32>} : memref<8x128xi32, #tpu.memory_space<vmem>>, vector<16xi32>,
      %jit3A_1281 = arith.constant 0.000000e+00 : f32
      %broadcast_in_dim3A_1282 = vector.broadcast %jit3A_1281 : f32 to vector<16xf32>
      %select_n3A_1283 = arith.select %lt3A_1275, %mul3A_1272, %broadcast_in_dim3A_1282 : vector<16xi1>, vector<16xf32>
      %swap3A_1284 = arith.constant 2 : i32
      %swap3A_1285 = arith.index_cast %swap3A_1284 : i32 to index
      %swap3A_1286 = arith.constant 112 : index
      %swap3A_1287 = tpu.vector_load %arg13[%swap3A_1285, %swap3A_1286] {strides = array<i32>} : memref<8x128xf32, #tpu.memory_space<vmem>>, vector<16xf32>,
      tpu.vector_store %arg13[%swap3A_1285, %swap3A_1286], %select_n3A_1283 {strides = array<i32>} : memref<8x128xf32, #tpu.memory_space<vmem>>, vector<16xf32>,
      %sub3A_1288 = arith.constant 32768 : i32
      %sub3A_1289 = vector.broadcast %sub3A_1288 : i32 to vector<16xi32>
      %sub3A_1290 = arith.subi %get3A_1263, %sub3A_1289 : vector<16xi32>
      %select_n3A_1291 = arith.select %lt3A_1275, %add3A_275, %sub3A_1290 : vector<16xi1>, vector<16xi32>
      %swap3A_1292 = arith.constant 2 : i32
      %swap3A_1293 = arith.index_cast %swap3A_1292 : i32 to index
      %swap3A_1294 = arith.constant 112 : index
      %swap3A_1295 = tpu.vector_load %arg14[%swap3A_1293, %swap3A_1294] {strides = array<i32>} : memref<8x128xi32, #tpu.memory_space<vmem>>, vector<16xi32>,
      tpu.vector_store %arg14[%swap3A_1293, %swap3A_1294], %select_n3A_1291 {strides = array<i32>} : memref<8x128xi32, #tpu.memory_space<vmem>>, vector<16xi32>,
      %jit3A_1296 = arith.constant 0.000000e+00 : f32
      %broadcast_in_dim3A_1297 = vector.broadcast %jit3A_1296 : f32 to vector<16xf32>
      %select_n3A_1298 = arith.select %lt3A_1275, %broadcast_in_dim3A_1297, %mul3A_1272 : vector<16xi1>, vector<16xf32>
      %swap3A_1299 = arith.constant 2 : i32
      %swap3A_1300 = arith.index_cast %swap3A_1299 : i32 to index
      %swap3A_1301 = arith.constant 112 : index
      %swap3A_1302 = tpu.vector_load %arg15[%swap3A_1300, %swap3A_1301] {strides = array<i32>} : memref<8x128xf32, #tpu.memory_space<vmem>>, vector<16xf32>,
      tpu.vector_store %arg15[%swap3A_1300, %swap3A_1301], %select_n3A_1298 {strides = array<i32>} : memref<8x128xf32, #tpu.memory_space<vmem>>, vector<16xf32>,
      %get3A_1303 = arith.constant 6 : i32
      %get3A_1304 = arith.index_cast %get3A_1303 : i32 to index
      %get3A_1305 = arith.constant 0 : index
      %get3A_1306 = tpu.vector_load %arg10[%get3A_1304, %get3A_1305] {strides = array<i32>} : memref<16x64xi32, #tpu.memory_space<vmem>>, vector<16xi32>,
      %get3A_1307 = arith.constant 6 : i32
      %get3A_1308 = arith.index_cast %get3A_1307 : i32 to index
      %get3A_1309 = arith.constant 0 : index
      %get3A_1310 = tpu.vector_load %arg11[%get3A_1308, %get3A_1309] {strides = array<i32>} : memref<16x64xf32, #tpu.memory_space<vmem>>, vector<16xf32>,
      %get3A_1311 = arith.constant 3 : i32
      %get3A_1312 = arith.index_cast %get3A_1311 : i32 to index
      %get3A_1313 = arith.constant 0 : index
      %get3A_1314 = tpu.vector_load %arg9[%get3A_1312, %get3A_1313] {strides = array<i32>} : memref<8x128xf32, #tpu.memory_space<vmem>>, vector<16xf32>,
      %mul3A_1315 = arith.mulf %get3A_1310, %get3A_1314 : vector<16xf32>
      %lt3A_1316 = arith.constant 32768 : i32
      %lt3A_1317 = vector.broadcast %lt3A_1316 : i32 to vector<16xi32>
      %lt3A_1318 = arith.cmpi slt, %get3A_1306, %lt3A_1317 : vector<16xi32>
      %select_n3A_1319 = arith.select %lt3A_1318, %get3A_1306, %add3A_275 : vector<16xi1>, vector<16xi32>
      %swap3A_1320 = arith.constant 3 : i32
      %swap3A_1321 = arith.index_cast %swap3A_1320 : i32 to index
      %swap3A_1322 = arith.constant 0 : index
      %swap3A_1323 = tpu.vector_load %arg12[%swap3A_1321, %swap3A_1322] {strides = array<i32>} : memref<8x128xi32, #tpu.memory_space<vmem>>, vector<16xi32>,
      tpu.vector_store %arg12[%swap3A_1321, %swap3A_1322], %select_n3A_1319 {strides = array<i32>} : memref<8x128xi32, #tpu.memory_space<vmem>>, vector<16xi32>,
      %jit3A_1324 = arith.constant 0.000000e+00 : f32
      %broadcast_in_dim3A_1325 = vector.broadcast %jit3A_1324 : f32 to vector<16xf32>
      %select_n3A_1326 = arith.select %lt3A_1318, %mul3A_1315, %broadcast_in_dim3A_1325 : vector<16xi1>, vector<16xf32>
      %swap3A_1327 = arith.constant 3 : i32
      %swap3A_1328 = arith.index_cast %swap3A_1327 : i32 to index
      %swap3A_1329 = arith.constant 0 : index
      %swap3A_1330 = tpu.vector_load %arg13[%swap3A_1328, %swap3A_1329] {strides = array<i32>} : memref<8x128xf32, #tpu.memory_space<vmem>>, vector<16xf32>,
      tpu.vector_store %arg13[%swap3A_1328, %swap3A_1329], %select_n3A_1326 {strides = array<i32>} : memref<8x128xf32, #tpu.memory_space<vmem>>, vector<16xf32>,
      %sub3A_1331 = arith.constant 32768 : i32
      %sub3A_1332 = vector.broadcast %sub3A_1331 : i32 to vector<16xi32>
      %sub3A_1333 = arith.subi %get3A_1306, %sub3A_1332 : vector<16xi32>
      %select_n3A_1334 = arith.select %lt3A_1318, %add3A_275, %sub3A_1333 : vector<16xi1>, vector<16xi32>
      %swap3A_1335 = arith.constant 3 : i32
      %swap3A_1336 = arith.index_cast %swap3A_1335 : i32 to index
      %swap3A_1337 = arith.constant 0 : index
      %swap3A_1338 = tpu.vector_load %arg14[%swap3A_1336, %swap3A_1337] {strides = array<i32>} : memref<8x128xi32, #tpu.memory_space<vmem>>, vector<16xi32>,
      tpu.vector_store %arg14[%swap3A_1336, %swap3A_1337], %select_n3A_1334 {strides = array<i32>} : memref<8x128xi32, #tpu.memory_space<vmem>>, vector<16xi32>,
      %jit3A_1339 = arith.constant 0.000000e+00 : f32
      %broadcast_in_dim3A_1340 = vector.broadcast %jit3A_1339 : f32 to vector<16xf32>
      %select_n3A_1341 = arith.select %lt3A_1318, %broadcast_in_dim3A_1340, %mul3A_1315 : vector<16xi1>, vector<16xf32>
      %swap3A_1342 = arith.constant 3 : i32
      %swap3A_1343 = arith.index_cast %swap3A_1342 : i32 to index
      %swap3A_1344 = arith.constant 0 : index
      %swap3A_1345 = tpu.vector_load %arg15[%swap3A_1343, %swap3A_1344] {strides = array<i32>} : memref<8x128xf32, #tpu.memory_space<vmem>>, vector<16xf32>,
      tpu.vector_store %arg15[%swap3A_1343, %swap3A_1344], %select_n3A_1341 {strides = array<i32>} : memref<8x128xf32, #tpu.memory_space<vmem>>, vector<16xf32>,
      %get3A_1346 = arith.constant 6 : i32
      %get3A_1347 = arith.index_cast %get3A_1346 : i32 to index
      %get3A_1348 = arith.constant 16 : index
      %get3A_1349 = tpu.vector_load %arg10[%get3A_1347, %get3A_1348] {strides = array<i32>} : memref<16x64xi32, #tpu.memory_space<vmem>>, vector<16xi32>,
      %get3A_1350 = arith.constant 6 : i32
      %get3A_1351 = arith.index_cast %get3A_1350 : i32 to index
      %get3A_1352 = arith.constant 16 : index
      %get3A_1353 = tpu.vector_load %arg11[%get3A_1351, %get3A_1352] {strides = array<i32>} : memref<16x64xf32, #tpu.memory_space<vmem>>, vector<16xf32>,
      %get3A_1354 = arith.constant 3 : i32
      %get3A_1355 = arith.index_cast %get3A_1354 : i32 to index
      %get3A_1356 = arith.constant 16 : index
      %get3A_1357 = tpu.vector_load %arg9[%get3A_1355, %get3A_1356] {strides = array<i32>} : memref<8x128xf32, #tpu.memory_space<vmem>>, vector<16xf32>,
      %mul3A_1358 = arith.mulf %get3A_1353, %get3A_1357 : vector<16xf32>
      %lt3A_1359 = arith.constant 32768 : i32
      %lt3A_1360 = vector.broadcast %lt3A_1359 : i32 to vector<16xi32>
      %lt3A_1361 = arith.cmpi slt, %get3A_1349, %lt3A_1360 : vector<16xi32>
      %select_n3A_1362 = arith.select %lt3A_1361, %get3A_1349, %add3A_275 : vector<16xi1>, vector<16xi32>
      %swap3A_1363 = arith.constant 3 : i32
      %swap3A_1364 = arith.index_cast %swap3A_1363 : i32 to index
      %swap3A_1365 = arith.constant 16 : index
      %swap3A_1366 = tpu.vector_load %arg12[%swap3A_1364, %swap3A_1365] {strides = array<i32>} : memref<8x128xi32, #tpu.memory_space<vmem>>, vector<16xi32>,
      tpu.vector_store %arg12[%swap3A_1364, %swap3A_1365], %select_n3A_1362 {strides = array<i32>} : memref<8x128xi32, #tpu.memory_space<vmem>>, vector<16xi32>,
      %jit3A_1367 = arith.constant 0.000000e+00 : f32
      %broadcast_in_dim3A_1368 = vector.broadcast %jit3A_1367 : f32 to vector<16xf32>
      %select_n3A_1369 = arith.select %lt3A_1361, %mul3A_1358, %broadcast_in_dim3A_1368 : vector<16xi1>, vector<16xf32>
      %swap3A_1370 = arith.constant 3 : i32
      %swap3A_1371 = arith.index_cast %swap3A_1370 : i32 to index
      %swap3A_1372 = arith.constant 16 : index
      %swap3A_1373 = tpu.vector_load %arg13[%swap3A_1371, %swap3A_1372] {strides = array<i32>} : memref<8x128xf32, #tpu.memory_space<vmem>>, vector<16xf32>,
      tpu.vector_store %arg13[%swap3A_1371, %swap3A_1372], %select_n3A_1369 {strides = array<i32>} : memref<8x128xf32, #tpu.memory_space<vmem>>, vector<16xf32>,
      %sub3A_1374 = arith.constant 32768 : i32
      %sub3A_1375 = vector.broadcast %sub3A_1374 : i32 to vector<16xi32>
      %sub3A_1376 = arith.subi %get3A_1349, %sub3A_1375 : vector<16xi32>
      %select_n3A_1377 = arith.select %lt3A_1361, %add3A_275, %sub3A_1376 : vector<16xi1>, vector<16xi32>
      %swap3A_1378 = arith.constant 3 : i32
      %swap3A_1379 = arith.index_cast %swap3A_1378 : i32 to index
      %swap3A_1380 = arith.constant 16 : index
      %swap3A_1381 = tpu.vector_load %arg14[%swap3A_1379, %swap3A_1380] {strides = array<i32>} : memref<8x128xi32, #tpu.memory_space<vmem>>, vector<16xi32>,
      tpu.vector_store %arg14[%swap3A_1379, %swap3A_1380], %select_n3A_1377 {strides = array<i32>} : memref<8x128xi32, #tpu.memory_space<vmem>>, vector<16xi32>,
      %jit3A_1382 = arith.constant 0.000000e+00 : f32
      %broadcast_in_dim3A_1383 = vector.broadcast %jit3A_1382 : f32 to vector<16xf32>
      %select_n3A_1384 = arith.select %lt3A_1361, %broadcast_in_dim3A_1383, %mul3A_1358 : vector<16xi1>, vector<16xf32>
      %swap3A_1385 = arith.constant 3 : i32
      %swap3A_1386 = arith.index_cast %swap3A_1385 : i32 to index
      %swap3A_1387 = arith.constant 16 : index
      %swap3A_1388 = tpu.vector_load %arg15[%swap3A_1386, %swap3A_1387] {strides = array<i32>} : memref<8x128xf32, #tpu.memory_space<vmem>>, vector<16xf32>,
      tpu.vector_store %arg15[%swap3A_1386, %swap3A_1387], %select_n3A_1384 {strides = array<i32>} : memref<8x128xf32, #tpu.memory_space<vmem>>, vector<16xf32>,
      %get3A_1389 = arith.constant 6 : i32
      %get3A_1390 = arith.index_cast %get3A_1389 : i32 to index
      %get3A_1391 = arith.constant 32 : index
      %get3A_1392 = tpu.vector_load %arg10[%get3A_1390, %get3A_1391] {strides = array<i32>} : memref<16x64xi32, #tpu.memory_space<vmem>>, vector<16xi32>,
      %get3A_1393 = arith.constant 6 : i32
      %get3A_1394 = arith.index_cast %get3A_1393 : i32 to index
      %get3A_1395 = arith.constant 32 : index
      %get3A_1396 = tpu.vector_load %arg11[%get3A_1394, %get3A_1395] {strides = array<i32>} : memref<16x64xf32, #tpu.memory_space<vmem>>, vector<16xf32>,
      %get3A_1397 = arith.constant 3 : i32
      %get3A_1398 = arith.index_cast %get3A_1397 : i32 to index
      %get3A_1399 = arith.constant 32 : index
      %get3A_1400 = tpu.vector_load %arg9[%get3A_1398, %get3A_1399] {strides = array<i32>} : memref<8x128xf32, #tpu.memory_space<vmem>>, vector<16xf32>,
      %mul3A_1401 = arith.mulf %get3A_1396, %get3A_1400 : vector<16xf32>
      %lt3A_1402 = arith.constant 32768 : i32
      %lt3A_1403 = vector.broadcast %lt3A_1402 : i32 to vector<16xi32>
      %lt3A_1404 = arith.cmpi slt, %get3A_1392, %lt3A_1403 : vector<16xi32>
      %select_n3A_1405 = arith.select %lt3A_1404, %get3A_1392, %add3A_275 : vector<16xi1>, vector<16xi32>
      %swap3A_1406 = arith.constant 3 : i32
      %swap3A_1407 = arith.index_cast %swap3A_1406 : i32 to index
      %swap3A_1408 = arith.constant 32 : index
      %swap3A_1409 = tpu.vector_load %arg12[%swap3A_1407, %swap3A_1408] {strides = array<i32>} : memref<8x128xi32, #tpu.memory_space<vmem>>, vector<16xi32>,
      tpu.vector_store %arg12[%swap3A_1407, %swap3A_1408], %select_n3A_1405 {strides = array<i32>} : memref<8x128xi32, #tpu.memory_space<vmem>>, vector<16xi32>,
      %jit3A_1410 = arith.constant 0.000000e+00 : f32
      %broadcast_in_dim3A_1411 = vector.broadcast %jit3A_1410 : f32 to vector<16xf32>
      %select_n3A_1412 = arith.select %lt3A_1404, %mul3A_1401, %broadcast_in_dim3A_1411 : vector<16xi1>, vector<16xf32>
      %swap3A_1413 = arith.constant 3 : i32
      %swap3A_1414 = arith.index_cast %swap3A_1413 : i32 to index
      %swap3A_1415 = arith.constant 32 : index
      %swap3A_1416 = tpu.vector_load %arg13[%swap3A_1414, %swap3A_1415] {strides = array<i32>} : memref<8x128xf32, #tpu.memory_space<vmem>>, vector<16xf32>,
      tpu.vector_store %arg13[%swap3A_1414, %swap3A_1415], %select_n3A_1412 {strides = array<i32>} : memref<8x128xf32, #tpu.memory_space<vmem>>, vector<16xf32>,
      %sub3A_1417 = arith.constant 32768 : i32
      %sub3A_1418 = vector.broadcast %sub3A_1417 : i32 to vector<16xi32>
      %sub3A_1419 = arith.subi %get3A_1392, %sub3A_1418 : vector<16xi32>
      %select_n3A_1420 = arith.select %lt3A_1404, %add3A_275, %sub3A_1419 : vector<16xi1>, vector<16xi32>
      %swap3A_1421 = arith.constant 3 : i32
      %swap3A_1422 = arith.index_cast %swap3A_1421 : i32 to index
      %swap3A_1423 = arith.constant 32 : index
      %swap3A_1424 = tpu.vector_load %arg14[%swap3A_1422, %swap3A_1423] {strides = array<i32>} : memref<8x128xi32, #tpu.memory_space<vmem>>, vector<16xi32>,
      tpu.vector_store %arg14[%swap3A_1422, %swap3A_1423], %select_n3A_1420 {strides = array<i32>} : memref<8x128xi32, #tpu.memory_space<vmem>>, vector<16xi32>,
      %jit3A_1425 = arith.constant 0.000000e+00 : f32
      %broadcast_in_dim3A_1426 = vector.broadcast %jit3A_1425 : f32 to vector<16xf32>
      %select_n3A_1427 = arith.select %lt3A_1404, %broadcast_in_dim3A_1426, %mul3A_1401 : vector<16xi1>, vector<16xf32>
      %swap3A_1428 = arith.constant 3 : i32
      %swap3A_1429 = arith.index_cast %swap3A_1428 : i32 to index
      %swap3A_1430 = arith.constant 32 : index
      %swap3A_1431 = tpu.vector_load %arg15[%swap3A_1429, %swap3A_1430] {strides = array<i32>} : memref<8x128xf32, #tpu.memory_space<vmem>>, vector<16xf32>,
      tpu.vector_store %arg15[%swap3A_1429, %swap3A_1430], %select_n3A_1427 {strides = array<i32>} : memref<8x128xf32, #tpu.memory_space<vmem>>, vector<16xf32>,
      %get3A_1432 = arith.constant 6 : i32
      %get3A_1433 = arith.index_cast %get3A_1432 : i32 to index
      %get3A_1434 = arith.constant 48 : index
      %get3A_1435 = tpu.vector_load %arg10[%get3A_1433, %get3A_1434] {strides = array<i32>} : memref<16x64xi32, #tpu.memory_space<vmem>>, vector<16xi32>,
      %get3A_1436 = arith.constant 6 : i32
      %get3A_1437 = arith.index_cast %get3A_1436 : i32 to index
      %get3A_1438 = arith.constant 48 : index
      %get3A_1439 = tpu.vector_load %arg11[%get3A_1437, %get3A_1438] {strides = array<i32>} : memref<16x64xf32, #tpu.memory_space<vmem>>, vector<16xf32>,
      %get3A_1440 = arith.constant 3 : i32
      %get3A_1441 = arith.index_cast %get3A_1440 : i32 to index
      %get3A_1442 = arith.constant 48 : index
      %get3A_1443 = tpu.vector_load %arg9[%get3A_1441, %get3A_1442] {strides = array<i32>} : memref<8x128xf32, #tpu.memory_space<vmem>>, vector<16xf32>,
      %mul3A_1444 = arith.mulf %get3A_1439, %get3A_1443 : vector<16xf32>
      %lt3A_1445 = arith.constant 32768 : i32
      %lt3A_1446 = vector.broadcast %lt3A_1445 : i32 to vector<16xi32>
      %lt3A_1447 = arith.cmpi slt, %get3A_1435, %lt3A_1446 : vector<16xi32>
      %select_n3A_1448 = arith.select %lt3A_1447, %get3A_1435, %add3A_275 : vector<16xi1>, vector<16xi32>
      %swap3A_1449 = arith.constant 3 : i32
      %swap3A_1450 = arith.index_cast %swap3A_1449 : i32 to index
      %swap3A_1451 = arith.constant 48 : index
      %swap3A_1452 = tpu.vector_load %arg12[%swap3A_1450, %swap3A_1451] {strides = array<i32>} : memref<8x128xi32, #tpu.memory_space<vmem>>, vector<16xi32>,
      tpu.vector_store %arg12[%swap3A_1450, %swap3A_1451], %select_n3A_1448 {strides = array<i32>} : memref<8x128xi32, #tpu.memory_space<vmem>>, vector<16xi32>,
      %jit3A_1453 = arith.constant 0.000000e+00 : f32
      %broadcast_in_dim3A_1454 = vector.broadcast %jit3A_1453 : f32 to vector<16xf32>
      %select_n3A_1455 = arith.select %lt3A_1447, %mul3A_1444, %broadcast_in_dim3A_1454 : vector<16xi1>, vector<16xf32>
      %swap3A_1456 = arith.constant 3 : i32
      %swap3A_1457 = arith.index_cast %swap3A_1456 : i32 to index
      %swap3A_1458 = arith.constant 48 : index
      %swap3A_1459 = tpu.vector_load %arg13[%swap3A_1457, %swap3A_1458] {strides = array<i32>} : memref<8x128xf32, #tpu.memory_space<vmem>>, vector<16xf32>,
      tpu.vector_store %arg13[%swap3A_1457, %swap3A_1458], %select_n3A_1455 {strides = array<i32>} : memref<8x128xf32, #tpu.memory_space<vmem>>, vector<16xf32>,
      %sub3A_1460 = arith.constant 32768 : i32
      %sub3A_1461 = vector.broadcast %sub3A_1460 : i32 to vector<16xi32>
      %sub3A_1462 = arith.subi %get3A_1435, %sub3A_1461 : vector<16xi32>
      %select_n3A_1463 = arith.select %lt3A_1447, %add3A_275, %sub3A_1462 : vector<16xi1>, vector<16xi32>
      %swap3A_1464 = arith.constant 3 : i32
      %swap3A_1465 = arith.index_cast %swap3A_1464 : i32 to index
      %swap3A_1466 = arith.constant 48 : index
      %swap3A_1467 = tpu.vector_load %arg14[%swap3A_1465, %swap3A_1466] {strides = array<i32>} : memref<8x128xi32, #tpu.memory_space<vmem>>, vector<16xi32>,
      tpu.vector_store %arg14[%swap3A_1465, %swap3A_1466], %select_n3A_1463 {strides = array<i32>} : memref<8x128xi32, #tpu.memory_space<vmem>>, vector<16xi32>,
      %jit3A_1468 = arith.constant 0.000000e+00 : f32
      %broadcast_in_dim3A_1469 = vector.broadcast %jit3A_1468 : f32 to vector<16xf32>
      %select_n3A_1470 = arith.select %lt3A_1447, %broadcast_in_dim3A_1469, %mul3A_1444 : vector<16xi1>, vector<16xf32>
      %swap3A_1471 = arith.constant 3 : i32
      %swap3A_1472 = arith.index_cast %swap3A_1471 : i32 to index
      %swap3A_1473 = arith.constant 48 : index
      %swap3A_1474 = tpu.vector_load %arg15[%swap3A_1472, %swap3A_1473] {strides = array<i32>} : memref<8x128xf32, #tpu.memory_space<vmem>>, vector<16xf32>,
      tpu.vector_store %arg15[%swap3A_1472, %swap3A_1473], %select_n3A_1470 {strides = array<i32>} : memref<8x128xf32, #tpu.memory_space<vmem>>, vector<16xf32>,
      %get3A_1475 = arith.constant 7 : i32
      %get3A_1476 = arith.index_cast %get3A_1475 : i32 to index
      %get3A_1477 = arith.constant 0 : index
      %get3A_1478 = tpu.vector_load %arg10[%get3A_1476, %get3A_1477] {strides = array<i32>} : memref<16x64xi32, #tpu.memory_space<vmem>>, vector<16xi32>,
      %get3A_1479 = arith.constant 7 : i32
      %get3A_1480 = arith.index_cast %get3A_1479 : i32 to index
      %get3A_1481 = arith.constant 0 : index
      %get3A_1482 = tpu.vector_load %arg11[%get3A_1480, %get3A_1481] {strides = array<i32>} : memref<16x64xf32, #tpu.memory_space<vmem>>, vector<16xf32>,
      %get3A_1483 = arith.constant 3 : i32
      %get3A_1484 = arith.index_cast %get3A_1483 : i32 to index
      %get3A_1485 = arith.constant 64 : index
      %get3A_1486 = tpu.vector_load %arg9[%get3A_1484, %get3A_1485] {strides = array<i32>} : memref<8x128xf32, #tpu.memory_space<vmem>>, vector<16xf32>,
      %mul3A_1487 = arith.mulf %get3A_1482, %get3A_1486 : vector<16xf32>
      %lt3A_1488 = arith.constant 32768 : i32
      %lt3A_1489 = vector.broadcast %lt3A_1488 : i32 to vector<16xi32>
      %lt3A_1490 = arith.cmpi slt, %get3A_1478, %lt3A_1489 : vector<16xi32>
      %select_n3A_1491 = arith.select %lt3A_1490, %get3A_1478, %add3A_275 : vector<16xi1>, vector<16xi32>
      %swap3A_1492 = arith.constant 3 : i32
      %swap3A_1493 = arith.index_cast %swap3A_1492 : i32 to index
      %swap3A_1494 = arith.constant 64 : index
      %swap3A_1495 = tpu.vector_load %arg12[%swap3A_1493, %swap3A_1494] {strides = array<i32>} : memref<8x128xi32, #tpu.memory_space<vmem>>, vector<16xi32>,
      tpu.vector_store %arg12[%swap3A_1493, %swap3A_1494], %select_n3A_1491 {strides = array<i32>} : memref<8x128xi32, #tpu.memory_space<vmem>>, vector<16xi32>,
      %jit3A_1496 = arith.constant 0.000000e+00 : f32
      %broadcast_in_dim3A_1497 = vector.broadcast %jit3A_1496 : f32 to vector<16xf32>
      %select_n3A_1498 = arith.select %lt3A_1490, %mul3A_1487, %broadcast_in_dim3A_1497 : vector<16xi1>, vector<16xf32>
      %swap3A_1499 = arith.constant 3 : i32
      %swap3A_1500 = arith.index_cast %swap3A_1499 : i32 to index
      %swap3A_1501 = arith.constant 64 : index
      %swap3A_1502 = tpu.vector_load %arg13[%swap3A_1500, %swap3A_1501] {strides = array<i32>} : memref<8x128xf32, #tpu.memory_space<vmem>>, vector<16xf32>,
      tpu.vector_store %arg13[%swap3A_1500, %swap3A_1501], %select_n3A_1498 {strides = array<i32>} : memref<8x128xf32, #tpu.memory_space<vmem>>, vector<16xf32>,
      %sub3A_1503 = arith.constant 32768 : i32
      %sub3A_1504 = vector.broadcast %sub3A_1503 : i32 to vector<16xi32>
      %sub3A_1505 = arith.subi %get3A_1478, %sub3A_1504 : vector<16xi32>
      %select_n3A_1506 = arith.select %lt3A_1490, %add3A_275, %sub3A_1505 : vector<16xi1>, vector<16xi32>
      %swap3A_1507 = arith.constant 3 : i32
      %swap3A_1508 = arith.index_cast %swap3A_1507 : i32 to index
      %swap3A_1509 = arith.constant 64 : index
      %swap3A_1510 = tpu.vector_load %arg14[%swap3A_1508, %swap3A_1509] {strides = array<i32>} : memref<8x128xi32, #tpu.memory_space<vmem>>, vector<16xi32>,
      tpu.vector_store %arg14[%swap3A_1508, %swap3A_1509], %select_n3A_1506 {strides = array<i32>} : memref<8x128xi32, #tpu.memory_space<vmem>>, vector<16xi32>,
      %jit3A_1511 = arith.constant 0.000000e+00 : f32
      %broadcast_in_dim3A_1512 = vector.broadcast %jit3A_1511 : f32 to vector<16xf32>
      %select_n3A_1513 = arith.select %lt3A_1490, %broadcast_in_dim3A_1512, %mul3A_1487 : vector<16xi1>, vector<16xf32>
      %swap3A_1514 = arith.constant 3 : i32
      %swap3A_1515 = arith.index_cast %swap3A_1514 : i32 to index
      %swap3A_1516 = arith.constant 64 : index
      %swap3A_1517 = tpu.vector_load %arg15[%swap3A_1515, %swap3A_1516] {strides = array<i32>} : memref<8x128xf32, #tpu.memory_space<vmem>>, vector<16xf32>,
      tpu.vector_store %arg15[%swap3A_1515, %swap3A_1516], %select_n3A_1513 {strides = array<i32>} : memref<8x128xf32, #tpu.memory_space<vmem>>, vector<16xf32>,
      %get3A_1518 = arith.constant 7 : i32
      %get3A_1519 = arith.index_cast %get3A_1518 : i32 to index
      %get3A_1520 = arith.constant 16 : index
      %get3A_1521 = tpu.vector_load %arg10[%get3A_1519, %get3A_1520] {strides = array<i32>} : memref<16x64xi32, #tpu.memory_space<vmem>>, vector<16xi32>,
      %get3A_1522 = arith.constant 7 : i32
      %get3A_1523 = arith.index_cast %get3A_1522 : i32 to index
      %get3A_1524 = arith.constant 16 : index
      %get3A_1525 = tpu.vector_load %arg11[%get3A_1523, %get3A_1524] {strides = array<i32>} : memref<16x64xf32, #tpu.memory_space<vmem>>, vector<16xf32>,
      %get3A_1526 = arith.constant 3 : i32
      %get3A_1527 = arith.index_cast %get3A_1526 : i32 to index
      %get3A_1528 = arith.constant 80 : index
      %get3A_1529 = tpu.vector_load %arg9[%get3A_1527, %get3A_1528] {strides = array<i32>} : memref<8x128xf32, #tpu.memory_space<vmem>>, vector<16xf32>,
      %mul3A_1530 = arith.mulf %get3A_1525, %get3A_1529 : vector<16xf32>
      %lt3A_1531 = arith.constant 32768 : i32
      %lt3A_1532 = vector.broadcast %lt3A_1531 : i32 to vector<16xi32>
      %lt3A_1533 = arith.cmpi slt, %get3A_1521, %lt3A_1532 : vector<16xi32>
      %select_n3A_1534 = arith.select %lt3A_1533, %get3A_1521, %add3A_275 : vector<16xi1>, vector<16xi32>
      %swap3A_1535 = arith.constant 3 : i32
      %swap3A_1536 = arith.index_cast %swap3A_1535 : i32 to index
      %swap3A_1537 = arith.constant 80 : index
      %swap3A_1538 = tpu.vector_load %arg12[%swap3A_1536, %swap3A_1537] {strides = array<i32>} : memref<8x128xi32, #tpu.memory_space<vmem>>, vector<16xi32>,
      tpu.vector_store %arg12[%swap3A_1536, %swap3A_1537], %select_n3A_1534 {strides = array<i32>} : memref<8x128xi32, #tpu.memory_space<vmem>>, vector<16xi32>,
      %jit3A_1539 = arith.constant 0.000000e+00 : f32
      %broadcast_in_dim3A_1540 = vector.broadcast %jit3A_1539 : f32 to vector<16xf32>
      %select_n3A_1541 = arith.select %lt3A_1533, %mul3A_1530, %broadcast_in_dim3A_1540 : vector<16xi1>, vector<16xf32>
      %swap3A_1542 = arith.constant 3 : i32
      %swap3A_1543 = arith.index_cast %swap3A_1542 : i32 to index
      %swap3A_1544 = arith.constant 80 : index
      %swap3A_1545 = tpu.vector_load %arg13[%swap3A_1543, %swap3A_1544] {strides = array<i32>} : memref<8x128xf32, #tpu.memory_space<vmem>>, vector<16xf32>,
      tpu.vector_store %arg13[%swap3A_1543, %swap3A_1544], %select_n3A_1541 {strides = array<i32>} : memref<8x128xf32, #tpu.memory_space<vmem>>, vector<16xf32>,
      %sub3A_1546 = arith.constant 32768 : i32
      %sub3A_1547 = vector.broadcast %sub3A_1546 : i32 to vector<16xi32>
      %sub3A_1548 = arith.subi %get3A_1521, %sub3A_1547 : vector<16xi32>
      %select_n3A_1549 = arith.select %lt3A_1533, %add3A_275, %sub3A_1548 : vector<16xi1>, vector<16xi32>
      %swap3A_1550 = arith.constant 3 : i32
      %swap3A_1551 = arith.index_cast %swap3A_1550 : i32 to index
      %swap3A_1552 = arith.constant 80 : index
      %swap3A_1553 = tpu.vector_load %arg14[%swap3A_1551, %swap3A_1552] {strides = array<i32>} : memref<8x128xi32, #tpu.memory_space<vmem>>, vector<16xi32>,
      tpu.vector_store %arg14[%swap3A_1551, %swap3A_1552], %select_n3A_1549 {strides = array<i32>} : memref<8x128xi32, #tpu.memory_space<vmem>>, vector<16xi32>,
      %jit3A_1554 = arith.constant 0.000000e+00 : f32
      %broadcast_in_dim3A_1555 = vector.broadcast %jit3A_1554 : f32 to vector<16xf32>
      %select_n3A_1556 = arith.select %lt3A_1533, %broadcast_in_dim3A_1555, %mul3A_1530 : vector<16xi1>, vector<16xf32>
      %swap3A_1557 = arith.constant 3 : i32
      %swap3A_1558 = arith.index_cast %swap3A_1557 : i32 to index
      %swap3A_1559 = arith.constant 80 : index
      %swap3A_1560 = tpu.vector_load %arg15[%swap3A_1558, %swap3A_1559] {strides = array<i32>} : memref<8x128xf32, #tpu.memory_space<vmem>>, vector<16xf32>,
      tpu.vector_store %arg15[%swap3A_1558, %swap3A_1559], %select_n3A_1556 {strides = array<i32>} : memref<8x128xf32, #tpu.memory_space<vmem>>, vector<16xf32>,
      %get3A_1561 = arith.constant 7 : i32
      %get3A_1562 = arith.index_cast %get3A_1561 : i32 to index
      %get3A_1563 = arith.constant 32 : index
      %get3A_1564 = tpu.vector_load %arg10[%get3A_1562, %get3A_1563] {strides = array<i32>} : memref<16x64xi32, #tpu.memory_space<vmem>>, vector<16xi32>,
      %get3A_1565 = arith.constant 7 : i32
      %get3A_1566 = arith.index_cast %get3A_1565 : i32 to index
      %get3A_1567 = arith.constant 32 : index
      %get3A_1568 = tpu.vector_load %arg11[%get3A_1566, %get3A_1567] {strides = array<i32>} : memref<16x64xf32, #tpu.memory_space<vmem>>, vector<16xf32>,
      %get3A_1569 = arith.constant 3 : i32
      %get3A_1570 = arith.index_cast %get3A_1569 : i32 to index
      %get3A_1571 = arith.constant 96 : index
      %get3A_1572 = tpu.vector_load %arg9[%get3A_1570, %get3A_1571] {strides = array<i32>} : memref<8x128xf32, #tpu.memory_space<vmem>>, vector<16xf32>,
      %mul3A_1573 = arith.mulf %get3A_1568, %get3A_1572 : vector<16xf32>
      %lt3A_1574 = arith.constant 32768 : i32
      %lt3A_1575 = vector.broadcast %lt3A_1574 : i32 to vector<16xi32>
      %lt3A_1576 = arith.cmpi slt, %get3A_1564, %lt3A_1575 : vector<16xi32>
      %select_n3A_1577 = arith.select %lt3A_1576, %get3A_1564, %add3A_275 : vector<16xi1>, vector<16xi32>
      %swap3A_1578 = arith.constant 3 : i32
      %swap3A_1579 = arith.index_cast %swap3A_1578 : i32 to index
      %swap3A_1580 = arith.constant 96 : index
      %swap3A_1581 = tpu.vector_load %arg12[%swap3A_1579, %swap3A_1580] {strides = array<i32>} : memref<8x128xi32, #tpu.memory_space<vmem>>, vector<16xi32>,
      tpu.vector_store %arg12[%swap3A_1579, %swap3A_1580], %select_n3A_1577 {strides = array<i32>} : memref<8x128xi32, #tpu.memory_space<vmem>>, vector<16xi32>,
      %jit3A_1582 = arith.constant 0.000000e+00 : f32
      %broadcast_in_dim3A_1583 = vector.broadcast %jit3A_1582 : f32 to vector<16xf32>
      %select_n3A_1584 = arith.select %lt3A_1576, %mul3A_1573, %broadcast_in_dim3A_1583 : vector<16xi1>, vector<16xf32>
      %swap3A_1585 = arith.constant 3 : i32
      %swap3A_1586 = arith.index_cast %swap3A_1585 : i32 to index
      %swap3A_1587 = arith.constant 96 : index
      %swap3A_1588 = tpu.vector_load %arg13[%swap3A_1586, %swap3A_1587] {strides = array<i32>} : memref<8x128xf32, #tpu.memory_space<vmem>>, vector<16xf32>,
      tpu.vector_store %arg13[%swap3A_1586, %swap3A_1587], %select_n3A_1584 {strides = array<i32>} : memref<8x128xf32, #tpu.memory_space<vmem>>, vector<16xf32>,
      %sub3A_1589 = arith.constant 32768 : i32
      %sub3A_1590 = vector.broadcast %sub3A_1589 : i32 to vector<16xi32>
      %sub3A_1591 = arith.subi %get3A_1564, %sub3A_1590 : vector<16xi32>
      %select_n3A_1592 = arith.select %lt3A_1576, %add3A_275, %sub3A_1591 : vector<16xi1>, vector<16xi32>
      %swap3A_1593 = arith.constant 3 : i32
      %swap3A_1594 = arith.index_cast %swap3A_1593 : i32 to index
      %swap3A_1595 = arith.constant 96 : index
      %swap3A_1596 = tpu.vector_load %arg14[%swap3A_1594, %swap3A_1595] {strides = array<i32>} : memref<8x128xi32, #tpu.memory_space<vmem>>, vector<16xi32>,
      tpu.vector_store %arg14[%swap3A_1594, %swap3A_1595], %select_n3A_1592 {strides = array<i32>} : memref<8x128xi32, #tpu.memory_space<vmem>>, vector<16xi32>,
      %jit3A_1597 = arith.constant 0.000000e+00 : f32
      %broadcast_in_dim3A_1598 = vector.broadcast %jit3A_1597 : f32 to vector<16xf32>
      %select_n3A_1599 = arith.select %lt3A_1576, %broadcast_in_dim3A_1598, %mul3A_1573 : vector<16xi1>, vector<16xf32>
      %swap3A_1600 = arith.constant 3 : i32
      %swap3A_1601 = arith.index_cast %swap3A_1600 : i32 to index
      %swap3A_1602 = arith.constant 96 : index
      %swap3A_1603 = tpu.vector_load %arg15[%swap3A_1601, %swap3A_1602] {strides = array<i32>} : memref<8x128xf32, #tpu.memory_space<vmem>>, vector<16xf32>,
      tpu.vector_store %arg15[%swap3A_1601, %swap3A_1602], %select_n3A_1599 {strides = array<i32>} : memref<8x128xf32, #tpu.memory_space<vmem>>, vector<16xf32>,
      %get3A_1604 = arith.constant 7 : i32
      %get3A_1605 = arith.index_cast %get3A_1604 : i32 to index
      %get3A_1606 = arith.constant 48 : index
      %get3A_1607 = tpu.vector_load %arg10[%get3A_1605, %get3A_1606] {strides = array<i32>} : memref<16x64xi32, #tpu.memory_space<vmem>>, vector<16xi32>,
      %get3A_1608 = arith.constant 7 : i32
      %get3A_1609 = arith.index_cast %get3A_1608 : i32 to index
      %get3A_1610 = arith.constant 48 : index
      %get3A_1611 = tpu.vector_load %arg11[%get3A_1609, %get3A_1610] {strides = array<i32>} : memref<16x64xf32, #tpu.memory_space<vmem>>, vector<16xf32>,
      %get3A_1612 = arith.constant 3 : i32
      %get3A_1613 = arith.index_cast %get3A_1612 : i32 to index
      %get3A_1614 = arith.constant 112 : index
      %get3A_1615 = tpu.vector_load %arg9[%get3A_1613, %get3A_1614] {strides = array<i32>} : memref<8x128xf32, #tpu.memory_space<vmem>>, vector<16xf32>,
      %mul3A_1616 = arith.mulf %get3A_1611, %get3A_1615 : vector<16xf32>
      %lt3A_1617 = arith.constant 32768 : i32
      %lt3A_1618 = vector.broadcast %lt3A_1617 : i32 to vector<16xi32>
      %lt3A_1619 = arith.cmpi slt, %get3A_1607, %lt3A_1618 : vector<16xi32>
      %select_n3A_1620 = arith.select %lt3A_1619, %get3A_1607, %add3A_275 : vector<16xi1>, vector<16xi32>
      %swap3A_1621 = arith.constant 3 : i32
      %swap3A_1622 = arith.index_cast %swap3A_1621 : i32 to index
      %swap3A_1623 = arith.constant 112 : index
      %swap3A_1624 = tpu.vector_load %arg12[%swap3A_1622, %swap3A_1623] {strides = array<i32>} : memref<8x128xi32, #tpu.memory_space<vmem>>, vector<16xi32>,
      tpu.vector_store %arg12[%swap3A_1622, %swap3A_1623], %select_n3A_1620 {strides = array<i32>} : memref<8x128xi32, #tpu.memory_space<vmem>>, vector<16xi32>,
      %jit3A_1625 = arith.constant 0.000000e+00 : f32
      %broadcast_in_dim3A_1626 = vector.broadcast %jit3A_1625 : f32 to vector<16xf32>
      %select_n3A_1627 = arith.select %lt3A_1619, %mul3A_1616, %broadcast_in_dim3A_1626 : vector<16xi1>, vector<16xf32>
      %swap3A_1628 = arith.constant 3 : i32
      %swap3A_1629 = arith.index_cast %swap3A_1628 : i32 to index
      %swap3A_1630 = arith.constant 112 : index
      %swap3A_1631 = tpu.vector_load %arg13[%swap3A_1629, %swap3A_1630] {strides = array<i32>} : memref<8x128xf32, #tpu.memory_space<vmem>>, vector<16xf32>,
      tpu.vector_store %arg13[%swap3A_1629, %swap3A_1630], %select_n3A_1627 {strides = array<i32>} : memref<8x128xf32, #tpu.memory_space<vmem>>, vector<16xf32>,
      %sub3A_1632 = arith.constant 32768 : i32
      %sub3A_1633 = vector.broadcast %sub3A_1632 : i32 to vector<16xi32>
      %sub3A_1634 = arith.subi %get3A_1607, %sub3A_1633 : vector<16xi32>
      %select_n3A_1635 = arith.select %lt3A_1619, %add3A_275, %sub3A_1634 : vector<16xi1>, vector<16xi32>
      %swap3A_1636 = arith.constant 3 : i32
      %swap3A_1637 = arith.index_cast %swap3A_1636 : i32 to index
      %swap3A_1638 = arith.constant 112 : index
      %swap3A_1639 = tpu.vector_load %arg14[%swap3A_1637, %swap3A_1638] {strides = array<i32>} : memref<8x128xi32, #tpu.memory_space<vmem>>, vector<16xi32>,
      tpu.vector_store %arg14[%swap3A_1637, %swap3A_1638], %select_n3A_1635 {strides = array<i32>} : memref<8x128xi32, #tpu.memory_space<vmem>>, vector<16xi32>,
      %jit3A_1640 = arith.constant 0.000000e+00 : f32
      %broadcast_in_dim3A_1641 = vector.broadcast %jit3A_1640 : f32 to vector<16xf32>
      %select_n3A_1642 = arith.select %lt3A_1619, %broadcast_in_dim3A_1641, %mul3A_1616 : vector<16xi1>, vector<16xf32>
      %swap3A_1643 = arith.constant 3 : i32
      %swap3A_1644 = arith.index_cast %swap3A_1643 : i32 to index
      %swap3A_1645 = arith.constant 112 : index
      %swap3A_1646 = tpu.vector_load %arg15[%swap3A_1644, %swap3A_1645] {strides = array<i32>} : memref<8x128xf32, #tpu.memory_space<vmem>>, vector<16xf32>,
      tpu.vector_store %arg15[%swap3A_1644, %swap3A_1645], %select_n3A_1642 {strides = array<i32>} : memref<8x128xf32, #tpu.memory_space<vmem>>, vector<16xf32>,
      %get3A_1647 = arith.constant 8 : i32
      %get3A_1648 = arith.index_cast %get3A_1647 : i32 to index
      %get3A_1649 = arith.constant 0 : index
      %get3A_1650 = tpu.vector_load %arg10[%get3A_1648, %get3A_1649] {strides = array<i32>} : memref<16x64xi32, #tpu.memory_space<vmem>>, vector<16xi32>,
      %get3A_1651 = arith.constant 8 : i32
      %get3A_1652 = arith.index_cast %get3A_1651 : i32 to index
      %get3A_1653 = arith.constant 0 : index
      %get3A_1654 = tpu.vector_load %arg11[%get3A_1652, %get3A_1653] {strides = array<i32>} : memref<16x64xf32, #tpu.memory_space<vmem>>, vector<16xf32>,
      %get3A_1655 = arith.constant 4 : i32
      %get3A_1656 = arith.index_cast %get3A_1655 : i32 to index
      %get3A_1657 = arith.constant 0 : index
      %get3A_1658 = tpu.vector_load %arg9[%get3A_1656, %get3A_1657] {strides = array<i32>} : memref<8x128xf32, #tpu.memory_space<vmem>>, vector<16xf32>,
      %mul3A_1659 = arith.mulf %get3A_1654, %get3A_1658 : vector<16xf32>
      %lt3A_1660 = arith.constant 32768 : i32
      %lt3A_1661 = vector.broadcast %lt3A_1660 : i32 to vector<16xi32>
      %lt3A_1662 = arith.cmpi slt, %get3A_1650, %lt3A_1661 : vector<16xi32>
      %select_n3A_1663 = arith.select %lt3A_1662, %get3A_1650, %add3A_275 : vector<16xi1>, vector<16xi32>
      %swap3A_1664 = arith.constant 4 : i32
      %swap3A_1665 = arith.index_cast %swap3A_1664 : i32 to index
      %swap3A_1666 = arith.constant 0 : index
      %swap3A_1667 = tpu.vector_load %arg12[%swap3A_1665, %swap3A_1666] {strides = array<i32>} : memref<8x128xi32, #tpu.memory_space<vmem>>, vector<16xi32>,
      tpu.vector_store %arg12[%swap3A_1665, %swap3A_1666], %select_n3A_1663 {strides = array<i32>} : memref<8x128xi32, #tpu.memory_space<vmem>>, vector<16xi32>,
      %jit3A_1668 = arith.constant 0.000000e+00 : f32
      %broadcast_in_dim3A_1669 = vector.broadcast %jit3A_1668 : f32 to vector<16xf32>
      %select_n3A_1670 = arith.select %lt3A_1662, %mul3A_1659, %broadcast_in_dim3A_1669 : vector<16xi1>, vector<16xf32>
      %swap3A_1671 = arith.constant 4 : i32
      %swap3A_1672 = arith.index_cast %swap3A_1671 : i32 to index
      %swap3A_1673 = arith.constant 0 : index
      %swap3A_1674 = tpu.vector_load %arg13[%swap3A_1672, %swap3A_1673] {strides = array<i32>} : memref<8x128xf32, #tpu.memory_space<vmem>>, vector<16xf32>,
      tpu.vector_store %arg13[%swap3A_1672, %swap3A_1673], %select_n3A_1670 {strides = array<i32>} : memref<8x128xf32, #tpu.memory_space<vmem>>, vector<16xf32>,
      %sub3A_1675 = arith.constant 32768 : i32
      %sub3A_1676 = vector.broadcast %sub3A_1675 : i32 to vector<16xi32>
      %sub3A_1677 = arith.subi %get3A_1650, %sub3A_1676 : vector<16xi32>
      %select_n3A_1678 = arith.select %lt3A_1662, %add3A_275, %sub3A_1677 : vector<16xi1>, vector<16xi32>
      %swap3A_1679 = arith.constant 4 : i32
      %swap3A_1680 = arith.index_cast %swap3A_1679 : i32 to index
      %swap3A_1681 = arith.constant 0 : index
      %swap3A_1682 = tpu.vector_load %arg14[%swap3A_1680, %swap3A_1681] {strides = array<i32>} : memref<8x128xi32, #tpu.memory_space<vmem>>, vector<16xi32>,
      tpu.vector_store %arg14[%swap3A_1680, %swap3A_1681], %select_n3A_1678 {strides = array<i32>} : memref<8x128xi32, #tpu.memory_space<vmem>>, vector<16xi32>,
      %jit3A_1683 = arith.constant 0.000000e+00 : f32
      %broadcast_in_dim3A_1684 = vector.broadcast %jit3A_1683 : f32 to vector<16xf32>
      %select_n3A_1685 = arith.select %lt3A_1662, %broadcast_in_dim3A_1684, %mul3A_1659 : vector<16xi1>, vector<16xf32>
      %swap3A_1686 = arith.constant 4 : i32
      %swap3A_1687 = arith.index_cast %swap3A_1686 : i32 to index
      %swap3A_1688 = arith.constant 0 : index
      %swap3A_1689 = tpu.vector_load %arg15[%swap3A_1687, %swap3A_1688] {strides = array<i32>} : memref<8x128xf32, #tpu.memory_space<vmem>>, vector<16xf32>,
      tpu.vector_store %arg15[%swap3A_1687, %swap3A_1688], %select_n3A_1685 {strides = array<i32>} : memref<8x128xf32, #tpu.memory_space<vmem>>, vector<16xf32>,
      %get3A_1690 = arith.constant 8 : i32
      %get3A_1691 = arith.index_cast %get3A_1690 : i32 to index
      %get3A_1692 = arith.constant 16 : index
      %get3A_1693 = tpu.vector_load %arg10[%get3A_1691, %get3A_1692] {strides = array<i32>} : memref<16x64xi32, #tpu.memory_space<vmem>>, vector<16xi32>,
      %get3A_1694 = arith.constant 8 : i32
      %get3A_1695 = arith.index_cast %get3A_1694 : i32 to index
      %get3A_1696 = arith.constant 16 : index
      %get3A_1697 = tpu.vector_load %arg11[%get3A_1695, %get3A_1696] {strides = array<i32>} : memref<16x64xf32, #tpu.memory_space<vmem>>, vector<16xf32>,
      %get3A_1698 = arith.constant 4 : i32
      %get3A_1699 = arith.index_cast %get3A_1698 : i32 to index
      %get3A_1700 = arith.constant 16 : index
      %get3A_1701 = tpu.vector_load %arg9[%get3A_1699, %get3A_1700] {strides = array<i32>} : memref<8x128xf32, #tpu.memory_space<vmem>>, vector<16xf32>,
      %mul3A_1702 = arith.mulf %get3A_1697, %get3A_1701 : vector<16xf32>
      %lt3A_1703 = arith.constant 32768 : i32
      %lt3A_1704 = vector.broadcast %lt3A_1703 : i32 to vector<16xi32>
      %lt3A_1705 = arith.cmpi slt, %get3A_1693, %lt3A_1704 : vector<16xi32>
      %select_n3A_1706 = arith.select %lt3A_1705, %get3A_1693, %add3A_275 : vector<16xi1>, vector<16xi32>
      %swap3A_1707 = arith.constant 4 : i32
      %swap3A_1708 = arith.index_cast %swap3A_1707 : i32 to index
      %swap3A_1709 = arith.constant 16 : index
      %swap3A_1710 = tpu.vector_load %arg12[%swap3A_1708, %swap3A_1709] {strides = array<i32>} : memref<8x128xi32, #tpu.memory_space<vmem>>, vector<16xi32>,
      tpu.vector_store %arg12[%swap3A_1708, %swap3A_1709], %select_n3A_1706 {strides = array<i32>} : memref<8x128xi32, #tpu.memory_space<vmem>>, vector<16xi32>,
      %jit3A_1711 = arith.constant 0.000000e+00 : f32
      %broadcast_in_dim3A_1712 = vector.broadcast %jit3A_1711 : f32 to vector<16xf32>
      %select_n3A_1713 = arith.select %lt3A_1705, %mul3A_1702, %broadcast_in_dim3A_1712 : vector<16xi1>, vector<16xf32>
      %swap3A_1714 = arith.constant 4 : i32
      %swap3A_1715 = arith.index_cast %swap3A_1714 : i32 to index
      %swap3A_1716 = arith.constant 16 : index
      %swap3A_1717 = tpu.vector_load %arg13[%swap3A_1715, %swap3A_1716] {strides = array<i32>} : memref<8x128xf32, #tpu.memory_space<vmem>>, vector<16xf32>,
      tpu.vector_store %arg13[%swap3A_1715, %swap3A_1716], %select_n3A_1713 {strides = array<i32>} : memref<8x128xf32, #tpu.memory_space<vmem>>, vector<16xf32>,
      %sub3A_1718 = arith.constant 32768 : i32
      %sub3A_1719 = vector.broadcast %sub3A_1718 : i32 to vector<16xi32>
      %sub3A_1720 = arith.subi %get3A_1693, %sub3A_1719 : vector<16xi32>
      %select_n3A_1721 = arith.select %lt3A_1705, %add3A_275, %sub3A_1720 : vector<16xi1>, vector<16xi32>
      %swap3A_1722 = arith.constant 4 : i32
      %swap3A_1723 = arith.index_cast %swap3A_1722 : i32 to index
      %swap3A_1724 = arith.constant 16 : index
      %swap3A_1725 = tpu.vector_load %arg14[%swap3A_1723, %swap3A_1724] {strides = array<i32>} : memref<8x128xi32, #tpu.memory_space<vmem>>, vector<16xi32>,
      tpu.vector_store %arg14[%swap3A_1723, %swap3A_1724], %select_n3A_1721 {strides = array<i32>} : memref<8x128xi32, #tpu.memory_space<vmem>>, vector<16xi32>,
      %jit3A_1726 = arith.constant 0.000000e+00 : f32
      %broadcast_in_dim3A_1727 = vector.broadcast %jit3A_1726 : f32 to vector<16xf32>
      %select_n3A_1728 = arith.select %lt3A_1705, %broadcast_in_dim3A_1727, %mul3A_1702 : vector<16xi1>, vector<16xf32>
      %swap3A_1729 = arith.constant 4 : i32
      %swap3A_1730 = arith.index_cast %swap3A_1729 : i32 to index
      %swap3A_1731 = arith.constant 16 : index
      %swap3A_1732 = tpu.vector_load %arg15[%swap3A_1730, %swap3A_1731] {strides = array<i32>} : memref<8x128xf32, #tpu.memory_space<vmem>>, vector<16xf32>,
      tpu.vector_store %arg15[%swap3A_1730, %swap3A_1731], %select_n3A_1728 {strides = array<i32>} : memref<8x128xf32, #tpu.memory_space<vmem>>, vector<16xf32>,
      %get3A_1733 = arith.constant 8 : i32
      %get3A_1734 = arith.index_cast %get3A_1733 : i32 to index
      %get3A_1735 = arith.constant 32 : index
      %get3A_1736 = tpu.vector_load %arg10[%get3A_1734, %get3A_1735] {strides = array<i32>} : memref<16x64xi32, #tpu.memory_space<vmem>>, vector<16xi32>,
      %get3A_1737 = arith.constant 8 : i32
      %get3A_1738 = arith.index_cast %get3A_1737 : i32 to index
      %get3A_1739 = arith.constant 32 : index
      %get3A_1740 = tpu.vector_load %arg11[%get3A_1738, %get3A_1739] {strides = array<i32>} : memref<16x64xf32, #tpu.memory_space<vmem>>, vector<16xf32>,
      %get3A_1741 = arith.constant 4 : i32
      %get3A_1742 = arith.index_cast %get3A_1741 : i32 to index
      %get3A_1743 = arith.constant 32 : index
      %get3A_1744 = tpu.vector_load %arg9[%get3A_1742, %get3A_1743] {strides = array<i32>} : memref<8x128xf32, #tpu.memory_space<vmem>>, vector<16xf32>,
      %mul3A_1745 = arith.mulf %get3A_1740, %get3A_1744 : vector<16xf32>
      %lt3A_1746 = arith.constant 32768 : i32
      %lt3A_1747 = vector.broadcast %lt3A_1746 : i32 to vector<16xi32>
      %lt3A_1748 = arith.cmpi slt, %get3A_1736, %lt3A_1747 : vector<16xi32>
      %select_n3A_1749 = arith.select %lt3A_1748, %get3A_1736, %add3A_275 : vector<16xi1>, vector<16xi32>
      %swap3A_1750 = arith.constant 4 : i32
      %swap3A_1751 = arith.index_cast %swap3A_1750 : i32 to index
      %swap3A_1752 = arith.constant 32 : index
      %swap3A_1753 = tpu.vector_load %arg12[%swap3A_1751, %swap3A_1752] {strides = array<i32>} : memref<8x128xi32, #tpu.memory_space<vmem>>, vector<16xi32>,
      tpu.vector_store %arg12[%swap3A_1751, %swap3A_1752], %select_n3A_1749 {strides = array<i32>} : memref<8x128xi32, #tpu.memory_space<vmem>>, vector<16xi32>,
      %jit3A_1754 = arith.constant 0.000000e+00 : f32
      %broadcast_in_dim3A_1755 = vector.broadcast %jit3A_1754 : f32 to vector<16xf32>
      %select_n3A_1756 = arith.select %lt3A_1748, %mul3A_1745, %broadcast_in_dim3A_1755 : vector<16xi1>, vector<16xf32>
      %swap3A_1757 = arith.constant 4 : i32
      %swap3A_1758 = arith.index_cast %swap3A_1757 : i32 to index
      %swap3A_1759 = arith.constant 32 : index
      %swap3A_1760 = tpu.vector_load %arg13[%swap3A_1758, %swap3A_1759] {strides = array<i32>} : memref<8x128xf32, #tpu.memory_space<vmem>>, vector<16xf32>,
      tpu.vector_store %arg13[%swap3A_1758, %swap3A_1759], %select_n3A_1756 {strides = array<i32>} : memref<8x128xf32, #tpu.memory_space<vmem>>, vector<16xf32>,
      %sub3A_1761 = arith.constant 32768 : i32
      %sub3A_1762 = vector.broadcast %sub3A_1761 : i32 to vector<16xi32>
      %sub3A_1763 = arith.subi %get3A_1736, %sub3A_1762 : vector<16xi32>
      %select_n3A_1764 = arith.select %lt3A_1748, %add3A_275, %sub3A_1763 : vector<16xi1>, vector<16xi32>
      %swap3A_1765 = arith.constant 4 : i32
      %swap3A_1766 = arith.index_cast %swap3A_1765 : i32 to index
      %swap3A_1767 = arith.constant 32 : index
      %swap3A_1768 = tpu.vector_load %arg14[%swap3A_1766, %swap3A_1767] {strides = array<i32>} : memref<8x128xi32, #tpu.memory_space<vmem>>, vector<16xi32>,
      tpu.vector_store %arg14[%swap3A_1766, %swap3A_1767], %select_n3A_1764 {strides = array<i32>} : memref<8x128xi32, #tpu.memory_space<vmem>>, vector<16xi32>,
      %jit3A_1769 = arith.constant 0.000000e+00 : f32
      %broadcast_in_dim3A_1770 = vector.broadcast %jit3A_1769 : f32 to vector<16xf32>
      %select_n3A_1771 = arith.select %lt3A_1748, %broadcast_in_dim3A_1770, %mul3A_1745 : vector<16xi1>, vector<16xf32>
      %swap3A_1772 = arith.constant 4 : i32
      %swap3A_1773 = arith.index_cast %swap3A_1772 : i32 to index
      %swap3A_1774 = arith.constant 32 : index
      %swap3A_1775 = tpu.vector_load %arg15[%swap3A_1773, %swap3A_1774] {strides = array<i32>} : memref<8x128xf32, #tpu.memory_space<vmem>>, vector<16xf32>,
      tpu.vector_store %arg15[%swap3A_1773, %swap3A_1774], %select_n3A_1771 {strides = array<i32>} : memref<8x128xf32, #tpu.memory_space<vmem>>, vector<16xf32>,
      %get3A_1776 = arith.constant 8 : i32
      %get3A_1777 = arith.index_cast %get3A_1776 : i32 to index
      %get3A_1778 = arith.constant 48 : index
      %get3A_1779 = tpu.vector_load %arg10[%get3A_1777, %get3A_1778] {strides = array<i32>} : memref<16x64xi32, #tpu.memory_space<vmem>>, vector<16xi32>,
      %get3A_1780 = arith.constant 8 : i32
      %get3A_1781 = arith.index_cast %get3A_1780 : i32 to index
      %get3A_1782 = arith.constant 48 : index
      %get3A_1783 = tpu.vector_load %arg11[%get3A_1781, %get3A_1782] {strides = array<i32>} : memref<16x64xf32, #tpu.memory_space<vmem>>, vector<16xf32>,
      %get3A_1784 = arith.constant 4 : i32
      %get3A_1785 = arith.index_cast %get3A_1784 : i32 to index
      %get3A_1786 = arith.constant 48 : index
      %get3A_1787 = tpu.vector_load %arg9[%get3A_1785, %get3A_1786] {strides = array<i32>} : memref<8x128xf32, #tpu.memory_space<vmem>>, vector<16xf32>,
      %mul3A_1788 = arith.mulf %get3A_1783, %get3A_1787 : vector<16xf32>
      %lt3A_1789 = arith.constant 32768 : i32
      %lt3A_1790 = vector.broadcast %lt3A_1789 : i32 to vector<16xi32>
      %lt3A_1791 = arith.cmpi slt, %get3A_1779, %lt3A_1790 : vector<16xi32>
      %select_n3A_1792 = arith.select %lt3A_1791, %get3A_1779, %add3A_275 : vector<16xi1>, vector<16xi32>
      %swap3A_1793 = arith.constant 4 : i32
      %swap3A_1794 = arith.index_cast %swap3A_1793 : i32 to index
      %swap3A_1795 = arith.constant 48 : index
      %swap3A_1796 = tpu.vector_load %arg12[%swap3A_1794, %swap3A_1795] {strides = array<i32>} : memref<8x128xi32, #tpu.memory_space<vmem>>, vector<16xi32>,
      tpu.vector_store %arg12[%swap3A_1794, %swap3A_1795], %select_n3A_1792 {strides = array<i32>} : memref<8x128xi32, #tpu.memory_space<vmem>>, vector<16xi32>,
      %jit3A_1797 = arith.constant 0.000000e+00 : f32
      %broadcast_in_dim3A_1798 = vector.broadcast %jit3A_1797 : f32 to vector<16xf32>
      %select_n3A_1799 = arith.select %lt3A_1791, %mul3A_1788, %broadcast_in_dim3A_1798 : vector<16xi1>, vector<16xf32>
      %swap3A_1800 = arith.constant 4 : i32
      %swap3A_1801 = arith.index_cast %swap3A_1800 : i32 to index
      %swap3A_1802 = arith.constant 48 : index
      %swap3A_1803 = tpu.vector_load %arg13[%swap3A_1801, %swap3A_1802] {strides = array<i32>} : memref<8x128xf32, #tpu.memory_space<vmem>>, vector<16xf32>,
      tpu.vector_store %arg13[%swap3A_1801, %swap3A_1802], %select_n3A_1799 {strides = array<i32>} : memref<8x128xf32, #tpu.memory_space<vmem>>, vector<16xf32>,
      %sub3A_1804 = arith.constant 32768 : i32
      %sub3A_1805 = vector.broadcast %sub3A_1804 : i32 to vector<16xi32>
      %sub3A_1806 = arith.subi %get3A_1779, %sub3A_1805 : vector<16xi32>
      %select_n3A_1807 = arith.select %lt3A_1791, %add3A_275, %sub3A_1806 : vector<16xi1>, vector<16xi32>
      %swap3A_1808 = arith.constant 4 : i32
      %swap3A_1809 = arith.index_cast %swap3A_1808 : i32 to index
      %swap3A_1810 = arith.constant 48 : index
      %swap3A_1811 = tpu.vector_load %arg14[%swap3A_1809, %swap3A_1810] {strides = array<i32>} : memref<8x128xi32, #tpu.memory_space<vmem>>, vector<16xi32>,
      tpu.vector_store %arg14[%swap3A_1809, %swap3A_1810], %select_n3A_1807 {strides = array<i32>} : memref<8x128xi32, #tpu.memory_space<vmem>>, vector<16xi32>,
      %jit3A_1812 = arith.constant 0.000000e+00 : f32
      %broadcast_in_dim3A_1813 = vector.broadcast %jit3A_1812 : f32 to vector<16xf32>
      %select_n3A_1814 = arith.select %lt3A_1791, %broadcast_in_dim3A_1813, %mul3A_1788 : vector<16xi1>, vector<16xf32>
      %swap3A_1815 = arith.constant 4 : i32
      %swap3A_1816 = arith.index_cast %swap3A_1815 : i32 to index
      %swap3A_1817 = arith.constant 48 : index
      %swap3A_1818 = tpu.vector_load %arg15[%swap3A_1816, %swap3A_1817] {strides = array<i32>} : memref<8x128xf32, #tpu.memory_space<vmem>>, vector<16xf32>,
      tpu.vector_store %arg15[%swap3A_1816, %swap3A_1817], %select_n3A_1814 {strides = array<i32>} : memref<8x128xf32, #tpu.memory_space<vmem>>, vector<16xf32>,
      %get3A_1819 = arith.constant 9 : i32
      %get3A_1820 = arith.index_cast %get3A_1819 : i32 to index
      %get3A_1821 = arith.constant 0 : index
      %get3A_1822 = tpu.vector_load %arg10[%get3A_1820, %get3A_1821] {strides = array<i32>} : memref<16x64xi32, #tpu.memory_space<vmem>>, vector<16xi32>,
      %get3A_1823 = arith.constant 9 : i32
      %get3A_1824 = arith.index_cast %get3A_1823 : i32 to index
      %get3A_1825 = arith.constant 0 : index
      %get3A_1826 = tpu.vector_load %arg11[%get3A_1824, %get3A_1825] {strides = array<i32>} : memref<16x64xf32, #tpu.memory_space<vmem>>, vector<16xf32>,
      %get3A_1827 = arith.constant 4 : i32
      %get3A_1828 = arith.index_cast %get3A_1827 : i32 to index
      %get3A_1829 = arith.constant 64 : index
      %get3A_1830 = tpu.vector_load %arg9[%get3A_1828, %get3A_1829] {strides = array<i32>} : memref<8x128xf32, #tpu.memory_space<vmem>>, vector<16xf32>,
      %mul3A_1831 = arith.mulf %get3A_1826, %get3A_1830 : vector<16xf32>
      %lt3A_1832 = arith.constant 32768 : i32
      %lt3A_1833 = vector.broadcast %lt3A_1832 : i32 to vector<16xi32>
      %lt3A_1834 = arith.cmpi slt, %get3A_1822, %lt3A_1833 : vector<16xi32>
      %select_n3A_1835 = arith.select %lt3A_1834, %get3A_1822, %add3A_275 : vector<16xi1>, vector<16xi32>
      %swap3A_1836 = arith.constant 4 : i32
      %swap3A_1837 = arith.index_cast %swap3A_1836 : i32 to index
      %swap3A_1838 = arith.constant 64 : index
      %swap3A_1839 = tpu.vector_load %arg12[%swap3A_1837, %swap3A_1838] {strides = array<i32>} : memref<8x128xi32, #tpu.memory_space<vmem>>, vector<16xi32>,
      tpu.vector_store %arg12[%swap3A_1837, %swap3A_1838], %select_n3A_1835 {strides = array<i32>} : memref<8x128xi32, #tpu.memory_space<vmem>>, vector<16xi32>,
      %jit3A_1840 = arith.constant 0.000000e+00 : f32
      %broadcast_in_dim3A_1841 = vector.broadcast %jit3A_1840 : f32 to vector<16xf32>
      %select_n3A_1842 = arith.select %lt3A_1834, %mul3A_1831, %broadcast_in_dim3A_1841 : vector<16xi1>, vector<16xf32>
      %swap3A_1843 = arith.constant 4 : i32
      %swap3A_1844 = arith.index_cast %swap3A_1843 : i32 to index
      %swap3A_1845 = arith.constant 64 : index
      %swap3A_1846 = tpu.vector_load %arg13[%swap3A_1844, %swap3A_1845] {strides = array<i32>} : memref<8x128xf32, #tpu.memory_space<vmem>>, vector<16xf32>,
      tpu.vector_store %arg13[%swap3A_1844, %swap3A_1845], %select_n3A_1842 {strides = array<i32>} : memref<8x128xf32, #tpu.memory_space<vmem>>, vector<16xf32>,
      %sub3A_1847 = arith.constant 32768 : i32
      %sub3A_1848 = vector.broadcast %sub3A_1847 : i32 to vector<16xi32>
      %sub3A_1849 = arith.subi %get3A_1822, %sub3A_1848 : vector<16xi32>
      %select_n3A_1850 = arith.select %lt3A_1834, %add3A_275, %sub3A_1849 : vector<16xi1>, vector<16xi32>
      %swap3A_1851 = arith.constant 4 : i32
      %swap3A_1852 = arith.index_cast %swap3A_1851 : i32 to index
      %swap3A_1853 = arith.constant 64 : index
      %swap3A_1854 = tpu.vector_load %arg14[%swap3A_1852, %swap3A_1853] {strides = array<i32>} : memref<8x128xi32, #tpu.memory_space<vmem>>, vector<16xi32>,
      tpu.vector_store %arg14[%swap3A_1852, %swap3A_1853], %select_n3A_1850 {strides = array<i32>} : memref<8x128xi32, #tpu.memory_space<vmem>>, vector<16xi32>,
      %jit3A_1855 = arith.constant 0.000000e+00 : f32
      %broadcast_in_dim3A_1856 = vector.broadcast %jit3A_1855 : f32 to vector<16xf32>
      %select_n3A_1857 = arith.select %lt3A_1834, %broadcast_in_dim3A_1856, %mul3A_1831 : vector<16xi1>, vector<16xf32>
      %swap3A_1858 = arith.constant 4 : i32
      %swap3A_1859 = arith.index_cast %swap3A_1858 : i32 to index
      %swap3A_1860 = arith.constant 64 : index
      %swap3A_1861 = tpu.vector_load %arg15[%swap3A_1859, %swap3A_1860] {strides = array<i32>} : memref<8x128xf32, #tpu.memory_space<vmem>>, vector<16xf32>,
      tpu.vector_store %arg15[%swap3A_1859, %swap3A_1860], %select_n3A_1857 {strides = array<i32>} : memref<8x128xf32, #tpu.memory_space<vmem>>, vector<16xf32>,
      %get3A_1862 = arith.constant 9 : i32
      %get3A_1863 = arith.index_cast %get3A_1862 : i32 to index
      %get3A_1864 = arith.constant 16 : index
      %get3A_1865 = tpu.vector_load %arg10[%get3A_1863, %get3A_1864] {strides = array<i32>} : memref<16x64xi32, #tpu.memory_space<vmem>>, vector<16xi32>,
      %get3A_1866 = arith.constant 9 : i32
      %get3A_1867 = arith.index_cast %get3A_1866 : i32 to index
      %get3A_1868 = arith.constant 16 : index
      %get3A_1869 = tpu.vector_load %arg11[%get3A_1867, %get3A_1868] {strides = array<i32>} : memref<16x64xf32, #tpu.memory_space<vmem>>, vector<16xf32>,
      %get3A_1870 = arith.constant 4 : i32
      %get3A_1871 = arith.index_cast %get3A_1870 : i32 to index
      %get3A_1872 = arith.constant 80 : index
      %get3A_1873 = tpu.vector_load %arg9[%get3A_1871, %get3A_1872] {strides = array<i32>} : memref<8x128xf32, #tpu.memory_space<vmem>>, vector<16xf32>,
      %mul3A_1874 = arith.mulf %get3A_1869, %get3A_1873 : vector<16xf32>
      %lt3A_1875 = arith.constant 32768 : i32
      %lt3A_1876 = vector.broadcast %lt3A_1875 : i32 to vector<16xi32>
      %lt3A_1877 = arith.cmpi slt, %get3A_1865, %lt3A_1876 : vector<16xi32>
      %select_n3A_1878 = arith.select %lt3A_1877, %get3A_1865, %add3A_275 : vector<16xi1>, vector<16xi32>
      %swap3A_1879 = arith.constant 4 : i32
      %swap3A_1880 = arith.index_cast %swap3A_1879 : i32 to index
      %swap3A_1881 = arith.constant 80 : index
      %swap3A_1882 = tpu.vector_load %arg12[%swap3A_1880, %swap3A_1881] {strides = array<i32>} : memref<8x128xi32, #tpu.memory_space<vmem>>, vector<16xi32>,
      tpu.vector_store %arg12[%swap3A_1880, %swap3A_1881], %select_n3A_1878 {strides = array<i32>} : memref<8x128xi32, #tpu.memory_space<vmem>>, vector<16xi32>,
      %jit3A_1883 = arith.constant 0.000000e+00 : f32
      %broadcast_in_dim3A_1884 = vector.broadcast %jit3A_1883 : f32 to vector<16xf32>
      %select_n3A_1885 = arith.select %lt3A_1877, %mul3A_1874, %broadcast_in_dim3A_1884 : vector<16xi1>, vector<16xf32>
      %swap3A_1886 = arith.constant 4 : i32
      %swap3A_1887 = arith.index_cast %swap3A_1886 : i32 to index
      %swap3A_1888 = arith.constant 80 : index
      %swap3A_1889 = tpu.vector_load %arg13[%swap3A_1887, %swap3A_1888] {strides = array<i32>} : memref<8x128xf32, #tpu.memory_space<vmem>>, vector<16xf32>,
      tpu.vector_store %arg13[%swap3A_1887, %swap3A_1888], %select_n3A_1885 {strides = array<i32>} : memref<8x128xf32, #tpu.memory_space<vmem>>, vector<16xf32>,
      %sub3A_1890 = arith.constant 32768 : i32
      %sub3A_1891 = vector.broadcast %sub3A_1890 : i32 to vector<16xi32>
      %sub3A_1892 = arith.subi %get3A_1865, %sub3A_1891 : vector<16xi32>
      %select_n3A_1893 = arith.select %lt3A_1877, %add3A_275, %sub3A_1892 : vector<16xi1>, vector<16xi32>
      %swap3A_1894 = arith.constant 4 : i32
      %swap3A_1895 = arith.index_cast %swap3A_1894 : i32 to index
      %swap3A_1896 = arith.constant 80 : index
      %swap3A_1897 = tpu.vector_load %arg14[%swap3A_1895, %swap3A_1896] {strides = array<i32>} : memref<8x128xi32, #tpu.memory_space<vmem>>, vector<16xi32>,
      tpu.vector_store %arg14[%swap3A_1895, %swap3A_1896], %select_n3A_1893 {strides = array<i32>} : memref<8x128xi32, #tpu.memory_space<vmem>>, vector<16xi32>,
      %jit3A_1898 = arith.constant 0.000000e+00 : f32
      %broadcast_in_dim3A_1899 = vector.broadcast %jit3A_1898 : f32 to vector<16xf32>
      %select_n3A_1900 = arith.select %lt3A_1877, %broadcast_in_dim3A_1899, %mul3A_1874 : vector<16xi1>, vector<16xf32>
      %swap3A_1901 = arith.constant 4 : i32
      %swap3A_1902 = arith.index_cast %swap3A_1901 : i32 to index
      %swap3A_1903 = arith.constant 80 : index
      %swap3A_1904 = tpu.vector_load %arg15[%swap3A_1902, %swap3A_1903] {strides = array<i32>} : memref<8x128xf32, #tpu.memory_space<vmem>>, vector<16xf32>,
      tpu.vector_store %arg15[%swap3A_1902, %swap3A_1903], %select_n3A_1900 {strides = array<i32>} : memref<8x128xf32, #tpu.memory_space<vmem>>, vector<16xf32>,
      %get3A_1905 = arith.constant 9 : i32
      %get3A_1906 = arith.index_cast %get3A_1905 : i32 to index
      %get3A_1907 = arith.constant 32 : index
      %get3A_1908 = tpu.vector_load %arg10[%get3A_1906, %get3A_1907] {strides = array<i32>} : memref<16x64xi32, #tpu.memory_space<vmem>>, vector<16xi32>,
      %get3A_1909 = arith.constant 9 : i32
      %get3A_1910 = arith.index_cast %get3A_1909 : i32 to index
      %get3A_1911 = arith.constant 32 : index
      %get3A_1912 = tpu.vector_load %arg11[%get3A_1910, %get3A_1911] {strides = array<i32>} : memref<16x64xf32, #tpu.memory_space<vmem>>, vector<16xf32>,
      %get3A_1913 = arith.constant 4 : i32
      %get3A_1914 = arith.index_cast %get3A_1913 : i32 to index
      %get3A_1915 = arith.constant 96 : index
      %get3A_1916 = tpu.vector_load %arg9[%get3A_1914, %get3A_1915] {strides = array<i32>} : memref<8x128xf32, #tpu.memory_space<vmem>>, vector<16xf32>,
      %mul3A_1917 = arith.mulf %get3A_1912, %get3A_1916 : vector<16xf32>
      %lt3A_1918 = arith.constant 32768 : i32
      %lt3A_1919 = vector.broadcast %lt3A_1918 : i32 to vector<16xi32>
      %lt3A_1920 = arith.cmpi slt, %get3A_1908, %lt3A_1919 : vector<16xi32>
      %select_n3A_1921 = arith.select %lt3A_1920, %get3A_1908, %add3A_275 : vector<16xi1>, vector<16xi32>
      %swap3A_1922 = arith.constant 4 : i32
      %swap3A_1923 = arith.index_cast %swap3A_1922 : i32 to index
      %swap3A_1924 = arith.constant 96 : index
      %swap3A_1925 = tpu.vector_load %arg12[%swap3A_1923, %swap3A_1924] {strides = array<i32>} : memref<8x128xi32, #tpu.memory_space<vmem>>, vector<16xi32>,
      tpu.vector_store %arg12[%swap3A_1923, %swap3A_1924], %select_n3A_1921 {strides = array<i32>} : memref<8x128xi32, #tpu.memory_space<vmem>>, vector<16xi32>,
      %jit3A_1926 = arith.constant 0.000000e+00 : f32
      %broadcast_in_dim3A_1927 = vector.broadcast %jit3A_1926 : f32 to vector<16xf32>
      %select_n3A_1928 = arith.select %lt3A_1920, %mul3A_1917, %broadcast_in_dim3A_1927 : vector<16xi1>, vector<16xf32>
      %swap3A_1929 = arith.constant 4 : i32
      %swap3A_1930 = arith.index_cast %swap3A_1929 : i32 to index
      %swap3A_1931 = arith.constant 96 : index
      %swap3A_1932 = tpu.vector_load %arg13[%swap3A_1930, %swap3A_1931] {strides = array<i32>} : memref<8x128xf32, #tpu.memory_space<vmem>>, vector<16xf32>,
      tpu.vector_store %arg13[%swap3A_1930, %swap3A_1931], %select_n3A_1928 {strides = array<i32>} : memref<8x128xf32, #tpu.memory_space<vmem>>, vector<16xf32>,
      %sub3A_1933 = arith.constant 32768 : i32
      %sub3A_1934 = vector.broadcast %sub3A_1933 : i32 to vector<16xi32>
      %sub3A_1935 = arith.subi %get3A_1908, %sub3A_1934 : vector<16xi32>
      %select_n3A_1936 = arith.select %lt3A_1920, %add3A_275, %sub3A_1935 : vector<16xi1>, vector<16xi32>
      %swap3A_1937 = arith.constant 4 : i32
      %swap3A_1938 = arith.index_cast %swap3A_1937 : i32 to index
      %swap3A_1939 = arith.constant 96 : index
      %swap3A_1940 = tpu.vector_load %arg14[%swap3A_1938, %swap3A_1939] {strides = array<i32>} : memref<8x128xi32, #tpu.memory_space<vmem>>, vector<16xi32>,
      tpu.vector_store %arg14[%swap3A_1938, %swap3A_1939], %select_n3A_1936 {strides = array<i32>} : memref<8x128xi32, #tpu.memory_space<vmem>>, vector<16xi32>,
      %jit3A_1941 = arith.constant 0.000000e+00 : f32
      %broadcast_in_dim3A_1942 = vector.broadcast %jit3A_1941 : f32 to vector<16xf32>
      %select_n3A_1943 = arith.select %lt3A_1920, %broadcast_in_dim3A_1942, %mul3A_1917 : vector<16xi1>, vector<16xf32>
      %swap3A_1944 = arith.constant 4 : i32
      %swap3A_1945 = arith.index_cast %swap3A_1944 : i32 to index
      %swap3A_1946 = arith.constant 96 : index
      %swap3A_1947 = tpu.vector_load %arg15[%swap3A_1945, %swap3A_1946] {strides = array<i32>} : memref<8x128xf32, #tpu.memory_space<vmem>>, vector<16xf32>,
      tpu.vector_store %arg15[%swap3A_1945, %swap3A_1946], %select_n3A_1943 {strides = array<i32>} : memref<8x128xf32, #tpu.memory_space<vmem>>, vector<16xf32>,
      %get3A_1948 = arith.constant 9 : i32
      %get3A_1949 = arith.index_cast %get3A_1948 : i32 to index
      %get3A_1950 = arith.constant 48 : index
      %get3A_1951 = tpu.vector_load %arg10[%get3A_1949, %get3A_1950] {strides = array<i32>} : memref<16x64xi32, #tpu.memory_space<vmem>>, vector<16xi32>,
      %get3A_1952 = arith.constant 9 : i32
      %get3A_1953 = arith.index_cast %get3A_1952 : i32 to index
      %get3A_1954 = arith.constant 48 : index
      %get3A_1955 = tpu.vector_load %arg11[%get3A_1953, %get3A_1954] {strides = array<i32>} : memref<16x64xf32, #tpu.memory_space<vmem>>, vector<16xf32>,
      %get3A_1956 = arith.constant 4 : i32
      %get3A_1957 = arith.index_cast %get3A_1956 : i32 to index
      %get3A_1958 = arith.constant 112 : index
      %get3A_1959 = tpu.vector_load %arg9[%get3A_1957, %get3A_1958] {strides = array<i32>} : memref<8x128xf32, #tpu.memory_space<vmem>>, vector<16xf32>,
      %mul3A_1960 = arith.mulf %get3A_1955, %get3A_1959 : vector<16xf32>
      %lt3A_1961 = arith.constant 32768 : i32
      %lt3A_1962 = vector.broadcast %lt3A_1961 : i32 to vector<16xi32>
      %lt3A_1963 = arith.cmpi slt, %get3A_1951, %lt3A_1962 : vector<16xi32>
      %select_n3A_1964 = arith.select %lt3A_1963, %get3A_1951, %add3A_275 : vector<16xi1>, vector<16xi32>
      %swap3A_1965 = arith.constant 4 : i32
      %swap3A_1966 = arith.index_cast %swap3A_1965 : i32 to index
      %swap3A_1967 = arith.constant 112 : index
      %swap3A_1968 = tpu.vector_load %arg12[%swap3A_1966, %swap3A_1967] {strides = array<i32>} : memref<8x128xi32, #tpu.memory_space<vmem>>, vector<16xi32>,
      tpu.vector_store %arg12[%swap3A_1966, %swap3A_1967], %select_n3A_1964 {strides = array<i32>} : memref<8x128xi32, #tpu.memory_space<vmem>>, vector<16xi32>,
      %jit3A_1969 = arith.constant 0.000000e+00 : f32
      %broadcast_in_dim3A_1970 = vector.broadcast %jit3A_1969 : f32 to vector<16xf32>
      %select_n3A_1971 = arith.select %lt3A_1963, %mul3A_1960, %broadcast_in_dim3A_1970 : vector<16xi1>, vector<16xf32>
      %swap3A_1972 = arith.constant 4 : i32
      %swap3A_1973 = arith.index_cast %swap3A_1972 : i32 to index
      %swap3A_1974 = arith.constant 112 : index
      %swap3A_1975 = tpu.vector_load %arg13[%swap3A_1973, %swap3A_1974] {strides = array<i32>} : memref<8x128xf32, #tpu.memory_space<vmem>>, vector<16xf32>,
      tpu.vector_store %arg13[%swap3A_1973, %swap3A_1974], %select_n3A_1971 {strides = array<i32>} : memref<8x128xf32, #tpu.memory_space<vmem>>, vector<16xf32>,
      %sub3A_1976 = arith.constant 32768 : i32
      %sub3A_1977 = vector.broadcast %sub3A_1976 : i32 to vector<16xi32>
      %sub3A_1978 = arith.subi %get3A_1951, %sub3A_1977 : vector<16xi32>
      %select_n3A_1979 = arith.select %lt3A_1963, %add3A_275, %sub3A_1978 : vector<16xi1>, vector<16xi32>
      %swap3A_1980 = arith.constant 4 : i32
      %swap3A_1981 = arith.index_cast %swap3A_1980 : i32 to index
      %swap3A_1982 = arith.constant 112 : index
      %swap3A_1983 = tpu.vector_load %arg14[%swap3A_1981, %swap3A_1982] {strides = array<i32>} : memref<8x128xi32, #tpu.memory_space<vmem>>, vector<16xi32>,
      tpu.vector_store %arg14[%swap3A_1981, %swap3A_1982], %select_n3A_1979 {strides = array<i32>} : memref<8x128xi32, #tpu.memory_space<vmem>>, vector<16xi32>,
      %jit3A_1984 = arith.constant 0.000000e+00 : f32
      %broadcast_in_dim3A_1985 = vector.broadcast %jit3A_1984 : f32 to vector<16xf32>
      %select_n3A_1986 = arith.select %lt3A_1963, %broadcast_in_dim3A_1985, %mul3A_1960 : vector<16xi1>, vector<16xf32>
      %swap3A_1987 = arith.constant 4 : i32
      %swap3A_1988 = arith.index_cast %swap3A_1987 : i32 to index
      %swap3A_1989 = arith.constant 112 : index
      %swap3A_1990 = tpu.vector_load %arg15[%swap3A_1988, %swap3A_1989] {strides = array<i32>} : memref<8x128xf32, #tpu.memory_space<vmem>>, vector<16xf32>,
      tpu.vector_store %arg15[%swap3A_1988, %swap3A_1989], %select_n3A_1986 {strides = array<i32>} : memref<8x128xf32, #tpu.memory_space<vmem>>, vector<16xf32>,
      %get3A_1991 = arith.constant 10 : i32
      %get3A_1992 = arith.index_cast %get3A_1991 : i32 to index
      %get3A_1993 = arith.constant 0 : index
      %get3A_1994 = tpu.vector_load %arg10[%get3A_1992, %get3A_1993] {strides = array<i32>} : memref<16x64xi32, #tpu.memory_space<vmem>>, vector<16xi32>,
      %get3A_1995 = arith.constant 10 : i32
      %get3A_1996 = arith.index_cast %get3A_1995 : i32 to index
      %get3A_1997 = arith.constant 0 : index
      %get3A_1998 = tpu.vector_load %arg11[%get3A_1996, %get3A_1997] {strides = array<i32>} : memref<16x64xf32, #tpu.memory_space<vmem>>, vector<16xf32>,
      %get3A_1999 = arith.constant 5 : i32
      %get3A_2000 = arith.index_cast %get3A_1999 : i32 to index
      %get3A_2001 = arith.constant 0 : index
      %get3A_2002 = tpu.vector_load %arg9[%get3A_2000, %get3A_2001] {strides = array<i32>} : memref<8x128xf32, #tpu.memory_space<vmem>>, vector<16xf32>,
      %mul3A_2003 = arith.mulf %get3A_1998, %get3A_2002 : vector<16xf32>
      %lt3A_2004 = arith.constant 32768 : i32
      %lt3A_2005 = vector.broadcast %lt3A_2004 : i32 to vector<16xi32>
      %lt3A_2006 = arith.cmpi slt, %get3A_1994, %lt3A_2005 : vector<16xi32>
      %select_n3A_2007 = arith.select %lt3A_2006, %get3A_1994, %add3A_275 : vector<16xi1>, vector<16xi32>
      %swap3A_2008 = arith.constant 5 : i32
      %swap3A_2009 = arith.index_cast %swap3A_2008 : i32 to index
      %swap3A_2010 = arith.constant 0 : index
      %swap3A_2011 = tpu.vector_load %arg12[%swap3A_2009, %swap3A_2010] {strides = array<i32>} : memref<8x128xi32, #tpu.memory_space<vmem>>, vector<16xi32>,
      tpu.vector_store %arg12[%swap3A_2009, %swap3A_2010], %select_n3A_2007 {strides = array<i32>} : memref<8x128xi32, #tpu.memory_space<vmem>>, vector<16xi32>,
      %jit3A_2012 = arith.constant 0.000000e+00 : f32
      %broadcast_in_dim3A_2013 = vector.broadcast %jit3A_2012 : f32 to vector<16xf32>
      %select_n3A_2014 = arith.select %lt3A_2006, %mul3A_2003, %broadcast_in_dim3A_2013 : vector<16xi1>, vector<16xf32>
      %swap3A_2015 = arith.constant 5 : i32
      %swap3A_2016 = arith.index_cast %swap3A_2015 : i32 to index
      %swap3A_2017 = arith.constant 0 : index
      %swap3A_2018 = tpu.vector_load %arg13[%swap3A_2016, %swap3A_2017] {strides = array<i32>} : memref<8x128xf32, #tpu.memory_space<vmem>>, vector<16xf32>,
      tpu.vector_store %arg13[%swap3A_2016, %swap3A_2017], %select_n3A_2014 {strides = array<i32>} : memref<8x128xf32, #tpu.memory_space<vmem>>, vector<16xf32>,
      %sub3A_2019 = arith.constant 32768 : i32
      %sub3A_2020 = vector.broadcast %sub3A_2019 : i32 to vector<16xi32>
      %sub3A_2021 = arith.subi %get3A_1994, %sub3A_2020 : vector<16xi32>
      %select_n3A_2022 = arith.select %lt3A_2006, %add3A_275, %sub3A_2021 : vector<16xi1>, vector<16xi32>
      %swap3A_2023 = arith.constant 5 : i32
      %swap3A_2024 = arith.index_cast %swap3A_2023 : i32 to index
      %swap3A_2025 = arith.constant 0 : index
      %swap3A_2026 = tpu.vector_load %arg14[%swap3A_2024, %swap3A_2025] {strides = array<i32>} : memref<8x128xi32, #tpu.memory_space<vmem>>, vector<16xi32>,
      tpu.vector_store %arg14[%swap3A_2024, %swap3A_2025], %select_n3A_2022 {strides = array<i32>} : memref<8x128xi32, #tpu.memory_space<vmem>>, vector<16xi32>,
      %jit3A_2027 = arith.constant 0.000000e+00 : f32
      %broadcast_in_dim3A_2028 = vector.broadcast %jit3A_2027 : f32 to vector<16xf32>
      %select_n3A_2029 = arith.select %lt3A_2006, %broadcast_in_dim3A_2028, %mul3A_2003 : vector<16xi1>, vector<16xf32>
      %swap3A_2030 = arith.constant 5 : i32
      %swap3A_2031 = arith.index_cast %swap3A_2030 : i32 to index
      %swap3A_2032 = arith.constant 0 : index
      %swap3A_2033 = tpu.vector_load %arg15[%swap3A_2031, %swap3A_2032] {strides = array<i32>} : memref<8x128xf32, #tpu.memory_space<vmem>>, vector<16xf32>,
      tpu.vector_store %arg15[%swap3A_2031, %swap3A_2032], %select_n3A_2029 {strides = array<i32>} : memref<8x128xf32, #tpu.memory_space<vmem>>, vector<16xf32>,
      %get3A_2034 = arith.constant 10 : i32
      %get3A_2035 = arith.index_cast %get3A_2034 : i32 to index
      %get3A_2036 = arith.constant 16 : index
      %get3A_2037 = tpu.vector_load %arg10[%get3A_2035, %get3A_2036] {strides = array<i32>} : memref<16x64xi32, #tpu.memory_space<vmem>>, vector<16xi32>,
      %get3A_2038 = arith.constant 10 : i32
      %get3A_2039 = arith.index_cast %get3A_2038 : i32 to index
      %get3A_2040 = arith.constant 16 : index
      %get3A_2041 = tpu.vector_load %arg11[%get3A_2039, %get3A_2040] {strides = array<i32>} : memref<16x64xf32, #tpu.memory_space<vmem>>, vector<16xf32>,
      %get3A_2042 = arith.constant 5 : i32
      %get3A_2043 = arith.index_cast %get3A_2042 : i32 to index
      %get3A_2044 = arith.constant 16 : index
      %get3A_2045 = tpu.vector_load %arg9[%get3A_2043, %get3A_2044] {strides = array<i32>} : memref<8x128xf32, #tpu.memory_space<vmem>>, vector<16xf32>,
      %mul3A_2046 = arith.mulf %get3A_2041, %get3A_2045 : vector<16xf32>
      %lt3A_2047 = arith.constant 32768 : i32
      %lt3A_2048 = vector.broadcast %lt3A_2047 : i32 to vector<16xi32>
      %lt3A_2049 = arith.cmpi slt, %get3A_2037, %lt3A_2048 : vector<16xi32>
      %select_n3A_2050 = arith.select %lt3A_2049, %get3A_2037, %add3A_275 : vector<16xi1>, vector<16xi32>
      %swap3A_2051 = arith.constant 5 : i32
      %swap3A_2052 = arith.index_cast %swap3A_2051 : i32 to index
      %swap3A_2053 = arith.constant 16 : index
      %swap3A_2054 = tpu.vector_load %arg12[%swap3A_2052, %swap3A_2053] {strides = array<i32>} : memref<8x128xi32, #tpu.memory_space<vmem>>, vector<16xi32>,
      tpu.vector_store %arg12[%swap3A_2052, %swap3A_2053], %select_n3A_2050 {strides = array<i32>} : memref<8x128xi32, #tpu.memory_space<vmem>>, vector<16xi32>,
      %jit3A_2055 = arith.constant 0.000000e+00 : f32
      %broadcast_in_dim3A_2056 = vector.broadcast %jit3A_2055 : f32 to vector<16xf32>
      %select_n3A_2057 = arith.select %lt3A_2049, %mul3A_2046, %broadcast_in_dim3A_2056 : vector<16xi1>, vector<16xf32>
      %swap3A_2058 = arith.constant 5 : i32
      %swap3A_2059 = arith.index_cast %swap3A_2058 : i32 to index
      %swap3A_2060 = arith.constant 16 : index
      %swap3A_2061 = tpu.vector_load %arg13[%swap3A_2059, %swap3A_2060] {strides = array<i32>} : memref<8x128xf32, #tpu.memory_space<vmem>>, vector<16xf32>,
      tpu.vector_store %arg13[%swap3A_2059, %swap3A_2060], %select_n3A_2057 {strides = array<i32>} : memref<8x128xf32, #tpu.memory_space<vmem>>, vector<16xf32>,
      %sub3A_2062 = arith.constant 32768 : i32
      %sub3A_2063 = vector.broadcast %sub3A_2062 : i32 to vector<16xi32>
      %sub3A_2064 = arith.subi %get3A_2037, %sub3A_2063 : vector<16xi32>
      %select_n3A_2065 = arith.select %lt3A_2049, %add3A_275, %sub3A_2064 : vector<16xi1>, vector<16xi32>
      %swap3A_2066 = arith.constant 5 : i32
      %swap3A_2067 = arith.index_cast %swap3A_2066 : i32 to index
      %swap3A_2068 = arith.constant 16 : index
      %swap3A_2069 = tpu.vector_load %arg14[%swap3A_2067, %swap3A_2068] {strides = array<i32>} : memref<8x128xi32, #tpu.memory_space<vmem>>, vector<16xi32>,
      tpu.vector_store %arg14[%swap3A_2067, %swap3A_2068], %select_n3A_2065 {strides = array<i32>} : memref<8x128xi32, #tpu.memory_space<vmem>>, vector<16xi32>,
      %jit3A_2070 = arith.constant 0.000000e+00 : f32
      %broadcast_in_dim3A_2071 = vector.broadcast %jit3A_2070 : f32 to vector<16xf32>
      %select_n3A_2072 = arith.select %lt3A_2049, %broadcast_in_dim3A_2071, %mul3A_2046 : vector<16xi1>, vector<16xf32>
      %swap3A_2073 = arith.constant 5 : i32
      %swap3A_2074 = arith.index_cast %swap3A_2073 : i32 to index
      %swap3A_2075 = arith.constant 16 : index
      %swap3A_2076 = tpu.vector_load %arg15[%swap3A_2074, %swap3A_2075] {strides = array<i32>} : memref<8x128xf32, #tpu.memory_space<vmem>>, vector<16xf32>,
      tpu.vector_store %arg15[%swap3A_2074, %swap3A_2075], %select_n3A_2072 {strides = array<i32>} : memref<8x128xf32, #tpu.memory_space<vmem>>, vector<16xf32>,
      %get3A_2077 = arith.constant 10 : i32
      %get3A_2078 = arith.index_cast %get3A_2077 : i32 to index
      %get3A_2079 = arith.constant 32 : index
      %get3A_2080 = tpu.vector_load %arg10[%get3A_2078, %get3A_2079] {strides = array<i32>} : memref<16x64xi32, #tpu.memory_space<vmem>>, vector<16xi32>,
      %get3A_2081 = arith.constant 10 : i32
      %get3A_2082 = arith.index_cast %get3A_2081 : i32 to index
      %get3A_2083 = arith.constant 32 : index
      %get3A_2084 = tpu.vector_load %arg11[%get3A_2082, %get3A_2083] {strides = array<i32>} : memref<16x64xf32, #tpu.memory_space<vmem>>, vector<16xf32>,
      %get3A_2085 = arith.constant 5 : i32
      %get3A_2086 = arith.index_cast %get3A_2085 : i32 to index
      %get3A_2087 = arith.constant 32 : index
      %get3A_2088 = tpu.vector_load %arg9[%get3A_2086, %get3A_2087] {strides = array<i32>} : memref<8x128xf32, #tpu.memory_space<vmem>>, vector<16xf32>,
      %mul3A_2089 = arith.mulf %get3A_2084, %get3A_2088 : vector<16xf32>
      %lt3A_2090 = arith.constant 32768 : i32
      %lt3A_2091 = vector.broadcast %lt3A_2090 : i32 to vector<16xi32>
      %lt3A_2092 = arith.cmpi slt, %get3A_2080, %lt3A_2091 : vector<16xi32>
      %select_n3A_2093 = arith.select %lt3A_2092, %get3A_2080, %add3A_275 : vector<16xi1>, vector<16xi32>
      %swap3A_2094 = arith.constant 5 : i32
      %swap3A_2095 = arith.index_cast %swap3A_2094 : i32 to index
      %swap3A_2096 = arith.constant 32 : index
      %swap3A_2097 = tpu.vector_load %arg12[%swap3A_2095, %swap3A_2096] {strides = array<i32>} : memref<8x128xi32, #tpu.memory_space<vmem>>, vector<16xi32>,
      tpu.vector_store %arg12[%swap3A_2095, %swap3A_2096], %select_n3A_2093 {strides = array<i32>} : memref<8x128xi32, #tpu.memory_space<vmem>>, vector<16xi32>,
      %jit3A_2098 = arith.constant 0.000000e+00 : f32
      %broadcast_in_dim3A_2099 = vector.broadcast %jit3A_2098 : f32 to vector<16xf32>
      %select_n3A_2100 = arith.select %lt3A_2092, %mul3A_2089, %broadcast_in_dim3A_2099 : vector<16xi1>, vector<16xf32>
      %swap3A_2101 = arith.constant 5 : i32
      %swap3A_2102 = arith.index_cast %swap3A_2101 : i32 to index
      %swap3A_2103 = arith.constant 32 : index
      %swap3A_2104 = tpu.vector_load %arg13[%swap3A_2102, %swap3A_2103] {strides = array<i32>} : memref<8x128xf32, #tpu.memory_space<vmem>>, vector<16xf32>,
      tpu.vector_store %arg13[%swap3A_2102, %swap3A_2103], %select_n3A_2100 {strides = array<i32>} : memref<8x128xf32, #tpu.memory_space<vmem>>, vector<16xf32>,
      %sub3A_2105 = arith.constant 32768 : i32
      %sub3A_2106 = vector.broadcast %sub3A_2105 : i32 to vector<16xi32>
      %sub3A_2107 = arith.subi %get3A_2080, %sub3A_2106 : vector<16xi32>
      %select_n3A_2108 = arith.select %lt3A_2092, %add3A_275, %sub3A_2107 : vector<16xi1>, vector<16xi32>
      %swap3A_2109 = arith.constant 5 : i32
      %swap3A_2110 = arith.index_cast %swap3A_2109 : i32 to index
      %swap3A_2111 = arith.constant 32 : index
      %swap3A_2112 = tpu.vector_load %arg14[%swap3A_2110, %swap3A_2111] {strides = array<i32>} : memref<8x128xi32, #tpu.memory_space<vmem>>, vector<16xi32>,
      tpu.vector_store %arg14[%swap3A_2110, %swap3A_2111], %select_n3A_2108 {strides = array<i32>} : memref<8x128xi32, #tpu.memory_space<vmem>>, vector<16xi32>,
      %jit3A_2113 = arith.constant 0.000000e+00 : f32
      %broadcast_in_dim3A_2114 = vector.broadcast %jit3A_2113 : f32 to vector<16xf32>
      %select_n3A_2115 = arith.select %lt3A_2092, %broadcast_in_dim3A_2114, %mul3A_2089 : vector<16xi1>, vector<16xf32>
      %swap3A_2116 = arith.constant 5 : i32
      %swap3A_2117 = arith.index_cast %swap3A_2116 : i32 to index
      %swap3A_2118 = arith.constant 32 : index
      %swap3A_2119 = tpu.vector_load %arg15[%swap3A_2117, %swap3A_2118] {strides = array<i32>} : memref<8x128xf32, #tpu.memory_space<vmem>>, vector<16xf32>,
      tpu.vector_store %arg15[%swap3A_2117, %swap3A_2118], %select_n3A_2115 {strides = array<i32>} : memref<8x128xf32, #tpu.memory_space<vmem>>, vector<16xf32>,
      %get3A_2120 = arith.constant 10 : i32
      %get3A_2121 = arith.index_cast %get3A_2120 : i32 to index
      %get3A_2122 = arith.constant 48 : index
      %get3A_2123 = tpu.vector_load %arg10[%get3A_2121, %get3A_2122] {strides = array<i32>} : memref<16x64xi32, #tpu.memory_space<vmem>>, vector<16xi32>,
      %get3A_2124 = arith.constant 10 : i32
      %get3A_2125 = arith.index_cast %get3A_2124 : i32 to index
      %get3A_2126 = arith.constant 48 : index
      %get3A_2127 = tpu.vector_load %arg11[%get3A_2125, %get3A_2126] {strides = array<i32>} : memref<16x64xf32, #tpu.memory_space<vmem>>, vector<16xf32>,
      %get3A_2128 = arith.constant 5 : i32
      %get3A_2129 = arith.index_cast %get3A_2128 : i32 to index
      %get3A_2130 = arith.constant 48 : index
      %get3A_2131 = tpu.vector_load %arg9[%get3A_2129, %get3A_2130] {strides = array<i32>} : memref<8x128xf32, #tpu.memory_space<vmem>>, vector<16xf32>,
      %mul3A_2132 = arith.mulf %get3A_2127, %get3A_2131 : vector<16xf32>
      %lt3A_2133 = arith.constant 32768 : i32
      %lt3A_2134 = vector.broadcast %lt3A_2133 : i32 to vector<16xi32>
      %lt3A_2135 = arith.cmpi slt, %get3A_2123, %lt3A_2134 : vector<16xi32>
      %select_n3A_2136 = arith.select %lt3A_2135, %get3A_2123, %add3A_275 : vector<16xi1>, vector<16xi32>
      %swap3A_2137 = arith.constant 5 : i32
      %swap3A_2138 = arith.index_cast %swap3A_2137 : i32 to index
      %swap3A_2139 = arith.constant 48 : index
      %swap3A_2140 = tpu.vector_load %arg12[%swap3A_2138, %swap3A_2139] {strides = array<i32>} : memref<8x128xi32, #tpu.memory_space<vmem>>, vector<16xi32>,
      tpu.vector_store %arg12[%swap3A_2138, %swap3A_2139], %select_n3A_2136 {strides = array<i32>} : memref<8x128xi32, #tpu.memory_space<vmem>>, vector<16xi32>,
      %jit3A_2141 = arith.constant 0.000000e+00 : f32
      %broadcast_in_dim3A_2142 = vector.broadcast %jit3A_2141 : f32 to vector<16xf32>
      %select_n3A_2143 = arith.select %lt3A_2135, %mul3A_2132, %broadcast_in_dim3A_2142 : vector<16xi1>, vector<16xf32>
      %swap3A_2144 = arith.constant 5 : i32
      %swap3A_2145 = arith.index_cast %swap3A_2144 : i32 to index
      %swap3A_2146 = arith.constant 48 : index
      %swap3A_2147 = tpu.vector_load %arg13[%swap3A_2145, %swap3A_2146] {strides = array<i32>} : memref<8x128xf32, #tpu.memory_space<vmem>>, vector<16xf32>,
      tpu.vector_store %arg13[%swap3A_2145, %swap3A_2146], %select_n3A_2143 {strides = array<i32>} : memref<8x128xf32, #tpu.memory_space<vmem>>, vector<16xf32>,
      %sub3A_2148 = arith.constant 32768 : i32
      %sub3A_2149 = vector.broadcast %sub3A_2148 : i32 to vector<16xi32>
      %sub3A_2150 = arith.subi %get3A_2123, %sub3A_2149 : vector<16xi32>
      %select_n3A_2151 = arith.select %lt3A_2135, %add3A_275, %sub3A_2150 : vector<16xi1>, vector<16xi32>
      %swap3A_2152 = arith.constant 5 : i32
      %swap3A_2153 = arith.index_cast %swap3A_2152 : i32 to index
      %swap3A_2154 = arith.constant 48 : index
      %swap3A_2155 = tpu.vector_load %arg14[%swap3A_2153, %swap3A_2154] {strides = array<i32>} : memref<8x128xi32, #tpu.memory_space<vmem>>, vector<16xi32>,
      tpu.vector_store %arg14[%swap3A_2153, %swap3A_2154], %select_n3A_2151 {strides = array<i32>} : memref<8x128xi32, #tpu.memory_space<vmem>>, vector<16xi32>,
      %jit3A_2156 = arith.constant 0.000000e+00 : f32
      %broadcast_in_dim3A_2157 = vector.broadcast %jit3A_2156 : f32 to vector<16xf32>
      %select_n3A_2158 = arith.select %lt3A_2135, %broadcast_in_dim3A_2157, %mul3A_2132 : vector<16xi1>, vector<16xf32>
      %swap3A_2159 = arith.constant 5 : i32
      %swap3A_2160 = arith.index_cast %swap3A_2159 : i32 to index
      %swap3A_2161 = arith.constant 48 : index
      %swap3A_2162 = tpu.vector_load %arg15[%swap3A_2160, %swap3A_2161] {strides = array<i32>} : memref<8x128xf32, #tpu.memory_space<vmem>>, vector<16xf32>,
      tpu.vector_store %arg15[%swap3A_2160, %swap3A_2161], %select_n3A_2158 {strides = array<i32>} : memref<8x128xf32, #tpu.memory_space<vmem>>, vector<16xf32>,
      %get3A_2163 = arith.constant 11 : i32
      %get3A_2164 = arith.index_cast %get3A_2163 : i32 to index
      %get3A_2165 = arith.constant 0 : index
      %get3A_2166 = tpu.vector_load %arg10[%get3A_2164, %get3A_2165] {strides = array<i32>} : memref<16x64xi32, #tpu.memory_space<vmem>>, vector<16xi32>,
      %get3A_2167 = arith.constant 11 : i32
      %get3A_2168 = arith.index_cast %get3A_2167 : i32 to index
      %get3A_2169 = arith.constant 0 : index
      %get3A_2170 = tpu.vector_load %arg11[%get3A_2168, %get3A_2169] {strides = array<i32>} : memref<16x64xf32, #tpu.memory_space<vmem>>, vector<16xf32>,
      %get3A_2171 = arith.constant 5 : i32
      %get3A_2172 = arith.index_cast %get3A_2171 : i32 to index
      %get3A_2173 = arith.constant 64 : index
      %get3A_2174 = tpu.vector_load %arg9[%get3A_2172, %get3A_2173] {strides = array<i32>} : memref<8x128xf32, #tpu.memory_space<vmem>>, vector<16xf32>,
      %mul3A_2175 = arith.mulf %get3A_2170, %get3A_2174 : vector<16xf32>
      %lt3A_2176 = arith.constant 32768 : i32
      %lt3A_2177 = vector.broadcast %lt3A_2176 : i32 to vector<16xi32>
      %lt3A_2178 = arith.cmpi slt, %get3A_2166, %lt3A_2177 : vector<16xi32>
      %select_n3A_2179 = arith.select %lt3A_2178, %get3A_2166, %add3A_275 : vector<16xi1>, vector<16xi32>
      %swap3A_2180 = arith.constant 5 : i32
      %swap3A_2181 = arith.index_cast %swap3A_2180 : i32 to index
      %swap3A_2182 = arith.constant 64 : index
      %swap3A_2183 = tpu.vector_load %arg12[%swap3A_2181, %swap3A_2182] {strides = array<i32>} : memref<8x128xi32, #tpu.memory_space<vmem>>, vector<16xi32>,
      tpu.vector_store %arg12[%swap3A_2181, %swap3A_2182], %select_n3A_2179 {strides = array<i32>} : memref<8x128xi32, #tpu.memory_space<vmem>>, vector<16xi32>,
      %jit3A_2184 = arith.constant 0.000000e+00 : f32
      %broadcast_in_dim3A_2185 = vector.broadcast %jit3A_2184 : f32 to vector<16xf32>
      %select_n3A_2186 = arith.select %lt3A_2178, %mul3A_2175, %broadcast_in_dim3A_2185 : vector<16xi1>, vector<16xf32>
      %swap3A_2187 = arith.constant 5 : i32
      %swap3A_2188 = arith.index_cast %swap3A_2187 : i32 to index
      %swap3A_2189 = arith.constant 64 : index
      %swap3A_2190 = tpu.vector_load %arg13[%swap3A_2188, %swap3A_2189] {strides = array<i32>} : memref<8x128xf32, #tpu.memory_space<vmem>>, vector<16xf32>,
      tpu.vector_store %arg13[%swap3A_2188, %swap3A_2189], %select_n3A_2186 {strides = array<i32>} : memref<8x128xf32, #tpu.memory_space<vmem>>, vector<16xf32>,
      %sub3A_2191 = arith.constant 32768 : i32
      %sub3A_2192 = vector.broadcast %sub3A_2191 : i32 to vector<16xi32>
      %sub3A_2193 = arith.subi %get3A_2166, %sub3A_2192 : vector<16xi32>
      %select_n3A_2194 = arith.select %lt3A_2178, %add3A_275, %sub3A_2193 : vector<16xi1>, vector<16xi32>
      %swap3A_2195 = arith.constant 5 : i32
      %swap3A_2196 = arith.index_cast %swap3A_2195 : i32 to index
      %swap3A_2197 = arith.constant 64 : index
      %swap3A_2198 = tpu.vector_load %arg14[%swap3A_2196, %swap3A_2197] {strides = array<i32>} : memref<8x128xi32, #tpu.memory_space<vmem>>, vector<16xi32>,
      tpu.vector_store %arg14[%swap3A_2196, %swap3A_2197], %select_n3A_2194 {strides = array<i32>} : memref<8x128xi32, #tpu.memory_space<vmem>>, vector<16xi32>,
      %jit3A_2199 = arith.constant 0.000000e+00 : f32
      %broadcast_in_dim3A_2200 = vector.broadcast %jit3A_2199 : f32 to vector<16xf32>
      %select_n3A_2201 = arith.select %lt3A_2178, %broadcast_in_dim3A_2200, %mul3A_2175 : vector<16xi1>, vector<16xf32>
      %swap3A_2202 = arith.constant 5 : i32
      %swap3A_2203 = arith.index_cast %swap3A_2202 : i32 to index
      %swap3A_2204 = arith.constant 64 : index
      %swap3A_2205 = tpu.vector_load %arg15[%swap3A_2203, %swap3A_2204] {strides = array<i32>} : memref<8x128xf32, #tpu.memory_space<vmem>>, vector<16xf32>,
      tpu.vector_store %arg15[%swap3A_2203, %swap3A_2204], %select_n3A_2201 {strides = array<i32>} : memref<8x128xf32, #tpu.memory_space<vmem>>, vector<16xf32>,
      %get3A_2206 = arith.constant 11 : i32
      %get3A_2207 = arith.index_cast %get3A_2206 : i32 to index
      %get3A_2208 = arith.constant 16 : index
      %get3A_2209 = tpu.vector_load %arg10[%get3A_2207, %get3A_2208] {strides = array<i32>} : memref<16x64xi32, #tpu.memory_space<vmem>>, vector<16xi32>,
      %get3A_2210 = arith.constant 11 : i32
      %get3A_2211 = arith.index_cast %get3A_2210 : i32 to index
      %get3A_2212 = arith.constant 16 : index
      %get3A_2213 = tpu.vector_load %arg11[%get3A_2211, %get3A_2212] {strides = array<i32>} : memref<16x64xf32, #tpu.memory_space<vmem>>, vector<16xf32>,
      %get3A_2214 = arith.constant 5 : i32
      %get3A_2215 = arith.index_cast %get3A_2214 : i32 to index
      %get3A_2216 = arith.constant 80 : index
      %get3A_2217 = tpu.vector_load %arg9[%get3A_2215, %get3A_2216] {strides = array<i32>} : memref<8x128xf32, #tpu.memory_space<vmem>>, vector<16xf32>,
      %mul3A_2218 = arith.mulf %get3A_2213, %get3A_2217 : vector<16xf32>
      %lt3A_2219 = arith.constant 32768 : i32
      %lt3A_2220 = vector.broadcast %lt3A_2219 : i32 to vector<16xi32>
      %lt3A_2221 = arith.cmpi slt, %get3A_2209, %lt3A_2220 : vector<16xi32>
      %select_n3A_2222 = arith.select %lt3A_2221, %get3A_2209, %add3A_275 : vector<16xi1>, vector<16xi32>
      %swap3A_2223 = arith.constant 5 : i32
      %swap3A_2224 = arith.index_cast %swap3A_2223 : i32 to index
      %swap3A_2225 = arith.constant 80 : index
      %swap3A_2226 = tpu.vector_load %arg12[%swap3A_2224, %swap3A_2225] {strides = array<i32>} : memref<8x128xi32, #tpu.memory_space<vmem>>, vector<16xi32>,
      tpu.vector_store %arg12[%swap3A_2224, %swap3A_2225], %select_n3A_2222 {strides = array<i32>} : memref<8x128xi32, #tpu.memory_space<vmem>>, vector<16xi32>,
      %jit3A_2227 = arith.constant 0.000000e+00 : f32
      %broadcast_in_dim3A_2228 = vector.broadcast %jit3A_2227 : f32 to vector<16xf32>
      %select_n3A_2229 = arith.select %lt3A_2221, %mul3A_2218, %broadcast_in_dim3A_2228 : vector<16xi1>, vector<16xf32>
      %swap3A_2230 = arith.constant 5 : i32
      %swap3A_2231 = arith.index_cast %swap3A_2230 : i32 to index
      %swap3A_2232 = arith.constant 80 : index
      %swap3A_2233 = tpu.vector_load %arg13[%swap3A_2231, %swap3A_2232] {strides = array<i32>} : memref<8x128xf32, #tpu.memory_space<vmem>>, vector<16xf32>,
      tpu.vector_store %arg13[%swap3A_2231, %swap3A_2232], %select_n3A_2229 {strides = array<i32>} : memref<8x128xf32, #tpu.memory_space<vmem>>, vector<16xf32>,
      %sub3A_2234 = arith.constant 32768 : i32
      %sub3A_2235 = vector.broadcast %sub3A_2234 : i32 to vector<16xi32>
      %sub3A_2236 = arith.subi %get3A_2209, %sub3A_2235 : vector<16xi32>
      %select_n3A_2237 = arith.select %lt3A_2221, %add3A_275, %sub3A_2236 : vector<16xi1>, vector<16xi32>
      %swap3A_2238 = arith.constant 5 : i32
      %swap3A_2239 = arith.index_cast %swap3A_2238 : i32 to index
      %swap3A_2240 = arith.constant 80 : index
      %swap3A_2241 = tpu.vector_load %arg14[%swap3A_2239, %swap3A_2240] {strides = array<i32>} : memref<8x128xi32, #tpu.memory_space<vmem>>, vector<16xi32>,
      tpu.vector_store %arg14[%swap3A_2239, %swap3A_2240], %select_n3A_2237 {strides = array<i32>} : memref<8x128xi32, #tpu.memory_space<vmem>>, vector<16xi32>,
      %jit3A_2242 = arith.constant 0.000000e+00 : f32
      %broadcast_in_dim3A_2243 = vector.broadcast %jit3A_2242 : f32 to vector<16xf32>
      %select_n3A_2244 = arith.select %lt3A_2221, %broadcast_in_dim3A_2243, %mul3A_2218 : vector<16xi1>, vector<16xf32>
      %swap3A_2245 = arith.constant 5 : i32
      %swap3A_2246 = arith.index_cast %swap3A_2245 : i32 to index
      %swap3A_2247 = arith.constant 80 : index
      %swap3A_2248 = tpu.vector_load %arg15[%swap3A_2246, %swap3A_2247] {strides = array<i32>} : memref<8x128xf32, #tpu.memory_space<vmem>>, vector<16xf32>,
      tpu.vector_store %arg15[%swap3A_2246, %swap3A_2247], %select_n3A_2244 {strides = array<i32>} : memref<8x128xf32, #tpu.memory_space<vmem>>, vector<16xf32>,
      %get3A_2249 = arith.constant 11 : i32
      %get3A_2250 = arith.index_cast %get3A_2249 : i32 to index
      %get3A_2251 = arith.constant 32 : index
      %get3A_2252 = tpu.vector_load %arg10[%get3A_2250, %get3A_2251] {strides = array<i32>} : memref<16x64xi32, #tpu.memory_space<vmem>>, vector<16xi32>,
      %get3A_2253 = arith.constant 11 : i32
      %get3A_2254 = arith.index_cast %get3A_2253 : i32 to index
      %get3A_2255 = arith.constant 32 : index
      %get3A_2256 = tpu.vector_load %arg11[%get3A_2254, %get3A_2255] {strides = array<i32>} : memref<16x64xf32, #tpu.memory_space<vmem>>, vector<16xf32>,
      %get3A_2257 = arith.constant 5 : i32
      %get3A_2258 = arith.index_cast %get3A_2257 : i32 to index
      %get3A_2259 = arith.constant 96 : index
      %get3A_2260 = tpu.vector_load %arg9[%get3A_2258, %get3A_2259] {strides = array<i32>} : memref<8x128xf32, #tpu.memory_space<vmem>>, vector<16xf32>,
      %mul3A_2261 = arith.mulf %get3A_2256, %get3A_2260 : vector<16xf32>
      %lt3A_2262 = arith.constant 32768 : i32
      %lt3A_2263 = vector.broadcast %lt3A_2262 : i32 to vector<16xi32>
      %lt3A_2264 = arith.cmpi slt, %get3A_2252, %lt3A_2263 : vector<16xi32>
      %select_n3A_2265 = arith.select %lt3A_2264, %get3A_2252, %add3A_275 : vector<16xi1>, vector<16xi32>
      %swap3A_2266 = arith.constant 5 : i32
      %swap3A_2267 = arith.index_cast %swap3A_2266 : i32 to index
      %swap3A_2268 = arith.constant 96 : index
      %swap3A_2269 = tpu.vector_load %arg12[%swap3A_2267, %swap3A_2268] {strides = array<i32>} : memref<8x128xi32, #tpu.memory_space<vmem>>, vector<16xi32>,
      tpu.vector_store %arg12[%swap3A_2267, %swap3A_2268], %select_n3A_2265 {strides = array<i32>} : memref<8x128xi32, #tpu.memory_space<vmem>>, vector<16xi32>,
      %jit3A_2270 = arith.constant 0.000000e+00 : f32
      %broadcast_in_dim3A_2271 = vector.broadcast %jit3A_2270 : f32 to vector<16xf32>
      %select_n3A_2272 = arith.select %lt3A_2264, %mul3A_2261, %broadcast_in_dim3A_2271 : vector<16xi1>, vector<16xf32>
      %swap3A_2273 = arith.constant 5 : i32
      %swap3A_2274 = arith.index_cast %swap3A_2273 : i32 to index
      %swap3A_2275 = arith.constant 96 : index
      %swap3A_2276 = tpu.vector_load %arg13[%swap3A_2274, %swap3A_2275] {strides = array<i32>} : memref<8x128xf32, #tpu.memory_space<vmem>>, vector<16xf32>,
      tpu.vector_store %arg13[%swap3A_2274, %swap3A_2275], %select_n3A_2272 {strides = array<i32>} : memref<8x128xf32, #tpu.memory_space<vmem>>, vector<16xf32>,
      %sub3A_2277 = arith.constant 32768 : i32
      %sub3A_2278 = vector.broadcast %sub3A_2277 : i32 to vector<16xi32>
      %sub3A_2279 = arith.subi %get3A_2252, %sub3A_2278 : vector<16xi32>
      %select_n3A_2280 = arith.select %lt3A_2264, %add3A_275, %sub3A_2279 : vector<16xi1>, vector<16xi32>
      %swap3A_2281 = arith.constant 5 : i32
      %swap3A_2282 = arith.index_cast %swap3A_2281 : i32 to index
      %swap3A_2283 = arith.constant 96 : index
      %swap3A_2284 = tpu.vector_load %arg14[%swap3A_2282, %swap3A_2283] {strides = array<i32>} : memref<8x128xi32, #tpu.memory_space<vmem>>, vector<16xi32>,
      tpu.vector_store %arg14[%swap3A_2282, %swap3A_2283], %select_n3A_2280 {strides = array<i32>} : memref<8x128xi32, #tpu.memory_space<vmem>>, vector<16xi32>,
      %jit3A_2285 = arith.constant 0.000000e+00 : f32
      %broadcast_in_dim3A_2286 = vector.broadcast %jit3A_2285 : f32 to vector<16xf32>
      %select_n3A_2287 = arith.select %lt3A_2264, %broadcast_in_dim3A_2286, %mul3A_2261 : vector<16xi1>, vector<16xf32>
      %swap3A_2288 = arith.constant 5 : i32
      %swap3A_2289 = arith.index_cast %swap3A_2288 : i32 to index
      %swap3A_2290 = arith.constant 96 : index
      %swap3A_2291 = tpu.vector_load %arg15[%swap3A_2289, %swap3A_2290] {strides = array<i32>} : memref<8x128xf32, #tpu.memory_space<vmem>>, vector<16xf32>,
      tpu.vector_store %arg15[%swap3A_2289, %swap3A_2290], %select_n3A_2287 {strides = array<i32>} : memref<8x128xf32, #tpu.memory_space<vmem>>, vector<16xf32>,
      %get3A_2292 = arith.constant 11 : i32
      %get3A_2293 = arith.index_cast %get3A_2292 : i32 to index
      %get3A_2294 = arith.constant 48 : index
      %get3A_2295 = tpu.vector_load %arg10[%get3A_2293, %get3A_2294] {strides = array<i32>} : memref<16x64xi32, #tpu.memory_space<vmem>>, vector<16xi32>,
      %get3A_2296 = arith.constant 11 : i32
      %get3A_2297 = arith.index_cast %get3A_2296 : i32 to index
      %get3A_2298 = arith.constant 48 : index
      %get3A_2299 = tpu.vector_load %arg11[%get3A_2297, %get3A_2298] {strides = array<i32>} : memref<16x64xf32, #tpu.memory_space<vmem>>, vector<16xf32>,
      %get3A_2300 = arith.constant 5 : i32
      %get3A_2301 = arith.index_cast %get3A_2300 : i32 to index
      %get3A_2302 = arith.constant 112 : index
      %get3A_2303 = tpu.vector_load %arg9[%get3A_2301, %get3A_2302] {strides = array<i32>} : memref<8x128xf32, #tpu.memory_space<vmem>>, vector<16xf32>,
      %mul3A_2304 = arith.mulf %get3A_2299, %get3A_2303 : vector<16xf32>
      %lt3A_2305 = arith.constant 32768 : i32
      %lt3A_2306 = vector.broadcast %lt3A_2305 : i32 to vector<16xi32>
      %lt3A_2307 = arith.cmpi slt, %get3A_2295, %lt3A_2306 : vector<16xi32>
      %select_n3A_2308 = arith.select %lt3A_2307, %get3A_2295, %add3A_275 : vector<16xi1>, vector<16xi32>
      %swap3A_2309 = arith.constant 5 : i32
      %swap3A_2310 = arith.index_cast %swap3A_2309 : i32 to index
      %swap3A_2311 = arith.constant 112 : index
      %swap3A_2312 = tpu.vector_load %arg12[%swap3A_2310, %swap3A_2311] {strides = array<i32>} : memref<8x128xi32, #tpu.memory_space<vmem>>, vector<16xi32>,
      tpu.vector_store %arg12[%swap3A_2310, %swap3A_2311], %select_n3A_2308 {strides = array<i32>} : memref<8x128xi32, #tpu.memory_space<vmem>>, vector<16xi32>,
      %jit3A_2313 = arith.constant 0.000000e+00 : f32
      %broadcast_in_dim3A_2314 = vector.broadcast %jit3A_2313 : f32 to vector<16xf32>
      %select_n3A_2315 = arith.select %lt3A_2307, %mul3A_2304, %broadcast_in_dim3A_2314 : vector<16xi1>, vector<16xf32>
      %swap3A_2316 = arith.constant 5 : i32
      %swap3A_2317 = arith.index_cast %swap3A_2316 : i32 to index
      %swap3A_2318 = arith.constant 112 : index
      %swap3A_2319 = tpu.vector_load %arg13[%swap3A_2317, %swap3A_2318] {strides = array<i32>} : memref<8x128xf32, #tpu.memory_space<vmem>>, vector<16xf32>,
      tpu.vector_store %arg13[%swap3A_2317, %swap3A_2318], %select_n3A_2315 {strides = array<i32>} : memref<8x128xf32, #tpu.memory_space<vmem>>, vector<16xf32>,
      %sub3A_2320 = arith.constant 32768 : i32
      %sub3A_2321 = vector.broadcast %sub3A_2320 : i32 to vector<16xi32>
      %sub3A_2322 = arith.subi %get3A_2295, %sub3A_2321 : vector<16xi32>
      %select_n3A_2323 = arith.select %lt3A_2307, %add3A_275, %sub3A_2322 : vector<16xi1>, vector<16xi32>
      %swap3A_2324 = arith.constant 5 : i32
      %swap3A_2325 = arith.index_cast %swap3A_2324 : i32 to index
      %swap3A_2326 = arith.constant 112 : index
      %swap3A_2327 = tpu.vector_load %arg14[%swap3A_2325, %swap3A_2326] {strides = array<i32>} : memref<8x128xi32, #tpu.memory_space<vmem>>, vector<16xi32>,
      tpu.vector_store %arg14[%swap3A_2325, %swap3A_2326], %select_n3A_2323 {strides = array<i32>} : memref<8x128xi32, #tpu.memory_space<vmem>>, vector<16xi32>,
      %jit3A_2328 = arith.constant 0.000000e+00 : f32
      %broadcast_in_dim3A_2329 = vector.broadcast %jit3A_2328 : f32 to vector<16xf32>
      %select_n3A_2330 = arith.select %lt3A_2307, %broadcast_in_dim3A_2329, %mul3A_2304 : vector<16xi1>, vector<16xf32>
      %swap3A_2331 = arith.constant 5 : i32
      %swap3A_2332 = arith.index_cast %swap3A_2331 : i32 to index
      %swap3A_2333 = arith.constant 112 : index
      %swap3A_2334 = tpu.vector_load %arg15[%swap3A_2332, %swap3A_2333] {strides = array<i32>} : memref<8x128xf32, #tpu.memory_space<vmem>>, vector<16xf32>,
      tpu.vector_store %arg15[%swap3A_2332, %swap3A_2333], %select_n3A_2330 {strides = array<i32>} : memref<8x128xf32, #tpu.memory_space<vmem>>, vector<16xf32>,
      %get3A_2335 = arith.constant 12 : i32
      %get3A_2336 = arith.index_cast %get3A_2335 : i32 to index
      %get3A_2337 = arith.constant 0 : index
      %get3A_2338 = tpu.vector_load %arg10[%get3A_2336, %get3A_2337] {strides = array<i32>} : memref<16x64xi32, #tpu.memory_space<vmem>>, vector<16xi32>,
      %get3A_2339 = arith.constant 12 : i32
      %get3A_2340 = arith.index_cast %get3A_2339 : i32 to index
      %get3A_2341 = arith.constant 0 : index
      %get3A_2342 = tpu.vector_load %arg11[%get3A_2340, %get3A_2341] {strides = array<i32>} : memref<16x64xf32, #tpu.memory_space<vmem>>, vector<16xf32>,
      %get3A_2343 = arith.constant 6 : i32
      %get3A_2344 = arith.index_cast %get3A_2343 : i32 to index
      %get3A_2345 = arith.constant 0 : index
      %get3A_2346 = tpu.vector_load %arg9[%get3A_2344, %get3A_2345] {strides = array<i32>} : memref<8x128xf32, #tpu.memory_space<vmem>>, vector<16xf32>,
      %mul3A_2347 = arith.mulf %get3A_2342, %get3A_2346 : vector<16xf32>
      %lt3A_2348 = arith.constant 32768 : i32
      %lt3A_2349 = vector.broadcast %lt3A_2348 : i32 to vector<16xi32>
      %lt3A_2350 = arith.cmpi slt, %get3A_2338, %lt3A_2349 : vector<16xi32>
      %select_n3A_2351 = arith.select %lt3A_2350, %get3A_2338, %add3A_275 : vector<16xi1>, vector<16xi32>
      %swap3A_2352 = arith.constant 6 : i32
      %swap3A_2353 = arith.index_cast %swap3A_2352 : i32 to index
      %swap3A_2354 = arith.constant 0 : index
      %swap3A_2355 = tpu.vector_load %arg12[%swap3A_2353, %swap3A_2354] {strides = array<i32>} : memref<8x128xi32, #tpu.memory_space<vmem>>, vector<16xi32>,
      tpu.vector_store %arg12[%swap3A_2353, %swap3A_2354], %select_n3A_2351 {strides = array<i32>} : memref<8x128xi32, #tpu.memory_space<vmem>>, vector<16xi32>,
      %jit3A_2356 = arith.constant 0.000000e+00 : f32
      %broadcast_in_dim3A_2357 = vector.broadcast %jit3A_2356 : f32 to vector<16xf32>
      %select_n3A_2358 = arith.select %lt3A_2350, %mul3A_2347, %broadcast_in_dim3A_2357 : vector<16xi1>, vector<16xf32>
      %swap3A_2359 = arith.constant 6 : i32
      %swap3A_2360 = arith.index_cast %swap3A_2359 : i32 to index
      %swap3A_2361 = arith.constant 0 : index
      %swap3A_2362 = tpu.vector_load %arg13[%swap3A_2360, %swap3A_2361] {strides = array<i32>} : memref<8x128xf32, #tpu.memory_space<vmem>>, vector<16xf32>,
      tpu.vector_store %arg13[%swap3A_2360, %swap3A_2361], %select_n3A_2358 {strides = array<i32>} : memref<8x128xf32, #tpu.memory_space<vmem>>, vector<16xf32>,
      %sub3A_2363 = arith.constant 32768 : i32
      %sub3A_2364 = vector.broadcast %sub3A_2363 : i32 to vector<16xi32>
      %sub3A_2365 = arith.subi %get3A_2338, %sub3A_2364 : vector<16xi32>
      %select_n3A_2366 = arith.select %lt3A_2350, %add3A_275, %sub3A_2365 : vector<16xi1>, vector<16xi32>
      %swap3A_2367 = arith.constant 6 : i32
      %swap3A_2368 = arith.index_cast %swap3A_2367 : i32 to index
      %swap3A_2369 = arith.constant 0 : index
      %swap3A_2370 = tpu.vector_load %arg14[%swap3A_2368, %swap3A_2369] {strides = array<i32>} : memref<8x128xi32, #tpu.memory_space<vmem>>, vector<16xi32>,
      tpu.vector_store %arg14[%swap3A_2368, %swap3A_2369], %select_n3A_2366 {strides = array<i32>} : memref<8x128xi32, #tpu.memory_space<vmem>>, vector<16xi32>,
      %jit3A_2371 = arith.constant 0.000000e+00 : f32
      %broadcast_in_dim3A_2372 = vector.broadcast %jit3A_2371 : f32 to vector<16xf32>
      %select_n3A_2373 = arith.select %lt3A_2350, %broadcast_in_dim3A_2372, %mul3A_2347 : vector<16xi1>, vector<16xf32>
      %swap3A_2374 = arith.constant 6 : i32
      %swap3A_2375 = arith.index_cast %swap3A_2374 : i32 to index
      %swap3A_2376 = arith.constant 0 : index
      %swap3A_2377 = tpu.vector_load %arg15[%swap3A_2375, %swap3A_2376] {strides = array<i32>} : memref<8x128xf32, #tpu.memory_space<vmem>>, vector<16xf32>,
      tpu.vector_store %arg15[%swap3A_2375, %swap3A_2376], %select_n3A_2373 {strides = array<i32>} : memref<8x128xf32, #tpu.memory_space<vmem>>, vector<16xf32>,
      %get3A_2378 = arith.constant 12 : i32
      %get3A_2379 = arith.index_cast %get3A_2378 : i32 to index
      %get3A_2380 = arith.constant 16 : index
      %get3A_2381 = tpu.vector_load %arg10[%get3A_2379, %get3A_2380] {strides = array<i32>} : memref<16x64xi32, #tpu.memory_space<vmem>>, vector<16xi32>,
      %get3A_2382 = arith.constant 12 : i32
      %get3A_2383 = arith.index_cast %get3A_2382 : i32 to index
      %get3A_2384 = arith.constant 16 : index
      %get3A_2385 = tpu.vector_load %arg11[%get3A_2383, %get3A_2384] {strides = array<i32>} : memref<16x64xf32, #tpu.memory_space<vmem>>, vector<16xf32>,
      %get3A_2386 = arith.constant 6 : i32
      %get3A_2387 = arith.index_cast %get3A_2386 : i32 to index
      %get3A_2388 = arith.constant 16 : index
      %get3A_2389 = tpu.vector_load %arg9[%get3A_2387, %get3A_2388] {strides = array<i32>} : memref<8x128xf32, #tpu.memory_space<vmem>>, vector<16xf32>,
      %mul3A_2390 = arith.mulf %get3A_2385, %get3A_2389 : vector<16xf32>
      %lt3A_2391 = arith.constant 32768 : i32
      %lt3A_2392 = vector.broadcast %lt3A_2391 : i32 to vector<16xi32>
      %lt3A_2393 = arith.cmpi slt, %get3A_2381, %lt3A_2392 : vector<16xi32>
      %select_n3A_2394 = arith.select %lt3A_2393, %get3A_2381, %add3A_275 : vector<16xi1>, vector<16xi32>
      %swap3A_2395 = arith.constant 6 : i32
      %swap3A_2396 = arith.index_cast %swap3A_2395 : i32 to index
      %swap3A_2397 = arith.constant 16 : index
      %swap3A_2398 = tpu.vector_load %arg12[%swap3A_2396, %swap3A_2397] {strides = array<i32>} : memref<8x128xi32, #tpu.memory_space<vmem>>, vector<16xi32>,
      tpu.vector_store %arg12[%swap3A_2396, %swap3A_2397], %select_n3A_2394 {strides = array<i32>} : memref<8x128xi32, #tpu.memory_space<vmem>>, vector<16xi32>,
      %jit3A_2399 = arith.constant 0.000000e+00 : f32
      %broadcast_in_dim3A_2400 = vector.broadcast %jit3A_2399 : f32 to vector<16xf32>
      %select_n3A_2401 = arith.select %lt3A_2393, %mul3A_2390, %broadcast_in_dim3A_2400 : vector<16xi1>, vector<16xf32>
      %swap3A_2402 = arith.constant 6 : i32
      %swap3A_2403 = arith.index_cast %swap3A_2402 : i32 to index
      %swap3A_2404 = arith.constant 16 : index
      %swap3A_2405 = tpu.vector_load %arg13[%swap3A_2403, %swap3A_2404] {strides = array<i32>} : memref<8x128xf32, #tpu.memory_space<vmem>>, vector<16xf32>,
      tpu.vector_store %arg13[%swap3A_2403, %swap3A_2404], %select_n3A_2401 {strides = array<i32>} : memref<8x128xf32, #tpu.memory_space<vmem>>, vector<16xf32>,
      %sub3A_2406 = arith.constant 32768 : i32
      %sub3A_2407 = vector.broadcast %sub3A_2406 : i32 to vector<16xi32>
      %sub3A_2408 = arith.subi %get3A_2381, %sub3A_2407 : vector<16xi32>
      %select_n3A_2409 = arith.select %lt3A_2393, %add3A_275, %sub3A_2408 : vector<16xi1>, vector<16xi32>
      %swap3A_2410 = arith.constant 6 : i32
      %swap3A_2411 = arith.index_cast %swap3A_2410 : i32 to index
      %swap3A_2412 = arith.constant 16 : index
      %swap3A_2413 = tpu.vector_load %arg14[%swap3A_2411, %swap3A_2412] {strides = array<i32>} : memref<8x128xi32, #tpu.memory_space<vmem>>, vector<16xi32>,
      tpu.vector_store %arg14[%swap3A_2411, %swap3A_2412], %select_n3A_2409 {strides = array<i32>} : memref<8x128xi32, #tpu.memory_space<vmem>>, vector<16xi32>,
      %jit3A_2414 = arith.constant 0.000000e+00 : f32
      %broadcast_in_dim3A_2415 = vector.broadcast %jit3A_2414 : f32 to vector<16xf32>
      %select_n3A_2416 = arith.select %lt3A_2393, %broadcast_in_dim3A_2415, %mul3A_2390 : vector<16xi1>, vector<16xf32>
      %swap3A_2417 = arith.constant 6 : i32
      %swap3A_2418 = arith.index_cast %swap3A_2417 : i32 to index
      %swap3A_2419 = arith.constant 16 : index
      %swap3A_2420 = tpu.vector_load %arg15[%swap3A_2418, %swap3A_2419] {strides = array<i32>} : memref<8x128xf32, #tpu.memory_space<vmem>>, vector<16xf32>,
      tpu.vector_store %arg15[%swap3A_2418, %swap3A_2419], %select_n3A_2416 {strides = array<i32>} : memref<8x128xf32, #tpu.memory_space<vmem>>, vector<16xf32>,
      %get3A_2421 = arith.constant 12 : i32
      %get3A_2422 = arith.index_cast %get3A_2421 : i32 to index
      %get3A_2423 = arith.constant 32 : index
      %get3A_2424 = tpu.vector_load %arg10[%get3A_2422, %get3A_2423] {strides = array<i32>} : memref<16x64xi32, #tpu.memory_space<vmem>>, vector<16xi32>,
      %get3A_2425 = arith.constant 12 : i32
      %get3A_2426 = arith.index_cast %get3A_2425 : i32 to index
      %get3A_2427 = arith.constant 32 : index
      %get3A_2428 = tpu.vector_load %arg11[%get3A_2426, %get3A_2427] {strides = array<i32>} : memref<16x64xf32, #tpu.memory_space<vmem>>, vector<16xf32>,
      %get3A_2429 = arith.constant 6 : i32
      %get3A_2430 = arith.index_cast %get3A_2429 : i32 to index
      %get3A_2431 = arith.constant 32 : index
      %get3A_2432 = tpu.vector_load %arg9[%get3A_2430, %get3A_2431] {strides = array<i32>} : memref<8x128xf32, #tpu.memory_space<vmem>>, vector<16xf32>,
      %mul3A_2433 = arith.mulf %get3A_2428, %get3A_2432 : vector<16xf32>
      %lt3A_2434 = arith.constant 32768 : i32
      %lt3A_2435 = vector.broadcast %lt3A_2434 : i32 to vector<16xi32>
      %lt3A_2436 = arith.cmpi slt, %get3A_2424, %lt3A_2435 : vector<16xi32>
      %select_n3A_2437 = arith.select %lt3A_2436, %get3A_2424, %add3A_275 : vector<16xi1>, vector<16xi32>
      %swap3A_2438 = arith.constant 6 : i32
      %swap3A_2439 = arith.index_cast %swap3A_2438 : i32 to index
      %swap3A_2440 = arith.constant 32 : index
      %swap3A_2441 = tpu.vector_load %arg12[%swap3A_2439, %swap3A_2440] {strides = array<i32>} : memref<8x128xi32, #tpu.memory_space<vmem>>, vector<16xi32>,
      tpu.vector_store %arg12[%swap3A_2439, %swap3A_2440], %select_n3A_2437 {strides = array<i32>} : memref<8x128xi32, #tpu.memory_space<vmem>>, vector<16xi32>,
      %jit3A_2442 = arith.constant 0.000000e+00 : f32
      %broadcast_in_dim3A_2443 = vector.broadcast %jit3A_2442 : f32 to vector<16xf32>
      %select_n3A_2444 = arith.select %lt3A_2436, %mul3A_2433, %broadcast_in_dim3A_2443 : vector<16xi1>, vector<16xf32>
      %swap3A_2445 = arith.constant 6 : i32
      %swap3A_2446 = arith.index_cast %swap3A_2445 : i32 to index
      %swap3A_2447 = arith.constant 32 : index
      %swap3A_2448 = tpu.vector_load %arg13[%swap3A_2446, %swap3A_2447] {strides = array<i32>} : memref<8x128xf32, #tpu.memory_space<vmem>>, vector<16xf32>,
      tpu.vector_store %arg13[%swap3A_2446, %swap3A_2447], %select_n3A_2444 {strides = array<i32>} : memref<8x128xf32, #tpu.memory_space<vmem>>, vector<16xf32>,
      %sub3A_2449 = arith.constant 32768 : i32
      %sub3A_2450 = vector.broadcast %sub3A_2449 : i32 to vector<16xi32>
      %sub3A_2451 = arith.subi %get3A_2424, %sub3A_2450 : vector<16xi32>
      %select_n3A_2452 = arith.select %lt3A_2436, %add3A_275, %sub3A_2451 : vector<16xi1>, vector<16xi32>
      %swap3A_2453 = arith.constant 6 : i32
      %swap3A_2454 = arith.index_cast %swap3A_2453 : i32 to index
      %swap3A_2455 = arith.constant 32 : index
      %swap3A_2456 = tpu.vector_load %arg14[%swap3A_2454, %swap3A_2455] {strides = array<i32>} : memref<8x128xi32, #tpu.memory_space<vmem>>, vector<16xi32>,
      tpu.vector_store %arg14[%swap3A_2454, %swap3A_2455], %select_n3A_2452 {strides = array<i32>} : memref<8x128xi32, #tpu.memory_space<vmem>>, vector<16xi32>,
      %jit3A_2457 = arith.constant 0.000000e+00 : f32
      %broadcast_in_dim3A_2458 = vector.broadcast %jit3A_2457 : f32 to vector<16xf32>
      %select_n3A_2459 = arith.select %lt3A_2436, %broadcast_in_dim3A_2458, %mul3A_2433 : vector<16xi1>, vector<16xf32>
      %swap3A_2460 = arith.constant 6 : i32
      %swap3A_2461 = arith.index_cast %swap3A_2460 : i32 to index
      %swap3A_2462 = arith.constant 32 : index
      %swap3A_2463 = tpu.vector_load %arg15[%swap3A_2461, %swap3A_2462] {strides = array<i32>} : memref<8x128xf32, #tpu.memory_space<vmem>>, vector<16xf32>,
      tpu.vector_store %arg15[%swap3A_2461, %swap3A_2462], %select_n3A_2459 {strides = array<i32>} : memref<8x128xf32, #tpu.memory_space<vmem>>, vector<16xf32>,
      %get3A_2464 = arith.constant 12 : i32
      %get3A_2465 = arith.index_cast %get3A_2464 : i32 to index
      %get3A_2466 = arith.constant 48 : index
      %get3A_2467 = tpu.vector_load %arg10[%get3A_2465, %get3A_2466] {strides = array<i32>} : memref<16x64xi32, #tpu.memory_space<vmem>>, vector<16xi32>,
      %get3A_2468 = arith.constant 12 : i32
      %get3A_2469 = arith.index_cast %get3A_2468 : i32 to index
      %get3A_2470 = arith.constant 48 : index
      %get3A_2471 = tpu.vector_load %arg11[%get3A_2469, %get3A_2470] {strides = array<i32>} : memref<16x64xf32, #tpu.memory_space<vmem>>, vector<16xf32>,
      %get3A_2472 = arith.constant 6 : i32
      %get3A_2473 = arith.index_cast %get3A_2472 : i32 to index
      %get3A_2474 = arith.constant 48 : index
      %get3A_2475 = tpu.vector_load %arg9[%get3A_2473, %get3A_2474] {strides = array<i32>} : memref<8x128xf32, #tpu.memory_space<vmem>>, vector<16xf32>,
      %mul3A_2476 = arith.mulf %get3A_2471, %get3A_2475 : vector<16xf32>
      %lt3A_2477 = arith.constant 32768 : i32
      %lt3A_2478 = vector.broadcast %lt3A_2477 : i32 to vector<16xi32>
      %lt3A_2479 = arith.cmpi slt, %get3A_2467, %lt3A_2478 : vector<16xi32>
      %select_n3A_2480 = arith.select %lt3A_2479, %get3A_2467, %add3A_275 : vector<16xi1>, vector<16xi32>
      %swap3A_2481 = arith.constant 6 : i32
      %swap3A_2482 = arith.index_cast %swap3A_2481 : i32 to index
      %swap3A_2483 = arith.constant 48 : index
      %swap3A_2484 = tpu.vector_load %arg12[%swap3A_2482, %swap3A_2483] {strides = array<i32>} : memref<8x128xi32, #tpu.memory_space<vmem>>, vector<16xi32>,
      tpu.vector_store %arg12[%swap3A_2482, %swap3A_2483], %select_n3A_2480 {strides = array<i32>} : memref<8x128xi32, #tpu.memory_space<vmem>>, vector<16xi32>,
      %jit3A_2485 = arith.constant 0.000000e+00 : f32
      %broadcast_in_dim3A_2486 = vector.broadcast %jit3A_2485 : f32 to vector<16xf32>
      %select_n3A_2487 = arith.select %lt3A_2479, %mul3A_2476, %broadcast_in_dim3A_2486 : vector<16xi1>, vector<16xf32>
      %swap3A_2488 = arith.constant 6 : i32
      %swap3A_2489 = arith.index_cast %swap3A_2488 : i32 to index
      %swap3A_2490 = arith.constant 48 : index
      %swap3A_2491 = tpu.vector_load %arg13[%swap3A_2489, %swap3A_2490] {strides = array<i32>} : memref<8x128xf32, #tpu.memory_space<vmem>>, vector<16xf32>,
      tpu.vector_store %arg13[%swap3A_2489, %swap3A_2490], %select_n3A_2487 {strides = array<i32>} : memref<8x128xf32, #tpu.memory_space<vmem>>, vector<16xf32>,
      %sub3A_2492 = arith.constant 32768 : i32
      %sub3A_2493 = vector.broadcast %sub3A_2492 : i32 to vector<16xi32>
      %sub3A_2494 = arith.subi %get3A_2467, %sub3A_2493 : vector<16xi32>
      %select_n3A_2495 = arith.select %lt3A_2479, %add3A_275, %sub3A_2494 : vector<16xi1>, vector<16xi32>
      %swap3A_2496 = arith.constant 6 : i32
      %swap3A_2497 = arith.index_cast %swap3A_2496 : i32 to index
      %swap3A_2498 = arith.constant 48 : index
      %swap3A_2499 = tpu.vector_load %arg14[%swap3A_2497, %swap3A_2498] {strides = array<i32>} : memref<8x128xi32, #tpu.memory_space<vmem>>, vector<16xi32>,
      tpu.vector_store %arg14[%swap3A_2497, %swap3A_2498], %select_n3A_2495 {strides = array<i32>} : memref<8x128xi32, #tpu.memory_space<vmem>>, vector<16xi32>,
      %jit3A_2500 = arith.constant 0.000000e+00 : f32
      %broadcast_in_dim3A_2501 = vector.broadcast %jit3A_2500 : f32 to vector<16xf32>
      %select_n3A_2502 = arith.select %lt3A_2479, %broadcast_in_dim3A_2501, %mul3A_2476 : vector<16xi1>, vector<16xf32>
      %swap3A_2503 = arith.constant 6 : i32
      %swap3A_2504 = arith.index_cast %swap3A_2503 : i32 to index
      %swap3A_2505 = arith.constant 48 : index
      %swap3A_2506 = tpu.vector_load %arg15[%swap3A_2504, %swap3A_2505] {strides = array<i32>} : memref<8x128xf32, #tpu.memory_space<vmem>>, vector<16xf32>,
      tpu.vector_store %arg15[%swap3A_2504, %swap3A_2505], %select_n3A_2502 {strides = array<i32>} : memref<8x128xf32, #tpu.memory_space<vmem>>, vector<16xf32>,
      %get3A_2507 = arith.constant 13 : i32
      %get3A_2508 = arith.index_cast %get3A_2507 : i32 to index
      %get3A_2509 = arith.constant 0 : index
      %get3A_2510 = tpu.vector_load %arg10[%get3A_2508, %get3A_2509] {strides = array<i32>} : memref<16x64xi32, #tpu.memory_space<vmem>>, vector<16xi32>,
      %get3A_2511 = arith.constant 13 : i32
      %get3A_2512 = arith.index_cast %get3A_2511 : i32 to index
      %get3A_2513 = arith.constant 0 : index
      %get3A_2514 = tpu.vector_load %arg11[%get3A_2512, %get3A_2513] {strides = array<i32>} : memref<16x64xf32, #tpu.memory_space<vmem>>, vector<16xf32>,
      %get3A_2515 = arith.constant 6 : i32
      %get3A_2516 = arith.index_cast %get3A_2515 : i32 to index
      %get3A_2517 = arith.constant 64 : index
      %get3A_2518 = tpu.vector_load %arg9[%get3A_2516, %get3A_2517] {strides = array<i32>} : memref<8x128xf32, #tpu.memory_space<vmem>>, vector<16xf32>,
      %mul3A_2519 = arith.mulf %get3A_2514, %get3A_2518 : vector<16xf32>
      %lt3A_2520 = arith.constant 32768 : i32
      %lt3A_2521 = vector.broadcast %lt3A_2520 : i32 to vector<16xi32>
      %lt3A_2522 = arith.cmpi slt, %get3A_2510, %lt3A_2521 : vector<16xi32>
      %select_n3A_2523 = arith.select %lt3A_2522, %get3A_2510, %add3A_275 : vector<16xi1>, vector<16xi32>
      %swap3A_2524 = arith.constant 6 : i32
      %swap3A_2525 = arith.index_cast %swap3A_2524 : i32 to index
      %swap3A_2526 = arith.constant 64 : index
      %swap3A_2527 = tpu.vector_load %arg12[%swap3A_2525, %swap3A_2526] {strides = array<i32>} : memref<8x128xi32, #tpu.memory_space<vmem>>, vector<16xi32>,
      tpu.vector_store %arg12[%swap3A_2525, %swap3A_2526], %select_n3A_2523 {strides = array<i32>} : memref<8x128xi32, #tpu.memory_space<vmem>>, vector<16xi32>,
      %jit3A_2528 = arith.constant 0.000000e+00 : f32
      %broadcast_in_dim3A_2529 = vector.broadcast %jit3A_2528 : f32 to vector<16xf32>
      %select_n3A_2530 = arith.select %lt3A_2522, %mul3A_2519, %broadcast_in_dim3A_2529 : vector<16xi1>, vector<16xf32>
      %swap3A_2531 = arith.constant 6 : i32
      %swap3A_2532 = arith.index_cast %swap3A_2531 : i32 to index
      %swap3A_2533 = arith.constant 64 : index
      %swap3A_2534 = tpu.vector_load %arg13[%swap3A_2532, %swap3A_2533] {strides = array<i32>} : memref<8x128xf32, #tpu.memory_space<vmem>>, vector<16xf32>,
      tpu.vector_store %arg13[%swap3A_2532, %swap3A_2533], %select_n3A_2530 {strides = array<i32>} : memref<8x128xf32, #tpu.memory_space<vmem>>, vector<16xf32>,
      %sub3A_2535 = arith.constant 32768 : i32
      %sub3A_2536 = vector.broadcast %sub3A_2535 : i32 to vector<16xi32>
      %sub3A_2537 = arith.subi %get3A_2510, %sub3A_2536 : vector<16xi32>
      %select_n3A_2538 = arith.select %lt3A_2522, %add3A_275, %sub3A_2537 : vector<16xi1>, vector<16xi32>
      %swap3A_2539 = arith.constant 6 : i32
      %swap3A_2540 = arith.index_cast %swap3A_2539 : i32 to index
      %swap3A_2541 = arith.constant 64 : index
      %swap3A_2542 = tpu.vector_load %arg14[%swap3A_2540, %swap3A_2541] {strides = array<i32>} : memref<8x128xi32, #tpu.memory_space<vmem>>, vector<16xi32>,
      tpu.vector_store %arg14[%swap3A_2540, %swap3A_2541], %select_n3A_2538 {strides = array<i32>} : memref<8x128xi32, #tpu.memory_space<vmem>>, vector<16xi32>,
      %jit3A_2543 = arith.constant 0.000000e+00 : f32
      %broadcast_in_dim3A_2544 = vector.broadcast %jit3A_2543 : f32 to vector<16xf32>
      %select_n3A_2545 = arith.select %lt3A_2522, %broadcast_in_dim3A_2544, %mul3A_2519 : vector<16xi1>, vector<16xf32>
      %swap3A_2546 = arith.constant 6 : i32
      %swap3A_2547 = arith.index_cast %swap3A_2546 : i32 to index
      %swap3A_2548 = arith.constant 64 : index
      %swap3A_2549 = tpu.vector_load %arg15[%swap3A_2547, %swap3A_2548] {strides = array<i32>} : memref<8x128xf32, #tpu.memory_space<vmem>>, vector<16xf32>,
      tpu.vector_store %arg15[%swap3A_2547, %swap3A_2548], %select_n3A_2545 {strides = array<i32>} : memref<8x128xf32, #tpu.memory_space<vmem>>, vector<16xf32>,
      %get3A_2550 = arith.constant 13 : i32
      %get3A_2551 = arith.index_cast %get3A_2550 : i32 to index
      %get3A_2552 = arith.constant 16 : index
      %get3A_2553 = tpu.vector_load %arg10[%get3A_2551, %get3A_2552] {strides = array<i32>} : memref<16x64xi32, #tpu.memory_space<vmem>>, vector<16xi32>,
      %get3A_2554 = arith.constant 13 : i32
      %get3A_2555 = arith.index_cast %get3A_2554 : i32 to index
      %get3A_2556 = arith.constant 16 : index
      %get3A_2557 = tpu.vector_load %arg11[%get3A_2555, %get3A_2556] {strides = array<i32>} : memref<16x64xf32, #tpu.memory_space<vmem>>, vector<16xf32>,
      %get3A_2558 = arith.constant 6 : i32
      %get3A_2559 = arith.index_cast %get3A_2558 : i32 to index
      %get3A_2560 = arith.constant 80 : index
      %get3A_2561 = tpu.vector_load %arg9[%get3A_2559, %get3A_2560] {strides = array<i32>} : memref<8x128xf32, #tpu.memory_space<vmem>>, vector<16xf32>,
      %mul3A_2562 = arith.mulf %get3A_2557, %get3A_2561 : vector<16xf32>
      %lt3A_2563 = arith.constant 32768 : i32
      %lt3A_2564 = vector.broadcast %lt3A_2563 : i32 to vector<16xi32>
      %lt3A_2565 = arith.cmpi slt, %get3A_2553, %lt3A_2564 : vector<16xi32>
      %select_n3A_2566 = arith.select %lt3A_2565, %get3A_2553, %add3A_275 : vector<16xi1>, vector<16xi32>
      %swap3A_2567 = arith.constant 6 : i32
      %swap3A_2568 = arith.index_cast %swap3A_2567 : i32 to index
      %swap3A_2569 = arith.constant 80 : index
      %swap3A_2570 = tpu.vector_load %arg12[%swap3A_2568, %swap3A_2569] {strides = array<i32>} : memref<8x128xi32, #tpu.memory_space<vmem>>, vector<16xi32>,
      tpu.vector_store %arg12[%swap3A_2568, %swap3A_2569], %select_n3A_2566 {strides = array<i32>} : memref<8x128xi32, #tpu.memory_space<vmem>>, vector<16xi32>,
      %jit3A_2571 = arith.constant 0.000000e+00 : f32
      %broadcast_in_dim3A_2572 = vector.broadcast %jit3A_2571 : f32 to vector<16xf32>
      %select_n3A_2573 = arith.select %lt3A_2565, %mul3A_2562, %broadcast_in_dim3A_2572 : vector<16xi1>, vector<16xf32>
      %swap3A_2574 = arith.constant 6 : i32
      %swap3A_2575 = arith.index_cast %swap3A_2574 : i32 to index
      %swap3A_2576 = arith.constant 80 : index
      %swap3A_2577 = tpu.vector_load %arg13[%swap3A_2575, %swap3A_2576] {strides = array<i32>} : memref<8x128xf32, #tpu.memory_space<vmem>>, vector<16xf32>,
      tpu.vector_store %arg13[%swap3A_2575, %swap3A_2576], %select_n3A_2573 {strides = array<i32>} : memref<8x128xf32, #tpu.memory_space<vmem>>, vector<16xf32>,
      %sub3A_2578 = arith.constant 32768 : i32
      %sub3A_2579 = vector.broadcast %sub3A_2578 : i32 to vector<16xi32>
      %sub3A_2580 = arith.subi %get3A_2553, %sub3A_2579 : vector<16xi32>
      %select_n3A_2581 = arith.select %lt3A_2565, %add3A_275, %sub3A_2580 : vector<16xi1>, vector<16xi32>
      %swap3A_2582 = arith.constant 6 : i32
      %swap3A_2583 = arith.index_cast %swap3A_2582 : i32 to index
      %swap3A_2584 = arith.constant 80 : index
      %swap3A_2585 = tpu.vector_load %arg14[%swap3A_2583, %swap3A_2584] {strides = array<i32>} : memref<8x128xi32, #tpu.memory_space<vmem>>, vector<16xi32>,
      tpu.vector_store %arg14[%swap3A_2583, %swap3A_2584], %select_n3A_2581 {strides = array<i32>} : memref<8x128xi32, #tpu.memory_space<vmem>>, vector<16xi32>,
      %jit3A_2586 = arith.constant 0.000000e+00 : f32
      %broadcast_in_dim3A_2587 = vector.broadcast %jit3A_2586 : f32 to vector<16xf32>
      %select_n3A_2588 = arith.select %lt3A_2565, %broadcast_in_dim3A_2587, %mul3A_2562 : vector<16xi1>, vector<16xf32>
      %swap3A_2589 = arith.constant 6 : i32
      %swap3A_2590 = arith.index_cast %swap3A_2589 : i32 to index
      %swap3A_2591 = arith.constant 80 : index
      %swap3A_2592 = tpu.vector_load %arg15[%swap3A_2590, %swap3A_2591] {strides = array<i32>} : memref<8x128xf32, #tpu.memory_space<vmem>>, vector<16xf32>,
      tpu.vector_store %arg15[%swap3A_2590, %swap3A_2591], %select_n3A_2588 {strides = array<i32>} : memref<8x128xf32, #tpu.memory_space<vmem>>, vector<16xf32>,
      %get3A_2593 = arith.constant 13 : i32
      %get3A_2594 = arith.index_cast %get3A_2593 : i32 to index
      %get3A_2595 = arith.constant 32 : index
      %get3A_2596 = tpu.vector_load %arg10[%get3A_2594, %get3A_2595] {strides = array<i32>} : memref<16x64xi32, #tpu.memory_space<vmem>>, vector<16xi32>,
      %get3A_2597 = arith.constant 13 : i32
      %get3A_2598 = arith.index_cast %get3A_2597 : i32 to index
      %get3A_2599 = arith.constant 32 : index
      %get3A_2600 = tpu.vector_load %arg11[%get3A_2598, %get3A_2599] {strides = array<i32>} : memref<16x64xf32, #tpu.memory_space<vmem>>, vector<16xf32>,
      %get3A_2601 = arith.constant 6 : i32
      %get3A_2602 = arith.index_cast %get3A_2601 : i32 to index
      %get3A_2603 = arith.constant 96 : index
      %get3A_2604 = tpu.vector_load %arg9[%get3A_2602, %get3A_2603] {strides = array<i32>} : memref<8x128xf32, #tpu.memory_space<vmem>>, vector<16xf32>,
      %mul3A_2605 = arith.mulf %get3A_2600, %get3A_2604 : vector<16xf32>
      %lt3A_2606 = arith.constant 32768 : i32
      %lt3A_2607 = vector.broadcast %lt3A_2606 : i32 to vector<16xi32>
      %lt3A_2608 = arith.cmpi slt, %get3A_2596, %lt3A_2607 : vector<16xi32>
      %select_n3A_2609 = arith.select %lt3A_2608, %get3A_2596, %add3A_275 : vector<16xi1>, vector<16xi32>
      %swap3A_2610 = arith.constant 6 : i32
      %swap3A_2611 = arith.index_cast %swap3A_2610 : i32 to index
      %swap3A_2612 = arith.constant 96 : index
      %swap3A_2613 = tpu.vector_load %arg12[%swap3A_2611, %swap3A_2612] {strides = array<i32>} : memref<8x128xi32, #tpu.memory_space<vmem>>, vector<16xi32>,
      tpu.vector_store %arg12[%swap3A_2611, %swap3A_2612], %select_n3A_2609 {strides = array<i32>} : memref<8x128xi32, #tpu.memory_space<vmem>>, vector<16xi32>,
      %jit3A_2614 = arith.constant 0.000000e+00 : f32
      %broadcast_in_dim3A_2615 = vector.broadcast %jit3A_2614 : f32 to vector<16xf32>
      %select_n3A_2616 = arith.select %lt3A_2608, %mul3A_2605, %broadcast_in_dim3A_2615 : vector<16xi1>, vector<16xf32>
      %swap3A_2617 = arith.constant 6 : i32
      %swap3A_2618 = arith.index_cast %swap3A_2617 : i32 to index
      %swap3A_2619 = arith.constant 96 : index
      %swap3A_2620 = tpu.vector_load %arg13[%swap3A_2618, %swap3A_2619] {strides = array<i32>} : memref<8x128xf32, #tpu.memory_space<vmem>>, vector<16xf32>,
      tpu.vector_store %arg13[%swap3A_2618, %swap3A_2619], %select_n3A_2616 {strides = array<i32>} : memref<8x128xf32, #tpu.memory_space<vmem>>, vector<16xf32>,
      %sub3A_2621 = arith.constant 32768 : i32
      %sub3A_2622 = vector.broadcast %sub3A_2621 : i32 to vector<16xi32>
      %sub3A_2623 = arith.subi %get3A_2596, %sub3A_2622 : vector<16xi32>
      %select_n3A_2624 = arith.select %lt3A_2608, %add3A_275, %sub3A_2623 : vector<16xi1>, vector<16xi32>
      %swap3A_2625 = arith.constant 6 : i32
      %swap3A_2626 = arith.index_cast %swap3A_2625 : i32 to index
      %swap3A_2627 = arith.constant 96 : index
      %swap3A_2628 = tpu.vector_load %arg14[%swap3A_2626, %swap3A_2627] {strides = array<i32>} : memref<8x128xi32, #tpu.memory_space<vmem>>, vector<16xi32>,
      tpu.vector_store %arg14[%swap3A_2626, %swap3A_2627], %select_n3A_2624 {strides = array<i32>} : memref<8x128xi32, #tpu.memory_space<vmem>>, vector<16xi32>,
      %jit3A_2629 = arith.constant 0.000000e+00 : f32
      %broadcast_in_dim3A_2630 = vector.broadcast %jit3A_2629 : f32 to vector<16xf32>
      %select_n3A_2631 = arith.select %lt3A_2608, %broadcast_in_dim3A_2630, %mul3A_2605 : vector<16xi1>, vector<16xf32>
      %swap3A_2632 = arith.constant 6 : i32
      %swap3A_2633 = arith.index_cast %swap3A_2632 : i32 to index
      %swap3A_2634 = arith.constant 96 : index
      %swap3A_2635 = tpu.vector_load %arg15[%swap3A_2633, %swap3A_2634] {strides = array<i32>} : memref<8x128xf32, #tpu.memory_space<vmem>>, vector<16xf32>,
      tpu.vector_store %arg15[%swap3A_2633, %swap3A_2634], %select_n3A_2631 {strides = array<i32>} : memref<8x128xf32, #tpu.memory_space<vmem>>, vector<16xf32>,
      %get3A_2636 = arith.constant 13 : i32
      %get3A_2637 = arith.index_cast %get3A_2636 : i32 to index
      %get3A_2638 = arith.constant 48 : index
      %get3A_2639 = tpu.vector_load %arg10[%get3A_2637, %get3A_2638] {strides = array<i32>} : memref<16x64xi32, #tpu.memory_space<vmem>>, vector<16xi32>,
      %get3A_2640 = arith.constant 13 : i32
      %get3A_2641 = arith.index_cast %get3A_2640 : i32 to index
      %get3A_2642 = arith.constant 48 : index
      %get3A_2643 = tpu.vector_load %arg11[%get3A_2641, %get3A_2642] {strides = array<i32>} : memref<16x64xf32, #tpu.memory_space<vmem>>, vector<16xf32>,
      %get3A_2644 = arith.constant 6 : i32
      %get3A_2645 = arith.index_cast %get3A_2644 : i32 to index
      %get3A_2646 = arith.constant 112 : index
      %get3A_2647 = tpu.vector_load %arg9[%get3A_2645, %get3A_2646] {strides = array<i32>} : memref<8x128xf32, #tpu.memory_space<vmem>>, vector<16xf32>,
      %mul3A_2648 = arith.mulf %get3A_2643, %get3A_2647 : vector<16xf32>
      %lt3A_2649 = arith.constant 32768 : i32
      %lt3A_2650 = vector.broadcast %lt3A_2649 : i32 to vector<16xi32>
      %lt3A_2651 = arith.cmpi slt, %get3A_2639, %lt3A_2650 : vector<16xi32>
      %select_n3A_2652 = arith.select %lt3A_2651, %get3A_2639, %add3A_275 : vector<16xi1>, vector<16xi32>
      %swap3A_2653 = arith.constant 6 : i32
      %swap3A_2654 = arith.index_cast %swap3A_2653 : i32 to index
      %swap3A_2655 = arith.constant 112 : index
      %swap3A_2656 = tpu.vector_load %arg12[%swap3A_2654, %swap3A_2655] {strides = array<i32>} : memref<8x128xi32, #tpu.memory_space<vmem>>, vector<16xi32>,
      tpu.vector_store %arg12[%swap3A_2654, %swap3A_2655], %select_n3A_2652 {strides = array<i32>} : memref<8x128xi32, #tpu.memory_space<vmem>>, vector<16xi32>,
      %jit3A_2657 = arith.constant 0.000000e+00 : f32
      %broadcast_in_dim3A_2658 = vector.broadcast %jit3A_2657 : f32 to vector<16xf32>
      %select_n3A_2659 = arith.select %lt3A_2651, %mul3A_2648, %broadcast_in_dim3A_2658 : vector<16xi1>, vector<16xf32>
      %swap3A_2660 = arith.constant 6 : i32
      %swap3A_2661 = arith.index_cast %swap3A_2660 : i32 to index
      %swap3A_2662 = arith.constant 112 : index
      %swap3A_2663 = tpu.vector_load %arg13[%swap3A_2661, %swap3A_2662] {strides = array<i32>} : memref<8x128xf32, #tpu.memory_space<vmem>>, vector<16xf32>,
      tpu.vector_store %arg13[%swap3A_2661, %swap3A_2662], %select_n3A_2659 {strides = array<i32>} : memref<8x128xf32, #tpu.memory_space<vmem>>, vector<16xf32>,
      %sub3A_2664 = arith.constant 32768 : i32
      %sub3A_2665 = vector.broadcast %sub3A_2664 : i32 to vector<16xi32>
      %sub3A_2666 = arith.subi %get3A_2639, %sub3A_2665 : vector<16xi32>
      %select_n3A_2667 = arith.select %lt3A_2651, %add3A_275, %sub3A_2666 : vector<16xi1>, vector<16xi32>
      %swap3A_2668 = arith.constant 6 : i32
      %swap3A_2669 = arith.index_cast %swap3A_2668 : i32 to index
      %swap3A_2670 = arith.constant 112 : index
      %swap3A_2671 = tpu.vector_load %arg14[%swap3A_2669, %swap3A_2670] {strides = array<i32>} : memref<8x128xi32, #tpu.memory_space<vmem>>, vector<16xi32>,
      tpu.vector_store %arg14[%swap3A_2669, %swap3A_2670], %select_n3A_2667 {strides = array<i32>} : memref<8x128xi32, #tpu.memory_space<vmem>>, vector<16xi32>,
      %jit3A_2672 = arith.constant 0.000000e+00 : f32
      %broadcast_in_dim3A_2673 = vector.broadcast %jit3A_2672 : f32 to vector<16xf32>
      %select_n3A_2674 = arith.select %lt3A_2651, %broadcast_in_dim3A_2673, %mul3A_2648 : vector<16xi1>, vector<16xf32>
      %swap3A_2675 = arith.constant 6 : i32
      %swap3A_2676 = arith.index_cast %swap3A_2675 : i32 to index
      %swap3A_2677 = arith.constant 112 : index
      %swap3A_2678 = tpu.vector_load %arg15[%swap3A_2676, %swap3A_2677] {strides = array<i32>} : memref<8x128xf32, #tpu.memory_space<vmem>>, vector<16xf32>,
      tpu.vector_store %arg15[%swap3A_2676, %swap3A_2677], %select_n3A_2674 {strides = array<i32>} : memref<8x128xf32, #tpu.memory_space<vmem>>, vector<16xf32>,
      %get3A_2679 = arith.constant 14 : i32
      %get3A_2680 = arith.index_cast %get3A_2679 : i32 to index
      %get3A_2681 = arith.constant 0 : index
      %get3A_2682 = tpu.vector_load %arg10[%get3A_2680, %get3A_2681] {strides = array<i32>} : memref<16x64xi32, #tpu.memory_space<vmem>>, vector<16xi32>,
      %get3A_2683 = arith.constant 14 : i32
      %get3A_2684 = arith.index_cast %get3A_2683 : i32 to index
      %get3A_2685 = arith.constant 0 : index
      %get3A_2686 = tpu.vector_load %arg11[%get3A_2684, %get3A_2685] {strides = array<i32>} : memref<16x64xf32, #tpu.memory_space<vmem>>, vector<16xf32>,
      %get3A_2687 = arith.constant 7 : i32
      %get3A_2688 = arith.index_cast %get3A_2687 : i32 to index
      %get3A_2689 = arith.constant 0 : index
      %get3A_2690 = tpu.vector_load %arg9[%get3A_2688, %get3A_2689] {strides = array<i32>} : memref<8x128xf32, #tpu.memory_space<vmem>>, vector<16xf32>,
      %mul3A_2691 = arith.mulf %get3A_2686, %get3A_2690 : vector<16xf32>
      %lt3A_2692 = arith.constant 32768 : i32
      %lt3A_2693 = vector.broadcast %lt3A_2692 : i32 to vector<16xi32>
      %lt3A_2694 = arith.cmpi slt, %get3A_2682, %lt3A_2693 : vector<16xi32>
      %select_n3A_2695 = arith.select %lt3A_2694, %get3A_2682, %add3A_275 : vector<16xi1>, vector<16xi32>
      %swap3A_2696 = arith.constant 7 : i32
      %swap3A_2697 = arith.index_cast %swap3A_2696 : i32 to index
      %swap3A_2698 = arith.constant 0 : index
      %swap3A_2699 = tpu.vector_load %arg12[%swap3A_2697, %swap3A_2698] {strides = array<i32>} : memref<8x128xi32, #tpu.memory_space<vmem>>, vector<16xi32>,
      tpu.vector_store %arg12[%swap3A_2697, %swap3A_2698], %select_n3A_2695 {strides = array<i32>} : memref<8x128xi32, #tpu.memory_space<vmem>>, vector<16xi32>,
      %jit3A_2700 = arith.constant 0.000000e+00 : f32
      %broadcast_in_dim3A_2701 = vector.broadcast %jit3A_2700 : f32 to vector<16xf32>
      %select_n3A_2702 = arith.select %lt3A_2694, %mul3A_2691, %broadcast_in_dim3A_2701 : vector<16xi1>, vector<16xf32>
      %swap3A_2703 = arith.constant 7 : i32
      %swap3A_2704 = arith.index_cast %swap3A_2703 : i32 to index
      %swap3A_2705 = arith.constant 0 : index
      %swap3A_2706 = tpu.vector_load %arg13[%swap3A_2704, %swap3A_2705] {strides = array<i32>} : memref<8x128xf32, #tpu.memory_space<vmem>>, vector<16xf32>,
      tpu.vector_store %arg13[%swap3A_2704, %swap3A_2705], %select_n3A_2702 {strides = array<i32>} : memref<8x128xf32, #tpu.memory_space<vmem>>, vector<16xf32>,
      %sub3A_2707 = arith.constant 32768 : i32
      %sub3A_2708 = vector.broadcast %sub3A_2707 : i32 to vector<16xi32>
      %sub3A_2709 = arith.subi %get3A_2682, %sub3A_2708 : vector<16xi32>
      %select_n3A_2710 = arith.select %lt3A_2694, %add3A_275, %sub3A_2709 : vector<16xi1>, vector<16xi32>
      %swap3A_2711 = arith.constant 7 : i32
      %swap3A_2712 = arith.index_cast %swap3A_2711 : i32 to index
      %swap3A_2713 = arith.constant 0 : index
      %swap3A_2714 = tpu.vector_load %arg14[%swap3A_2712, %swap3A_2713] {strides = array<i32>} : memref<8x128xi32, #tpu.memory_space<vmem>>, vector<16xi32>,
      tpu.vector_store %arg14[%swap3A_2712, %swap3A_2713], %select_n3A_2710 {strides = array<i32>} : memref<8x128xi32, #tpu.memory_space<vmem>>, vector<16xi32>,
      %jit3A_2715 = arith.constant 0.000000e+00 : f32
      %broadcast_in_dim3A_2716 = vector.broadcast %jit3A_2715 : f32 to vector<16xf32>
      %select_n3A_2717 = arith.select %lt3A_2694, %broadcast_in_dim3A_2716, %mul3A_2691 : vector<16xi1>, vector<16xf32>
      %swap3A_2718 = arith.constant 7 : i32
      %swap3A_2719 = arith.index_cast %swap3A_2718 : i32 to index
      %swap3A_2720 = arith.constant 0 : index
      %swap3A_2721 = tpu.vector_load %arg15[%swap3A_2719, %swap3A_2720] {strides = array<i32>} : memref<8x128xf32, #tpu.memory_space<vmem>>, vector<16xf32>,
      tpu.vector_store %arg15[%swap3A_2719, %swap3A_2720], %select_n3A_2717 {strides = array<i32>} : memref<8x128xf32, #tpu.memory_space<vmem>>, vector<16xf32>,
      %get3A_2722 = arith.constant 14 : i32
      %get3A_2723 = arith.index_cast %get3A_2722 : i32 to index
      %get3A_2724 = arith.constant 16 : index
      %get3A_2725 = tpu.vector_load %arg10[%get3A_2723, %get3A_2724] {strides = array<i32>} : memref<16x64xi32, #tpu.memory_space<vmem>>, vector<16xi32>,
      %get3A_2726 = arith.constant 14 : i32
      %get3A_2727 = arith.index_cast %get3A_2726 : i32 to index
      %get3A_2728 = arith.constant 16 : index
      %get3A_2729 = tpu.vector_load %arg11[%get3A_2727, %get3A_2728] {strides = array<i32>} : memref<16x64xf32, #tpu.memory_space<vmem>>, vector<16xf32>,
      %get3A_2730 = arith.constant 7 : i32
      %get3A_2731 = arith.index_cast %get3A_2730 : i32 to index
      %get3A_2732 = arith.constant 16 : index
      %get3A_2733 = tpu.vector_load %arg9[%get3A_2731, %get3A_2732] {strides = array<i32>} : memref<8x128xf32, #tpu.memory_space<vmem>>, vector<16xf32>,
      %mul3A_2734 = arith.mulf %get3A_2729, %get3A_2733 : vector<16xf32>
      %lt3A_2735 = arith.constant 32768 : i32
      %lt3A_2736 = vector.broadcast %lt3A_2735 : i32 to vector<16xi32>
      %lt3A_2737 = arith.cmpi slt, %get3A_2725, %lt3A_2736 : vector<16xi32>
      %select_n3A_2738 = arith.select %lt3A_2737, %get3A_2725, %add3A_275 : vector<16xi1>, vector<16xi32>
      %swap3A_2739 = arith.constant 7 : i32
      %swap3A_2740 = arith.index_cast %swap3A_2739 : i32 to index
      %swap3A_2741 = arith.constant 16 : index
      %swap3A_2742 = tpu.vector_load %arg12[%swap3A_2740, %swap3A_2741] {strides = array<i32>} : memref<8x128xi32, #tpu.memory_space<vmem>>, vector<16xi32>,
      tpu.vector_store %arg12[%swap3A_2740, %swap3A_2741], %select_n3A_2738 {strides = array<i32>} : memref<8x128xi32, #tpu.memory_space<vmem>>, vector<16xi32>,
      %jit3A_2743 = arith.constant 0.000000e+00 : f32
      %broadcast_in_dim3A_2744 = vector.broadcast %jit3A_2743 : f32 to vector<16xf32>
      %select_n3A_2745 = arith.select %lt3A_2737, %mul3A_2734, %broadcast_in_dim3A_2744 : vector<16xi1>, vector<16xf32>
      %swap3A_2746 = arith.constant 7 : i32
      %swap3A_2747 = arith.index_cast %swap3A_2746 : i32 to index
      %swap3A_2748 = arith.constant 16 : index
      %swap3A_2749 = tpu.vector_load %arg13[%swap3A_2747, %swap3A_2748] {strides = array<i32>} : memref<8x128xf32, #tpu.memory_space<vmem>>, vector<16xf32>,
      tpu.vector_store %arg13[%swap3A_2747, %swap3A_2748], %select_n3A_2745 {strides = array<i32>} : memref<8x128xf32, #tpu.memory_space<vmem>>, vector<16xf32>,
      %sub3A_2750 = arith.constant 32768 : i32
      %sub3A_2751 = vector.broadcast %sub3A_2750 : i32 to vector<16xi32>
      %sub3A_2752 = arith.subi %get3A_2725, %sub3A_2751 : vector<16xi32>
      %select_n3A_2753 = arith.select %lt3A_2737, %add3A_275, %sub3A_2752 : vector<16xi1>, vector<16xi32>
      %swap3A_2754 = arith.constant 7 : i32
      %swap3A_2755 = arith.index_cast %swap3A_2754 : i32 to index
      %swap3A_2756 = arith.constant 16 : index
      %swap3A_2757 = tpu.vector_load %arg14[%swap3A_2755, %swap3A_2756] {strides = array<i32>} : memref<8x128xi32, #tpu.memory_space<vmem>>, vector<16xi32>,
      tpu.vector_store %arg14[%swap3A_2755, %swap3A_2756], %select_n3A_2753 {strides = array<i32>} : memref<8x128xi32, #tpu.memory_space<vmem>>, vector<16xi32>,
      %jit3A_2758 = arith.constant 0.000000e+00 : f32
      %broadcast_in_dim3A_2759 = vector.broadcast %jit3A_2758 : f32 to vector<16xf32>
      %select_n3A_2760 = arith.select %lt3A_2737, %broadcast_in_dim3A_2759, %mul3A_2734 : vector<16xi1>, vector<16xf32>
      %swap3A_2761 = arith.constant 7 : i32
      %swap3A_2762 = arith.index_cast %swap3A_2761 : i32 to index
      %swap3A_2763 = arith.constant 16 : index
      %swap3A_2764 = tpu.vector_load %arg15[%swap3A_2762, %swap3A_2763] {strides = array<i32>} : memref<8x128xf32, #tpu.memory_space<vmem>>, vector<16xf32>,
      tpu.vector_store %arg15[%swap3A_2762, %swap3A_2763], %select_n3A_2760 {strides = array<i32>} : memref<8x128xf32, #tpu.memory_space<vmem>>, vector<16xf32>,
      %get3A_2765 = arith.constant 14 : i32
      %get3A_2766 = arith.index_cast %get3A_2765 : i32 to index
      %get3A_2767 = arith.constant 32 : index
      %get3A_2768 = tpu.vector_load %arg10[%get3A_2766, %get3A_2767] {strides = array<i32>} : memref<16x64xi32, #tpu.memory_space<vmem>>, vector<16xi32>,
      %get3A_2769 = arith.constant 14 : i32
      %get3A_2770 = arith.index_cast %get3A_2769 : i32 to index
      %get3A_2771 = arith.constant 32 : index
      %get3A_2772 = tpu.vector_load %arg11[%get3A_2770, %get3A_2771] {strides = array<i32>} : memref<16x64xf32, #tpu.memory_space<vmem>>, vector<16xf32>,
      %get3A_2773 = arith.constant 7 : i32
      %get3A_2774 = arith.index_cast %get3A_2773 : i32 to index
      %get3A_2775 = arith.constant 32 : index
      %get3A_2776 = tpu.vector_load %arg9[%get3A_2774, %get3A_2775] {strides = array<i32>} : memref<8x128xf32, #tpu.memory_space<vmem>>, vector<16xf32>,
      %mul3A_2777 = arith.mulf %get3A_2772, %get3A_2776 : vector<16xf32>
      %lt3A_2778 = arith.constant 32768 : i32
      %lt3A_2779 = vector.broadcast %lt3A_2778 : i32 to vector<16xi32>
      %lt3A_2780 = arith.cmpi slt, %get3A_2768, %lt3A_2779 : vector<16xi32>
      %select_n3A_2781 = arith.select %lt3A_2780, %get3A_2768, %add3A_275 : vector<16xi1>, vector<16xi32>
      %swap3A_2782 = arith.constant 7 : i32
      %swap3A_2783 = arith.index_cast %swap3A_2782 : i32 to index
      %swap3A_2784 = arith.constant 32 : index
      %swap3A_2785 = tpu.vector_load %arg12[%swap3A_2783, %swap3A_2784] {strides = array<i32>} : memref<8x128xi32, #tpu.memory_space<vmem>>, vector<16xi32>,
      tpu.vector_store %arg12[%swap3A_2783, %swap3A_2784], %select_n3A_2781 {strides = array<i32>} : memref<8x128xi32, #tpu.memory_space<vmem>>, vector<16xi32>,
      %jit3A_2786 = arith.constant 0.000000e+00 : f32
      %broadcast_in_dim3A_2787 = vector.broadcast %jit3A_2786 : f32 to vector<16xf32>
      %select_n3A_2788 = arith.select %lt3A_2780, %mul3A_2777, %broadcast_in_dim3A_2787 : vector<16xi1>, vector<16xf32>
      %swap3A_2789 = arith.constant 7 : i32
      %swap3A_2790 = arith.index_cast %swap3A_2789 : i32 to index
      %swap3A_2791 = arith.constant 32 : index
      %swap3A_2792 = tpu.vector_load %arg13[%swap3A_2790, %swap3A_2791] {strides = array<i32>} : memref<8x128xf32, #tpu.memory_space<vmem>>, vector<16xf32>,
      tpu.vector_store %arg13[%swap3A_2790, %swap3A_2791], %select_n3A_2788 {strides = array<i32>} : memref<8x128xf32, #tpu.memory_space<vmem>>, vector<16xf32>,
      %sub3A_2793 = arith.constant 32768 : i32
      %sub3A_2794 = vector.broadcast %sub3A_2793 : i32 to vector<16xi32>
      %sub3A_2795 = arith.subi %get3A_2768, %sub3A_2794 : vector<16xi32>
      %select_n3A_2796 = arith.select %lt3A_2780, %add3A_275, %sub3A_2795 : vector<16xi1>, vector<16xi32>
      %swap3A_2797 = arith.constant 7 : i32
      %swap3A_2798 = arith.index_cast %swap3A_2797 : i32 to index
      %swap3A_2799 = arith.constant 32 : index
      %swap3A_2800 = tpu.vector_load %arg14[%swap3A_2798, %swap3A_2799] {strides = array<i32>} : memref<8x128xi32, #tpu.memory_space<vmem>>, vector<16xi32>,
      tpu.vector_store %arg14[%swap3A_2798, %swap3A_2799], %select_n3A_2796 {strides = array<i32>} : memref<8x128xi32, #tpu.memory_space<vmem>>, vector<16xi32>,
      %jit3A_2801 = arith.constant 0.000000e+00 : f32
      %broadcast_in_dim3A_2802 = vector.broadcast %jit3A_2801 : f32 to vector<16xf32>
      %select_n3A_2803 = arith.select %lt3A_2780, %broadcast_in_dim3A_2802, %mul3A_2777 : vector<16xi1>, vector<16xf32>
      %swap3A_2804 = arith.constant 7 : i32
      %swap3A_2805 = arith.index_cast %swap3A_2804 : i32 to index
      %swap3A_2806 = arith.constant 32 : index
      %swap3A_2807 = tpu.vector_load %arg15[%swap3A_2805, %swap3A_2806] {strides = array<i32>} : memref<8x128xf32, #tpu.memory_space<vmem>>, vector<16xf32>,
      tpu.vector_store %arg15[%swap3A_2805, %swap3A_2806], %select_n3A_2803 {strides = array<i32>} : memref<8x128xf32, #tpu.memory_space<vmem>>, vector<16xf32>,
      %get3A_2808 = arith.constant 14 : i32
      %get3A_2809 = arith.index_cast %get3A_2808 : i32 to index
      %get3A_2810 = arith.constant 48 : index
      %get3A_2811 = tpu.vector_load %arg10[%get3A_2809, %get3A_2810] {strides = array<i32>} : memref<16x64xi32, #tpu.memory_space<vmem>>, vector<16xi32>,
      %get3A_2812 = arith.constant 14 : i32
      %get3A_2813 = arith.index_cast %get3A_2812 : i32 to index
      %get3A_2814 = arith.constant 48 : index
      %get3A_2815 = tpu.vector_load %arg11[%get3A_2813, %get3A_2814] {strides = array<i32>} : memref<16x64xf32, #tpu.memory_space<vmem>>, vector<16xf32>,
      %get3A_2816 = arith.constant 7 : i32
      %get3A_2817 = arith.index_cast %get3A_2816 : i32 to index
      %get3A_2818 = arith.constant 48 : index
      %get3A_2819 = tpu.vector_load %arg9[%get3A_2817, %get3A_2818] {strides = array<i32>} : memref<8x128xf32, #tpu.memory_space<vmem>>, vector<16xf32>,
      %mul3A_2820 = arith.mulf %get3A_2815, %get3A_2819 : vector<16xf32>
      %lt3A_2821 = arith.constant 32768 : i32
      %lt3A_2822 = vector.broadcast %lt3A_2821 : i32 to vector<16xi32>
      %lt3A_2823 = arith.cmpi slt, %get3A_2811, %lt3A_2822 : vector<16xi32>
      %select_n3A_2824 = arith.select %lt3A_2823, %get3A_2811, %add3A_275 : vector<16xi1>, vector<16xi32>
      %swap3A_2825 = arith.constant 7 : i32
      %swap3A_2826 = arith.index_cast %swap3A_2825 : i32 to index
      %swap3A_2827 = arith.constant 48 : index
      %swap3A_2828 = tpu.vector_load %arg12[%swap3A_2826, %swap3A_2827] {strides = array<i32>} : memref<8x128xi32, #tpu.memory_space<vmem>>, vector<16xi32>,
      tpu.vector_store %arg12[%swap3A_2826, %swap3A_2827], %select_n3A_2824 {strides = array<i32>} : memref<8x128xi32, #tpu.memory_space<vmem>>, vector<16xi32>,
      %jit3A_2829 = arith.constant 0.000000e+00 : f32
      %broadcast_in_dim3A_2830 = vector.broadcast %jit3A_2829 : f32 to vector<16xf32>
      %select_n3A_2831 = arith.select %lt3A_2823, %mul3A_2820, %broadcast_in_dim3A_2830 : vector<16xi1>, vector<16xf32>
      %swap3A_2832 = arith.constant 7 : i32
      %swap3A_2833 = arith.index_cast %swap3A_2832 : i32 to index
      %swap3A_2834 = arith.constant 48 : index
      %swap3A_2835 = tpu.vector_load %arg13[%swap3A_2833, %swap3A_2834] {strides = array<i32>} : memref<8x128xf32, #tpu.memory_space<vmem>>, vector<16xf32>,
      tpu.vector_store %arg13[%swap3A_2833, %swap3A_2834], %select_n3A_2831 {strides = array<i32>} : memref<8x128xf32, #tpu.memory_space<vmem>>, vector<16xf32>,
      %sub3A_2836 = arith.constant 32768 : i32
      %sub3A_2837 = vector.broadcast %sub3A_2836 : i32 to vector<16xi32>
      %sub3A_2838 = arith.subi %get3A_2811, %sub3A_2837 : vector<16xi32>
      %select_n3A_2839 = arith.select %lt3A_2823, %add3A_275, %sub3A_2838 : vector<16xi1>, vector<16xi32>
      %swap3A_2840 = arith.constant 7 : i32
      %swap3A_2841 = arith.index_cast %swap3A_2840 : i32 to index
      %swap3A_2842 = arith.constant 48 : index
      %swap3A_2843 = tpu.vector_load %arg14[%swap3A_2841, %swap3A_2842] {strides = array<i32>} : memref<8x128xi32, #tpu.memory_space<vmem>>, vector<16xi32>,
      tpu.vector_store %arg14[%swap3A_2841, %swap3A_2842], %select_n3A_2839 {strides = array<i32>} : memref<8x128xi32, #tpu.memory_space<vmem>>, vector<16xi32>,
      %jit3A_2844 = arith.constant 0.000000e+00 : f32
      %broadcast_in_dim3A_2845 = vector.broadcast %jit3A_2844 : f32 to vector<16xf32>
      %select_n3A_2846 = arith.select %lt3A_2823, %broadcast_in_dim3A_2845, %mul3A_2820 : vector<16xi1>, vector<16xf32>
      %swap3A_2847 = arith.constant 7 : i32
      %swap3A_2848 = arith.index_cast %swap3A_2847 : i32 to index
      %swap3A_2849 = arith.constant 48 : index
      %swap3A_2850 = tpu.vector_load %arg15[%swap3A_2848, %swap3A_2849] {strides = array<i32>} : memref<8x128xf32, #tpu.memory_space<vmem>>, vector<16xf32>,
      tpu.vector_store %arg15[%swap3A_2848, %swap3A_2849], %select_n3A_2846 {strides = array<i32>} : memref<8x128xf32, #tpu.memory_space<vmem>>, vector<16xf32>,
      %get3A_2851 = arith.constant 15 : i32
      %get3A_2852 = arith.index_cast %get3A_2851 : i32 to index
      %get3A_2853 = arith.constant 0 : index
      %get3A_2854 = tpu.vector_load %arg10[%get3A_2852, %get3A_2853] {strides = array<i32>} : memref<16x64xi32, #tpu.memory_space<vmem>>, vector<16xi32>,
      %get3A_2855 = arith.constant 15 : i32
      %get3A_2856 = arith.index_cast %get3A_2855 : i32 to index
      %get3A_2857 = arith.constant 0 : index
      %get3A_2858 = tpu.vector_load %arg11[%get3A_2856, %get3A_2857] {strides = array<i32>} : memref<16x64xf32, #tpu.memory_space<vmem>>, vector<16xf32>,
      %get3A_2859 = arith.constant 7 : i32
      %get3A_2860 = arith.index_cast %get3A_2859 : i32 to index
      %get3A_2861 = arith.constant 64 : index
      %get3A_2862 = tpu.vector_load %arg9[%get3A_2860, %get3A_2861] {strides = array<i32>} : memref<8x128xf32, #tpu.memory_space<vmem>>, vector<16xf32>,
      %mul3A_2863 = arith.mulf %get3A_2858, %get3A_2862 : vector<16xf32>
      %lt3A_2864 = arith.constant 32768 : i32
      %lt3A_2865 = vector.broadcast %lt3A_2864 : i32 to vector<16xi32>
      %lt3A_2866 = arith.cmpi slt, %get3A_2854, %lt3A_2865 : vector<16xi32>
      %select_n3A_2867 = arith.select %lt3A_2866, %get3A_2854, %add3A_275 : vector<16xi1>, vector<16xi32>
      %swap3A_2868 = arith.constant 7 : i32
      %swap3A_2869 = arith.index_cast %swap3A_2868 : i32 to index
      %swap3A_2870 = arith.constant 64 : index
      %swap3A_2871 = tpu.vector_load %arg12[%swap3A_2869, %swap3A_2870] {strides = array<i32>} : memref<8x128xi32, #tpu.memory_space<vmem>>, vector<16xi32>,
      tpu.vector_store %arg12[%swap3A_2869, %swap3A_2870], %select_n3A_2867 {strides = array<i32>} : memref<8x128xi32, #tpu.memory_space<vmem>>, vector<16xi32>,
      %jit3A_2872 = arith.constant 0.000000e+00 : f32
      %broadcast_in_dim3A_2873 = vector.broadcast %jit3A_2872 : f32 to vector<16xf32>
      %select_n3A_2874 = arith.select %lt3A_2866, %mul3A_2863, %broadcast_in_dim3A_2873 : vector<16xi1>, vector<16xf32>
      %swap3A_2875 = arith.constant 7 : i32
      %swap3A_2876 = arith.index_cast %swap3A_2875 : i32 to index
      %swap3A_2877 = arith.constant 64 : index
      %swap3A_2878 = tpu.vector_load %arg13[%swap3A_2876, %swap3A_2877] {strides = array<i32>} : memref<8x128xf32, #tpu.memory_space<vmem>>, vector<16xf32>,
      tpu.vector_store %arg13[%swap3A_2876, %swap3A_2877], %select_n3A_2874 {strides = array<i32>} : memref<8x128xf32, #tpu.memory_space<vmem>>, vector<16xf32>,
      %sub3A_2879 = arith.constant 32768 : i32
      %sub3A_2880 = vector.broadcast %sub3A_2879 : i32 to vector<16xi32>
      %sub3A_2881 = arith.subi %get3A_2854, %sub3A_2880 : vector<16xi32>
      %select_n3A_2882 = arith.select %lt3A_2866, %add3A_275, %sub3A_2881 : vector<16xi1>, vector<16xi32>
      %swap3A_2883 = arith.constant 7 : i32
      %swap3A_2884 = arith.index_cast %swap3A_2883 : i32 to index
      %swap3A_2885 = arith.constant 64 : index
      %swap3A_2886 = tpu.vector_load %arg14[%swap3A_2884, %swap3A_2885] {strides = array<i32>} : memref<8x128xi32, #tpu.memory_space<vmem>>, vector<16xi32>,
      tpu.vector_store %arg14[%swap3A_2884, %swap3A_2885], %select_n3A_2882 {strides = array<i32>} : memref<8x128xi32, #tpu.memory_space<vmem>>, vector<16xi32>,
      %jit3A_2887 = arith.constant 0.000000e+00 : f32
      %broadcast_in_dim3A_2888 = vector.broadcast %jit3A_2887 : f32 to vector<16xf32>
      %select_n3A_2889 = arith.select %lt3A_2866, %broadcast_in_dim3A_2888, %mul3A_2863 : vector<16xi1>, vector<16xf32>
      %swap3A_2890 = arith.constant 7 : i32
      %swap3A_2891 = arith.index_cast %swap3A_2890 : i32 to index
      %swap3A_2892 = arith.constant 64 : index
      %swap3A_2893 = tpu.vector_load %arg15[%swap3A_2891, %swap3A_2892] {strides = array<i32>} : memref<8x128xf32, #tpu.memory_space<vmem>>, vector<16xf32>,
      tpu.vector_store %arg15[%swap3A_2891, %swap3A_2892], %select_n3A_2889 {strides = array<i32>} : memref<8x128xf32, #tpu.memory_space<vmem>>, vector<16xf32>,
      %get3A_2894 = arith.constant 15 : i32
      %get3A_2895 = arith.index_cast %get3A_2894 : i32 to index
      %get3A_2896 = arith.constant 16 : index
      %get3A_2897 = tpu.vector_load %arg10[%get3A_2895, %get3A_2896] {strides = array<i32>} : memref<16x64xi32, #tpu.memory_space<vmem>>, vector<16xi32>,
      %get3A_2898 = arith.constant 15 : i32
      %get3A_2899 = arith.index_cast %get3A_2898 : i32 to index
      %get3A_2900 = arith.constant 16 : index
      %get3A_2901 = tpu.vector_load %arg11[%get3A_2899, %get3A_2900] {strides = array<i32>} : memref<16x64xf32, #tpu.memory_space<vmem>>, vector<16xf32>,
      %get3A_2902 = arith.constant 7 : i32
      %get3A_2903 = arith.index_cast %get3A_2902 : i32 to index
      %get3A_2904 = arith.constant 80 : index
      %get3A_2905 = tpu.vector_load %arg9[%get3A_2903, %get3A_2904] {strides = array<i32>} : memref<8x128xf32, #tpu.memory_space<vmem>>, vector<16xf32>,
      %mul3A_2906 = arith.mulf %get3A_2901, %get3A_2905 : vector<16xf32>
      %lt3A_2907 = arith.constant 32768 : i32
      %lt3A_2908 = vector.broadcast %lt3A_2907 : i32 to vector<16xi32>
      %lt3A_2909 = arith.cmpi slt, %get3A_2897, %lt3A_2908 : vector<16xi32>
      %select_n3A_2910 = arith.select %lt3A_2909, %get3A_2897, %add3A_275 : vector<16xi1>, vector<16xi32>
      %swap3A_2911 = arith.constant 7 : i32
      %swap3A_2912 = arith.index_cast %swap3A_2911 : i32 to index
      %swap3A_2913 = arith.constant 80 : index
      %swap3A_2914 = tpu.vector_load %arg12[%swap3A_2912, %swap3A_2913] {strides = array<i32>} : memref<8x128xi32, #tpu.memory_space<vmem>>, vector<16xi32>,
      tpu.vector_store %arg12[%swap3A_2912, %swap3A_2913], %select_n3A_2910 {strides = array<i32>} : memref<8x128xi32, #tpu.memory_space<vmem>>, vector<16xi32>,
      %jit3A_2915 = arith.constant 0.000000e+00 : f32
      %broadcast_in_dim3A_2916 = vector.broadcast %jit3A_2915 : f32 to vector<16xf32>
      %select_n3A_2917 = arith.select %lt3A_2909, %mul3A_2906, %broadcast_in_dim3A_2916 : vector<16xi1>, vector<16xf32>
      %swap3A_2918 = arith.constant 7 : i32
      %swap3A_2919 = arith.index_cast %swap3A_2918 : i32 to index
      %swap3A_2920 = arith.constant 80 : index
      %swap3A_2921 = tpu.vector_load %arg13[%swap3A_2919, %swap3A_2920] {strides = array<i32>} : memref<8x128xf32, #tpu.memory_space<vmem>>, vector<16xf32>,
      tpu.vector_store %arg13[%swap3A_2919, %swap3A_2920], %select_n3A_2917 {strides = array<i32>} : memref<8x128xf32, #tpu.memory_space<vmem>>, vector<16xf32>,
      %sub3A_2922 = arith.constant 32768 : i32
      %sub3A_2923 = vector.broadcast %sub3A_2922 : i32 to vector<16xi32>
      %sub3A_2924 = arith.subi %get3A_2897, %sub3A_2923 : vector<16xi32>
      %select_n3A_2925 = arith.select %lt3A_2909, %add3A_275, %sub3A_2924 : vector<16xi1>, vector<16xi32>
      %swap3A_2926 = arith.constant 7 : i32
      %swap3A_2927 = arith.index_cast %swap3A_2926 : i32 to index
      %swap3A_2928 = arith.constant 80 : index
      %swap3A_2929 = tpu.vector_load %arg14[%swap3A_2927, %swap3A_2928] {strides = array<i32>} : memref<8x128xi32, #tpu.memory_space<vmem>>, vector<16xi32>,
      tpu.vector_store %arg14[%swap3A_2927, %swap3A_2928], %select_n3A_2925 {strides = array<i32>} : memref<8x128xi32, #tpu.memory_space<vmem>>, vector<16xi32>,
      %jit3A_2930 = arith.constant 0.000000e+00 : f32
      %broadcast_in_dim3A_2931 = vector.broadcast %jit3A_2930 : f32 to vector<16xf32>
      %select_n3A_2932 = arith.select %lt3A_2909, %broadcast_in_dim3A_2931, %mul3A_2906 : vector<16xi1>, vector<16xf32>
      %swap3A_2933 = arith.constant 7 : i32
      %swap3A_2934 = arith.index_cast %swap3A_2933 : i32 to index
      %swap3A_2935 = arith.constant 80 : index
      %swap3A_2936 = tpu.vector_load %arg15[%swap3A_2934, %swap3A_2935] {strides = array<i32>} : memref<8x128xf32, #tpu.memory_space<vmem>>, vector<16xf32>,
      tpu.vector_store %arg15[%swap3A_2934, %swap3A_2935], %select_n3A_2932 {strides = array<i32>} : memref<8x128xf32, #tpu.memory_space<vmem>>, vector<16xf32>,
      %get3A_2937 = arith.constant 15 : i32
      %get3A_2938 = arith.index_cast %get3A_2937 : i32 to index
      %get3A_2939 = arith.constant 32 : index
      %get3A_2940 = tpu.vector_load %arg10[%get3A_2938, %get3A_2939] {strides = array<i32>} : memref<16x64xi32, #tpu.memory_space<vmem>>, vector<16xi32>,
      %get3A_2941 = arith.constant 15 : i32
      %get3A_2942 = arith.index_cast %get3A_2941 : i32 to index
      %get3A_2943 = arith.constant 32 : index
      %get3A_2944 = tpu.vector_load %arg11[%get3A_2942, %get3A_2943] {strides = array<i32>} : memref<16x64xf32, #tpu.memory_space<vmem>>, vector<16xf32>,
      %get3A_2945 = arith.constant 7 : i32
      %get3A_2946 = arith.index_cast %get3A_2945 : i32 to index
      %get3A_2947 = arith.constant 96 : index
      %get3A_2948 = tpu.vector_load %arg9[%get3A_2946, %get3A_2947] {strides = array<i32>} : memref<8x128xf32, #tpu.memory_space<vmem>>, vector<16xf32>,
      %mul3A_2949 = arith.mulf %get3A_2944, %get3A_2948 : vector<16xf32>
      %lt3A_2950 = arith.constant 32768 : i32
      %lt3A_2951 = vector.broadcast %lt3A_2950 : i32 to vector<16xi32>
      %lt3A_2952 = arith.cmpi slt, %get3A_2940, %lt3A_2951 : vector<16xi32>
      %select_n3A_2953 = arith.select %lt3A_2952, %get3A_2940, %add3A_275 : vector<16xi1>, vector<16xi32>
      %swap3A_2954 = arith.constant 7 : i32
      %swap3A_2955 = arith.index_cast %swap3A_2954 : i32 to index
      %swap3A_2956 = arith.constant 96 : index
      %swap3A_2957 = tpu.vector_load %arg12[%swap3A_2955, %swap3A_2956] {strides = array<i32>} : memref<8x128xi32, #tpu.memory_space<vmem>>, vector<16xi32>,
      tpu.vector_store %arg12[%swap3A_2955, %swap3A_2956], %select_n3A_2953 {strides = array<i32>} : memref<8x128xi32, #tpu.memory_space<vmem>>, vector<16xi32>,
      %jit3A_2958 = arith.constant 0.000000e+00 : f32
      %broadcast_in_dim3A_2959 = vector.broadcast %jit3A_2958 : f32 to vector<16xf32>
      %select_n3A_2960 = arith.select %lt3A_2952, %mul3A_2949, %broadcast_in_dim3A_2959 : vector<16xi1>, vector<16xf32>
      %swap3A_2961 = arith.constant 7 : i32
      %swap3A_2962 = arith.index_cast %swap3A_2961 : i32 to index
      %swap3A_2963 = arith.constant 96 : index
      %swap3A_2964 = tpu.vector_load %arg13[%swap3A_2962, %swap3A_2963] {strides = array<i32>} : memref<8x128xf32, #tpu.memory_space<vmem>>, vector<16xf32>,
      tpu.vector_store %arg13[%swap3A_2962, %swap3A_2963], %select_n3A_2960 {strides = array<i32>} : memref<8x128xf32, #tpu.memory_space<vmem>>, vector<16xf32>,
      %sub3A_2965 = arith.constant 32768 : i32
      %sub3A_2966 = vector.broadcast %sub3A_2965 : i32 to vector<16xi32>
      %sub3A_2967 = arith.subi %get3A_2940, %sub3A_2966 : vector<16xi32>
      %select_n3A_2968 = arith.select %lt3A_2952, %add3A_275, %sub3A_2967 : vector<16xi1>, vector<16xi32>
      %swap3A_2969 = arith.constant 7 : i32
      %swap3A_2970 = arith.index_cast %swap3A_2969 : i32 to index
      %swap3A_2971 = arith.constant 96 : index
      %swap3A_2972 = tpu.vector_load %arg14[%swap3A_2970, %swap3A_2971] {strides = array<i32>} : memref<8x128xi32, #tpu.memory_space<vmem>>, vector<16xi32>,
      tpu.vector_store %arg14[%swap3A_2970, %swap3A_2971], %select_n3A_2968 {strides = array<i32>} : memref<8x128xi32, #tpu.memory_space<vmem>>, vector<16xi32>,
      %jit3A_2973 = arith.constant 0.000000e+00 : f32
      %broadcast_in_dim3A_2974 = vector.broadcast %jit3A_2973 : f32 to vector<16xf32>
      %select_n3A_2975 = arith.select %lt3A_2952, %broadcast_in_dim3A_2974, %mul3A_2949 : vector<16xi1>, vector<16xf32>
      %swap3A_2976 = arith.constant 7 : i32
      %swap3A_2977 = arith.index_cast %swap3A_2976 : i32 to index
      %swap3A_2978 = arith.constant 96 : index
      %swap3A_2979 = tpu.vector_load %arg15[%swap3A_2977, %swap3A_2978] {strides = array<i32>} : memref<8x128xf32, #tpu.memory_space<vmem>>, vector<16xf32>,
      tpu.vector_store %arg15[%swap3A_2977, %swap3A_2978], %select_n3A_2975 {strides = array<i32>} : memref<8x128xf32, #tpu.memory_space<vmem>>, vector<16xf32>,
      %get3A_2980 = arith.constant 15 : i32
      %get3A_2981 = arith.index_cast %get3A_2980 : i32 to index
      %get3A_2982 = arith.constant 48 : index
      %get3A_2983 = tpu.vector_load %arg10[%get3A_2981, %get3A_2982] {strides = array<i32>} : memref<16x64xi32, #tpu.memory_space<vmem>>, vector<16xi32>,
      %get3A_2984 = arith.constant 15 : i32
      %get3A_2985 = arith.index_cast %get3A_2984 : i32 to index
      %get3A_2986 = arith.constant 48 : index
      %get3A_2987 = tpu.vector_load %arg11[%get3A_2985, %get3A_2986] {strides = array<i32>} : memref<16x64xf32, #tpu.memory_space<vmem>>, vector<16xf32>,
      %get3A_2988 = arith.constant 7 : i32
      %get3A_2989 = arith.index_cast %get3A_2988 : i32 to index
      %get3A_2990 = arith.constant 112 : index
      %get3A_2991 = tpu.vector_load %arg9[%get3A_2989, %get3A_2990] {strides = array<i32>} : memref<8x128xf32, #tpu.memory_space<vmem>>, vector<16xf32>,
      %mul3A_2992 = arith.mulf %get3A_2987, %get3A_2991 : vector<16xf32>
      %lt3A_2993 = arith.constant 32768 : i32
      %lt3A_2994 = vector.broadcast %lt3A_2993 : i32 to vector<16xi32>
      %lt3A_2995 = arith.cmpi slt, %get3A_2983, %lt3A_2994 : vector<16xi32>
      %select_n3A_2996 = arith.select %lt3A_2995, %get3A_2983, %add3A_275 : vector<16xi1>, vector<16xi32>
      %swap3A_2997 = arith.constant 7 : i32
      %swap3A_2998 = arith.index_cast %swap3A_2997 : i32 to index
      %swap3A_2999 = arith.constant 112 : index
      %swap3A_3000 = tpu.vector_load %arg12[%swap3A_2998, %swap3A_2999] {strides = array<i32>} : memref<8x128xi32, #tpu.memory_space<vmem>>, vector<16xi32>,
      tpu.vector_store %arg12[%swap3A_2998, %swap3A_2999], %select_n3A_2996 {strides = array<i32>} : memref<8x128xi32, #tpu.memory_space<vmem>>, vector<16xi32>,
      %jit3A_3001 = arith.constant 0.000000e+00 : f32
      %broadcast_in_dim3A_3002 = vector.broadcast %jit3A_3001 : f32 to vector<16xf32>
      %select_n3A_3003 = arith.select %lt3A_2995, %mul3A_2992, %broadcast_in_dim3A_3002 : vector<16xi1>, vector<16xf32>
      %swap3A_3004 = arith.constant 7 : i32
      %swap3A_3005 = arith.index_cast %swap3A_3004 : i32 to index
      %swap3A_3006 = arith.constant 112 : index
      %swap3A_3007 = tpu.vector_load %arg13[%swap3A_3005, %swap3A_3006] {strides = array<i32>} : memref<8x128xf32, #tpu.memory_space<vmem>>, vector<16xf32>,
      tpu.vector_store %arg13[%swap3A_3005, %swap3A_3006], %select_n3A_3003 {strides = array<i32>} : memref<8x128xf32, #tpu.memory_space<vmem>>, vector<16xf32>,
      %sub3A_3008 = arith.constant 32768 : i32
      %sub3A_3009 = vector.broadcast %sub3A_3008 : i32 to vector<16xi32>
      %sub3A_3010 = arith.subi %get3A_2983, %sub3A_3009 : vector<16xi32>
      %select_n3A_3011 = arith.select %lt3A_2995, %add3A_275, %sub3A_3010 : vector<16xi1>, vector<16xi32>
      %swap3A_3012 = arith.constant 7 : i32
      %swap3A_3013 = arith.index_cast %swap3A_3012 : i32 to index
      %swap3A_3014 = arith.constant 112 : index
      %swap3A_3015 = tpu.vector_load %arg14[%swap3A_3013, %swap3A_3014] {strides = array<i32>} : memref<8x128xi32, #tpu.memory_space<vmem>>, vector<16xi32>,
      tpu.vector_store %arg14[%swap3A_3013, %swap3A_3014], %select_n3A_3011 {strides = array<i32>} : memref<8x128xi32, #tpu.memory_space<vmem>>, vector<16xi32>,
      %jit3A_3016 = arith.constant 0.000000e+00 : f32
      %broadcast_in_dim3A_3017 = vector.broadcast %jit3A_3016 : f32 to vector<16xf32>
      %select_n3A_3018 = arith.select %lt3A_2995, %broadcast_in_dim3A_3017, %mul3A_2992 : vector<16xi1>, vector<16xf32>
      %swap3A_3019 = arith.constant 7 : i32
      %swap3A_3020 = arith.index_cast %swap3A_3019 : i32 to index
      %swap3A_3021 = arith.constant 112 : index
      %swap3A_3022 = tpu.vector_load %arg15[%swap3A_3020, %swap3A_3021] {strides = array<i32>} : memref<8x128xf32, #tpu.memory_space<vmem>>, vector<16xf32>,
      tpu.vector_store %arg15[%swap3A_3020, %swap3A_3021], %select_n3A_3018 {strides = array<i32>} : memref<8x128xf32, #tpu.memory_space<vmem>>, vector<16xf32>,
      %barrier3A = arith.constant 0 : index
      tpu.barrier barrier_id(%barrier3A)
      %run_scoped3A = arith.constant 0 : i32
      %run_scoped3A_3023 = arith.constant 0 : i32
      "tpu.region"() ({
        %run_scoped3A_3096 = tpu.sem_alloc : memref<!tpu.dma_semaphore, #tpu.memory_space<semaphore_mem>>
        %dma_start3A_3097 = arith.constant 0 : i32
        %dma_start3A_3098 = tpu.memref_slice %arg13[%run_scoped3A, %dma_start3A_3097] : memref<8x128xf32, #tpu.memory_space<vmem>> -> memref<1x128xf32, #tpu.memory_space<vmem>>
        %dma_start3A_3099 = tpu.memref_squeeze %dma_start3A_3098 : memref<1x128xf32, #tpu.memory_space<vmem>> -> memref<128xf32, #tpu.memory_space<vmem>>
        %dma_start3A_3100 = arith.constant 0 : i32
        %dma_start3A_3101 = tpu.memref_slice %arg12[%run_scoped3A_3023, %dma_start3A_3100] : memref<8x128xi32, #tpu.memory_space<vmem>> -> memref<1x128xi32, #tpu.memory_space<vmem>>
        %dma_start3A_3102 = tpu.memref_squeeze %dma_start3A_3101 : memref<1x128xi32, #tpu.memory_space<vmem>> -> memref<128xi32, #tpu.memory_space<vmem>>
        %dma_start3A_3103 = arith.constant 0 : i32
        %dma_start3A_3104 = tpu.memref_slice %arg19[%dma_start3A_3103] : memref<32768xf32, #tpu.memory_space<vmem_shared>> -> memref<32768xf32, #tpu.memory_space<vmem_shared>>
        tpu.enqueue_indirect_dma source(%dma_start3A_3099 : memref<128xf32, #tpu.memory_space<vmem>>) target(%dma_start3A_3104 : memref<32768xf32, #tpu.memory_space<vmem_shared>>) offsets(%dma_start3A_3102 : memref<128xi32, #tpu.memory_space<vmem>>) semaphore(%run_scoped3A_3096 : memref<!tpu.dma_semaphore, #tpu.memory_space<semaphore_mem>>) {add = true}
        %dma_wait3A_3105 = arith.constant 0 : i32
        %dma_wait3A_3106 = tpu.memref_slice %arg13[%run_scoped3A, %dma_wait3A_3105] : memref<8x128xf32, #tpu.memory_space<vmem>> -> memref<1x128xf32, #tpu.memory_space<vmem>>
        %dma_wait3A_3107 = tpu.memref_squeeze %dma_wait3A_3106 : memref<1x128xf32, #tpu.memory_space<vmem>> -> memref<128xf32, #tpu.memory_space<vmem>>
        %dma_wait3A_3108 = arith.constant 0 : i32
        %dma_wait3A_3109 = tpu.memref_slice %arg12[%run_scoped3A_3023, %dma_wait3A_3108] : memref<8x128xi32, #tpu.memory_space<vmem>> -> memref<1x128xi32, #tpu.memory_space<vmem>>
        %dma_wait3A_3110 = tpu.memref_squeeze %dma_wait3A_3109 : memref<1x128xi32, #tpu.memory_space<vmem>> -> memref<128xi32, #tpu.memory_space<vmem>>
        %dma_wait3A_3111 = arith.constant 0 : i32
        %dma_wait3A_3112 = tpu.memref_slice %arg19[%dma_wait3A_3111] : memref<32768xf32, #tpu.memory_space<vmem_shared>> -> memref<32768xf32, #tpu.memory_space<vmem_shared>>
        tpu.wait_indirect_dma semaphore(%run_scoped3A_3096 : memref<!tpu.dma_semaphore, #tpu.memory_space<semaphore_mem>>) src(%dma_wait3A_3107 : memref<128xf32, #tpu.memory_space<vmem>>) dst(%dma_wait3A_3112 : memref<32768xf32, #tpu.memory_space<vmem_shared>>)
        tpu.yield
      }) : () -> ()
      %run_scoped3A_3024 = arith.constant 0 : i32
      %run_scoped3A_3025 = arith.constant 0 : i32
      "tpu.region"() ({
        %run_scoped3A_3096 = tpu.sem_alloc : memref<!tpu.dma_semaphore, #tpu.memory_space<semaphore_mem>>
        %dma_start3A_3097 = arith.constant 0 : i32
        %dma_start3A_3098 = tpu.memref_slice %arg15[%run_scoped3A_3024, %dma_start3A_3097] : memref<8x128xf32, #tpu.memory_space<vmem>> -> memref<1x128xf32, #tpu.memory_space<vmem>>
        %dma_start3A_3099 = tpu.memref_squeeze %dma_start3A_3098 : memref<1x128xf32, #tpu.memory_space<vmem>> -> memref<128xf32, #tpu.memory_space<vmem>>
        %dma_start3A_3100 = arith.constant 0 : i32
        %dma_start3A_3101 = tpu.memref_slice %arg14[%run_scoped3A_3025, %dma_start3A_3100] : memref<8x128xi32, #tpu.memory_space<vmem>> -> memref<1x128xi32, #tpu.memory_space<vmem>>
        %dma_start3A_3102 = tpu.memref_squeeze %dma_start3A_3101 : memref<1x128xi32, #tpu.memory_space<vmem>> -> memref<128xi32, #tpu.memory_space<vmem>>
        %dma_start3A_3103 = arith.constant 0 : i32
        %dma_start3A_3104 = tpu.memref_slice %arg20[%dma_start3A_3103] : memref<32768xf32, #tpu.memory_space<vmem_shared>> -> memref<32768xf32, #tpu.memory_space<vmem_shared>>
        tpu.enqueue_indirect_dma source(%dma_start3A_3099 : memref<128xf32, #tpu.memory_space<vmem>>) target(%dma_start3A_3104 : memref<32768xf32, #tpu.memory_space<vmem_shared>>) offsets(%dma_start3A_3102 : memref<128xi32, #tpu.memory_space<vmem>>) semaphore(%run_scoped3A_3096 : memref<!tpu.dma_semaphore, #tpu.memory_space<semaphore_mem>>) {add = true}
        %dma_wait3A_3105 = arith.constant 0 : i32
        %dma_wait3A_3106 = tpu.memref_slice %arg15[%run_scoped3A_3024, %dma_wait3A_3105] : memref<8x128xf32, #tpu.memory_space<vmem>> -> memref<1x128xf32, #tpu.memory_space<vmem>>
        %dma_wait3A_3107 = tpu.memref_squeeze %dma_wait3A_3106 : memref<1x128xf32, #tpu.memory_space<vmem>> -> memref<128xf32, #tpu.memory_space<vmem>>
        %dma_wait3A_3108 = arith.constant 0 : i32
        %dma_wait3A_3109 = tpu.memref_slice %arg14[%run_scoped3A_3025, %dma_wait3A_3108] : memref<8x128xi32, #tpu.memory_space<vmem>> -> memref<1x128xi32, #tpu.memory_space<vmem>>
        %dma_wait3A_3110 = tpu.memref_squeeze %dma_wait3A_3109 : memref<1x128xi32, #tpu.memory_space<vmem>> -> memref<128xi32, #tpu.memory_space<vmem>>
        %dma_wait3A_3111 = arith.constant 0 : i32
        %dma_wait3A_3112 = tpu.memref_slice %arg20[%dma_wait3A_3111] : memref<32768xf32, #tpu.memory_space<vmem_shared>> -> memref<32768xf32, #tpu.memory_space<vmem_shared>>
        tpu.wait_indirect_dma semaphore(%run_scoped3A_3096 : memref<!tpu.dma_semaphore, #tpu.memory_space<semaphore_mem>>) src(%dma_wait3A_3107 : memref<128xf32, #tpu.memory_space<vmem>>) dst(%dma_wait3A_3112 : memref<32768xf32, #tpu.memory_space<vmem_shared>>)
        tpu.yield
      }) : () -> ()
      %run_scoped3A_3026 = arith.constant 1 : i32
      %run_scoped3A_3027 = arith.constant 1 : i32
      "tpu.region"() ({
        %run_scoped3A_3096 = tpu.sem_alloc : memref<!tpu.dma_semaphore, #tpu.memory_space<semaphore_mem>>
        %dma_start3A_3097 = arith.constant 0 : i32
        %dma_start3A_3098 = tpu.memref_slice %arg13[%run_scoped3A_3026, %dma_start3A_3097] : memref<8x128xf32, #tpu.memory_space<vmem>> -> memref<1x128xf32, #tpu.memory_space<vmem>>
        %dma_start3A_3099 = tpu.memref_squeeze %dma_start3A_3098 : memref<1x128xf32, #tpu.memory_space<vmem>> -> memref<128xf32, #tpu.memory_space<vmem>>
        %dma_start3A_3100 = arith.constant 0 : i32
        %dma_start3A_3101 = tpu.memref_slice %arg12[%run_scoped3A_3027, %dma_start3A_3100] : memref<8x128xi32, #tpu.memory_space<vmem>> -> memref<1x128xi32, #tpu.memory_space<vmem>>
        %dma_start3A_3102 = tpu.memref_squeeze %dma_start3A_3101 : memref<1x128xi32, #tpu.memory_space<vmem>> -> memref<128xi32, #tpu.memory_space<vmem>>
        %dma_start3A_3103 = arith.constant 0 : i32
        %dma_start3A_3104 = tpu.memref_slice %arg19[%dma_start3A_3103] : memref<32768xf32, #tpu.memory_space<vmem_shared>> -> memref<32768xf32, #tpu.memory_space<vmem_shared>>
        tpu.enqueue_indirect_dma source(%dma_start3A_3099 : memref<128xf32, #tpu.memory_space<vmem>>) target(%dma_start3A_3104 : memref<32768xf32, #tpu.memory_space<vmem_shared>>) offsets(%dma_start3A_3102 : memref<128xi32, #tpu.memory_space<vmem>>) semaphore(%run_scoped3A_3096 : memref<!tpu.dma_semaphore, #tpu.memory_space<semaphore_mem>>) {add = true}
        %dma_wait3A_3105 = arith.constant 0 : i32
        %dma_wait3A_3106 = tpu.memref_slice %arg13[%run_scoped3A_3026, %dma_wait3A_3105] : memref<8x128xf32, #tpu.memory_space<vmem>> -> memref<1x128xf32, #tpu.memory_space<vmem>>
        %dma_wait3A_3107 = tpu.memref_squeeze %dma_wait3A_3106 : memref<1x128xf32, #tpu.memory_space<vmem>> -> memref<128xf32, #tpu.memory_space<vmem>>
        %dma_wait3A_3108 = arith.constant 0 : i32
        %dma_wait3A_3109 = tpu.memref_slice %arg12[%run_scoped3A_3027, %dma_wait3A_3108] : memref<8x128xi32, #tpu.memory_space<vmem>> -> memref<1x128xi32, #tpu.memory_space<vmem>>
        %dma_wait3A_3110 = tpu.memref_squeeze %dma_wait3A_3109 : memref<1x128xi32, #tpu.memory_space<vmem>> -> memref<128xi32, #tpu.memory_space<vmem>>
        %dma_wait3A_3111 = arith.constant 0 : i32
        %dma_wait3A_3112 = tpu.memref_slice %arg19[%dma_wait3A_3111] : memref<32768xf32, #tpu.memory_space<vmem_shared>> -> memref<32768xf32, #tpu.memory_space<vmem_shared>>
        tpu.wait_indirect_dma semaphore(%run_scoped3A_3096 : memref<!tpu.dma_semaphore, #tpu.memory_space<semaphore_mem>>) src(%dma_wait3A_3107 : memref<128xf32, #tpu.memory_space<vmem>>) dst(%dma_wait3A_3112 : memref<32768xf32, #tpu.memory_space<vmem_shared>>)
        tpu.yield
      }) : () -> ()
      %run_scoped3A_3028 = arith.constant 1 : i32
      %run_scoped3A_3029 = arith.constant 1 : i32
      "tpu.region"() ({
        %run_scoped3A_3096 = tpu.sem_alloc : memref<!tpu.dma_semaphore, #tpu.memory_space<semaphore_mem>>
        %dma_start3A_3097 = arith.constant 0 : i32
        %dma_start3A_3098 = tpu.memref_slice %arg15[%run_scoped3A_3028, %dma_start3A_3097] : memref<8x128xf32, #tpu.memory_space<vmem>> -> memref<1x128xf32, #tpu.memory_space<vmem>>
        %dma_start3A_3099 = tpu.memref_squeeze %dma_start3A_3098 : memref<1x128xf32, #tpu.memory_space<vmem>> -> memref<128xf32, #tpu.memory_space<vmem>>
        %dma_start3A_3100 = arith.constant 0 : i32
        %dma_start3A_3101 = tpu.memref_slice %arg14[%run_scoped3A_3029, %dma_start3A_3100] : memref<8x128xi32, #tpu.memory_space<vmem>> -> memref<1x128xi32, #tpu.memory_space<vmem>>
        %dma_start3A_3102 = tpu.memref_squeeze %dma_start3A_3101 : memref<1x128xi32, #tpu.memory_space<vmem>> -> memref<128xi32, #tpu.memory_space<vmem>>
        %dma_start3A_3103 = arith.constant 0 : i32
        %dma_start3A_3104 = tpu.memref_slice %arg20[%dma_start3A_3103] : memref<32768xf32, #tpu.memory_space<vmem_shared>> -> memref<32768xf32, #tpu.memory_space<vmem_shared>>
        tpu.enqueue_indirect_dma source(%dma_start3A_3099 : memref<128xf32, #tpu.memory_space<vmem>>) target(%dma_start3A_3104 : memref<32768xf32, #tpu.memory_space<vmem_shared>>) offsets(%dma_start3A_3102 : memref<128xi32, #tpu.memory_space<vmem>>) semaphore(%run_scoped3A_3096 : memref<!tpu.dma_semaphore, #tpu.memory_space<semaphore_mem>>) {add = true}
        %dma_wait3A_3105 = arith.constant 0 : i32
        %dma_wait3A_3106 = tpu.memref_slice %arg15[%run_scoped3A_3028, %dma_wait3A_3105] : memref<8x128xf32, #tpu.memory_space<vmem>> -> memref<1x128xf32, #tpu.memory_space<vmem>>
        %dma_wait3A_3107 = tpu.memref_squeeze %dma_wait3A_3106 : memref<1x128xf32, #tpu.memory_space<vmem>> -> memref<128xf32, #tpu.memory_space<vmem>>
        %dma_wait3A_3108 = arith.constant 0 : i32
        %dma_wait3A_3109 = tpu.memref_slice %arg14[%run_scoped3A_3029, %dma_wait3A_3108] : memref<8x128xi32, #tpu.memory_space<vmem>> -> memref<1x128xi32, #tpu.memory_space<vmem>>
        %dma_wait3A_3110 = tpu.memref_squeeze %dma_wait3A_3109 : memref<1x128xi32, #tpu.memory_space<vmem>> -> memref<128xi32, #tpu.memory_space<vmem>>
        %dma_wait3A_3111 = arith.constant 0 : i32
        %dma_wait3A_3112 = tpu.memref_slice %arg20[%dma_wait3A_3111] : memref<32768xf32, #tpu.memory_space<vmem_shared>> -> memref<32768xf32, #tpu.memory_space<vmem_shared>>
        tpu.wait_indirect_dma semaphore(%run_scoped3A_3096 : memref<!tpu.dma_semaphore, #tpu.memory_space<semaphore_mem>>) src(%dma_wait3A_3107 : memref<128xf32, #tpu.memory_space<vmem>>) dst(%dma_wait3A_3112 : memref<32768xf32, #tpu.memory_space<vmem_shared>>)
        tpu.yield
      }) : () -> ()
      %run_scoped3A_3030 = arith.constant 2 : i32
      %run_scoped3A_3031 = arith.constant 2 : i32
      "tpu.region"() ({
        %run_scoped3A_3096 = tpu.sem_alloc : memref<!tpu.dma_semaphore, #tpu.memory_space<semaphore_mem>>
        %dma_start3A_3097 = arith.constant 0 : i32
        %dma_start3A_3098 = tpu.memref_slice %arg13[%run_scoped3A_3030, %dma_start3A_3097] : memref<8x128xf32, #tpu.memory_space<vmem>> -> memref<1x128xf32, #tpu.memory_space<vmem>>
        %dma_start3A_3099 = tpu.memref_squeeze %dma_start3A_3098 : memref<1x128xf32, #tpu.memory_space<vmem>> -> memref<128xf32, #tpu.memory_space<vmem>>
        %dma_start3A_3100 = arith.constant 0 : i32
        %dma_start3A_3101 = tpu.memref_slice %arg12[%run_scoped3A_3031, %dma_start3A_3100] : memref<8x128xi32, #tpu.memory_space<vmem>> -> memref<1x128xi32, #tpu.memory_space<vmem>>
        %dma_start3A_3102 = tpu.memref_squeeze %dma_start3A_3101 : memref<1x128xi32, #tpu.memory_space<vmem>> -> memref<128xi32, #tpu.memory_space<vmem>>
        %dma_start3A_3103 = arith.constant 0 : i32
        %dma_start3A_3104 = tpu.memref_slice %arg19[%dma_start3A_3103] : memref<32768xf32, #tpu.memory_space<vmem_shared>> -> memref<32768xf32, #tpu.memory_space<vmem_shared>>
        tpu.enqueue_indirect_dma source(%dma_start3A_3099 : memref<128xf32, #tpu.memory_space<vmem>>) target(%dma_start3A_3104 : memref<32768xf32, #tpu.memory_space<vmem_shared>>) offsets(%dma_start3A_3102 : memref<128xi32, #tpu.memory_space<vmem>>) semaphore(%run_scoped3A_3096 : memref<!tpu.dma_semaphore, #tpu.memory_space<semaphore_mem>>) {add = true}
        %dma_wait3A_3105 = arith.constant 0 : i32
        %dma_wait3A_3106 = tpu.memref_slice %arg13[%run_scoped3A_3030, %dma_wait3A_3105] : memref<8x128xf32, #tpu.memory_space<vmem>> -> memref<1x128xf32, #tpu.memory_space<vmem>>
        %dma_wait3A_3107 = tpu.memref_squeeze %dma_wait3A_3106 : memref<1x128xf32, #tpu.memory_space<vmem>> -> memref<128xf32, #tpu.memory_space<vmem>>
        %dma_wait3A_3108 = arith.constant 0 : i32
        %dma_wait3A_3109 = tpu.memref_slice %arg12[%run_scoped3A_3031, %dma_wait3A_3108] : memref<8x128xi32, #tpu.memory_space<vmem>> -> memref<1x128xi32, #tpu.memory_space<vmem>>
        %dma_wait3A_3110 = tpu.memref_squeeze %dma_wait3A_3109 : memref<1x128xi32, #tpu.memory_space<vmem>> -> memref<128xi32, #tpu.memory_space<vmem>>
        %dma_wait3A_3111 = arith.constant 0 : i32
        %dma_wait3A_3112 = tpu.memref_slice %arg19[%dma_wait3A_3111] : memref<32768xf32, #tpu.memory_space<vmem_shared>> -> memref<32768xf32, #tpu.memory_space<vmem_shared>>
        tpu.wait_indirect_dma semaphore(%run_scoped3A_3096 : memref<!tpu.dma_semaphore, #tpu.memory_space<semaphore_mem>>) src(%dma_wait3A_3107 : memref<128xf32, #tpu.memory_space<vmem>>) dst(%dma_wait3A_3112 : memref<32768xf32, #tpu.memory_space<vmem_shared>>)
        tpu.yield
      }) : () -> ()
      %run_scoped3A_3032 = arith.constant 2 : i32
      %run_scoped3A_3033 = arith.constant 2 : i32
      "tpu.region"() ({
        %run_scoped3A_3096 = tpu.sem_alloc : memref<!tpu.dma_semaphore, #tpu.memory_space<semaphore_mem>>
        %dma_start3A_3097 = arith.constant 0 : i32
        %dma_start3A_3098 = tpu.memref_slice %arg15[%run_scoped3A_3032, %dma_start3A_3097] : memref<8x128xf32, #tpu.memory_space<vmem>> -> memref<1x128xf32, #tpu.memory_space<vmem>>
        %dma_start3A_3099 = tpu.memref_squeeze %dma_start3A_3098 : memref<1x128xf32, #tpu.memory_space<vmem>> -> memref<128xf32, #tpu.memory_space<vmem>>
        %dma_start3A_3100 = arith.constant 0 : i32
        %dma_start3A_3101 = tpu.memref_slice %arg14[%run_scoped3A_3033, %dma_start3A_3100] : memref<8x128xi32, #tpu.memory_space<vmem>> -> memref<1x128xi32, #tpu.memory_space<vmem>>
        %dma_start3A_3102 = tpu.memref_squeeze %dma_start3A_3101 : memref<1x128xi32, #tpu.memory_space<vmem>> -> memref<128xi32, #tpu.memory_space<vmem>>
        %dma_start3A_3103 = arith.constant 0 : i32
        %dma_start3A_3104 = tpu.memref_slice %arg20[%dma_start3A_3103] : memref<32768xf32, #tpu.memory_space<vmem_shared>> -> memref<32768xf32, #tpu.memory_space<vmem_shared>>
        tpu.enqueue_indirect_dma source(%dma_start3A_3099 : memref<128xf32, #tpu.memory_space<vmem>>) target(%dma_start3A_3104 : memref<32768xf32, #tpu.memory_space<vmem_shared>>) offsets(%dma_start3A_3102 : memref<128xi32, #tpu.memory_space<vmem>>) semaphore(%run_scoped3A_3096 : memref<!tpu.dma_semaphore, #tpu.memory_space<semaphore_mem>>) {add = true}
        %dma_wait3A_3105 = arith.constant 0 : i32
        %dma_wait3A_3106 = tpu.memref_slice %arg15[%run_scoped3A_3032, %dma_wait3A_3105] : memref<8x128xf32, #tpu.memory_space<vmem>> -> memref<1x128xf32, #tpu.memory_space<vmem>>
        %dma_wait3A_3107 = tpu.memref_squeeze %dma_wait3A_3106 : memref<1x128xf32, #tpu.memory_space<vmem>> -> memref<128xf32, #tpu.memory_space<vmem>>
        %dma_wait3A_3108 = arith.constant 0 : i32
        %dma_wait3A_3109 = tpu.memref_slice %arg14[%run_scoped3A_3033, %dma_wait3A_3108] : memref<8x128xi32, #tpu.memory_space<vmem>> -> memref<1x128xi32, #tpu.memory_space<vmem>>
        %dma_wait3A_3110 = tpu.memref_squeeze %dma_wait3A_3109 : memref<1x128xi32, #tpu.memory_space<vmem>> -> memref<128xi32, #tpu.memory_space<vmem>>
        %dma_wait3A_3111 = arith.constant 0 : i32
        %dma_wait3A_3112 = tpu.memref_slice %arg20[%dma_wait3A_3111] : memref<32768xf32, #tpu.memory_space<vmem_shared>> -> memref<32768xf32, #tpu.memory_space<vmem_shared>>
        tpu.wait_indirect_dma semaphore(%run_scoped3A_3096 : memref<!tpu.dma_semaphore, #tpu.memory_space<semaphore_mem>>) src(%dma_wait3A_3107 : memref<128xf32, #tpu.memory_space<vmem>>) dst(%dma_wait3A_3112 : memref<32768xf32, #tpu.memory_space<vmem_shared>>)
        tpu.yield
      }) : () -> ()
      %run_scoped3A_3034 = arith.constant 3 : i32
      %run_scoped3A_3035 = arith.constant 3 : i32
      "tpu.region"() ({
        %run_scoped3A_3096 = tpu.sem_alloc : memref<!tpu.dma_semaphore, #tpu.memory_space<semaphore_mem>>
        %dma_start3A_3097 = arith.constant 0 : i32
        %dma_start3A_3098 = tpu.memref_slice %arg13[%run_scoped3A_3034, %dma_start3A_3097] : memref<8x128xf32, #tpu.memory_space<vmem>> -> memref<1x128xf32, #tpu.memory_space<vmem>>
        %dma_start3A_3099 = tpu.memref_squeeze %dma_start3A_3098 : memref<1x128xf32, #tpu.memory_space<vmem>> -> memref<128xf32, #tpu.memory_space<vmem>>
        %dma_start3A_3100 = arith.constant 0 : i32
        %dma_start3A_3101 = tpu.memref_slice %arg12[%run_scoped3A_3035, %dma_start3A_3100] : memref<8x128xi32, #tpu.memory_space<vmem>> -> memref<1x128xi32, #tpu.memory_space<vmem>>
        %dma_start3A_3102 = tpu.memref_squeeze %dma_start3A_3101 : memref<1x128xi32, #tpu.memory_space<vmem>> -> memref<128xi32, #tpu.memory_space<vmem>>
        %dma_start3A_3103 = arith.constant 0 : i32
        %dma_start3A_3104 = tpu.memref_slice %arg19[%dma_start3A_3103] : memref<32768xf32, #tpu.memory_space<vmem_shared>> -> memref<32768xf32, #tpu.memory_space<vmem_shared>>
        tpu.enqueue_indirect_dma source(%dma_start3A_3099 : memref<128xf32, #tpu.memory_space<vmem>>) target(%dma_start3A_3104 : memref<32768xf32, #tpu.memory_space<vmem_shared>>) offsets(%dma_start3A_3102 : memref<128xi32, #tpu.memory_space<vmem>>) semaphore(%run_scoped3A_3096 : memref<!tpu.dma_semaphore, #tpu.memory_space<semaphore_mem>>) {add = true}
        %dma_wait3A_3105 = arith.constant 0 : i32
        %dma_wait3A_3106 = tpu.memref_slice %arg13[%run_scoped3A_3034, %dma_wait3A_3105] : memref<8x128xf32, #tpu.memory_space<vmem>> -> memref<1x128xf32, #tpu.memory_space<vmem>>
        %dma_wait3A_3107 = tpu.memref_squeeze %dma_wait3A_3106 : memref<1x128xf32, #tpu.memory_space<vmem>> -> memref<128xf32, #tpu.memory_space<vmem>>
        %dma_wait3A_3108 = arith.constant 0 : i32
        %dma_wait3A_3109 = tpu.memref_slice %arg12[%run_scoped3A_3035, %dma_wait3A_3108] : memref<8x128xi32, #tpu.memory_space<vmem>> -> memref<1x128xi32, #tpu.memory_space<vmem>>
        %dma_wait3A_3110 = tpu.memref_squeeze %dma_wait3A_3109 : memref<1x128xi32, #tpu.memory_space<vmem>> -> memref<128xi32, #tpu.memory_space<vmem>>
        %dma_wait3A_3111 = arith.constant 0 : i32
        %dma_wait3A_3112 = tpu.memref_slice %arg19[%dma_wait3A_3111] : memref<32768xf32, #tpu.memory_space<vmem_shared>> -> memref<32768xf32, #tpu.memory_space<vmem_shared>>
        tpu.wait_indirect_dma semaphore(%run_scoped3A_3096 : memref<!tpu.dma_semaphore, #tpu.memory_space<semaphore_mem>>) src(%dma_wait3A_3107 : memref<128xf32, #tpu.memory_space<vmem>>) dst(%dma_wait3A_3112 : memref<32768xf32, #tpu.memory_space<vmem_shared>>)
        tpu.yield
      }) : () -> ()
      %run_scoped3A_3036 = arith.constant 3 : i32
      %run_scoped3A_3037 = arith.constant 3 : i32
      "tpu.region"() ({
        %run_scoped3A_3096 = tpu.sem_alloc : memref<!tpu.dma_semaphore, #tpu.memory_space<semaphore_mem>>
        %dma_start3A_3097 = arith.constant 0 : i32
        %dma_start3A_3098 = tpu.memref_slice %arg15[%run_scoped3A_3036, %dma_start3A_3097] : memref<8x128xf32, #tpu.memory_space<vmem>> -> memref<1x128xf32, #tpu.memory_space<vmem>>
        %dma_start3A_3099 = tpu.memref_squeeze %dma_start3A_3098 : memref<1x128xf32, #tpu.memory_space<vmem>> -> memref<128xf32, #tpu.memory_space<vmem>>
        %dma_start3A_3100 = arith.constant 0 : i32
        %dma_start3A_3101 = tpu.memref_slice %arg14[%run_scoped3A_3037, %dma_start3A_3100] : memref<8x128xi32, #tpu.memory_space<vmem>> -> memref<1x128xi32, #tpu.memory_space<vmem>>
        %dma_start3A_3102 = tpu.memref_squeeze %dma_start3A_3101 : memref<1x128xi32, #tpu.memory_space<vmem>> -> memref<128xi32, #tpu.memory_space<vmem>>
        %dma_start3A_3103 = arith.constant 0 : i32
        %dma_start3A_3104 = tpu.memref_slice %arg20[%dma_start3A_3103] : memref<32768xf32, #tpu.memory_space<vmem_shared>> -> memref<32768xf32, #tpu.memory_space<vmem_shared>>
        tpu.enqueue_indirect_dma source(%dma_start3A_3099 : memref<128xf32, #tpu.memory_space<vmem>>) target(%dma_start3A_3104 : memref<32768xf32, #tpu.memory_space<vmem_shared>>) offsets(%dma_start3A_3102 : memref<128xi32, #tpu.memory_space<vmem>>) semaphore(%run_scoped3A_3096 : memref<!tpu.dma_semaphore, #tpu.memory_space<semaphore_mem>>) {add = true}
        %dma_wait3A_3105 = arith.constant 0 : i32
        %dma_wait3A_3106 = tpu.memref_slice %arg15[%run_scoped3A_3036, %dma_wait3A_3105] : memref<8x128xf32, #tpu.memory_space<vmem>> -> memref<1x128xf32, #tpu.memory_space<vmem>>
        %dma_wait3A_3107 = tpu.memref_squeeze %dma_wait3A_3106 : memref<1x128xf32, #tpu.memory_space<vmem>> -> memref<128xf32, #tpu.memory_space<vmem>>
        %dma_wait3A_3108 = arith.constant 0 : i32
        %dma_wait3A_3109 = tpu.memref_slice %arg14[%run_scoped3A_3037, %dma_wait3A_3108] : memref<8x128xi32, #tpu.memory_space<vmem>> -> memref<1x128xi32, #tpu.memory_space<vmem>>
        %dma_wait3A_3110 = tpu.memref_squeeze %dma_wait3A_3109 : memref<1x128xi32, #tpu.memory_space<vmem>> -> memref<128xi32, #tpu.memory_space<vmem>>
        %dma_wait3A_3111 = arith.constant 0 : i32
        %dma_wait3A_3112 = tpu.memref_slice %arg20[%dma_wait3A_3111] : memref<32768xf32, #tpu.memory_space<vmem_shared>> -> memref<32768xf32, #tpu.memory_space<vmem_shared>>
        tpu.wait_indirect_dma semaphore(%run_scoped3A_3096 : memref<!tpu.dma_semaphore, #tpu.memory_space<semaphore_mem>>) src(%dma_wait3A_3107 : memref<128xf32, #tpu.memory_space<vmem>>) dst(%dma_wait3A_3112 : memref<32768xf32, #tpu.memory_space<vmem_shared>>)
        tpu.yield
      }) : () -> ()
      %run_scoped3A_3038 = arith.constant 4 : i32
      %run_scoped3A_3039 = arith.constant 4 : i32
      "tpu.region"() ({
        %run_scoped3A_3096 = tpu.sem_alloc : memref<!tpu.dma_semaphore, #tpu.memory_space<semaphore_mem>>
        %dma_start3A_3097 = arith.constant 0 : i32
        %dma_start3A_3098 = tpu.memref_slice %arg13[%run_scoped3A_3038, %dma_start3A_3097] : memref<8x128xf32, #tpu.memory_space<vmem>> -> memref<1x128xf32, #tpu.memory_space<vmem>>
        %dma_start3A_3099 = tpu.memref_squeeze %dma_start3A_3098 : memref<1x128xf32, #tpu.memory_space<vmem>> -> memref<128xf32, #tpu.memory_space<vmem>>
        %dma_start3A_3100 = arith.constant 0 : i32
        %dma_start3A_3101 = tpu.memref_slice %arg12[%run_scoped3A_3039, %dma_start3A_3100] : memref<8x128xi32, #tpu.memory_space<vmem>> -> memref<1x128xi32, #tpu.memory_space<vmem>>
        %dma_start3A_3102 = tpu.memref_squeeze %dma_start3A_3101 : memref<1x128xi32, #tpu.memory_space<vmem>> -> memref<128xi32, #tpu.memory_space<vmem>>
        %dma_start3A_3103 = arith.constant 0 : i32
        %dma_start3A_3104 = tpu.memref_slice %arg19[%dma_start3A_3103] : memref<32768xf32, #tpu.memory_space<vmem_shared>> -> memref<32768xf32, #tpu.memory_space<vmem_shared>>
        tpu.enqueue_indirect_dma source(%dma_start3A_3099 : memref<128xf32, #tpu.memory_space<vmem>>) target(%dma_start3A_3104 : memref<32768xf32, #tpu.memory_space<vmem_shared>>) offsets(%dma_start3A_3102 : memref<128xi32, #tpu.memory_space<vmem>>) semaphore(%run_scoped3A_3096 : memref<!tpu.dma_semaphore, #tpu.memory_space<semaphore_mem>>) {add = true}
        %dma_wait3A_3105 = arith.constant 0 : i32
        %dma_wait3A_3106 = tpu.memref_slice %arg13[%run_scoped3A_3038, %dma_wait3A_3105] : memref<8x128xf32, #tpu.memory_space<vmem>> -> memref<1x128xf32, #tpu.memory_space<vmem>>
        %dma_wait3A_3107 = tpu.memref_squeeze %dma_wait3A_3106 : memref<1x128xf32, #tpu.memory_space<vmem>> -> memref<128xf32, #tpu.memory_space<vmem>>
        %dma_wait3A_3108 = arith.constant 0 : i32
        %dma_wait3A_3109 = tpu.memref_slice %arg12[%run_scoped3A_3039, %dma_wait3A_3108] : memref<8x128xi32, #tpu.memory_space<vmem>> -> memref<1x128xi32, #tpu.memory_space<vmem>>
        %dma_wait3A_3110 = tpu.memref_squeeze %dma_wait3A_3109 : memref<1x128xi32, #tpu.memory_space<vmem>> -> memref<128xi32, #tpu.memory_space<vmem>>
        %dma_wait3A_3111 = arith.constant 0 : i32
        %dma_wait3A_3112 = tpu.memref_slice %arg19[%dma_wait3A_3111] : memref<32768xf32, #tpu.memory_space<vmem_shared>> -> memref<32768xf32, #tpu.memory_space<vmem_shared>>
        tpu.wait_indirect_dma semaphore(%run_scoped3A_3096 : memref<!tpu.dma_semaphore, #tpu.memory_space<semaphore_mem>>) src(%dma_wait3A_3107 : memref<128xf32, #tpu.memory_space<vmem>>) dst(%dma_wait3A_3112 : memref<32768xf32, #tpu.memory_space<vmem_shared>>)
        tpu.yield
      }) : () -> ()
      %run_scoped3A_3040 = arith.constant 4 : i32
      %run_scoped3A_3041 = arith.constant 4 : i32
      "tpu.region"() ({
        %run_scoped3A_3096 = tpu.sem_alloc : memref<!tpu.dma_semaphore, #tpu.memory_space<semaphore_mem>>
        %dma_start3A_3097 = arith.constant 0 : i32
        %dma_start3A_3098 = tpu.memref_slice %arg15[%run_scoped3A_3040, %dma_start3A_3097] : memref<8x128xf32, #tpu.memory_space<vmem>> -> memref<1x128xf32, #tpu.memory_space<vmem>>
        %dma_start3A_3099 = tpu.memref_squeeze %dma_start3A_3098 : memref<1x128xf32, #tpu.memory_space<vmem>> -> memref<128xf32, #tpu.memory_space<vmem>>
        %dma_start3A_3100 = arith.constant 0 : i32
        %dma_start3A_3101 = tpu.memref_slice %arg14[%run_scoped3A_3041, %dma_start3A_3100] : memref<8x128xi32, #tpu.memory_space<vmem>> -> memref<1x128xi32, #tpu.memory_space<vmem>>
        %dma_start3A_3102 = tpu.memref_squeeze %dma_start3A_3101 : memref<1x128xi32, #tpu.memory_space<vmem>> -> memref<128xi32, #tpu.memory_space<vmem>>
        %dma_start3A_3103 = arith.constant 0 : i32
        %dma_start3A_3104 = tpu.memref_slice %arg20[%dma_start3A_3103] : memref<32768xf32, #tpu.memory_space<vmem_shared>> -> memref<32768xf32, #tpu.memory_space<vmem_shared>>
        tpu.enqueue_indirect_dma source(%dma_start3A_3099 : memref<128xf32, #tpu.memory_space<vmem>>) target(%dma_start3A_3104 : memref<32768xf32, #tpu.memory_space<vmem_shared>>) offsets(%dma_start3A_3102 : memref<128xi32, #tpu.memory_space<vmem>>) semaphore(%run_scoped3A_3096 : memref<!tpu.dma_semaphore, #tpu.memory_space<semaphore_mem>>) {add = true}
        %dma_wait3A_3105 = arith.constant 0 : i32
        %dma_wait3A_3106 = tpu.memref_slice %arg15[%run_scoped3A_3040, %dma_wait3A_3105] : memref<8x128xf32, #tpu.memory_space<vmem>> -> memref<1x128xf32, #tpu.memory_space<vmem>>
        %dma_wait3A_3107 = tpu.memref_squeeze %dma_wait3A_3106 : memref<1x128xf32, #tpu.memory_space<vmem>> -> memref<128xf32, #tpu.memory_space<vmem>>
        %dma_wait3A_3108 = arith.constant 0 : i32
        %dma_wait3A_3109 = tpu.memref_slice %arg14[%run_scoped3A_3041, %dma_wait3A_3108] : memref<8x128xi32, #tpu.memory_space<vmem>> -> memref<1x128xi32, #tpu.memory_space<vmem>>
        %dma_wait3A_3110 = tpu.memref_squeeze %dma_wait3A_3109 : memref<1x128xi32, #tpu.memory_space<vmem>> -> memref<128xi32, #tpu.memory_space<vmem>>
        %dma_wait3A_3111 = arith.constant 0 : i32
        %dma_wait3A_3112 = tpu.memref_slice %arg20[%dma_wait3A_3111] : memref<32768xf32, #tpu.memory_space<vmem_shared>> -> memref<32768xf32, #tpu.memory_space<vmem_shared>>
        tpu.wait_indirect_dma semaphore(%run_scoped3A_3096 : memref<!tpu.dma_semaphore, #tpu.memory_space<semaphore_mem>>) src(%dma_wait3A_3107 : memref<128xf32, #tpu.memory_space<vmem>>) dst(%dma_wait3A_3112 : memref<32768xf32, #tpu.memory_space<vmem_shared>>)
        tpu.yield
      }) : () -> ()
      %run_scoped3A_3042 = arith.constant 5 : i32
      %run_scoped3A_3043 = arith.constant 5 : i32
      "tpu.region"() ({
        %run_scoped3A_3096 = tpu.sem_alloc : memref<!tpu.dma_semaphore, #tpu.memory_space<semaphore_mem>>
        %dma_start3A_3097 = arith.constant 0 : i32
        %dma_start3A_3098 = tpu.memref_slice %arg13[%run_scoped3A_3042, %dma_start3A_3097] : memref<8x128xf32, #tpu.memory_space<vmem>> -> memref<1x128xf32, #tpu.memory_space<vmem>>
        %dma_start3A_3099 = tpu.memref_squeeze %dma_start3A_3098 : memref<1x128xf32, #tpu.memory_space<vmem>> -> memref<128xf32, #tpu.memory_space<vmem>>
        %dma_start3A_3100 = arith.constant 0 : i32
        %dma_start3A_3101 = tpu.memref_slice %arg12[%run_scoped3A_3043, %dma_start3A_3100] : memref<8x128xi32, #tpu.memory_space<vmem>> -> memref<1x128xi32, #tpu.memory_space<vmem>>
        %dma_start3A_3102 = tpu.memref_squeeze %dma_start3A_3101 : memref<1x128xi32, #tpu.memory_space<vmem>> -> memref<128xi32, #tpu.memory_space<vmem>>
        %dma_start3A_3103 = arith.constant 0 : i32
        %dma_start3A_3104 = tpu.memref_slice %arg19[%dma_start3A_3103] : memref<32768xf32, #tpu.memory_space<vmem_shared>> -> memref<32768xf32, #tpu.memory_space<vmem_shared>>
        tpu.enqueue_indirect_dma source(%dma_start3A_3099 : memref<128xf32, #tpu.memory_space<vmem>>) target(%dma_start3A_3104 : memref<32768xf32, #tpu.memory_space<vmem_shared>>) offsets(%dma_start3A_3102 : memref<128xi32, #tpu.memory_space<vmem>>) semaphore(%run_scoped3A_3096 : memref<!tpu.dma_semaphore, #tpu.memory_space<semaphore_mem>>) {add = true}
        %dma_wait3A_3105 = arith.constant 0 : i32
        %dma_wait3A_3106 = tpu.memref_slice %arg13[%run_scoped3A_3042, %dma_wait3A_3105] : memref<8x128xf32, #tpu.memory_space<vmem>> -> memref<1x128xf32, #tpu.memory_space<vmem>>
        %dma_wait3A_3107 = tpu.memref_squeeze %dma_wait3A_3106 : memref<1x128xf32, #tpu.memory_space<vmem>> -> memref<128xf32, #tpu.memory_space<vmem>>
        %dma_wait3A_3108 = arith.constant 0 : i32
        %dma_wait3A_3109 = tpu.memref_slice %arg12[%run_scoped3A_3043, %dma_wait3A_3108] : memref<8x128xi32, #tpu.memory_space<vmem>> -> memref<1x128xi32, #tpu.memory_space<vmem>>
        %dma_wait3A_3110 = tpu.memref_squeeze %dma_wait3A_3109 : memref<1x128xi32, #tpu.memory_space<vmem>> -> memref<128xi32, #tpu.memory_space<vmem>>
        %dma_wait3A_3111 = arith.constant 0 : i32
        %dma_wait3A_3112 = tpu.memref_slice %arg19[%dma_wait3A_3111] : memref<32768xf32, #tpu.memory_space<vmem_shared>> -> memref<32768xf32, #tpu.memory_space<vmem_shared>>
        tpu.wait_indirect_dma semaphore(%run_scoped3A_3096 : memref<!tpu.dma_semaphore, #tpu.memory_space<semaphore_mem>>) src(%dma_wait3A_3107 : memref<128xf32, #tpu.memory_space<vmem>>) dst(%dma_wait3A_3112 : memref<32768xf32, #tpu.memory_space<vmem_shared>>)
        tpu.yield
      }) : () -> ()
      %run_scoped3A_3044 = arith.constant 5 : i32
      %run_scoped3A_3045 = arith.constant 5 : i32
      "tpu.region"() ({
        %run_scoped3A_3096 = tpu.sem_alloc : memref<!tpu.dma_semaphore, #tpu.memory_space<semaphore_mem>>
        %dma_start3A_3097 = arith.constant 0 : i32
        %dma_start3A_3098 = tpu.memref_slice %arg15[%run_scoped3A_3044, %dma_start3A_3097] : memref<8x128xf32, #tpu.memory_space<vmem>> -> memref<1x128xf32, #tpu.memory_space<vmem>>
        %dma_start3A_3099 = tpu.memref_squeeze %dma_start3A_3098 : memref<1x128xf32, #tpu.memory_space<vmem>> -> memref<128xf32, #tpu.memory_space<vmem>>
        %dma_start3A_3100 = arith.constant 0 : i32
        %dma_start3A_3101 = tpu.memref_slice %arg14[%run_scoped3A_3045, %dma_start3A_3100] : memref<8x128xi32, #tpu.memory_space<vmem>> -> memref<1x128xi32, #tpu.memory_space<vmem>>
        %dma_start3A_3102 = tpu.memref_squeeze %dma_start3A_3101 : memref<1x128xi32, #tpu.memory_space<vmem>> -> memref<128xi32, #tpu.memory_space<vmem>>
        %dma_start3A_3103 = arith.constant 0 : i32
        %dma_start3A_3104 = tpu.memref_slice %arg20[%dma_start3A_3103] : memref<32768xf32, #tpu.memory_space<vmem_shared>> -> memref<32768xf32, #tpu.memory_space<vmem_shared>>
        tpu.enqueue_indirect_dma source(%dma_start3A_3099 : memref<128xf32, #tpu.memory_space<vmem>>) target(%dma_start3A_3104 : memref<32768xf32, #tpu.memory_space<vmem_shared>>) offsets(%dma_start3A_3102 : memref<128xi32, #tpu.memory_space<vmem>>) semaphore(%run_scoped3A_3096 : memref<!tpu.dma_semaphore, #tpu.memory_space<semaphore_mem>>) {add = true}
        %dma_wait3A_3105 = arith.constant 0 : i32
        %dma_wait3A_3106 = tpu.memref_slice %arg15[%run_scoped3A_3044, %dma_wait3A_3105] : memref<8x128xf32, #tpu.memory_space<vmem>> -> memref<1x128xf32, #tpu.memory_space<vmem>>
        %dma_wait3A_3107 = tpu.memref_squeeze %dma_wait3A_3106 : memref<1x128xf32, #tpu.memory_space<vmem>> -> memref<128xf32, #tpu.memory_space<vmem>>
        %dma_wait3A_3108 = arith.constant 0 : i32
        %dma_wait3A_3109 = tpu.memref_slice %arg14[%run_scoped3A_3045, %dma_wait3A_3108] : memref<8x128xi32, #tpu.memory_space<vmem>> -> memref<1x128xi32, #tpu.memory_space<vmem>>
        %dma_wait3A_3110 = tpu.memref_squeeze %dma_wait3A_3109 : memref<1x128xi32, #tpu.memory_space<vmem>> -> memref<128xi32, #tpu.memory_space<vmem>>
        %dma_wait3A_3111 = arith.constant 0 : i32
        %dma_wait3A_3112 = tpu.memref_slice %arg20[%dma_wait3A_3111] : memref<32768xf32, #tpu.memory_space<vmem_shared>> -> memref<32768xf32, #tpu.memory_space<vmem_shared>>
        tpu.wait_indirect_dma semaphore(%run_scoped3A_3096 : memref<!tpu.dma_semaphore, #tpu.memory_space<semaphore_mem>>) src(%dma_wait3A_3107 : memref<128xf32, #tpu.memory_space<vmem>>) dst(%dma_wait3A_3112 : memref<32768xf32, #tpu.memory_space<vmem_shared>>)
        tpu.yield
      }) : () -> ()
      %run_scoped3A_3046 = arith.constant 6 : i32
      %run_scoped3A_3047 = arith.constant 6 : i32
      "tpu.region"() ({
        %run_scoped3A_3096 = tpu.sem_alloc : memref<!tpu.dma_semaphore, #tpu.memory_space<semaphore_mem>>
        %dma_start3A_3097 = arith.constant 0 : i32
        %dma_start3A_3098 = tpu.memref_slice %arg13[%run_scoped3A_3046, %dma_start3A_3097] : memref<8x128xf32, #tpu.memory_space<vmem>> -> memref<1x128xf32, #tpu.memory_space<vmem>>
        %dma_start3A_3099 = tpu.memref_squeeze %dma_start3A_3098 : memref<1x128xf32, #tpu.memory_space<vmem>> -> memref<128xf32, #tpu.memory_space<vmem>>
        %dma_start3A_3100 = arith.constant 0 : i32
        %dma_start3A_3101 = tpu.memref_slice %arg12[%run_scoped3A_3047, %dma_start3A_3100] : memref<8x128xi32, #tpu.memory_space<vmem>> -> memref<1x128xi32, #tpu.memory_space<vmem>>
        %dma_start3A_3102 = tpu.memref_squeeze %dma_start3A_3101 : memref<1x128xi32, #tpu.memory_space<vmem>> -> memref<128xi32, #tpu.memory_space<vmem>>
        %dma_start3A_3103 = arith.constant 0 : i32
        %dma_start3A_3104 = tpu.memref_slice %arg19[%dma_start3A_3103] : memref<32768xf32, #tpu.memory_space<vmem_shared>> -> memref<32768xf32, #tpu.memory_space<vmem_shared>>
        tpu.enqueue_indirect_dma source(%dma_start3A_3099 : memref<128xf32, #tpu.memory_space<vmem>>) target(%dma_start3A_3104 : memref<32768xf32, #tpu.memory_space<vmem_shared>>) offsets(%dma_start3A_3102 : memref<128xi32, #tpu.memory_space<vmem>>) semaphore(%run_scoped3A_3096 : memref<!tpu.dma_semaphore, #tpu.memory_space<semaphore_mem>>) {add = true}
        %dma_wait3A_3105 = arith.constant 0 : i32
        %dma_wait3A_3106 = tpu.memref_slice %arg13[%run_scoped3A_3046, %dma_wait3A_3105] : memref<8x128xf32, #tpu.memory_space<vmem>> -> memref<1x128xf32, #tpu.memory_space<vmem>>
        %dma_wait3A_3107 = tpu.memref_squeeze %dma_wait3A_3106 : memref<1x128xf32, #tpu.memory_space<vmem>> -> memref<128xf32, #tpu.memory_space<vmem>>
        %dma_wait3A_3108 = arith.constant 0 : i32
        %dma_wait3A_3109 = tpu.memref_slice %arg12[%run_scoped3A_3047, %dma_wait3A_3108] : memref<8x128xi32, #tpu.memory_space<vmem>> -> memref<1x128xi32, #tpu.memory_space<vmem>>
        %dma_wait3A_3110 = tpu.memref_squeeze %dma_wait3A_3109 : memref<1x128xi32, #tpu.memory_space<vmem>> -> memref<128xi32, #tpu.memory_space<vmem>>
        %dma_wait3A_3111 = arith.constant 0 : i32
        %dma_wait3A_3112 = tpu.memref_slice %arg19[%dma_wait3A_3111] : memref<32768xf32, #tpu.memory_space<vmem_shared>> -> memref<32768xf32, #tpu.memory_space<vmem_shared>>
        tpu.wait_indirect_dma semaphore(%run_scoped3A_3096 : memref<!tpu.dma_semaphore, #tpu.memory_space<semaphore_mem>>) src(%dma_wait3A_3107 : memref<128xf32, #tpu.memory_space<vmem>>) dst(%dma_wait3A_3112 : memref<32768xf32, #tpu.memory_space<vmem_shared>>)
        tpu.yield
      }) : () -> ()
      %run_scoped3A_3048 = arith.constant 6 : i32
      %run_scoped3A_3049 = arith.constant 6 : i32
      "tpu.region"() ({
        %run_scoped3A_3096 = tpu.sem_alloc : memref<!tpu.dma_semaphore, #tpu.memory_space<semaphore_mem>>
        %dma_start3A_3097 = arith.constant 0 : i32
        %dma_start3A_3098 = tpu.memref_slice %arg15[%run_scoped3A_3048, %dma_start3A_3097] : memref<8x128xf32, #tpu.memory_space<vmem>> -> memref<1x128xf32, #tpu.memory_space<vmem>>
        %dma_start3A_3099 = tpu.memref_squeeze %dma_start3A_3098 : memref<1x128xf32, #tpu.memory_space<vmem>> -> memref<128xf32, #tpu.memory_space<vmem>>
        %dma_start3A_3100 = arith.constant 0 : i32
        %dma_start3A_3101 = tpu.memref_slice %arg14[%run_scoped3A_3049, %dma_start3A_3100] : memref<8x128xi32, #tpu.memory_space<vmem>> -> memref<1x128xi32, #tpu.memory_space<vmem>>
        %dma_start3A_3102 = tpu.memref_squeeze %dma_start3A_3101 : memref<1x128xi32, #tpu.memory_space<vmem>> -> memref<128xi32, #tpu.memory_space<vmem>>
        %dma_start3A_3103 = arith.constant 0 : i32
        %dma_start3A_3104 = tpu.memref_slice %arg20[%dma_start3A_3103] : memref<32768xf32, #tpu.memory_space<vmem_shared>> -> memref<32768xf32, #tpu.memory_space<vmem_shared>>
        tpu.enqueue_indirect_dma source(%dma_start3A_3099 : memref<128xf32, #tpu.memory_space<vmem>>) target(%dma_start3A_3104 : memref<32768xf32, #tpu.memory_space<vmem_shared>>) offsets(%dma_start3A_3102 : memref<128xi32, #tpu.memory_space<vmem>>) semaphore(%run_scoped3A_3096 : memref<!tpu.dma_semaphore, #tpu.memory_space<semaphore_mem>>) {add = true}
        %dma_wait3A_3105 = arith.constant 0 : i32
        %dma_wait3A_3106 = tpu.memref_slice %arg15[%run_scoped3A_3048, %dma_wait3A_3105] : memref<8x128xf32, #tpu.memory_space<vmem>> -> memref<1x128xf32, #tpu.memory_space<vmem>>
        %dma_wait3A_3107 = tpu.memref_squeeze %dma_wait3A_3106 : memref<1x128xf32, #tpu.memory_space<vmem>> -> memref<128xf32, #tpu.memory_space<vmem>>
        %dma_wait3A_3108 = arith.constant 0 : i32
        %dma_wait3A_3109 = tpu.memref_slice %arg14[%run_scoped3A_3049, %dma_wait3A_3108] : memref<8x128xi32, #tpu.memory_space<vmem>> -> memref<1x128xi32, #tpu.memory_space<vmem>>
        %dma_wait3A_3110 = tpu.memref_squeeze %dma_wait3A_3109 : memref<1x128xi32, #tpu.memory_space<vmem>> -> memref<128xi32, #tpu.memory_space<vmem>>
        %dma_wait3A_3111 = arith.constant 0 : i32
        %dma_wait3A_3112 = tpu.memref_slice %arg20[%dma_wait3A_3111] : memref<32768xf32, #tpu.memory_space<vmem_shared>> -> memref<32768xf32, #tpu.memory_space<vmem_shared>>
        tpu.wait_indirect_dma semaphore(%run_scoped3A_3096 : memref<!tpu.dma_semaphore, #tpu.memory_space<semaphore_mem>>) src(%dma_wait3A_3107 : memref<128xf32, #tpu.memory_space<vmem>>) dst(%dma_wait3A_3112 : memref<32768xf32, #tpu.memory_space<vmem_shared>>)
        tpu.yield
      }) : () -> ()
      %run_scoped3A_3050 = arith.constant 7 : i32
      %run_scoped3A_3051 = arith.constant 7 : i32
      "tpu.region"() ({
        %run_scoped3A_3096 = tpu.sem_alloc : memref<!tpu.dma_semaphore, #tpu.memory_space<semaphore_mem>>
        %dma_start3A_3097 = arith.constant 0 : i32
        %dma_start3A_3098 = tpu.memref_slice %arg13[%run_scoped3A_3050, %dma_start3A_3097] : memref<8x128xf32, #tpu.memory_space<vmem>> -> memref<1x128xf32, #tpu.memory_space<vmem>>
        %dma_start3A_3099 = tpu.memref_squeeze %dma_start3A_3098 : memref<1x128xf32, #tpu.memory_space<vmem>> -> memref<128xf32, #tpu.memory_space<vmem>>
        %dma_start3A_3100 = arith.constant 0 : i32
        %dma_start3A_3101 = tpu.memref_slice %arg12[%run_scoped3A_3051, %dma_start3A_3100] : memref<8x128xi32, #tpu.memory_space<vmem>> -> memref<1x128xi32, #tpu.memory_space<vmem>>
        %dma_start3A_3102 = tpu.memref_squeeze %dma_start3A_3101 : memref<1x128xi32, #tpu.memory_space<vmem>> -> memref<128xi32, #tpu.memory_space<vmem>>
        %dma_start3A_3103 = arith.constant 0 : i32
        %dma_start3A_3104 = tpu.memref_slice %arg19[%dma_start3A_3103] : memref<32768xf32, #tpu.memory_space<vmem_shared>> -> memref<32768xf32, #tpu.memory_space<vmem_shared>>
        tpu.enqueue_indirect_dma source(%dma_start3A_3099 : memref<128xf32, #tpu.memory_space<vmem>>) target(%dma_start3A_3104 : memref<32768xf32, #tpu.memory_space<vmem_shared>>) offsets(%dma_start3A_3102 : memref<128xi32, #tpu.memory_space<vmem>>) semaphore(%run_scoped3A_3096 : memref<!tpu.dma_semaphore, #tpu.memory_space<semaphore_mem>>) {add = true}
        %dma_wait3A_3105 = arith.constant 0 : i32
        %dma_wait3A_3106 = tpu.memref_slice %arg13[%run_scoped3A_3050, %dma_wait3A_3105] : memref<8x128xf32, #tpu.memory_space<vmem>> -> memref<1x128xf32, #tpu.memory_space<vmem>>
        %dma_wait3A_3107 = tpu.memref_squeeze %dma_wait3A_3106 : memref<1x128xf32, #tpu.memory_space<vmem>> -> memref<128xf32, #tpu.memory_space<vmem>>
        %dma_wait3A_3108 = arith.constant 0 : i32
        %dma_wait3A_3109 = tpu.memref_slice %arg12[%run_scoped3A_3051, %dma_wait3A_3108] : memref<8x128xi32, #tpu.memory_space<vmem>> -> memref<1x128xi32, #tpu.memory_space<vmem>>
        %dma_wait3A_3110 = tpu.memref_squeeze %dma_wait3A_3109 : memref<1x128xi32, #tpu.memory_space<vmem>> -> memref<128xi32, #tpu.memory_space<vmem>>
        %dma_wait3A_3111 = arith.constant 0 : i32
        %dma_wait3A_3112 = tpu.memref_slice %arg19[%dma_wait3A_3111] : memref<32768xf32, #tpu.memory_space<vmem_shared>> -> memref<32768xf32, #tpu.memory_space<vmem_shared>>
        tpu.wait_indirect_dma semaphore(%run_scoped3A_3096 : memref<!tpu.dma_semaphore, #tpu.memory_space<semaphore_mem>>) src(%dma_wait3A_3107 : memref<128xf32, #tpu.memory_space<vmem>>) dst(%dma_wait3A_3112 : memref<32768xf32, #tpu.memory_space<vmem_shared>>)
        tpu.yield
      }) : () -> ()
      %run_scoped3A_3052 = arith.constant 7 : i32
      %run_scoped3A_3053 = arith.constant 7 : i32
      "tpu.region"() ({
        %run_scoped3A_3096 = tpu.sem_alloc : memref<!tpu.dma_semaphore, #tpu.memory_space<semaphore_mem>>
        %dma_start3A_3097 = arith.constant 0 : i32
        %dma_start3A_3098 = tpu.memref_slice %arg15[%run_scoped3A_3052, %dma_start3A_3097] : memref<8x128xf32, #tpu.memory_space<vmem>> -> memref<1x128xf32, #tpu.memory_space<vmem>>
        %dma_start3A_3099 = tpu.memref_squeeze %dma_start3A_3098 : memref<1x128xf32, #tpu.memory_space<vmem>> -> memref<128xf32, #tpu.memory_space<vmem>>
        %dma_start3A_3100 = arith.constant 0 : i32
        %dma_start3A_3101 = tpu.memref_slice %arg14[%run_scoped3A_3053, %dma_start3A_3100] : memref<8x128xi32, #tpu.memory_space<vmem>> -> memref<1x128xi32, #tpu.memory_space<vmem>>
        %dma_start3A_3102 = tpu.memref_squeeze %dma_start3A_3101 : memref<1x128xi32, #tpu.memory_space<vmem>> -> memref<128xi32, #tpu.memory_space<vmem>>
        %dma_start3A_3103 = arith.constant 0 : i32
        %dma_start3A_3104 = tpu.memref_slice %arg20[%dma_start3A_3103] : memref<32768xf32, #tpu.memory_space<vmem_shared>> -> memref<32768xf32, #tpu.memory_space<vmem_shared>>
        tpu.enqueue_indirect_dma source(%dma_start3A_3099 : memref<128xf32, #tpu.memory_space<vmem>>) target(%dma_start3A_3104 : memref<32768xf32, #tpu.memory_space<vmem_shared>>) offsets(%dma_start3A_3102 : memref<128xi32, #tpu.memory_space<vmem>>) semaphore(%run_scoped3A_3096 : memref<!tpu.dma_semaphore, #tpu.memory_space<semaphore_mem>>) {add = true}
        %dma_wait3A_3105 = arith.constant 0 : i32
        %dma_wait3A_3106 = tpu.memref_slice %arg15[%run_scoped3A_3052, %dma_wait3A_3105] : memref<8x128xf32, #tpu.memory_space<vmem>> -> memref<1x128xf32, #tpu.memory_space<vmem>>
        %dma_wait3A_3107 = tpu.memref_squeeze %dma_wait3A_3106 : memref<1x128xf32, #tpu.memory_space<vmem>> -> memref<128xf32, #tpu.memory_space<vmem>>
        %dma_wait3A_3108 = arith.constant 0 : i32
        %dma_wait3A_3109 = tpu.memref_slice %arg14[%run_scoped3A_3053, %dma_wait3A_3108] : memref<8x128xi32, #tpu.memory_space<vmem>> -> memref<1x128xi32, #tpu.memory_space<vmem>>
        %dma_wait3A_3110 = tpu.memref_squeeze %dma_wait3A_3109 : memref<1x128xi32, #tpu.memory_space<vmem>> -> memref<128xi32, #tpu.memory_space<vmem>>
        %dma_wait3A_3111 = arith.constant 0 : i32
        %dma_wait3A_3112 = tpu.memref_slice %arg20[%dma_wait3A_3111] : memref<32768xf32, #tpu.memory_space<vmem_shared>> -> memref<32768xf32, #tpu.memory_space<vmem_shared>>
        tpu.wait_indirect_dma semaphore(%run_scoped3A_3096 : memref<!tpu.dma_semaphore, #tpu.memory_space<semaphore_mem>>) src(%dma_wait3A_3107 : memref<128xf32, #tpu.memory_space<vmem>>) dst(%dma_wait3A_3112 : memref<32768xf32, #tpu.memory_space<vmem_shared>>)
        tpu.yield
      }) : () -> ()
      %barrier3A_3054 = arith.constant 0 : index
      tpu.barrier barrier_id(%barrier3A_3054)
      %lt3A_3055 = arith.constant 8 : i32
      %lt3A_3056 = arith.cmpi slt, %arg1, %lt3A_3055 : i32
      %convert_element_type3A_3057 = arith.extui %lt3A_3056 : i1 to i32
      %cond3A_3058 = arith.constant 0 : i32
      %cond3A_3059 = arith.cmpi ne, %convert_element_type3A_3057, %cond3A_3058 : i32
      scf.if %cond3A_3059 {
        %mul3A_3096 = arith.constant 4096 : i32
        %mul3A_3097 = arith.muli %arg1, %mul3A_3096 : i32
        "tpu.region"() ({
          %run_scoped3A_3098 = tpu.sem_alloc : memref<!tpu.dma_semaphore, #tpu.memory_space<semaphore_mem>>
          %dma_start3A_3099 = tpu.memref_slice %arg19[%mul3A_3097] : memref<32768xf32, #tpu.memory_space<vmem_shared>> -> memref<4096xf32, #tpu.memory_space<vmem_shared>>
          %dma_start3A_3100 = tpu.memref_slice %arg19[%mul3A_3097] : memref<32768xf32, #tpu.memory_space<vmem_shared>> -> memref<4096xf32, #tpu.memory_space<vmem_shared>>
          tpu.enqueue_dma source(%dma_start3A_3100 : memref<4096xf32, #tpu.memory_space<vmem_shared>>) target(%arg16 : memref<4096xf32, #tpu.memory_space<vmem>>) target_semaphore(%run_scoped3A_3098 : memref<!tpu.dma_semaphore, #tpu.memory_space<semaphore_mem>>)
          %dma_wait3A_3101 = tpu.memref_slice %arg19[%mul3A_3097] : memref<32768xf32, #tpu.memory_space<vmem_shared>> -> memref<4096xf32, #tpu.memory_space<vmem_shared>>
          %dma_wait3A_3102 = tpu.memref_slice %arg19[%mul3A_3097] : memref<32768xf32, #tpu.memory_space<vmem_shared>> -> memref<4096xf32, #tpu.memory_space<vmem_shared>>
          tpu.wait_dma2 semaphore(%run_scoped3A_3098 : memref<!tpu.dma_semaphore, #tpu.memory_space<semaphore_mem>>) src(%dma_wait3A_3102 : memref<4096xf32, #tpu.memory_space<vmem_shared>>) dst(%arg16 : memref<4096xf32, #tpu.memory_space<vmem>>)
          tpu.yield
        }) : () -> ()
      } else {
      }
      %ge3A = arith.constant 8 : i32
      %ge3A_3060 = arith.cmpi sge, %arg1, %ge3A : i32
      %convert_element_type3A_3061 = arith.extui %ge3A_3060 : i1 to i32
      %cond3A_3062 = arith.constant 0 : i32
      %cond3A_3063 = arith.cmpi ne, %convert_element_type3A_3061, %cond3A_3062 : i32
      scf.if %cond3A_3063 {
        %sub3A_3096 = arith.constant 8 : i32
        %sub3A_3097 = arith.subi %arg1, %sub3A_3096 : i32
        %mul3A_3098 = arith.constant 4096 : i32
        %mul3A_3099 = arith.muli %sub3A_3097, %mul3A_3098 : i32
        "tpu.region"() ({
          %run_scoped3A_3100 = tpu.sem_alloc : memref<!tpu.dma_semaphore, #tpu.memory_space<semaphore_mem>>
          %dma_start3A_3101 = tpu.memref_slice %arg20[%mul3A_3099] : memref<32768xf32, #tpu.memory_space<vmem_shared>> -> memref<4096xf32, #tpu.memory_space<vmem_shared>>
          %dma_start3A_3102 = tpu.memref_slice %arg20[%mul3A_3099] : memref<32768xf32, #tpu.memory_space<vmem_shared>> -> memref<4096xf32, #tpu.memory_space<vmem_shared>>
          tpu.enqueue_dma source(%dma_start3A_3102 : memref<4096xf32, #tpu.memory_space<vmem_shared>>) target(%arg16 : memref<4096xf32, #tpu.memory_space<vmem>>) target_semaphore(%run_scoped3A_3100 : memref<!tpu.dma_semaphore, #tpu.memory_space<semaphore_mem>>)
          %dma_wait3A_3103 = tpu.memref_slice %arg20[%mul3A_3099] : memref<32768xf32, #tpu.memory_space<vmem_shared>> -> memref<4096xf32, #tpu.memory_space<vmem_shared>>
          %dma_wait3A_3104 = tpu.memref_slice %arg20[%mul3A_3099] : memref<32768xf32, #tpu.memory_space<vmem_shared>> -> memref<4096xf32, #tpu.memory_space<vmem_shared>>
          tpu.wait_dma2 semaphore(%run_scoped3A_3100 : memref<!tpu.dma_semaphore, #tpu.memory_space<semaphore_mem>>) src(%dma_wait3A_3104 : memref<4096xf32, #tpu.memory_space<vmem_shared>>) dst(%arg16 : memref<4096xf32, #tpu.memory_space<vmem>>)
          tpu.yield
        }) : () -> ()
      } else {
      }
      %mul3A_3064 = arith.constant 4096 : i32
      %mul3A_3065 = arith.muli %arg1, %mul3A_3064 : i32
      %get3A_3066 = arith.constant 0 : index
      %get3A_3067 = tpu.vector_load %arg16[%get3A_3066] {strides = array<i32>} : memref<4096xf32, #tpu.memory_space<vmem>>, vector<16xf32>,
      %add3A_3068 = vector.broadcast %mul3A_3065 : i32 to vector<16xi32>
      %add3A_3069 = arith.addi %add3A_3068, %iota3A : vector<16xi32>
      %masked_sort3A = arith.constant dense<true> : vector<16xi1>
      %masked_sort3A_3070, %masked_sort3A_3071, %masked_sort3A_3072 = tpu.sort %get3A_3067, %add3A_3069 masked %masked_sort3A : (vector<16xf32>, vector<16xi32>, vector<16xi1>) -> (vector<16xi1>, vector<16xf32>, vector<16xi32>)
      %scan3A = arith.constant 1 : i32
      %scan3A_3073 = arith.constant 255 : i32
      %scan3A_3074 = arith.addi %scan3A, %scan3A_3073 : i32
      %scan3A_3075 = arith.constant 1 : i32
      %scan3A_3076:2 = scf.for %scan3A_3096 = %scan3A to %scan3A_3074 step %scan3A_3075 iter_args(%scan3A_3097 = %masked_sort3A_3071, %scan3A_3098 = %masked_sort3A_3072) -> (vector<16xf32>, vector<16xi32>)  : i32 {
        %mul3A_3099 = arith.constant 16 : i32
        %mul3A_3100 = arith.muli %scan3A_3096, %mul3A_3099 : i32
        %get3A_3101 = arith.index_cast %mul3A_3100 : i32 to index
        %get3A_3102 = tpu.vector_load %arg16[%get3A_3101] {strides = array<i32>} : memref<4096xf32, #tpu.memory_space<vmem>>, vector<16xf32>,
        %mul3A_3103 = arith.constant 16 : i32
        %mul3A_3104 = arith.muli %scan3A_3096, %mul3A_3103 : i32
        %add3A_3105 = arith.addi %mul3A_3065, %mul3A_3104 : i32
        %add3A_3106 = vector.broadcast %add3A_3105 : i32 to vector<16xi32>
        %add3A_3107 = arith.addi %add3A_3106, %iota3A : vector<16xi32>
        %masked_sort3A_3108 = arith.constant dense<true> : vector<16xi1>
        %masked_sort3A_3109, %masked_sort3A_3110, %masked_sort3A_3111 = tpu.sort %get3A_3102, %add3A_3107 masked %masked_sort3A_3108 {descending = true} : (vector<16xf32>, vector<16xi32>, vector<16xi1>) -> (vector<16xi1>, vector<16xf32>, vector<16xi32>)
        %ge3A_3112 = arith.cmpf oge, %scan3A_3097, %masked_sort3A_3110 : vector<16xf32>
        %select_n3A_3113 = arith.select %ge3A_3112, %scan3A_3097, %masked_sort3A_3110 : vector<16xi1>, vector<16xf32>
        %select_n3A_3114 = arith.select %ge3A_3112, %scan3A_3098, %masked_sort3A_3111 : vector<16xi1>, vector<16xi32>
        %masked_sort3A_3115 = arith.constant dense<true> : vector<16xi1>
        %masked_sort3A_3116, %masked_sort3A_3117, %masked_sort3A_3118 = tpu.sort %select_n3A_3113, %select_n3A_3114 masked %masked_sort3A_3115 : (vector<16xf32>, vector<16xi32>, vector<16xi1>) -> (vector<16xi1>, vector<16xf32>, vector<16xi32>)
        scf.yield %masked_sort3A_3117, %masked_sort3A_3118 : vector<16xf32>, vector<16xi32>
      }
      %scan3A_3077 = arith.constant 255 : i32
      %masked_sort3A_3078 = arith.constant dense<true> : vector<16xi1>
      %masked_sort3A_3079, %masked_sort3A_3080, %masked_sort3A_3081 = tpu.sort %scan3A_3076#0, %scan3A_3076#1 masked %masked_sort3A_3078 {descending = true} : (vector<16xf32>, vector<16xi32>, vector<16xi1>) -> (vector<16xi1>, vector<16xf32>, vector<16xi32>)
      %swap3A_3082 = arith.constant 0 : index
      %swap3A_3083 = tpu.vector_load %arg17[%swap3A_3082] {strides = array<i32>} : memref<256xf32, #tpu.memory_space<vmem>>, vector<16xf32>,
      tpu.vector_store %arg17[%swap3A_3082], %masked_sort3A_3080 {strides = array<i32>} : memref<256xf32, #tpu.memory_space<vmem>>, vector<16xf32>,
      %swap3A_3084 = arith.constant 0 : index
      %swap3A_3085 = tpu.vector_load %arg18[%swap3A_3084] {strides = array<i32>} : memref<256xi32, #tpu.memory_space<vmem>>, vector<16xi32>,
      tpu.vector_store %arg18[%swap3A_3084], %masked_sort3A_3081 {strides = array<i32>} : memref<256xi32, #tpu.memory_space<vmem>>, vector<16xi32>,
      %mul3A_3086 = arith.constant 16 : i32
      %mul3A_3087 = arith.muli %arg1, %mul3A_3086 : i32
      "tpu.region"() ({
        %run_scoped3A_3096 = tpu.sem_alloc : memref<!tpu.dma_semaphore, #tpu.memory_space<semaphore_mem>>
        %dma_start3A_3097 = arith.constant 0 : i32
        %dma_start3A_3098 = tpu.memref_slice %arg17[%dma_start3A_3097] : memref<256xf32, #tpu.memory_space<vmem>> -> memref<16xf32, #tpu.memory_space<vmem>>
        %dma_start3A_3099 = tpu.memref_slice %arg21[%mul3A_3087] : memref<256xf32, #tpu.memory_space<vmem_shared>> -> memref<16xf32, #tpu.memory_space<vmem_shared>>
        %dma_start3A_3100 = tpu.memref_slice %arg21[%mul3A_3087] : memref<256xf32, #tpu.memory_space<vmem_shared>> -> memref<16xf32, #tpu.memory_space<vmem_shared>>
        %dma_start3A_3101 = arith.constant 0 : i32
        %dma_start3A_3102 = tpu.memref_slice %arg17[%dma_start3A_3101] : memref<256xf32, #tpu.memory_space<vmem>> -> memref<16xf32, #tpu.memory_space<vmem>>
        tpu.enqueue_dma source(%dma_start3A_3102 : memref<16xf32, #tpu.memory_space<vmem>>) target(%dma_start3A_3100 : memref<16xf32, #tpu.memory_space<vmem_shared>>) target_semaphore(%run_scoped3A_3096 : memref<!tpu.dma_semaphore, #tpu.memory_space<semaphore_mem>>)
        %dma_wait3A_3103 = arith.constant 0 : i32
        %dma_wait3A_3104 = tpu.memref_slice %arg17[%dma_wait3A_3103] : memref<256xf32, #tpu.memory_space<vmem>> -> memref<16xf32, #tpu.memory_space<vmem>>
        %dma_wait3A_3105 = tpu.memref_slice %arg21[%mul3A_3087] : memref<256xf32, #tpu.memory_space<vmem_shared>> -> memref<16xf32, #tpu.memory_space<vmem_shared>>
        %dma_wait3A_3106 = tpu.memref_slice %arg21[%mul3A_3087] : memref<256xf32, #tpu.memory_space<vmem_shared>> -> memref<16xf32, #tpu.memory_space<vmem_shared>>
        %dma_wait3A_3107 = arith.constant 0 : i32
        %dma_wait3A_3108 = tpu.memref_slice %arg17[%dma_wait3A_3107] : memref<256xf32, #tpu.memory_space<vmem>> -> memref<16xf32, #tpu.memory_space<vmem>>
        tpu.wait_dma2 semaphore(%run_scoped3A_3096 : memref<!tpu.dma_semaphore, #tpu.memory_space<semaphore_mem>>) src(%dma_wait3A_3108 : memref<16xf32, #tpu.memory_space<vmem>>) dst(%dma_wait3A_3106 : memref<16xf32, #tpu.memory_space<vmem_shared>>)
        tpu.yield
      }) : () -> ()
      %mul3A_3088 = arith.constant 16 : i32
      %mul3A_3089 = arith.muli %arg1, %mul3A_3088 : i32
      "tpu.region"() ({
        %run_scoped3A_3096 = tpu.sem_alloc : memref<!tpu.dma_semaphore, #tpu.memory_space<semaphore_mem>>
        %dma_start3A_3097 = arith.constant 0 : i32
        %dma_start3A_3098 = tpu.memref_slice %arg18[%dma_start3A_3097] : memref<256xi32, #tpu.memory_space<vmem>> -> memref<16xi32, #tpu.memory_space<vmem>>
        %dma_start3A_3099 = tpu.memref_slice %arg22[%mul3A_3089] : memref<256xi32, #tpu.memory_space<vmem_shared>> -> memref<16xi32, #tpu.memory_space<vmem_shared>>
        %dma_start3A_3100 = tpu.memref_slice %arg22[%mul3A_3089] : memref<256xi32, #tpu.memory_space<vmem_shared>> -> memref<16xi32, #tpu.memory_space<vmem_shared>>
        %dma_start3A_3101 = arith.constant 0 : i32
        %dma_start3A_3102 = tpu.memref_slice %arg18[%dma_start3A_3101] : memref<256xi32, #tpu.memory_space<vmem>> -> memref<16xi32, #tpu.memory_space<vmem>>
        tpu.enqueue_dma source(%dma_start3A_3102 : memref<16xi32, #tpu.memory_space<vmem>>) target(%dma_start3A_3100 : memref<16xi32, #tpu.memory_space<vmem_shared>>) target_semaphore(%run_scoped3A_3096 : memref<!tpu.dma_semaphore, #tpu.memory_space<semaphore_mem>>)
        %dma_wait3A_3103 = arith.constant 0 : i32
        %dma_wait3A_3104 = tpu.memref_slice %arg18[%dma_wait3A_3103] : memref<256xi32, #tpu.memory_space<vmem>> -> memref<16xi32, #tpu.memory_space<vmem>>
        %dma_wait3A_3105 = tpu.memref_slice %arg22[%mul3A_3089] : memref<256xi32, #tpu.memory_space<vmem_shared>> -> memref<16xi32, #tpu.memory_space<vmem_shared>>
        %dma_wait3A_3106 = tpu.memref_slice %arg22[%mul3A_3089] : memref<256xi32, #tpu.memory_space<vmem_shared>> -> memref<16xi32, #tpu.memory_space<vmem_shared>>
        %dma_wait3A_3107 = arith.constant 0 : i32
        %dma_wait3A_3108 = tpu.memref_slice %arg18[%dma_wait3A_3107] : memref<256xi32, #tpu.memory_space<vmem>> -> memref<16xi32, #tpu.memory_space<vmem>>
        tpu.wait_dma2 semaphore(%run_scoped3A_3096 : memref<!tpu.dma_semaphore, #tpu.memory_space<semaphore_mem>>) src(%dma_wait3A_3108 : memref<16xi32, #tpu.memory_space<vmem>>) dst(%dma_wait3A_3106 : memref<16xi32, #tpu.memory_space<vmem_shared>>)
        tpu.yield
      }) : () -> ()
      %barrier3A_3090 = arith.constant 0 : index
      tpu.barrier barrier_id(%barrier3A_3090)
      %eq3A_3091 = arith.constant 0 : i32
      %eq3A_3092 = arith.cmpi eq, %arg1, %eq3A_3091 : i32
      %convert_element_type3A_3093 = arith.extui %eq3A_3092 : i1 to i32
      %cond3A_3094 = arith.constant 0 : i32
      %cond3A_3095 = arith.cmpi ne, %convert_element_type3A_3093, %cond3A_3094 : i32
      scf.if %cond3A_3095 {
        "tpu.region"() ({
          %run_scoped3A_3118 = tpu.sem_alloc : memref<!tpu.dma_semaphore, #tpu.memory_space<semaphore_mem>>
          tpu.enqueue_dma source(%arg21 : memref<256xf32, #tpu.memory_space<vmem_shared>>) target(%arg17 : memref<256xf32, #tpu.memory_space<vmem>>) target_semaphore(%run_scoped3A_3118 : memref<!tpu.dma_semaphore, #tpu.memory_space<semaphore_mem>>)
          tpu.wait_dma2 semaphore(%run_scoped3A_3118 : memref<!tpu.dma_semaphore, #tpu.memory_space<semaphore_mem>>) src(%arg21 : memref<256xf32, #tpu.memory_space<vmem_shared>>) dst(%arg17 : memref<256xf32, #tpu.memory_space<vmem>>)
          tpu.yield
        }) : () -> ()
        "tpu.region"() ({
          %run_scoped3A_3118 = tpu.sem_alloc : memref<!tpu.dma_semaphore, #tpu.memory_space<semaphore_mem>>
          tpu.enqueue_dma source(%arg22 : memref<256xi32, #tpu.memory_space<vmem_shared>>) target(%arg18 : memref<256xi32, #tpu.memory_space<vmem>>) target_semaphore(%run_scoped3A_3118 : memref<!tpu.dma_semaphore, #tpu.memory_space<semaphore_mem>>)
          tpu.wait_dma2 semaphore(%run_scoped3A_3118 : memref<!tpu.dma_semaphore, #tpu.memory_space<semaphore_mem>>) src(%arg22 : memref<256xi32, #tpu.memory_space<vmem_shared>>) dst(%arg18 : memref<256xi32, #tpu.memory_space<vmem>>)
          tpu.yield
        }) : () -> ()
        %get3A_3096 = arith.constant 0 : index
        %get3A_3097 = tpu.vector_load %arg17[%get3A_3096] {strides = array<i32>} : memref<256xf32, #tpu.memory_space<vmem>>, vector<16xf32>,
        %get3A_3098 = arith.constant 0 : index
        %get3A_3099 = tpu.vector_load %arg18[%get3A_3098] {strides = array<i32>} : memref<256xi32, #tpu.memory_space<vmem>>, vector<16xi32>,
        %masked_sort3A_3100 = arith.constant dense<true> : vector<16xi1>
        %masked_sort3A_3101, %masked_sort3A_3102, %masked_sort3A_3103 = tpu.sort %get3A_3097, %get3A_3099 masked %masked_sort3A_3100 : (vector<16xf32>, vector<16xi32>, vector<16xi1>) -> (vector<16xi1>, vector<16xf32>, vector<16xi32>)
        %scan3A_3104 = arith.constant 1 : i32
        %scan3A_3105 = arith.constant 15 : i32
        %scan3A_3106 = arith.addi %scan3A_3104, %scan3A_3105 : i32
        %scan3A_3107 = arith.constant 1 : i32
        %scan3A_3108:2 = scf.for %scan3A_3118 = %scan3A_3104 to %scan3A_3106 step %scan3A_3107 iter_args(%scan3A_3119 = %masked_sort3A_3102, %scan3A_3120 = %masked_sort3A_3103) -> (vector<16xf32>, vector<16xi32>)  : i32 {
          %mul3A_3121 = arith.constant 16 : i32
          %mul3A_3122 = arith.muli %scan3A_3118, %mul3A_3121 : i32
          %get3A_3123 = arith.index_cast %mul3A_3122 : i32 to index
          %get3A_3124 = tpu.vector_load %arg17[%get3A_3123] {strides = array<i32>} : memref<256xf32, #tpu.memory_space<vmem>>, vector<16xf32>,
          %mul3A_3125 = arith.constant 16 : i32
          %mul3A_3126 = arith.muli %scan3A_3118, %mul3A_3125 : i32
          %get3A_3127 = arith.index_cast %mul3A_3126 : i32 to index
          %get3A_3128 = tpu.vector_load %arg18[%get3A_3127] {strides = array<i32>} : memref<256xi32, #tpu.memory_space<vmem>>, vector<16xi32>,
          %ge3A_3129 = arith.cmpf oge, %scan3A_3119, %get3A_3124 : vector<16xf32>
          %select_n3A_3130 = arith.select %ge3A_3129, %scan3A_3119, %get3A_3124 : vector<16xi1>, vector<16xf32>
          %select_n3A_3131 = arith.select %ge3A_3129, %scan3A_3120, %get3A_3128 : vector<16xi1>, vector<16xi32>
          %masked_sort3A_3132 = arith.constant dense<true> : vector<16xi1>
          %masked_sort3A_3133, %masked_sort3A_3134, %masked_sort3A_3135 = tpu.sort %select_n3A_3130, %select_n3A_3131 masked %masked_sort3A_3132 : (vector<16xf32>, vector<16xi32>, vector<16xi1>) -> (vector<16xi1>, vector<16xf32>, vector<16xi32>)
          scf.yield %masked_sort3A_3134, %masked_sort3A_3135 : vector<16xf32>, vector<16xi32>
        }
        %scan3A_3109 = arith.constant 15 : i32
        %masked_sort3A_3110 = arith.constant dense<true> : vector<16xi1>
        %masked_sort3A_3111, %masked_sort3A_3112, %masked_sort3A_3113 = tpu.sort %scan3A_3108#0, %scan3A_3108#1 masked %masked_sort3A_3110 {descending = true} : (vector<16xf32>, vector<16xi32>, vector<16xi1>) -> (vector<16xi1>, vector<16xf32>, vector<16xi32>)
        %swap3A_3114 = arith.constant 0 : index
        %swap3A_3115 = tpu.vector_load %arg17[%swap3A_3114] {strides = array<i32>} : memref<256xf32, #tpu.memory_space<vmem>>, vector<16xf32>,
        tpu.vector_store %arg17[%swap3A_3114], %masked_sort3A_3112 {strides = array<i32>} : memref<256xf32, #tpu.memory_space<vmem>>, vector<16xf32>,
        %swap3A_3116 = arith.constant 0 : index
        %swap3A_3117 = tpu.vector_load %arg18[%swap3A_3116] {strides = array<i32>} : memref<256xi32, #tpu.memory_space<vmem>>, vector<16xi32>,
        tpu.vector_store %arg18[%swap3A_3116], %masked_sort3A_3113 {strides = array<i32>} : memref<256xi32, #tpu.memory_space<vmem>>, vector<16xi32>,
        "tpu.region"() ({
          %run_scoped3A_3118 = tpu.sem_alloc : memref<!tpu.dma_semaphore, #tpu.memory_space<semaphore_mem>>
          %dma_start3A_3119 = arith.constant 0 : i32
          %dma_start3A_3120 = tpu.memref_slice %arg17[%dma_start3A_3119] : memref<256xf32, #tpu.memory_space<vmem>> -> memref<16xf32, #tpu.memory_space<vmem>>
          %dma_start3A_3121 = arith.constant 0 : i32
          %dma_start3A_3122 = tpu.memref_slice %arg17[%dma_start3A_3121] : memref<256xf32, #tpu.memory_space<vmem>> -> memref<16xf32, #tpu.memory_space<vmem>>
          tpu.enqueue_dma source(%dma_start3A_3122 : memref<16xf32, #tpu.memory_space<vmem>>) target(%arg6 : memref<16xf32, #tpu.memory_space<hbm>>) target_semaphore(%run_scoped3A_3118 : memref<!tpu.dma_semaphore, #tpu.memory_space<semaphore_mem>>)
          %dma_wait3A_3123 = arith.constant 0 : i32
          %dma_wait3A_3124 = tpu.memref_slice %arg17[%dma_wait3A_3123] : memref<256xf32, #tpu.memory_space<vmem>> -> memref<16xf32, #tpu.memory_space<vmem>>
          %dma_wait3A_3125 = arith.constant 0 : i32
          %dma_wait3A_3126 = tpu.memref_slice %arg17[%dma_wait3A_3125] : memref<256xf32, #tpu.memory_space<vmem>> -> memref<16xf32, #tpu.memory_space<vmem>>
          tpu.wait_dma2 semaphore(%run_scoped3A_3118 : memref<!tpu.dma_semaphore, #tpu.memory_space<semaphore_mem>>) src(%dma_wait3A_3126 : memref<16xf32, #tpu.memory_space<vmem>>) dst(%arg6 : memref<16xf32, #tpu.memory_space<hbm>>)
          tpu.yield
        }) : () -> ()
        "tpu.region"() ({
          %run_scoped3A_3118 = tpu.sem_alloc : memref<!tpu.dma_semaphore, #tpu.memory_space<semaphore_mem>>
          %dma_start3A_3119 = arith.constant 0 : i32
          %dma_start3A_3120 = tpu.memref_slice %arg18[%dma_start3A_3119] : memref<256xi32, #tpu.memory_space<vmem>> -> memref<16xi32, #tpu.memory_space<vmem>>
          %dma_start3A_3121 = arith.constant 0 : i32
          %dma_start3A_3122 = tpu.memref_slice %arg18[%dma_start3A_3121] : memref<256xi32, #tpu.memory_space<vmem>> -> memref<16xi32, #tpu.memory_space<vmem>>
          tpu.enqueue_dma source(%dma_start3A_3122 : memref<16xi32, #tpu.memory_space<vmem>>) target(%arg7 : memref<16xi32, #tpu.memory_space<hbm>>) target_semaphore(%run_scoped3A_3118 : memref<!tpu.dma_semaphore, #tpu.memory_space<semaphore_mem>>)
          %dma_wait3A_3123 = arith.constant 0 : i32
          %dma_wait3A_3124 = tpu.memref_slice %arg18[%dma_wait3A_3123] : memref<256xi32, #tpu.memory_space<vmem>> -> memref<16xi32, #tpu.memory_space<vmem>>
          %dma_wait3A_3125 = arith.constant 0 : i32
          %dma_wait3A_3126 = tpu.memref_slice %arg18[%dma_wait3A_3125] : memref<256xi32, #tpu.memory_space<vmem>> -> memref<16xi32, #tpu.memory_space<vmem>>
          tpu.wait_dma2 semaphore(%run_scoped3A_3118 : memref<!tpu.dma_semaphore, #tpu.memory_space<semaphore_mem>>) src(%dma_wait3A_3126 : memref<16xi32, #tpu.memory_space<vmem>>) dst(%arg7 : memref<16xi32, #tpu.memory_space<hbm>>)
          tpu.yield
        }) : () -> ()
      } else {
      }
    } else {
    }
    return
  }
}

</mosaic_0001>

<sc_bundles>
// kernel: kernel.3.cloned.1.call-start
scs
__scs_entry_jumppad:
0x0: {  	(pc) =	sbr.rel $0x88, $3  }
0x1: {  	(tag) =	ssettag $0x0;
	lr =	simm.s32 $0x1  }
0x2: {  	[smem:$0x3F9D] =	sst lr;
	_ =	strace $0xD0000000  }
0x3: {  	_ = 	snop  }
0x4: {  	_ = 	snop  }
0x5: {  	_ = 	snop  }
0x6: {  	_ = 	snop  }
0x7: {  	_ = 	snop  }
__scs_overlays_trampoline_lowered:
0x8: {  	[smem:$0x3FAC] =	sst s0  }
0x9: {  	[smem:$0x3FAD] =	sst s1  }
0xa: {  	[smem:$0x3FAE] =	sst s2  }
0xb: {  	[smem:$0x3FAF] =	sst s3  }
0xc: {  	[smem:$0x3FB0] =	sst s4  }
0xd: {  	[smem:$0x3FB1] =	sst s5  }
0xe: {  	[smem:$0x3FB2] =	sst s6  }
0xf: {  	[smem:$0x3FB3] =	sst s7  }
0x10: {  	[smem:$0x3FB4] =	sst s8  }
0x11: {  	[smem:$0x3FB5] =	sst s9;
	s0 =	simm.s32 @!p0 $0x0  }
0x12: {  	s1 =	sld [smem:$0x3F9B];
	s0 =	simm.s32 @p0 $0x1  }
0x13: {  	[smem:$0x3FB6] =	sst s0;
	s0 =	simm.s32 @!p1 $0x0  }
0x14: {  	s2 =	sld [smem:$0x3F9A];
	s0 =	simm.s32 @p1 $0x1  }
0x15: {  	[smem:$0x3FB7] =	sst s0;
	s0 =	simm.s32 @!p2 $0x0  }
0x16: {  	s3 =	sld [smem:$0x3FDB];
	s0 =	simm.s32 @p2 $0x1  }
0x17: {  	s4 =	simm.s32 $0x1BF5;
	[smem:$0x3FB9] =	sst s0  }
0x18: {  	s0 =	sld [smem:$0x3F9C];
	_ =	swait.ge [sflag:s4], $0x0  }
0x19: {  	s7 =	sld [smem:$0x3F9D]  }
0x1a: {  	s8 =	sadd.s32 $0xFFFFE003, lr  }
0x1b: {  	s9 =	sadd.s32 $0xFFFFFEF7, lr;
	s5 =	simm.s32 $0xFFFFFFFF;
	p2 =	slt.u32 s8, $0xFFFFF086  }
0x1c: {  	p1 =	slt.u32 s9, $0xF7A;
	s5 =	simm.s32 @!p2 $0x0  }
0x1d: {  	s5 =	simm.s32 @p1 $0x1;
	p0 =	seq.s32 s7, s2  }
0x1e: {  	s7 =	smul.u32 @!p0 $0xF7A, s2;
	p2 =	seq.s32 @!p0 s5, $0x0  }
0x1f: {  	s9 =	smul.u32 $0xF7A, s1;
	s8 =	simm.s32 @!p0 $0x1BF5;
	p2 =	por !p2, p0  }
0x20: {  	[sflag:s8] =	ssyncset.s32 @!p0 $0xFFFFF086;
	s6 =	sadd.s32 @!p0 s3, s7;
	s7 =	simm.s32 @!p0 $0x108  }
0x21: {  	s3 =	sadd.s32 s3, s9;
	s6 =	sadd.s32 @!p0 $0x88, s6;
	s7 =	simm.s32 @p2 $0x1082  }
0x22: {  	[simem:s7], [sflag:s8] =	dma.local @!p0 [hbm:s6], $0xF7A  }
0x23: {  	s9 =	sor.u32 $0xD0000000, s2;
	s6 =	simm.s32 $0x108;
	_ =	swait.ge @!p0 [sflag:s8], $0x0  }
0x24: {  	s3 =	sadd.s32 $0x88, s3;
	s6 =	simm.s32 @!p1 $0x1082;
	[sflag:s4] =	ssyncset.s32 $0xFFFFF086  }
0x25: {  	[simem:s6], [sflag:s4] =	dma.local [hbm:s3], $0xF7A  }
0x26: {  	[smem:$0x3F9D] =	sst s1;
	(tag) =	ssettag s2;
	_ =	strace s9  }
0x27: {  	s1 =	sld [smem:$0x3FAD]  }
0x28: {  	s2 =	sld [smem:$0x3FAE]  }
0x29: {  	s4 =	sld [smem:$0x3FB0]  }
0x2a: {  	p0 =	seq.s32 s5, $0x0;
	s5 =	sld [smem:$0x3FB1]  }
0x2b: {  	s6 =	sld [smem:$0x3FB2]  }
0x2c: {  	s7 =	sld [smem:$0x3FB3]  }
0x2d: {  	s3 =	simm.s32 $0x108;
	s8 =	sld [smem:$0x3FB4]  }
0x2e: {  	s3 =	simm.s32 @!p0 $0x1082;
	s9 =	sld [smem:$0x3FB5]  }
0x2f: {  	lr =	sadd.s32 s0, s3;
	s0 =	sld [smem:$0x3FAC]  }
0x30: {  	s3 =	sld [smem:$0x3FAF]  }
0x31: {  	[smem:$0x3FB8] =	sst s10  }
0x32: {  	s10 =	sld [smem:$0x3FB6];
	_ =	sdelay $0x3  }
0x33: {  	p0 =	seq.s32 s10, $0x1;
	s10 =	sld [smem:$0x3FB8];
	_ =	sdelay $0x3  }
0x34: {  	[smem:$0x3FB8] =	sst s10  }
0x35: {  	s10 =	sld [smem:$0x3FB7];
	_ =	sdelay $0x3  }
0x36: {  	p1 =	seq.s32 s10, $0x1;
	s10 =	sld [smem:$0x3FB8];
	_ =	sdelay $0x3  }
0x37: {  	[smem:$0x3FB8] =	sst s10  }
0x38: {  	s10 =	sld [smem:$0x3FB9]  }
0x39: {  	_ = 	snop;
	(pc) =	sbr.ind lr, $3  }
0x3a: {  	_ = 	snop  }
0x3b: {  	_ = 	snop  }
0x3c: {  	p2 =	seq.s32 s10, $0x1;
	s10 =	sld [smem:$0x3FB8]  }
0x3d: {  	_ =	shalt  }
0x3e: {  	_ =	shalt  }
0x3f: {  	_ =	shalt  }
0x40: {  	_ =	shalt  }
0x41: {  	_ =	shalt  }
0x42: {  	_ =	shalt  }
0x43: {  	_ =	shalt  }
0x44: {  	_ =	shalt  }
0x45: {  	_ =	shalt  }
0x46: {  	_ =	shalt  }
0x47: {  	_ =	shalt  }
0x48: {  	_ =	shalt  }
0x49: {  	_ =	shalt  }
0x4a: {  	_ =	shalt  }
0x4b: {  	_ =	shalt  }
0x4c: {  	_ =	shalt  }
0x4d: {  	_ =	shalt  }
0x4e: {  	_ =	shalt  }
0x4f: {  	_ =	shalt  }
0x50: {  	_ =	shalt  }
0x51: {  	_ =	shalt  }
0x52: {  	_ =	shalt  }
0x53: {  	_ =	shalt  }
0x54: {  	_ =	shalt  }
0x55: {  	_ =	shalt  }
0x56: {  	_ =	shalt  }
0x57: {  	_ =	shalt  }
0x58: {  	_ =	shalt  }
0x59: {  	_ =	shalt  }
0x5a: {  	_ =	shalt  }
0x5b: {  	_ =	shalt  }
0x5c: {  	_ =	shalt  }
0x5d: {  	_ =	shalt  }
0x5e: {  	_ =	shalt  }
0x5f: {  	_ =	shalt  }
0x60: {  	_ =	shalt  }
0x61: {  	_ =	shalt  }
0x62: {  	_ =	shalt  }
0x63: {  	_ =	shalt  }
0x64: {  	_ =	shalt  }
0x65: {  	_ =	shalt  }
0x66: {  	_ =	shalt  }
0x67: {  	_ =	shalt  }
0x68: {  	_ =	shalt  }
0x69: {  	_ =	shalt  }
0x6a: {  	_ =	shalt  }
0x6b: {  	_ =	shalt  }
0x6c: {  	_ =	shalt  }
0x6d: {  	_ =	shalt  }
0x6e: {  	_ =	shalt  }
0x6f: {  	_ =	shalt  }
0x70: {  	_ =	shalt  }
0x71: {  	_ =	shalt  }
0x72: {  	_ =	shalt  }
0x73: {  	_ =	shalt  }
0x74: {  	_ =	shalt  }
0x75: {  	_ =	shalt  }
0x76: {  	_ =	shalt  }
0x77: {  	_ =	shalt  }
0x78: {  	_ =	shalt  }
0x79: {  	_ =	shalt  }
0x7a: {  	_ =	shalt  }
0x7b: {  	_ =	shalt  }
0x7c: {  	_ =	shalt  }
0x7d: {  	_ =	shalt  }
0x7e: {  	_ =	shalt  }
0x7f: {  	_ =	shalt  }
0x80: {  	_ =	shalt  }
0x81: {  	_ =	shalt  }
0x82: {  	_ =	shalt  }
0x83: {  	_ =	shalt  }
0x84: {  	_ =	shalt  }
0x85: {  	_ =	shalt  }
0x86: {  	_ =	shalt  }
0x87: {  	_ =	shalt  }
.Lfunc_end0:
.L_simem_size_0:
called_computation_lowered:
.L_overlay_start_0:
0x88: {  	s2 =	sld [smem:$0x3FD9]  }
0x89: {  	s3 =	sld [smem:$0x3FFE];
	_ =	sdelay $0x1  }
0x8a: {  	s1 =	srdreg.scid  }
0x8b: {  	s0 =	sand.u32 $0x1, s1  }
0x8c: {  	s14 =	sshll.u32 s0, $0xA;
	s2 =	sadd.s32 s3, s2  }
0x8d: {  	s2 =	sadd.s32 s2, s14  }
0x8e: {  	[smem:$0x3FC4] =	sst s2  }
0x8f: {  	_ = 	snop  }
0x90: {  	s2 =	sld [smem:$0x3FD0]  }
0x91: {  	s15 =	sld [smem:$0x3FC9]  }
0x92: {  	s4 =	sld [smem:$0x3FC7]  }
0x93: {  	s6 =	simm.s32 $0xA;
	s7 =	simm.s32 $0x10;
	s5 =	sld [smem:$0x3FC6]  }
0x94: {  	[smem:s7], [sflag:s6] =	dma.local [hbm:s2], $0x1  }
0x95: {  	_ =	swait.eq [sflag:s6], $0x1  }
0x96: {  	[sflag:s6] =	ssyncset.done $0x0  }
0x97: {  	s16 =	sld [smem:$0x10];
	[sflag:s6] =	ssyncadd.s32 $0xFFFFFFFF  }
0x98: {  	s17 =	sld [smem:$0x11];
	(tm) =	ssettm $0x1  }
0x99: {  	s18 =	sld [smem:$0x3FFB];
	_ =	sdelay $0x3  }
0x9a: {  	_ =	strace s18  }
0x9b: {  	s7 =	sld [smem:$0x3FFC];
	_ =	sdelay $0x3  }
0x9c: {  	_ =	strace s7  }
0x9d: {  	s7 =	sld [smem:$0x3FFD];
	_ =	sdelay $0x3  }
0x9e: {  	_ =	strace s7  }
0x9f: {  	_ =	strace $0x8FFFFFFF  }
0xa0: {  	s19 =	sld [smem:$0x3FDB];
	_ =	sdelay $0x1  }
0xa1: {  	s8 =	simm.s32 $_scs_section_size  }
0xa2: {  	s9 =	simm.s32 $_size__tile_overlayer_lowered;
	s10 =	simm.s32 $_tile_overlayer_lowered  }
0xa3: {  	s22 =	simm.s32 $0x1BFF;
	s21 =	sshll.u32 s10, $0x1;
	s7 =	sadd.s32 s8, s19  }
0xa4: {  	s11 =	simm.s32 $0x0;
	s20 =	sshll.u32 s9, $0x1;
	s9 =	sadd.s32 s21, s7  }
0xa5: {  	[timem:s11], [sflag:s22] =	dma.local [hbm:s9], s20  }
0xa6: {  	_ =	swait.ge [sflag:s22], s20  }
0xa7: {  	s8 =	ssub.s32 $0x0, s20;
	[sflag:s22] =	ssyncset.done $0x0  }
0xa8: {  	[sflag:s22] =	ssyncadd.s32 s8;
	_ =	sdelay $0x1  }
0xa9: {  	s23 =	simm.s32 $0x1B8B  }
0xaa: {  	_ =	swait.ge [sflag:s23], $0x1  }
0xab: {  	[sflag:s23] =	ssyncset.done $0x0  }
0xac: {  	s25 =	simm.s32 $0x1B8E;
	s24 =	sld [smem:$0x3FFE];
	[sflag:s23] =	ssyncadd.s32 $0xFFFFFFFF  }
0xad: {  	s26 =	simm.s32 $execute0_lowered;
	[smem:$0x3FD2] =	sst s25  }
0xae: {  	s9 =	sshll.u32 s26, $0x1;
	_ =	strace $0x80000046;
	[dreg:$0x1] =	wrdreg $0xFFFFFFFF  }
0xaf: {  	s28 =	simm.s32 $_size_execute0_lowered;
	s7 =	sadd.s32 s7, s9;
	[dreg:$0x0] =	wrdreg $0x0  }
0xb0: {  	s9 =	sshll.u32 s28, $0x1;
	[dreg:$0x2] =	wrdreg s7  }
0xb1: {  	[dreg:$0x3] =	wrdreg s9  }
0xb2: {  	[dreg:$0x4] =	wrdreg $0xC0  }
0xb3: {  	_ =	task [dreg:s11], $0x5FFFF  }
0xb4: {  	[dreg:$0x1] =	wrdreg $0xFFFFFFFF  }
0xb5: {  	[dreg:$0x0] =	wrdreg $0x60  }
0xb6: {  	[dreg:$0x2] =	wrdreg s15  }
0xb7: {  	[dreg:$0x3] =	wrdreg s24  }
0xb8: {  	[dreg:$0x4] =	wrdreg s4  }
0xb9: {  	[dreg:$0x5] =	wrdreg s5  }
0xba: {  	[dreg:$0x6] =	wrdreg s16  }
0xbb: {  	[dreg:$0x7] =	wrdreg s17  }
0xbc: {  	[dreg:$0x8] =	wrdreg $0x2E100  }
0xbd: {  	[dreg:$0x9] =	wrdreg $0x36100  }
0xbe: {  	[dreg:$0xa] =	wrdreg $0x3E100  }
0xbf: {  	[dreg:$0xb] =	wrdreg $0x3E200  }
0xc0: {  	[dreg:$0xc] =	wrdreg $0x9  }
0xc1: {  	_ =	task.clear_ibuf [dreg:s11], $0xDFFFF;
	_ =	strace $0x90000046  }
0xc2: {  	s29 =	simm.s32 $0x9;
	_ =	strace $0x80000048  }
0xc3: {  	_ =	swait.ge [sflag:s29], $0x1  }
0xc4: {  	[sflag:s29] =	ssyncadd.s32 $0xFFFFFFFF  }
0xc5: {  	_ =	strace $0x90000048  }
0xc6: {  	_ =	sfence  }
0xc7: {  	s30 =	sld [smem:$0x0];
	_ =	sdelay $0x2  }
0xc8: {  	s31 =	sshll.u32 s1, $0xD;
	s1 =	sshrl.u32 s1, $0x2  }
0xc9: {  	s3 =	sand.u32 $0x4000, s31;
	s1 =	sadd.s32 s1, s30  }
0xca: {  	s0 =	sor.u32 s3, s0;
	s1 =	sshll.u32 s1, $0x11  }
0xcb: {  	s0 =	sor.u32 s1, s0  }
0xcc: {  	s0 =	sadd.s32 $0x8F2B, s0  }
0xcd: {  	[sflag:s0] =	ssyncadd.remote.s32 $0x1  }
0xce: {  	_ =	sfence.sel $0xFFFF  }
0xcf: {  	[dreg:$0x0] =	wrdreg $0xFFFFFFFF;
	(pc) =	sbr.abs _section_cstart, $3  }
0xd0: {  	[dreg:$0x1] =	wrdreg $0xFFFFFFFF  }
0xd1: {  	_ =	task.clear_ibuf [dreg:s11], $0x2FFFF;
	_ =	strace $0x9FFFFFFF  }
0xd2: {  	(tm) =	ssettm $0x7FFFFFFF  }
0xd3: {  	_ =	shalt  }
tec
execute0_lowered:
.L_overlay_start_1:
0x0: {  	(tag) =	ssettag $0x1  }
0x1: {  	s8 =	rddreg [dreg:$0x0]  }
0x2: {  	s12 =	rddreg [dreg:$0x1]  }
0x3: {  	s10 =	rddreg [dreg:$0x2]  }
0x4: {  	s9 =	rddreg [dreg:$0x3]  }
0x5: {  	s2 =	rddreg [dreg:$0x4];
	s3 =	srdreg.scid  }
0x6: {  	s1 =	rddreg [dreg:$0x5];
	s3 =	sand.u32 $0x1, s3  }
0x7: {  	s6 =	rddreg [dreg:$0x6];
	p0 =	seq.s32 s3, $0x1  }
.Ltmp0:
0x8: {  	s7 =	rddreg [dreg:$0x7];
	(pc) =	sbr.rel @p0 .LBB2_7-.Ltmp0, $4  }
0x9: {  	s5 =	rddreg [dreg:$0x8]  }
0xa: {  	s4 =	rddreg [dreg:$0x9];
	s11 =	simm.s32 $0x0  }
0xb: {  	[smem:$0x7FF] =	sst s11  }
0xc: {  	s0 =	rddreg [dreg:$0xa];
	_ =	strace $0x80000047;
	s3 =	stileid.u32  }
0xd: {  	s13 =	sshll.u32 s3, $0x1  }
0xe: {  	s8 =	sadd.s32 s8, s13  }
0xf: {  	[tilespmem:s11], [sflag:$0x3] =	stream.linear.gather [hbm4b:s8+s11], $0x10, $0x38;
	[tilespmem:$0x3E30] =	vst v63  }
0x10: {  	s8 =	simm.s32 $0x3  }
0x11: {  	_ =	swait.ge [sflag:s8], $0x10  }
0x12: {  	s12 =	sadd.s32 $0x400, s12;
	s21 =	sshll.u32 s3, $0x7;
	[sflag:s8] =	ssyncset.done $0x0  }
0x13: {  	s22 =	simm.s32 $0x10;
	s12 =	sadd.s32 s12, s21;
	[sflag:s8] =	ssyncadd.s32 $0xFFFFFFF0  }
0x14: {  	[tilespmem:s22], [sflag:$0x3] =	stream.linear.gather [hbm4b:s12+s11], $0x400, $0x38;
	[tilespmem:$0x3E30] =	vst v63  }
0x15: {  	_ =	swait.ge [sflag:s8], $0x400  }
0x16: {  	[sflag:s8] =	ssyncset.done $0x0  }
0x17: {  	s23 =	simm.s32 $0x410;
	[sflag:s8] =	ssyncadd.s32 $0xFFFFFC00  }
0x18: {  	[tilespmem:s23], [sflag:$0x1] =	stream.indirect.gather [hbm4b:s10+s22], $0x40, s11, s22, $0xb8;
	[tilespmem:$0x3E30] =	vst v63  }
0x19: {  	s24 =	simm.s32 $0x810  }
0x1a: {  	v0 =	vimm.f32 $0.0e+00;
	[tilespmem:s24], [sflag:$0x2] =	stream.indirect.gather [hbm4b:s9+s22], $0x40, s11, s22, $0xb8;
	[tilespmem:$0x3E30] =	vst v63  }
0x1b: {  	[tilespmem:$0x1C10] =	vst v0  }
0x1c: {  	[tilespmem:$0x1C20] =	vst v0  }
0x1d: {  	[tilespmem:$0x1C30] =	vst v0  }
0x1e: {  	[tilespmem:$0x1C40] =	vst v0  }
0x1f: {  	[tilespmem:$0x1C50] =	vst v0  }
0x20: {  	[tilespmem:$0x1C60] =	vst v0  }
0x21: {  	[tilespmem:$0x1C70] =	vst v0  }
0x22: {  	[tilespmem:$0x1C80] =	vst v0  }
0x23: {  	[tilespmem:$0x1C90] =	vst v0  }
0x24: {  	[tilespmem:$0x1CA0] =	vst v0  }
0x25: {  	[tilespmem:$0x1CB0] =	vst v0  }
0x26: {  	[tilespmem:$0x1CC0] =	vst v0  }
0x27: {  	[tilespmem:$0x1CD0] =	vst v0  }
0x28: {  	[tilespmem:$0x1CE0] =	vst v0  }
0x29: {  	[tilespmem:$0x1CF0] =	vst v0  }
0x2a: {  	[tilespmem:$0x1D00] =	vst v0  }
0x2b: {  	[tilespmem:$0x1D10] =	vst v0  }
0x2c: {  	[tilespmem:$0x1D20] =	vst v0  }
0x2d: {  	[tilespmem:$0x1D30] =	vst v0  }
0x2e: {  	[tilespmem:$0x1D40] =	vst v0  }
0x2f: {  	[tilespmem:$0x1D50] =	vst v0  }
0x30: {  	[tilespmem:$0x1D60] =	vst v0  }
0x31: {  	[tilespmem:$0x1D70] =	vst v0  }
0x32: {  	[tilespmem:$0x1D80] =	vst v0  }
0x33: {  	[tilespmem:$0x1D90] =	vst v0  }
0x34: {  	[tilespmem:$0x1DA0] =	vst v0  }
0x35: {  	[tilespmem:$0x1DB0] =	vst v0  }
0x36: {  	[tilespmem:$0x1DC0] =	vst v0  }
0x37: {  	[tilespmem:$0x1DD0] =	vst v0  }
0x38: {  	[tilespmem:$0x1DE0] =	vst v0  }
0x39: {  	[tilespmem:$0x1DF0] =	vst v0  }
0x3a: {  	[tilespmem:$0x1E00] =	vst v0  }
0x3b: {  	[tilespmem:$0x1E10] =	vst v0  }
0x3c: {  	[tilespmem:$0x1E20] =	vst v0  }
0x3d: {  	[tilespmem:$0x1E30] =	vst v0  }
0x3e: {  	[tilespmem:$0x1E40] =	vst v0  }
0x3f: {  	[tilespmem:$0x1E50] =	vst v0  }
0x40: {  	[tilespmem:$0x1E60] =	vst v0  }
0x41: {  	[tilespmem:$0x1E70] =	vst v0  }
0x42: {  	[tilespmem:$0x1E80] =	vst v0  }
0x43: {  	[tilespmem:$0x1E90] =	vst v0  }
0x44: {  	[tilespmem:$0x1EA0] =	vst v0  }
0x45: {  	[tilespmem:$0x1EB0] =	vst v0  }
0x46: {  	[tilespmem:$0x1EC0] =	vst v0  }
0x47: {  	[tilespmem:$0x1ED0] =	vst v0  }
0x48: {  	[tilespmem:$0x1EE0] =	vst v0  }
0x49: {  	[tilespmem:$0x1EF0] =	vst v0  }
0x4a: {  	[tilespmem:$0x1F00] =	vst v0  }
0x4b: {  	[tilespmem:$0x1F10] =	vst v0  }
0x4c: {  	[tilespmem:$0x1F20] =	vst v0  }
0x4d: {  	[tilespmem:$0x1F30] =	vst v0  }
0x4e: {  	[tilespmem:$0x1F40] =	vst v0  }
0x4f: {  	[tilespmem:$0x1F50] =	vst v0  }
0x50: {  	[tilespmem:$0x1F60] =	vst v0  }
0x51: {  	[tilespmem:$0x1F70] =	vst v0  }
0x52: {  	[tilespmem:$0x1F80] =	vst v0  }
0x53: {  	[tilespmem:$0x1F90] =	vst v0  }
0x54: {  	[tilespmem:$0x1FA0] =	vst v0  }
0x55: {  	[tilespmem:$0x1FB0] =	vst v0  }
0x56: {  	[tilespmem:$0x1FC0] =	vst v0  }
0x57: {  	[tilespmem:$0x1FD0] =	vst v0  }
0x58: {  	[tilespmem:$0x1FE0] =	vst v0  }
0x59: {  	[tilespmem:$0x1FF0] =	vst v0  }
0x5a: {  	[tilespmem:$0x2000] =	vst v0  }
0x5b: {  	[tilespmem:$0x2010] =	vst v0  }
0x5c: {  	[tilespmem:$0x2020] =	vst v0  }
0x5d: {  	[tilespmem:$0x2030] =	vst v0  }
0x5e: {  	[tilespmem:$0x2040] =	vst v0  }
0x5f: {  	[tilespmem:$0x2050] =	vst v0  }
0x60: {  	[tilespmem:$0x2060] =	vst v0  }
0x61: {  	[tilespmem:$0x2070] =	vst v0  }
0x62: {  	[tilespmem:$0x2080] =	vst v0  }
0x63: {  	[tilespmem:$0x2090] =	vst v0  }
0x64: {  	[tilespmem:$0x20A0] =	vst v0  }
0x65: {  	[tilespmem:$0x20B0] =	vst v0  }
0x66: {  	[tilespmem:$0x20C0] =	vst v0  }
0x67: {  	[tilespmem:$0x20D0] =	vst v0  }
0x68: {  	[tilespmem:$0x20E0] =	vst v0  }
0x69: {  	[tilespmem:$0x20F0] =	vst v0  }
0x6a: {  	[tilespmem:$0x2100] =	vst v0  }
0x6b: {  	[tilespmem:$0x2110] =	vst v0  }
0x6c: {  	[tilespmem:$0x2120] =	vst v0  }
0x6d: {  	[tilespmem:$0x2130] =	vst v0  }
0x6e: {  	[tilespmem:$0x2140] =	vst v0  }
0x6f: {  	[tilespmem:$0x2150] =	vst v0  }
0x70: {  	[tilespmem:$0x2160] =	vst v0  }
0x71: {  	[tilespmem:$0x2170] =	vst v0  }
0x72: {  	[tilespmem:$0x2180] =	vst v0  }
0x73: {  	[tilespmem:$0x2190] =	vst v0  }
0x74: {  	[tilespmem:$0x21A0] =	vst v0  }
0x75: {  	[tilespmem:$0x21B0] =	vst v0  }
0x76: {  	[tilespmem:$0x21C0] =	vst v0  }
0x77: {  	[tilespmem:$0x21D0] =	vst v0  }
0x78: {  	[tilespmem:$0x21E0] =	vst v0  }
0x79: {  	[tilespmem:$0x21F0] =	vst v0  }
0x7a: {  	[tilespmem:$0x2200] =	vst v0  }
0x7b: {  	[tilespmem:$0x2210] =	vst v0  }
0x7c: {  	[tilespmem:$0x2220] =	vst v0  }
0x7d: {  	[tilespmem:$0x2230] =	vst v0  }
0x7e: {  	[tilespmem:$0x2240] =	vst v0  }
0x7f: {  	[tilespmem:$0x2250] =	vst v0  }
0x80: {  	[tilespmem:$0x2260] =	vst v0  }
0x81: {  	[tilespmem:$0x2270] =	vst v0  }
0x82: {  	[tilespmem:$0x2280] =	vst v0  }
0x83: {  	[tilespmem:$0x2290] =	vst v0  }
0x84: {  	[tilespmem:$0x22A0] =	vst v0  }
0x85: {  	[tilespmem:$0x22B0] =	vst v0  }
0x86: {  	[tilespmem:$0x22C0] =	vst v0  }
0x87: {  	[tilespmem:$0x22D0] =	vst v0  }
0x88: {  	[tilespmem:$0x22E0] =	vst v0  }
0x89: {  	[tilespmem:$0x22F0] =	vst v0  }
0x8a: {  	[tilespmem:$0x2300] =	vst v0  }
0x8b: {  	[tilespmem:$0x2310] =	vst v0  }
0x8c: {  	[tilespmem:$0x2320] =	vst v0  }
0x8d: {  	[tilespmem:$0x2330] =	vst v0  }
0x8e: {  	[tilespmem:$0x2340] =	vst v0  }
0x8f: {  	[tilespmem:$0x2350] =	vst v0  }
0x90: {  	[tilespmem:$0x2360] =	vst v0  }
0x91: {  	[tilespmem:$0x2370] =	vst v0  }
0x92: {  	[tilespmem:$0x2380] =	vst v0  }
0x93: {  	[tilespmem:$0x2390] =	vst v0  }
0x94: {  	[tilespmem:$0x23A0] =	vst v0  }
0x95: {  	[tilespmem:$0x23B0] =	vst v0  }
0x96: {  	[tilespmem:$0x23C0] =	vst v0  }
0x97: {  	[tilespmem:$0x23D0] =	vst v0  }
0x98: {  	[tilespmem:$0x23E0] =	vst v0  }
0x99: {  	s25 =	sshll.u32 s3, $0xB;
	[tilespmem:$0x23F0] =	vst v0  }
0x9a: {  	s26 =	sadd.s32 s25, s6;
	s10 =	simm.s32 $0x1C10;
	[tilespmem:$0x2400] =	vst v0  }
0x9b: {  	[spmem:s26] =	stream.linear.scatter [tilespmem:s10], [sflag:$0x3], $0x800, $0x38;
	[tilespmem:$0x3E30] =	vst v63  }
0x9c: {  	_ =	swait.ge [sflag:s8], $0x800  }
0x9d: {  	[sflag:s8] =	ssyncset.done $0x0  }
0x9e: {  	s9 =	sadd.s32 s25, s7;
	[sflag:s8] =	ssyncadd.s32 $0xFFFFF800  }
0x9f: {  	[spmem:s9] =	stream.linear.scatter [tilespmem:s10], [sflag:$0x3], $0x800, $0x38;
	[tilespmem:$0x3E30] =	vst v63  }
0xa0: {  	_ =	swait.ge [sflag:s8], $0x800  }
0xa1: {  	[sflag:s8] =	ssyncset.done $0x0  }
0xa2: {  	s28 =	simm.s32 $0x1;
	[sflag:s8] =	ssyncadd.s32 $0xFFFFF800  }
0xa3: {  	_ =	swait.ge [sflag:s28], $0x400  }
0xa4: {  	[sflag:s28] =	ssyncset.done $0x0  }
0xa5: {  	s29 =	simm.s32 $0x2;
	[sflag:s28] =	ssyncadd.s32 $0xFFFFFC00  }
0xa6: {  	_ =	swait.ge [sflag:s29], $0x400  }
0xa7: {  	[sflag:s29] =	ssyncset.done $0x0  }
0xa8: {  	[sflag:s29] =	ssyncadd.s32 $0xFFFFFC00  }
0xa9: {  	v2 =	vld [tilespmem:$0x410]  }
0xaa: {  	v3 =	vld [tilespmem:$0x810]  }
0xab: {  	v4 =	vld [tilespmem:$0x10];
	_ =	sdelay $0x3  }
0xac: {  	v0 =	vlaneseq.u32;
	s9 =	sshll.u32 s3, $0x4  }
0xad: {  	v1 =	vor.u32 s9, v0;
	v3 =	vmul.f32 v4, v3;
	vm0 =	vlt.s32 v2, $0x8000  }
0xae: {  	v32 =	vsel vm0, v2, v1  }
0xaf: {  	v2 =	vadd.s32 $0xFFFF8000, v2;
	[tilespmem:$0xC10] =	vst v32;
	v33 =	vnsel vm0, $0x0, v3  }
0xb0: {  	v2 =	vsel vm0, v1, v2;
	[tilespmem:$0x1010] =	vst v33  }
0xb1: {  	[tilespmem:$0x1410] =	vst v2;
	v2 =	vsel vm0, $0x0, v3;
	v3 =	vld [tilespmem:$0x420]  }
0xb2: {  	[tilespmem:$0x1810] =	vst v2;
	v2 =	vld [tilespmem:$0x820]  }
0xb3: {  	v4 =	vld [tilespmem:$0x20]  }
0xb4: {  	v5 =	vld [tilespmem:$0x430]  }
0xb5: {  	v6 =	vld [tilespmem:$0x830]  }
0xb6: {  	v7 =	vld [tilespmem:$0x30]  }
0xb7: {  	vm12 =	vlt.s32 v3, $0x8000  }
0xb8: {  	v8 =	vld [tilespmem:$0x440];
	v34 =	vsel vm12, v3, v1;
	v3 =	vadd.s32 $0xFFFF8000, v3;
	v2 =	vmul.f32 v4, v2  }
0xb9: {  	v9 =	vld [tilespmem:$0x840];
	[tilespmem:$0xC20] =	vst v34;
	v3 =	vsel vm12, v1, v3  }
0xba: {  	v36 =	vld [tilespmem:$0x40];
	[tilespmem:$0x1420] =	vst v3;
	v35 =	vnsel vm12, $0x0, v2  }
0xbb: {  	vm13 =	vlt.s32 v5, $0x8000;
	v3 =	vmul.f32 v7, v6;
	v2 =	vsel vm12, $0x0, v2;
	[tilespmem:$0x1020] =	vst v35  }
0xbc: {  	v37 =	vld [tilespmem:$0x450];
	[tilespmem:$0x1820] =	vst v2;
	v2 =	vsel vm13, v5, v1  }
0xbd: {  	v38 =	vld [tilespmem:$0x850];
	v5 =	vadd.s32 $0xFFFF8000, v5;
	[tilespmem:$0xC30] =	vst v2;
	v2 =	vnsel vm13, $0x0, v3  }
0xbe: {  	v39 =	vld [tilespmem:$0x50];
	[tilespmem:$0x1030] =	vst v2;
	v2 =	vsel vm13, v1, v5  }
0xbf: {  	vm14 =	vlt.s32 v8, $0x8000;
	[tilespmem:$0x1430] =	vst v2;
	v2 =	vsel vm13, $0x0, v3;
	v3 =	vmul.f32 v36, v9  }
0xc0: {  	v40 =	vld [tilespmem:$0x460];
	[tilespmem:$0x1830] =	vst v2;
	v2 =	vsel vm14, v8, v1  }
0xc1: {  	v41 =	vld [tilespmem:$0x860];
	v8 =	vadd.s32 $0xFFFF8000, v8;
	[tilespmem:$0xC40] =	vst v2;
	v2 =	vnsel vm14, $0x0, v3  }
0xc2: {  	v42 =	vld [tilespmem:$0x60];
	[tilespmem:$0x1040] =	vst v2;
	v2 =	vsel vm14, v1, v8  }
0xc3: {  	vm15 =	vlt.s32 v37, $0x8000;
	[tilespmem:$0x1440] =	vst v2;
	v2 =	vsel vm14, $0x0, v3;
	v3 =	vmul.f32 v39, v38  }
0xc4: {  	v43 =	vld [tilespmem:$0x470];
	[tilespmem:$0x1840] =	vst v2;
	v2 =	vsel vm15, v37, v1  }
0xc5: {  	v44 =	vld [tilespmem:$0x870];
	v6 =	vadd.s32 $0xFFFF8000, v37;
	[tilespmem:$0xC50] =	vst v2;
	v2 =	vnsel vm15, $0x0, v3  }
0xc6: {  	v45 =	vld [tilespmem:$0x70];
	[tilespmem:$0x1050] =	vst v2;
	v2 =	vsel vm15, v1, v6  }
0xc7: {  	vm4 =	vlt.s32 v40, $0x8000;
	[tilespmem:$0x1450] =	vst v2;
	v2 =	vsel vm15, $0x0, v3;
	v3 =	vmul.f32 v42, v41  }
0xc8: {  	v46 =	vld [tilespmem:$0x480];
	[tilespmem:$0x1850] =	vst v2;
	v2 =	vsel vm4, v40, v1  }
0xc9: {  	v47 =	vld [tilespmem:$0x880];
	v4 =	vadd.s32 $0xFFFF8000, v40;
	[tilespmem:$0xC60] =	vst v2;
	v2 =	vnsel vm4, $0x0, v3  }
0xca: {  	v48 =	vld [tilespmem:$0x80];
	[tilespmem:$0x1060] =	vst v2;
	v2 =	vsel vm4, v1, v4  }
0xcb: {  	vm5 =	vlt.s32 v43, $0x8000;
	[tilespmem:$0x1460] =	vst v2;
	v2 =	vsel vm4, $0x0, v3;
	v3 =	vmul.f32 v45, v44  }
0xcc: {  	v49 =	vld [tilespmem:$0x490];
	[tilespmem:$0x1860] =	vst v2;
	v2 =	vsel vm5, v43, v1  }
0xcd: {  	v50 =	vld [tilespmem:$0x890];
	v5 =	vadd.s32 $0xFFFF8000, v43;
	[tilespmem:$0xC70] =	vst v2;
	v2 =	vnsel vm5, $0x0, v3  }
0xce: {  	v51 =	vld [tilespmem:$0x90];
	[tilespmem:$0x1070] =	vst v2;
	v2 =	vsel vm5, v1, v5  }
0xcf: {  	vm6 =	vlt.s32 v46, $0x8000;
	[tilespmem:$0x1470] =	vst v2;
	v2 =	vsel vm5, $0x0, v3;
	v3 =	vmul.f32 v48, v47  }
0xd0: {  	v52 =	vld [tilespmem:$0x4A0];
	[tilespmem:$0x1870] =	vst v2;
	v2 =	vsel vm6, v46, v1  }
0xd1: {  	v53 =	vld [tilespmem:$0x8A0];
	v8 =	vadd.s32 $0xFFFF8000, v46;
	[tilespmem:$0xC80] =	vst v2;
	v2 =	vnsel vm6, $0x0, v3  }
0xd2: {  	v54 =	vld [tilespmem:$0xA0];
	[tilespmem:$0x1080] =	vst v2;
	v2 =	vsel vm6, v1, v8  }
0xd3: {  	vm7 =	vlt.s32 v49, $0x8000;
	[tilespmem:$0x1480] =	vst v2;
	v2 =	vsel vm6, $0x0, v3;
	v3 =	vmul.f32 v51, v50  }
0xd4: {  	v55 =	vld [tilespmem:$0x4B0];
	[tilespmem:$0x1880] =	vst v2;
	v2 =	vsel vm7, v49, v1  }
0xd5: {  	v56 =	vld [tilespmem:$0x8B0];
	v6 =	vadd.s32 $0xFFFF8000, v49;
	[tilespmem:$0xC90] =	vst v2;
	v2 =	vnsel vm7, $0x0, v3  }
0xd6: {  	v57 =	vld [tilespmem:$0xB0];
	[tilespmem:$0x1090] =	vst v2;
	v2 =	vsel vm7, v1, v6  }
0xd7: {  	vm8 =	vlt.s32 v52, $0x8000;
	[tilespmem:$0x1490] =	vst v2;
	v2 =	vsel vm7, $0x0, v3;
	v3 =	vmul.f32 v54, v53  }
0xd8: {  	v58 =	vld [tilespmem:$0x4C0];
	[tilespmem:$0x1890] =	vst v2;
	v2 =	vsel vm8, v52, v1  }
0xd9: {  	v59 =	vld [tilespmem:$0x8C0];
	v4 =	vadd.s32 $0xFFFF8000, v52;
	[tilespmem:$0xCA0] =	vst v2;
	v2 =	vnsel vm8, $0x0, v3  }
0xda: {  	v60 =	vld [tilespmem:$0xC0];
	[tilespmem:$0x10A0] =	vst v2;
	v2 =	vsel vm8, v1, v4  }
0xdb: {  	vm9 =	vlt.s32 v55, $0x8000;
	[tilespmem:$0x14A0] =	vst v2;
	v2 =	vsel vm8, $0x0, v3;
	v3 =	vmul.f32 v57, v56  }
0xdc: {  	v61 =	vld [tilespmem:$0x4D0];
	[tilespmem:$0x18A0] =	vst v2;
	v2 =	vsel vm9, v55, v1  }
0xdd: {  	v62 =	vld [tilespmem:$0x8D0];
	v5 =	vadd.s32 $0xFFFF8000, v55;
	[tilespmem:$0xCB0] =	vst v2;
	v2 =	vnsel vm9, $0x0, v3  }
0xde: {  	v63 =	vld [tilespmem:$0xD0];
	[tilespmem:$0x10B0] =	vst v2;
	v2 =	vsel vm9, v1, v5  }
0xdf: {  	vm10 =	vlt.s32 v58, $0x8000;
	[tilespmem:$0x14B0] =	vst v2;
	v2 =	vsel vm9, $0x0, v3;
	v3 =	vmul.f32 v60, v59  }
0xe0: {  	v12 =	vld [tilespmem:$0x4E0];
	[tilespmem:$0x18B0] =	vst v2;
	v2 =	vsel vm10, v58, v1  }
0xe1: {  	v13 =	vld [tilespmem:$0x8E0];
	v8 =	vadd.s32 $0xFFFF8000, v58;
	[tilespmem:$0xCC0] =	vst v2;
	v2 =	vnsel vm10, $0x0, v3  }
0xe2: {  	v14 =	vld [tilespmem:$0xE0];
	[tilespmem:$0x10C0] =	vst v2;
	v2 =	vsel vm10, v1, v8  }
0xe3: {  	vm11 =	vlt.s32 v61, $0x8000;
	[tilespmem:$0x14C0] =	vst v2;
	v2 =	vsel vm10, $0x0, v3;
	v3 =	vmul.f32 v63, v62  }
0xe4: {  	v15 =	vld [tilespmem:$0x4F0];
	[tilespmem:$0x18C0] =	vst v2;
	v2 =	vsel vm11, v61, v1  }
0xe5: {  	v16 =	vld [tilespmem:$0x8F0];
	v6 =	vadd.s32 $0xFFFF8000, v61;
	[tilespmem:$0xCD0] =	vst v2;
	v2 =	vnsel vm11, $0x0, v3  }
0xe6: {  	v17 =	vld [tilespmem:$0xF0];
	[tilespmem:$0x10D0] =	vst v2;
	v2 =	vsel vm11, v1, v6  }
0xe7: {  	vm12 =	vlt.s32 v12, $0x8000;
	[tilespmem:$0x14D0] =	vst v2;
	v2 =	vsel vm11, $0x0, v3;
	v3 =	vmul.f32 v14, v13  }
0xe8: {  	v18 =	vld [tilespmem:$0x500];
	[tilespmem:$0x18D0] =	vst v2;
	v2 =	vsel vm12, v12, v1  }
0xe9: {  	v19 =	vld [tilespmem:$0x900];
	v4 =	vadd.s32 $0xFFFF8000, v12;
	[tilespmem:$0xCE0] =	vst v2;
	v2 =	vnsel vm12, $0x0, v3  }
0xea: {  	v20 =	vld [tilespmem:$0x100];
	[tilespmem:$0x10E0] =	vst v2;
	v2 =	vsel vm12, v1, v4  }
0xeb: {  	vm13 =	vlt.s32 v15, $0x8000;
	[tilespmem:$0x14E0] =	vst v2;
	v2 =	vsel vm12, $0x0, v3;
	v3 =	vmul.f32 v17, v16  }
0xec: {  	v21 =	vld [tilespmem:$0x510];
	[tilespmem:$0x18E0] =	vst v2;
	v2 =	vsel vm13, v15, v1  }
0xed: {  	v22 =	vld [tilespmem:$0x910];
	v5 =	vadd.s32 $0xFFFF8000, v15;
	[tilespmem:$0xCF0] =	vst v2;
	v2 =	vnsel vm13, $0x0, v3  }
0xee: {  	v23 =	vld [tilespmem:$0x110];
	[tilespmem:$0x10F0] =	vst v2;
	v2 =	vsel vm13, v1, v5  }
0xef: {  	vm14 =	vlt.s32 v18, $0x8000;
	[tilespmem:$0x14F0] =	vst v2;
	v2 =	vsel vm13, $0x0, v3;
	v3 =	vmul.f32 v20, v19  }
0xf0: {  	v24 =	vld [tilespmem:$0x520];
	[tilespmem:$0x18F0] =	vst v2;
	v2 =	vsel vm14, v18, v1  }
0xf1: {  	v25 =	vld [tilespmem:$0x920];
	v8 =	vadd.s32 $0xFFFF8000, v18;
	[tilespmem:$0xD00] =	vst v2;
	v2 =	vnsel vm14, $0x0, v3  }
0xf2: {  	v26 =	vld [tilespmem:$0x120];
	[tilespmem:$0x1100] =	vst v2;
	v2 =	vsel vm14, v1, v8  }
0xf3: {  	vm15 =	vlt.s32 v21, $0x8000;
	[tilespmem:$0x1500] =	vst v2;
	v2 =	vsel vm14, $0x0, v3;
	v3 =	vmul.f32 v23, v22  }
0xf4: {  	v27 =	vld [tilespmem:$0x530];
	[tilespmem:$0x1900] =	vst v2;
	v2 =	vsel vm15, v21, v1  }
0xf5: {  	v28 =	vld [tilespmem:$0x930];
	v6 =	vadd.s32 $0xFFFF8000, v21;
	[tilespmem:$0xD10] =	vst v2;
	v2 =	vnsel vm15, $0x0, v3  }
0xf6: {  	v29 =	vld [tilespmem:$0x130];
	[tilespmem:$0x1110] =	vst v2;
	v2 =	vsel vm15, v1, v6  }
0xf7: {  	vm4 =	vlt.s32 v24, $0x8000;
	[tilespmem:$0x1510] =	vst v2;
	v2 =	vsel vm15, $0x0, v3;
	v3 =	vmul.f32 v26, v25  }
0xf8: {  	v30 =	vld [tilespmem:$0x540];
	[tilespmem:$0x1910] =	vst v2;
	v2 =	vsel vm4, v24, v1  }
0xf9: {  	v31 =	vld [tilespmem:$0x940];
	v4 =	vadd.s32 $0xFFFF8000, v24;
	[tilespmem:$0xD20] =	vst v2;
	v2 =	vnsel vm4, $0x0, v3  }
0xfa: {  	v32 =	vld [tilespmem:$0x140];
	[tilespmem:$0x1120] =	vst v2;
	v2 =	vsel vm4, v1, v4  }
0xfb: {  	vm5 =	vlt.s32 v27, $0x8000;
	[tilespmem:$0x1520] =	vst v2;
	v2 =	vsel vm4, $0x0, v3;
	v3 =	vmul.f32 v29, v28  }
0xfc: {  	v33 =	vld [tilespmem:$0x550];
	[tilespmem:$0x1920] =	vst v2;
	v2 =	vsel vm5, v27, v1  }
0xfd: {  	v34 =	vld [tilespmem:$0x950];
	v5 =	vadd.s32 $0xFFFF8000, v27;
	[tilespmem:$0xD30] =	vst v2;
	v2 =	vnsel vm5, $0x0, v3  }
0xfe: {  	v35 =	vld [tilespmem:$0x150];
	[tilespmem:$0x1130] =	vst v2;
	v2 =	vsel vm5, v1, v5  }
0xff: {  	vm6 =	vlt.s32 v30, $0x8000;
	[tilespmem:$0x1530] =	vst v2;
	v2 =	vsel vm5, $0x0, v3;
	v3 =	vmul.f32 v32, v31  }
0x100: {  	v36 =	vld [tilespmem:$0x560];
	[tilespmem:$0x1930] =	vst v2;
	v2 =	vsel vm6, v30, v1  }
0x101: {  	v38 =	vld [tilespmem:$0x160];
	v8 =	vadd.s32 $0xFFFF8000, v30;
	[tilespmem:$0xD40] =	vst v2;
	v2 =	vnsel vm6, $0x0, v3  }
0x102: {  	v37 =	vld [tilespmem:$0x960];
	[tilespmem:$0x1140] =	vst v2;
	v2 =	vsel vm6, v1, v8  }
0x103: {  	vm7 =	vlt.s32 v33, $0x8000;
	[tilespmem:$0x1540] =	vst v2;
	v2 =	vsel vm6, $0x0, v3;
	v3 =	vmul.f32 v35, v34  }
0x104: {  	v39 =	vld [tilespmem:$0x570];
	[tilespmem:$0x1940] =	vst v2;
	v2 =	vsel vm7, v33, v1  }
0x105: {  	v41 =	vld [tilespmem:$0x170];
	v6 =	vadd.s32 $0xFFFF8000, v33;
	[tilespmem:$0xD50] =	vst v2;
	v2 =	vnsel vm7, $0x0, v3  }
0x106: {  	v40 =	vld [tilespmem:$0x970];
	[tilespmem:$0x1150] =	vst v2;
	v2 =	vsel vm7, v1, v6  }
0x107: {  	vm8 =	vlt.s32 v36, $0x8000;
	[tilespmem:$0x1550] =	vst v2;
	v2 =	vsel vm7, $0x0, v3;
	v3 =	vmul.f32 v38, v37  }
0x108: {  	v42 =	vld [tilespmem:$0x580];
	[tilespmem:$0x1950] =	vst v2;
	v2 =	vsel vm8, v36, v1  }
0x109: {  	v44 =	vld [tilespmem:$0x180];
	v4 =	vadd.s32 $0xFFFF8000, v36;
	[tilespmem:$0xD60] =	vst v2;
	v2 =	vnsel vm8, $0x0, v3  }
0x10a: {  	v43 =	vld [tilespmem:$0x980];
	[tilespmem:$0x1160] =	vst v2;
	v2 =	vsel vm8, v1, v4  }
0x10b: {  	vm9 =	vlt.s32 v39, $0x8000;
	[tilespmem:$0x1560] =	vst v2;
	v2 =	vsel vm8, $0x0, v3;
	v3 =	vmul.f32 v41, v40  }
0x10c: {  	v45 =	vld [tilespmem:$0x590];
	[tilespmem:$0x1960] =	vst v2;
	v2 =	vsel vm9, v39, v1  }
0x10d: {  	v47 =	vld [tilespmem:$0x190];
	v5 =	vadd.s32 $0xFFFF8000, v39;
	[tilespmem:$0xD70] =	vst v2;
	v2 =	vnsel vm9, $0x0, v3  }
0x10e: {  	v46 =	vld [tilespmem:$0x990];
	[tilespmem:$0x1170] =	vst v2;
	v2 =	vsel vm9, v1, v5  }
0x10f: {  	vm10 =	vlt.s32 v42, $0x8000;
	[tilespmem:$0x1570] =	vst v2;
	v2 =	vsel vm9, $0x0, v3;
	v3 =	vmul.f32 v44, v43  }
0x110: {  	v48 =	vld [tilespmem:$0x5A0];
	[tilespmem:$0x1970] =	vst v2;
	v2 =	vsel vm10, v42, v1  }
0x111: {  	v50 =	vld [tilespmem:$0x1A0];
	v8 =	vadd.s32 $0xFFFF8000, v42;
	[tilespmem:$0xD80] =	vst v2;
	v2 =	vnsel vm10, $0x0, v3  }
0x112: {  	v49 =	vld [tilespmem:$0x9A0];
	[tilespmem:$0x1180] =	vst v2;
	v2 =	vsel vm10, v1, v8  }
0x113: {  	vm11 =	vlt.s32 v45, $0x8000;
	[tilespmem:$0x1580] =	vst v2;
	v2 =	vsel vm10, $0x0, v3;
	v3 =	vmul.f32 v47, v46  }
0x114: {  	v51 =	vld [tilespmem:$0x5B0];
	[tilespmem:$0x1980] =	vst v2;
	v2 =	vsel vm11, v45, v1  }
0x115: {  	v53 =	vld [tilespmem:$0x1B0];
	v6 =	vadd.s32 $0xFFFF8000, v45;
	[tilespmem:$0xD90] =	vst v2;
	v2 =	vnsel vm11, $0x0, v3  }
0x116: {  	v52 =	vld [tilespmem:$0x9B0];
	[tilespmem:$0x1190] =	vst v2;
	v2 =	vsel vm11, v1, v6  }
0x117: {  	vm12 =	vlt.s32 v48, $0x8000;
	[tilespmem:$0x1590] =	vst v2;
	v2 =	vsel vm11, $0x0, v3;
	v3 =	vmul.f32 v50, v49  }
0x118: {  	v54 =	vld [tilespmem:$0x5C0];
	[tilespmem:$0x1990] =	vst v2;
	v2 =	vsel vm12, v48, v1  }
0x119: {  	v56 =	vld [tilespmem:$0x1C0];
	v4 =	vadd.s32 $0xFFFF8000, v48;
	[tilespmem:$0xDA0] =	vst v2;
	v2 =	vnsel vm12, $0x0, v3  }
0x11a: {  	v55 =	vld [tilespmem:$0x9C0];
	[tilespmem:$0x11A0] =	vst v2;
	v2 =	vsel vm12, v1, v4  }
0x11b: {  	vm13 =	vlt.s32 v51, $0x8000;
	[tilespmem:$0x15A0] =	vst v2;
	v2 =	vsel vm12, $0x0, v3;
	v3 =	vmul.f32 v53, v52  }
0x11c: {  	v57 =	vld [tilespmem:$0x5D0];
	[tilespmem:$0x19A0] =	vst v2;
	v2 =	vsel vm13, v51, v1  }
0x11d: {  	v59 =	vld [tilespmem:$0x1D0];
	v5 =	vadd.s32 $0xFFFF8000, v51;
	[tilespmem:$0xDB0] =	vst v2;
	v2 =	vnsel vm13, $0x0, v3  }
0x11e: {  	v58 =	vld [tilespmem:$0x9D0];
	[tilespmem:$0x11B0] =	vst v2;
	v2 =	vsel vm13, v1, v5  }
0x11f: {  	vm14 =	vlt.s32 v54, $0x8000;
	[tilespmem:$0x15B0] =	vst v2;
	v2 =	vsel vm13, $0x0, v3;
	v3 =	vmul.f32 v56, v55  }
0x120: {  	v60 =	vld [tilespmem:$0x5E0];
	[tilespmem:$0x19B0] =	vst v2;
	v2 =	vsel vm14, v54, v1  }
0x121: {  	v62 =	vld [tilespmem:$0x1E0];
	v8 =	vadd.s32 $0xFFFF8000, v54;
	[tilespmem:$0xDC0] =	vst v2;
	v2 =	vnsel vm14, $0x0, v3  }
0x122: {  	v61 =	vld [tilespmem:$0x9E0];
	[tilespmem:$0x11C0] =	vst v2;
	v2 =	vsel vm14, v1, v8  }
0x123: {  	vm15 =	vlt.s32 v57, $0x8000;
	[tilespmem:$0x15C0] =	vst v2;
	v2 =	vsel vm14, $0x0, v3;
	v3 =	vmul.f32 v59, v58  }
0x124: {  	v63 =	vld [tilespmem:$0x5F0];
	[tilespmem:$0x19C0] =	vst v2;
	v2 =	vsel vm15, v57, v1  }
0x125: {  	v13 =	vld [tilespmem:$0x1F0];
	v6 =	vadd.s32 $0xFFFF8000, v57;
	[tilespmem:$0xDD0] =	vst v2;
	v2 =	vnsel vm15, $0x0, v3  }
0x126: {  	v12 =	vld [tilespmem:$0x9F0];
	[tilespmem:$0x11D0] =	vst v2;
	v2 =	vsel vm15, v1, v6  }
0x127: {  	vm4 =	vlt.s32 v60, $0x8000;
	[tilespmem:$0x15D0] =	vst v2;
	v2 =	vsel vm15, $0x0, v3;
	v3 =	vmul.f32 v62, v61  }
0x128: {  	v14 =	vld [tilespmem:$0x600];
	[tilespmem:$0x19D0] =	vst v2;
	v2 =	vsel vm4, v60, v1  }
0x129: {  	v16 =	vld [tilespmem:$0x200];
	v4 =	vadd.s32 $0xFFFF8000, v60;
	[tilespmem:$0xDE0] =	vst v2;
	v2 =	vnsel vm4, $0x0, v3  }
0x12a: {  	v15 =	vld [tilespmem:$0xA00];
	[tilespmem:$0x11E0] =	vst v2;
	v2 =	vsel vm4, v1, v4  }
0x12b: {  	vm5 =	vlt.s32 v63, $0x8000;
	[tilespmem:$0x15E0] =	vst v2;
	v2 =	vsel vm4, $0x0, v3;
	v3 =	vmul.f32 v13, v12  }
0x12c: {  	v17 =	vld [tilespmem:$0x610];
	[tilespmem:$0x19E0] =	vst v2;
	v2 =	vsel vm5, v63, v1  }
0x12d: {  	v19 =	vld [tilespmem:$0x210];
	v5 =	vadd.s32 $0xFFFF8000, v63;
	[tilespmem:$0xDF0] =	vst v2;
	v2 =	vnsel vm5, $0x0, v3  }
0x12e: {  	v18 =	vld [tilespmem:$0xA10];
	[tilespmem:$0x11F0] =	vst v2;
	v2 =	vsel vm5, v1, v5  }
0x12f: {  	vm6 =	vlt.s32 v14, $0x8000;
	[tilespmem:$0x15F0] =	vst v2;
	v2 =	vsel vm5, $0x0, v3;
	v3 =	vmul.f32 v16, v15  }
0x130: {  	v20 =	vld [tilespmem:$0x620];
	[tilespmem:$0x19F0] =	vst v2;
	v2 =	vsel vm6, v14, v1  }
0x131: {  	v22 =	vld [tilespmem:$0x220];
	v8 =	vadd.s32 $0xFFFF8000, v14;
	[tilespmem:$0xE00] =	vst v2;
	v2 =	vnsel vm6, $0x0, v3  }
0x132: {  	v21 =	vld [tilespmem:$0xA20];
	[tilespmem:$0x1200] =	vst v2;
	v2 =	vsel vm6, v1, v8  }
0x133: {  	vm7 =	vlt.s32 v17, $0x8000;
	[tilespmem:$0x1600] =	vst v2;
	v2 =	vsel vm6, $0x0, v3;
	v3 =	vmul.f32 v19, v18  }
0x134: {  	v23 =	vld [tilespmem:$0x630];
	[tilespmem:$0x1A00] =	vst v2;
	v2 =	vsel vm7, v17, v1  }
0x135: {  	v25 =	vld [tilespmem:$0x230];
	v6 =	vadd.s32 $0xFFFF8000, v17;
	[tilespmem:$0xE10] =	vst v2;
	v2 =	vnsel vm7, $0x0, v3  }
0x136: {  	v24 =	vld [tilespmem:$0xA30];
	[tilespmem:$0x1210] =	vst v2;
	v2 =	vsel vm7, v1, v6  }
0x137: {  	vm8 =	vlt.s32 v20, $0x8000;
	[tilespmem:$0x1610] =	vst v2;
	v2 =	vsel vm7, $0x0, v3;
	v3 =	vmul.f32 v22, v21  }
0x138: {  	v26 =	vld [tilespmem:$0x640];
	[tilespmem:$0x1A10] =	vst v2;
	v2 =	vsel vm8, v20, v1  }
0x139: {  	v28 =	vld [tilespmem:$0x240];
	v4 =	vadd.s32 $0xFFFF8000, v20;
	[tilespmem:$0xE20] =	vst v2;
	v2 =	vnsel vm8, $0x0, v3  }
0x13a: {  	v27 =	vld [tilespmem:$0xA40];
	[tilespmem:$0x1220] =	vst v2;
	v2 =	vsel vm8, v1, v4  }
0x13b: {  	vm9 =	vlt.s32 v23, $0x8000;
	[tilespmem:$0x1620] =	vst v2;
	v2 =	vsel vm8, $0x0, v3;
	v3 =	vmul.f32 v25, v24  }
0x13c: {  	v29 =	vld [tilespmem:$0x650];
	[tilespmem:$0x1A20] =	vst v2;
	v2 =	vsel vm9, v23, v1  }
0x13d: {  	v31 =	vld [tilespmem:$0x250];
	v5 =	vadd.s32 $0xFFFF8000, v23;
	[tilespmem:$0xE30] =	vst v2;
	v2 =	vnsel vm9, $0x0, v3  }
0x13e: {  	v30 =	vld [tilespmem:$0xA50];
	[tilespmem:$0x1230] =	vst v2;
	v2 =	vsel vm9, v1, v5  }
0x13f: {  	vm10 =	vlt.s32 v26, $0x8000;
	[tilespmem:$0x1630] =	vst v2;
	v2 =	vsel vm9, $0x0, v3;
	v3 =	vmul.f32 v28, v27  }
0x140: {  	v32 =	vld [tilespmem:$0x660];
	[tilespmem:$0x1A30] =	vst v2;
	v2 =	vsel vm10, v26, v1  }
0x141: {  	v34 =	vld [tilespmem:$0x260];
	v8 =	vadd.s32 $0xFFFF8000, v26;
	[tilespmem:$0xE40] =	vst v2;
	v2 =	vnsel vm10, $0x0, v3  }
0x142: {  	v33 =	vld [tilespmem:$0xA60];
	[tilespmem:$0x1240] =	vst v2;
	v2 =	vsel vm10, v1, v8  }
0x143: {  	vm11 =	vlt.s32 v29, $0x8000;
	[tilespmem:$0x1640] =	vst v2;
	v2 =	vsel vm10, $0x0, v3;
	v3 =	vmul.f32 v31, v30  }
0x144: {  	v35 =	vld [tilespmem:$0x670];
	[tilespmem:$0x1A40] =	vst v2;
	v2 =	vsel vm11, v29, v1  }
0x145: {  	v37 =	vld [tilespmem:$0x270];
	v6 =	vadd.s32 $0xFFFF8000, v29;
	[tilespmem:$0xE50] =	vst v2;
	v2 =	vnsel vm11, $0x0, v3  }
0x146: {  	v36 =	vld [tilespmem:$0xA70];
	[tilespmem:$0x1250] =	vst v2;
	v2 =	vsel vm11, v1, v6  }
0x147: {  	vm12 =	vlt.s32 v32, $0x8000;
	[tilespmem:$0x1650] =	vst v2;
	v2 =	vsel vm11, $0x0, v3;
	v3 =	vmul.f32 v34, v33  }
0x148: {  	v38 =	vld [tilespmem:$0x680];
	[tilespmem:$0x1A50] =	vst v2;
	v2 =	vsel vm12, v32, v1  }
0x149: {  	v40 =	vld [tilespmem:$0x280];
	v4 =	vadd.s32 $0xFFFF8000, v32;
	[tilespmem:$0xE60] =	vst v2;
	v2 =	vnsel vm12, $0x0, v3  }
0x14a: {  	v39 =	vld [tilespmem:$0xA80];
	[tilespmem:$0x1260] =	vst v2;
	v2 =	vsel vm12, v1, v4  }
0x14b: {  	vm13 =	vlt.s32 v35, $0x8000;
	[tilespmem:$0x1660] =	vst v2;
	v2 =	vsel vm12, $0x0, v3;
	v3 =	vmul.f32 v37, v36  }
0x14c: {  	v41 =	vld [tilespmem:$0x690];
	[tilespmem:$0x1A60] =	vst v2;
	v2 =	vsel vm13, v35, v1  }
0x14d: {  	v43 =	vld [tilespmem:$0x290];
	v5 =	vadd.s32 $0xFFFF8000, v35;
	[tilespmem:$0xE70] =	vst v2;
	v2 =	vnsel vm13, $0x0, v3  }
0x14e: {  	v42 =	vld [tilespmem:$0xA90];
	[tilespmem:$0x1270] =	vst v2;
	v2 =	vsel vm13, v1, v5  }
0x14f: {  	vm14 =	vlt.s32 v38, $0x8000;
	[tilespmem:$0x1670] =	vst v2;
	v2 =	vsel vm13, $0x0, v3;
	v3 =	vmul.f32 v40, v39  }
0x150: {  	v44 =	vld [tilespmem:$0x6A0];
	[tilespmem:$0x1A70] =	vst v2;
	v2 =	vsel vm14, v38, v1  }
0x151: {  	v46 =	vld [tilespmem:$0x2A0];
	v8 =	vadd.s32 $0xFFFF8000, v38;
	[tilespmem:$0xE80] =	vst v2;
	v2 =	vnsel vm14, $0x0, v3  }
0x152: {  	v45 =	vld [tilespmem:$0xAA0];
	[tilespmem:$0x1280] =	vst v2;
	v2 =	vsel vm14, v1, v8  }
0x153: {  	vm15 =	vlt.s32 v41, $0x8000;
	[tilespmem:$0x1680] =	vst v2;
	v2 =	vsel vm14, $0x0, v3;
	v3 =	vmul.f32 v43, v42  }
0x154: {  	v47 =	vld [tilespmem:$0x6B0];
	[tilespmem:$0x1A80] =	vst v2;
	v2 =	vsel vm15, v41, v1  }
0x155: {  	v49 =	vld [tilespmem:$0x2B0];
	v6 =	vadd.s32 $0xFFFF8000, v41;
	[tilespmem:$0xE90] =	vst v2;
	v2 =	vnsel vm15, $0x0, v3  }
0x156: {  	v48 =	vld [tilespmem:$0xAB0];
	[tilespmem:$0x1290] =	vst v2;
	v2 =	vsel vm15, v1, v6  }
0x157: {  	vm4 =	vlt.s32 v44, $0x8000;
	[tilespmem:$0x1690] =	vst v2;
	v2 =	vsel vm15, $0x0, v3;
	v3 =	vmul.f32 v46, v45  }
0x158: {  	v50 =	vld [tilespmem:$0x6C0];
	[tilespmem:$0x1A90] =	vst v2;
	v2 =	vsel vm4, v44, v1  }
0x159: {  	v52 =	vld [tilespmem:$0x2C0];
	v4 =	vadd.s32 $0xFFFF8000, v44;
	[tilespmem:$0xEA0] =	vst v2;
	v2 =	vnsel vm4, $0x0, v3  }
0x15a: {  	v51 =	vld [tilespmem:$0xAC0];
	[tilespmem:$0x12A0] =	vst v2;
	v2 =	vsel vm4, v1, v4  }
0x15b: {  	vm5 =	vlt.s32 v47, $0x8000;
	[tilespmem:$0x16A0] =	vst v2;
	v2 =	vsel vm4, $0x0, v3;
	v3 =	vmul.f32 v49, v48  }
0x15c: {  	v53 =	vld [tilespmem:$0x6D0];
	[tilespmem:$0x1AA0] =	vst v2;
	v2 =	vsel vm5, v47, v1  }
0x15d: {  	v55 =	vld [tilespmem:$0x2D0];
	v5 =	vadd.s32 $0xFFFF8000, v47;
	[tilespmem:$0xEB0] =	vst v2;
	v2 =	vnsel vm5, $0x0, v3  }
0x15e: {  	v54 =	vld [tilespmem:$0xAD0];
	[tilespmem:$0x12B0] =	vst v2;
	v2 =	vsel vm5, v1, v5  }
0x15f: {  	vm6 =	vlt.s32 v50, $0x8000;
	[tilespmem:$0x16B0] =	vst v2;
	v2 =	vsel vm5, $0x0, v3;
	v3 =	vmul.f32 v52, v51  }
0x160: {  	v56 =	vld [tilespmem:$0x6E0];
	[tilespmem:$0x1AB0] =	vst v2;
	v2 =	vsel vm6, v50, v1  }
0x161: {  	v58 =	vld [tilespmem:$0x2E0];
	v8 =	vadd.s32 $0xFFFF8000, v50;
	[tilespmem:$0xEC0] =	vst v2;
	v2 =	vnsel vm6, $0x0, v3  }
0x162: {  	v57 =	vld [tilespmem:$0xAE0];
	[tilespmem:$0x12C0] =	vst v2;
	v2 =	vsel vm6, v1, v8  }
0x163: {  	vm7 =	vlt.s32 v53, $0x8000;
	[tilespmem:$0x16C0] =	vst v2;
	v2 =	vsel vm6, $0x0, v3;
	v3 =	vmul.f32 v55, v54  }
0x164: {  	v59 =	vld [tilespmem:$0x6F0];
	[tilespmem:$0x1AC0] =	vst v2;
	v2 =	vsel vm7, v53, v1  }
0x165: {  	v61 =	vld [tilespmem:$0x2F0];
	v6 =	vadd.s32 $0xFFFF8000, v53;
	[tilespmem:$0xED0] =	vst v2;
	v2 =	vnsel vm7, $0x0, v3  }
0x166: {  	v60 =	vld [tilespmem:$0xAF0];
	[tilespmem:$0x12D0] =	vst v2;
	v2 =	vsel vm7, v1, v6  }
0x167: {  	vm8 =	vlt.s32 v56, $0x8000;
	[tilespmem:$0x16D0] =	vst v2;
	v2 =	vsel vm7, $0x0, v3;
	v3 =	vmul.f32 v58, v57  }
0x168: {  	v11 =	vld [tilespmem:$0x300];
	[tilespmem:$0x1AD0] =	vst v2;
	v2 =	vsel vm8, v56, v1  }
0x169: {  	v62 =	vld [tilespmem:$0x700];
	v4 =	vadd.s32 $0xFFFF8000, v56;
	[tilespmem:$0xEE0] =	vst v2;
	v2 =	vnsel vm8, $0x0, v3  }
0x16a: {  	v63 =	vld [tilespmem:$0xB00];
	[tilespmem:$0x12E0] =	vst v2;
	v2 =	vsel vm8, v1, v4  }
0x16b: {  	vm9 =	vlt.s32 v59, $0x8000;
	[tilespmem:$0x16E0] =	vst v2;
	v2 =	vsel vm8, $0x0, v3;
	v3 =	vmul.f32 v61, v60  }
0x16c: {  	v12 =	vld [tilespmem:$0x710];
	[tilespmem:$0x1AE0] =	vst v2;
	v2 =	vsel vm9, v59, v1  }
0x16d: {  	v13 =	vld [tilespmem:$0xB10];
	v5 =	vadd.s32 $0xFFFF8000, v59;
	[tilespmem:$0xEF0] =	vst v2;
	v2 =	vnsel vm9, $0x0, v3  }
0x16e: {  	v14 =	vld [tilespmem:$0x310];
	[tilespmem:$0x12F0] =	vst v2;
	v2 =	vsel vm9, v1, v5  }
0x16f: {  	vm10 =	vlt.s32 v62, $0x8000;
	[tilespmem:$0x16F0] =	vst v2;
	v2 =	vsel vm9, $0x0, v3;
	v3 =	vmul.f32 v11, v63  }
0x170: {  	v15 =	vld [tilespmem:$0x720];
	[tilespmem:$0x1AF0] =	vst v2;
	v2 =	vsel vm10, v62, v1  }
0x171: {  	v16 =	vld [tilespmem:$0xB20];
	v8 =	vadd.s32 $0xFFFF8000, v62;
	[tilespmem:$0xF00] =	vst v2;
	v2 =	vnsel vm10, $0x0, v3  }
0x172: {  	v17 =	vld [tilespmem:$0x320];
	[tilespmem:$0x1300] =	vst v2;
	v2 =	vsel vm10, v1, v8  }
0x173: {  	vm11 =	vlt.s32 v12, $0x8000;
	[tilespmem:$0x1700] =	vst v2;
	v2 =	vsel vm10, $0x0, v3;
	v3 =	vmul.f32 v14, v13  }
0x174: {  	v18 =	vld [tilespmem:$0x730];
	[tilespmem:$0x1B00] =	vst v2;
	v2 =	vsel vm11, v12, v1  }
0x175: {  	v19 =	vld [tilespmem:$0xB30];
	v6 =	vadd.s32 $0xFFFF8000, v12;
	[tilespmem:$0xF10] =	vst v2;
	v2 =	vnsel vm11, $0x0, v3  }
0x176: {  	v20 =	vld [tilespmem:$0x330];
	[tilespmem:$0x1310] =	vst v2;
	v2 =	vsel vm11, v1, v6  }
0x177: {  	vm12 =	vlt.s32 v15, $0x8000;
	[tilespmem:$0x1710] =	vst v2;
	v2 =	vsel vm11, $0x0, v3;
	v3 =	vmul.f32 v17, v16  }
0x178: {  	v21 =	vld [tilespmem:$0x740];
	[tilespmem:$0x1B10] =	vst v2;
	v2 =	vsel vm12, v15, v1  }
0x179: {  	v22 =	vld [tilespmem:$0xB40];
	v4 =	vadd.s32 $0xFFFF8000, v15;
	[tilespmem:$0xF20] =	vst v2;
	v2 =	vnsel vm12, $0x0, v3  }
0x17a: {  	v23 =	vld [tilespmem:$0x340];
	[tilespmem:$0x1320] =	vst v2;
	v2 =	vsel vm12, v1, v4  }
0x17b: {  	vm13 =	vlt.s32 v18, $0x8000;
	[tilespmem:$0x1720] =	vst v2;
	v2 =	vsel vm12, $0x0, v3;
	v3 =	vmul.f32 v20, v19  }
0x17c: {  	v24 =	vld [tilespmem:$0x750];
	[tilespmem:$0x1B20] =	vst v2;
	v2 =	vsel vm13, v18, v1  }
0x17d: {  	v25 =	vld [tilespmem:$0xB50];
	v5 =	vadd.s32 $0xFFFF8000, v18;
	[tilespmem:$0xF30] =	vst v2;
	v2 =	vnsel vm13, $0x0, v3  }
0x17e: {  	v26 =	vld [tilespmem:$0x350];
	[tilespmem:$0x1330] =	vst v2;
	v2 =	vsel vm13, v1, v5  }
0x17f: {  	vm14 =	vlt.s32 v21, $0x8000;
	[tilespmem:$0x1730] =	vst v2;
	v2 =	vsel vm13, $0x0, v3;
	v3 =	vmul.f32 v23, v22  }
0x180: {  	v27 =	vld [tilespmem:$0x760];
	[tilespmem:$0x1B30] =	vst v2;
	v2 =	vsel vm14, v21, v1  }
0x181: {  	v28 =	vld [tilespmem:$0xB60];
	v8 =	vadd.s32 $0xFFFF8000, v21;
	[tilespmem:$0xF40] =	vst v2;
	v2 =	vnsel vm14, $0x0, v3  }
0x182: {  	v29 =	vld [tilespmem:$0x360];
	[tilespmem:$0x1340] =	vst v2;
	v2 =	vsel vm14, v1, v8  }
0x183: {  	vm15 =	vlt.s32 v24, $0x8000;
	[tilespmem:$0x1740] =	vst v2;
	v2 =	vsel vm14, $0x0, v3;
	v3 =	vmul.f32 v26, v25  }
0x184: {  	v30 =	vld [tilespmem:$0x770];
	[tilespmem:$0x1B40] =	vst v2;
	v2 =	vsel vm15, v24, v1  }
0x185: {  	v31 =	vld [tilespmem:$0xB70];
	v6 =	vadd.s32 $0xFFFF8000, v24;
	[tilespmem:$0xF50] =	vst v2;
	v2 =	vnsel vm15, $0x0, v3  }
0x186: {  	v32 =	vld [tilespmem:$0x370];
	[tilespmem:$0x1350] =	vst v2;
	v2 =	vsel vm15, v1, v6  }
0x187: {  	vm4 =	vlt.s32 v27, $0x8000;
	[tilespmem:$0x1750] =	vst v2;
	v2 =	vsel vm15, $0x0, v3;
	v3 =	vmul.f32 v29, v28  }
0x188: {  	v33 =	vld [tilespmem:$0x780];
	[tilespmem:$0x1B50] =	vst v2;
	v2 =	vsel vm4, v27, v1  }
0x189: {  	v34 =	vld [tilespmem:$0xB80];
	v4 =	vadd.s32 $0xFFFF8000, v27;
	[tilespmem:$0xF60] =	vst v2;
	v2 =	vnsel vm4, $0x0, v3  }
0x18a: {  	v35 =	vld [tilespmem:$0x380];
	[tilespmem:$0x1360] =	vst v2;
	v2 =	vsel vm4, v1, v4  }
0x18b: {  	vm5 =	vlt.s32 v30, $0x8000;
	[tilespmem:$0x1760] =	vst v2;
	v2 =	vsel vm4, $0x0, v3;
	v3 =	vmul.f32 v32, v31  }
0x18c: {  	v36 =	vld [tilespmem:$0x790];
	[tilespmem:$0x1B60] =	vst v2;
	v2 =	vsel vm5, v30, v1  }
0x18d: {  	v37 =	vld [tilespmem:$0xB90];
	v5 =	vadd.s32 $0xFFFF8000, v30;
	[tilespmem:$0xF70] =	vst v2;
	v2 =	vnsel vm5, $0x0, v3  }
0x18e: {  	v38 =	vld [tilespmem:$0x390];
	[tilespmem:$0x1370] =	vst v2;
	v2 =	vsel vm5, v1, v5  }
0x18f: {  	vm6 =	vlt.s32 v33, $0x8000;
	[tilespmem:$0x1770] =	vst v2;
	v2 =	vsel vm5, $0x0, v3;
	v3 =	vmul.f32 v35, v34  }
0x190: {  	v39 =	vld [tilespmem:$0x7A0];
	[tilespmem:$0x1B70] =	vst v2;
	v2 =	vsel vm6, v33, v1  }
0x191: {  	v40 =	vld [tilespmem:$0xBA0];
	v8 =	vadd.s32 $0xFFFF8000, v33;
	[tilespmem:$0xF80] =	vst v2;
	v2 =	vnsel vm6, $0x0, v3  }
0x192: {  	v41 =	vld [tilespmem:$0x3A0];
	[tilespmem:$0x1380] =	vst v2;
	v2 =	vsel vm6, v1, v8  }
0x193: {  	vm7 =	vlt.s32 v36, $0x8000;
	[tilespmem:$0x1780] =	vst v2;
	v2 =	vsel vm6, $0x0, v3;
	v3 =	vmul.f32 v38, v37  }
0x194: {  	v42 =	vld [tilespmem:$0x7B0];
	[tilespmem:$0x1B80] =	vst v2;
	v2 =	vsel vm7, v36, v1  }
0x195: {  	v43 =	vld [tilespmem:$0xBB0];
	v6 =	vadd.s32 $0xFFFF8000, v36;
	[tilespmem:$0xF90] =	vst v2;
	v2 =	vnsel vm7, $0x0, v3  }
0x196: {  	v44 =	vld [tilespmem:$0x3B0];
	[tilespmem:$0x1390] =	vst v2;
	v2 =	vsel vm7, v1, v6  }
0x197: {  	vm8 =	vlt.s32 v39, $0x8000;
	[tilespmem:$0x1790] =	vst v2;
	v2 =	vsel vm7, $0x0, v3;
	v3 =	vmul.f32 v41, v40  }
0x198: {  	v45 =	vld [tilespmem:$0x7C0];
	[tilespmem:$0x1B90] =	vst v2;
	v2 =	vsel vm8, v39, v1  }
0x199: {  	v46 =	vld [tilespmem:$0xBC0];
	v4 =	vadd.s32 $0xFFFF8000, v39;
	[tilespmem:$0xFA0] =	vst v2;
	v2 =	vnsel vm8, $0x0, v3  }
0x19a: {  	v47 =	vld [tilespmem:$0x3C0];
	[tilespmem:$0x13A0] =	vst v2;
	v2 =	vsel vm8, v1, v4  }
0x19b: {  	vm9 =	vlt.s32 v42, $0x8000;
	[tilespmem:$0x17A0] =	vst v2;
	v2 =	vsel vm8, $0x0, v3;
	v3 =	vmul.f32 v44, v43  }
0x19c: {  	v48 =	vld [tilespmem:$0x7D0];
	[tilespmem:$0x1BA0] =	vst v2;
	v2 =	vsel vm9, v42, v1  }
0x19d: {  	v49 =	vld [tilespmem:$0xBD0];
	v5 =	vadd.s32 $0xFFFF8000, v42;
	[tilespmem:$0xFB0] =	vst v2;
	v2 =	vnsel vm9, $0x0, v3  }
0x19e: {  	v50 =	vld [tilespmem:$0x3D0];
	[tilespmem:$0x13B0] =	vst v2;
	v2 =	vsel vm9, v1, v5  }
0x19f: {  	vm10 =	vlt.s32 v45, $0x8000;
	[tilespmem:$0x17B0] =	vst v2;
	v2 =	vsel vm9, $0x0, v3;
	v3 =	vmul.f32 v47, v46  }
0x1a0: {  	v51 =	vld [tilespmem:$0x7E0];
	[tilespmem:$0x1BB0] =	vst v2;
	v2 =	vsel vm10, v45, v1  }
0x1a1: {  	v52 =	vld [tilespmem:$0xBE0];
	v8 =	vadd.s32 $0xFFFF8000, v45;
	[tilespmem:$0xFC0] =	vst v2;
	v2 =	vnsel vm10, $0x0, v3  }
0x1a2: {  	v53 =	vld [tilespmem:$0x3E0];
	[tilespmem:$0x13C0] =	vst v2;
	v2 =	vsel vm10, v1, v8  }
0x1a3: {  	vm11 =	vlt.s32 v48, $0x8000;
	[tilespmem:$0x17C0] =	vst v2;
	v2 =	vsel vm10, $0x0, v3;
	v3 =	vmul.f32 v50, v49  }
0x1a4: {  	v54 =	vld [tilespmem:$0x7F0];
	[tilespmem:$0x1BC0] =	vst v2;
	v2 =	vsel vm11, v48, v1  }
0x1a5: {  	v55 =	vld [tilespmem:$0xBF0];
	v6 =	vadd.s32 $0xFFFF8000, v48;
	[tilespmem:$0xFD0] =	vst v2;
	v2 =	vnsel vm11, $0x0, v3  }
0x1a6: {  	v56 =	vld [tilespmem:$0x3F0];
	[tilespmem:$0x13D0] =	vst v2;
	v2 =	vsel vm11, v1, v6  }
0x1a7: {  	vm12 =	vlt.s32 v51, $0x8000;
	[tilespmem:$0x17D0] =	vst v2;
	v2 =	vsel vm11, $0x0, v3;
	v3 =	vmul.f32 v53, v52  }
0x1a8: {  	[tilespmem:$0x1BD0] =	vst v2;
	v2 =	vsel vm12, v51, v1  }
0x1a9: {  	v57 =	vld [tilespmem:$0x800];
	v4 =	vadd.s32 $0xFFFF8000, v51;
	[tilespmem:$0xFE0] =	vst v2;
	v2 =	vnsel vm12, $0x0, v3  }
0x1aa: {  	v58 =	vld [tilespmem:$0xC00];
	[tilespmem:$0x13E0] =	vst v2;
	v2 =	vsel vm12, v1, v4  }
0x1ab: {  	v59 =	vld [tilespmem:$0x400];
	vm13 =	vlt.s32 v54, $0x8000;
	v3 =	vsel vm12, $0x0, v3;
	[tilespmem:$0x17E0] =	vst v2;
	v2 =	vmul.f32 v56, v55  }
0x1ac: {  	[tilespmem:$0x1BE0] =	vst v3;
	v3 =	vsel vm13, v54, v1  }
0x1ad: {  	[tilespmem:$0xFF0] =	vst v3;
	v3 =	vnsel vm13, $0x0, v2  }
0x1ae: {  	v5 =	vadd.s32 $0xFFFF8000, v54;
	v2 =	vsel vm13, $0x0, v2;
	[tilespmem:$0x13F0] =	vst v3  }
0x1af: {  	vm14 =	vlt.s32 v57, $0x8000;
	v3 =	vsel vm13, v1, v5;
	[tilespmem:$0x1BF0] =	vst v2  }
0x1b0: {  	v60 =	vadd.s32 $0xFFFF8000, v57;
	v2 =	vsel vm14, v57, v1;
	[tilespmem:$0x17F0] =	vst v3;
	v3 =	vmul.f32 v59, v58  }
0x1b1: {  	v1 =	vsel vm14, v1, v60;
	[tilespmem:$0x1000] =	vst v2  }
0x1b2: {  	[tilespmem:$0x1800] =	vst v1;
	v2 =	vnsel vm14, $0x0, v3  }
0x1b3: {  	v1 =	vsel vm14, $0x0, v3;
	[tilespmem:$0x1400] =	vst v2  }
0x1b4: {  	s30 =	simm.s32 $0xC10;
	[tilespmem:$0x1C00] =	vst v1  }
0x1b5: {  	s31 =	simm.s32 $0x1010;
	s11 =	simm.s32 $0x80;
	[bflag:$0x0] =	sbarrier.arrive $0xFFFF  }
0x1b6: {  	[spmem:s6] =	stream.indirect.scatter.add.f32 [tilespmem:s31], [sflag:$0x3], $0x1, s30, s11, $0xb8;
	[tilespmem:$0x3E30] =	vst v63  }
0x1b7: {  	_ =	swait.ge [sflag:s8], $0x80  }
0x1b8: {  	[sflag:s8] =	ssyncset.done $0x0  }
0x1b9: {  	s14 =	simm.s32 $0x1810;
	s13 =	simm.s32 $0x1410;
	[sflag:s8] =	ssyncadd.s32 $0xFFFFFF80  }
0x1ba: {  	[spmem:s7] =	stream.indirect.scatter.add.f32 [tilespmem:s14], [sflag:$0x3], $0x1, s13, s11, $0xb8;
	[tilespmem:$0x3E30] =	vst v63  }
0x1bb: {  	_ =	swait.ge [sflag:s8], $0x80  }
0x1bc: {  	[sflag:s8] =	ssyncset.done $0x0  }
0x1bd: {  	s15 =	simm.s32 $0xC90;
	s16 =	simm.s32 $0x1090;
	[sflag:s8] =	ssyncadd.s32 $0xFFFFFF80  }
0x1be: {  	[spmem:s6] =	stream.indirect.scatter.add.f32 [tilespmem:s16], [sflag:$0x3], $0x1, s15, s11, $0xb8;
	[tilespmem:$0x3E30] =	vst v63  }
0x1bf: {  	_ =	swait.ge [sflag:s8], $0x80  }
0x1c0: {  	[sflag:s8] =	ssyncset.done $0x0  }
0x1c1: {  	s17 =	simm.s32 $0x1490;
	s18 =	simm.s32 $0x1890;
	[sflag:s8] =	ssyncadd.s32 $0xFFFFFF80  }
0x1c2: {  	[spmem:s7] =	stream.indirect.scatter.add.f32 [tilespmem:s18], [sflag:$0x3], $0x1, s17, s11, $0xb8;
	[tilespmem:$0x3E30] =	vst v63  }
0x1c3: {  	_ =	swait.ge [sflag:s8], $0x80  }
0x1c4: {  	[sflag:s8] =	ssyncset.done $0x0  }
0x1c5: {  	s19 =	simm.s32 $0xD10;
	s20 =	simm.s32 $0x1110;
	[sflag:s8] =	ssyncadd.s32 $0xFFFFFF80  }
0x1c6: {  	[spmem:s6] =	stream.indirect.scatter.add.f32 [tilespmem:s20], [sflag:$0x3], $0x1, s19, s11, $0xb8;
	[tilespmem:$0x3E30] =	vst v63  }
0x1c7: {  	_ =	swait.ge [sflag:s8], $0x80  }
0x1c8: {  	[sflag:s8] =	ssyncset.done $0x0  }
0x1c9: {  	s21 =	simm.s32 $0x1510;
	s22 =	simm.s32 $0x1910;
	[sflag:s8] =	ssyncadd.s32 $0xFFFFFF80  }
0x1ca: {  	[spmem:s7] =	stream.indirect.scatter.add.f32 [tilespmem:s22], [sflag:$0x3], $0x1, s21, s11, $0xb8;
	[tilespmem:$0x3E30] =	vst v63  }
0x1cb: {  	_ =	swait.ge [sflag:s8], $0x80  }
0x1cc: {  	[sflag:s8] =	ssyncset.done $0x0  }
0x1cd: {  	s23 =	simm.s32 $0xD90;
	s24 =	simm.s32 $0x1190;
	[sflag:s8] =	ssyncadd.s32 $0xFFFFFF80  }
0x1ce: {  	[spmem:s6] =	stream.indirect.scatter.add.f32 [tilespmem:s24], [sflag:$0x3], $0x1, s23, s11, $0xb8;
	[tilespmem:$0x3E30] =	vst v63  }
0x1cf: {  	_ =	swait.ge [sflag:s8], $0x80  }
0x1d0: {  	[sflag:s8] =	ssyncset.done $0x0  }
0x1d1: {  	s25 =	simm.s32 $0x1590;
	s26 =	simm.s32 $0x1990;
	[sflag:s8] =	ssyncadd.s32 $0xFFFFFF80  }
0x1d2: {  	[spmem:s7] =	stream.indirect.scatter.add.f32 [tilespmem:s26], [sflag:$0x3], $0x1, s25, s11, $0xb8;
	[tilespmem:$0x3E30] =	vst v63  }
0x1d3: {  	_ =	swait.ge [sflag:s8], $0x80  }
0x1d4: {  	[sflag:s8] =	ssyncset.done $0x0  }
0x1d5: {  	s28 =	simm.s32 $0xE10;
	s29 =	simm.s32 $0x1210;
	[sflag:s8] =	ssyncadd.s32 $0xFFFFFF80  }
0x1d6: {  	[spmem:s6] =	stream.indirect.scatter.add.f32 [tilespmem:s29], [sflag:$0x3], $0x1, s28, s11, $0xb8;
	[tilespmem:$0x3E30] =	vst v63  }
0x1d7: {  	_ =	swait.ge [sflag:s8], $0x80  }
0x1d8: {  	[sflag:s8] =	ssyncset.done $0x0  }
0x1d9: {  	s30 =	simm.s32 $0x1610;
	s31 =	simm.s32 $0x1A10;
	[sflag:s8] =	ssyncadd.s32 $0xFFFFFF80  }
0x1da: {  	[spmem:s7] =	stream.indirect.scatter.add.f32 [tilespmem:s31], [sflag:$0x3], $0x1, s30, s11, $0xb8;
	[tilespmem:$0x3E30] =	vst v63  }
0x1db: {  	_ =	swait.ge [sflag:s8], $0x80  }
0x1dc: {  	[sflag:s8] =	ssyncset.done $0x0  }
0x1dd: {  	s13 =	simm.s32 $0xE90;
	s14 =	simm.s32 $0x1290;
	[sflag:s8] =	ssyncadd.s32 $0xFFFFFF80  }
0x1de: {  	[spmem:s6] =	stream.indirect.scatter.add.f32 [tilespmem:s14], [sflag:$0x3], $0x1, s13, s11, $0xb8;
	[tilespmem:$0x3E30] =	vst v63  }
0x1df: {  	_ =	swait.ge [sflag:s8], $0x80  }
0x1e0: {  	[sflag:s8] =	ssyncset.done $0x0  }
0x1e1: {  	s15 =	simm.s32 $0x1690;
	s16 =	simm.s32 $0x1A90;
	[sflag:s8] =	ssyncadd.s32 $0xFFFFFF80  }
0x1e2: {  	[spmem:s7] =	stream.indirect.scatter.add.f32 [tilespmem:s16], [sflag:$0x3], $0x1, s15, s11, $0xb8;
	[tilespmem:$0x3E30] =	vst v63  }
0x1e3: {  	_ =	swait.ge [sflag:s8], $0x80  }
0x1e4: {  	[sflag:s8] =	ssyncset.done $0x0  }
0x1e5: {  	s17 =	simm.s32 $0xF10;
	s18 =	simm.s32 $0x1310;
	[sflag:s8] =	ssyncadd.s32 $0xFFFFFF80  }
0x1e6: {  	[spmem:s6] =	stream.indirect.scatter.add.f32 [tilespmem:s18], [sflag:$0x3], $0x1, s17, s11, $0xb8;
	[tilespmem:$0x3E30] =	vst v63  }
0x1e7: {  	_ =	swait.ge [sflag:s8], $0x80  }
0x1e8: {  	[sflag:s8] =	ssyncset.done $0x0  }
0x1e9: {  	s19 =	simm.s32 $0x1710;
	s20 =	simm.s32 $0x1B10;
	[sflag:s8] =	ssyncadd.s32 $0xFFFFFF80  }
0x1ea: {  	[spmem:s7] =	stream.indirect.scatter.add.f32 [tilespmem:s20], [sflag:$0x3], $0x1, s19, s11, $0xb8;
	[tilespmem:$0x3E30] =	vst v63  }
0x1eb: {  	_ =	swait.ge [sflag:s8], $0x80  }
0x1ec: {  	[sflag:s8] =	ssyncset.done $0x0  }
0x1ed: {  	s21 =	simm.s32 $0xF90;
	s22 =	simm.s32 $0x1390;
	[sflag:s8] =	ssyncadd.s32 $0xFFFFFF80  }
0x1ee: {  	[spmem:s6] =	stream.indirect.scatter.add.f32 [tilespmem:s22], [sflag:$0x3], $0x1, s21, s11, $0xb8;
	[tilespmem:$0x3E30] =	vst v63  }
0x1ef: {  	_ =	swait.ge [sflag:s8], $0x80  }
0x1f0: {  	[sflag:s8] =	ssyncset.done $0x0  }
0x1f1: {  	s23 =	simm.s32 $0x1790;
	s24 =	simm.s32 $0x1B90;
	[sflag:s8] =	ssyncadd.s32 $0xFFFFFF80  }
0x1f2: {  	[spmem:s7] =	stream.indirect.scatter.add.f32 [tilespmem:s24], [sflag:$0x3], $0x1, s23, s11, $0xb8;
	[tilespmem:$0x3E30] =	vst v63  }
0x1f3: {  	s25 =	sshll.u32 s3, $0xC;
	_ =	swait.ge [sflag:s8], $0x80  }
0x1f4: {  	p0 =	slt.u32 s3, $0x8;
	s26 =	sadd.s32 s25, s7;
	[sflag:s8] =	ssyncset.done $0x0  }
0x1f5: {  	s6 =	sadd.s32 s25, s6;
	s7 =	sadd.s32 $0xFFFF8000, s26;
	[sflag:s8] =	ssyncadd.s32 $0xFFFFFF80  }
0x1f6: {  	s7 =	smov.u32 @p0 s6;
	[bflag:$0x0] =	sbarrier.arrive $0xFFFF  }
0x1f7: {  	[tilespmem:s10], [sflag:$0x3] =	stream.linear.gather [spmem:s7], $0x1000, $0x38;
	[tilespmem:$0x3E30] =	vst v63  }
0x1f8: {  	_ =	swait.ge [sflag:s8], $0x1000  }
0x1f9: {  	[sflag:s8] =	ssyncset.done $0x0  }
0x1fa: {  	[sflag:s8] =	ssyncadd.s32 $0xFFFFF000  }
0x1fb: {  	s28 =	simm.s32 $0x10;
	v1 =	vld [tilespmem:$0x1C10]  }
0x1fc: {  	v2 =	vld [tilespmem:s28+$0x1C10];
	_ =	sdelay $0x2  }
0x1fd: {  	v3 =	vor.u32 s25, v0;
	s29 =	sadd.s32 $0x10, s25  }
0x1fe: {  	(xrf1) =	vsort.ascd.msk.f32 $0xffff, v1, v3;
	v1 =	vor.u32 s29, v0  }
0x1ff: {  	(xrf1) =	vsort.dscd.msk.f32 $0xffff, v2, v1;
	_ =	sdelay $0x9  }
0x200: {  	s30 =	simm.s32 $0x20  }
0x201: {  	v1 =	vld [tilespmem:s30+$0x1C10];
	_ =	sdelay $0x1  }
0x202: {  	v3, v2, _ =	vpop (xrf1)  }
0x203: {  	s8 =	sadd.s32 $0x10, s29;
	v62, v61, _ =	vpop (xrf1)  }
0x204: {  	v63 =	vor.u32 s8, v0;
	vm15 =	vge.f32 v3, v62  }
0x205: {  	(xrf1) =	vsort.dscd.msk.f32 $0xffff, v1, v63;
	v1 =	vsel vm15, v3, v62;
	v2 =	vsel vm15, v2, v61  }
0x206: {  	(xrf1) =	vsort.ascd.msk.f32 $0xffff, v1, v2;
	_ =	sdelay $0x9  }
0x207: {  	s31 =	simm.s32 $0x30  }
0x208: {  	s6 =	sadd.s32 s9, s4;
	s7 =	sadd.s32 s9, s5;
	s9 =	simm.s32 $0x100;
	v1 =	vld [tilespmem:s31+$0x1C10]  }
.LBB2_2:
0x209: {  	p0 =	sne.s32 s9, $0x3FC0  }
0x20a: {  	v2, v3, _ =	vpop (xrf1)  }
0x20b: {  	s8 =	sadd.s32 $0x10, s8;
	v5, v4, _ =	vpop (xrf1)  }
0x20c: {  	v6 =	vor.u32 s8, v0;
	vm0 =	vge.f32 v5, v2  }
0x20d: {  	(xrf1) =	vsort.dscd.msk.f32 $0xffff, v1, v6;
	v1 =	vsel vm0, v5, v2;
	v2 =	vsel vm0, v4, v3  }
0x20e: {  	(xrf1) =	vsort.ascd.msk.f32 $0xffff, v1, v2;
	_ =	sdelay $0x6  }
.Ltmp1:
0x20f: {  	(pc) =	sbr.rel @p0 .LBB2_2-.Ltmp1, $3  }
0x210: {  	_ =	sdelay $0x1  }
0x211: {  	s10 =	sshra.s32 s9, $0x2  }
0x212: {  	s9 =	sadd.s32 $0x40, s9;
	v1 =	vld [tilespmem:s10+$0x1C10]  }
0x213: {  	_ = 	snop  }
0x214: {  	v2, v3, _ =	vpop (xrf1)  }
0x215: {  	s8 =	sadd.s32 $0x10, s8;
	v4, v5, _ =	vpop (xrf1)  }
0x216: {  	v0 =	vor.u32 s8, v0;
	vm0 =	vge.f32 v4, v2  }
0x217: {  	(xrf1) =	vsort.dscd.msk.f32 $0xffff, v1, v0;
	v60 =	vsel vm0, v4, v2;
	v61 =	vsel vm0, v5, v3  }
0x218: {  	(xrf1) =	vsort.ascd.msk.f32 $0xffff, v60, v61;
	_ =	sdelay $0xc  }
0x219: {  	v0, v1, _ =	vpop (xrf1)  }
0x21a: {  	v62, v63, _ =	vpop (xrf1)  }
0x21b: {  	vm15 =	vge.f32 v62, v0  }
0x21c: {  	v0 =	vsel vm15, v62, v0;
	v1 =	vsel vm15, v63, v1  }
0x21d: {  	(xrf1) =	vsort.ascd.msk.f32 $0xffff, v0, v1;
	_ =	sdelay $0xd  }
0x21e: {  	v0, v1, _ =	vpop (xrf1)  }
0x21f: {  	(xrf1) =	vsort.dscd.msk.f32 $0xffff, v0, v1;
	_ =	sdelay $0xd  }
0x220: {  	v0, v1, _ =	vpop (xrf1)  }
0x221: {  	[tilespmem:$0x2C10] =	vst v0  }
0x222: {  	s8 =	simm.s32 $0x2C10;
	[tilespmem:$0x2D10] =	vst v1  }
0x223: {  	[spmem:s7] =	stream.linear.scatter [tilespmem:s8], [sflag:$0x3], $0x10, $0x38;
	[tilespmem:$0x3E30] =	vst v63  }
0x224: {  	s7 =	simm.s32 $0x3  }
0x225: {  	_ =	swait.ge [sflag:s7], $0x10  }
0x226: {  	[sflag:s7] =	ssyncset.done $0x0  }
0x227: {  	s9 =	simm.s32 $0x2D10;
	p0 =	sne.s32 s3, $0x0;
	[sflag:s7] =	ssyncadd.s32 $0xFFFFFFF0  }
0x228: {  	[spmem:s6] =	stream.linear.scatter [tilespmem:s9], [sflag:$0x3], $0x10, $0x38;
	[tilespmem:$0x3E30] =	vst v63  }
.Ltmp2:
0x229: {  	_ =	swait.ge [sflag:s7], $0x10;
	(pc) =	sbr.rel @p0 .LBB2_7-.Ltmp2, $3  }
0x22a: {  	[sflag:s7] =	ssyncset.done $0x0  }
0x22b: {  	[sflag:s7] =	ssyncadd.s32 $0xFFFFFFF0  }
0x22c: {  	[bflag:$0x0] =	sbarrier.arrive $0xFFFF;
	_ =	sdelay $0x1  }
0x22d: {  	[tilespmem:s8], [sflag:$0x3] =	stream.linear.gather [spmem:s5], $0x100, $0x38;
	[tilespmem:$0x3E30] =	vst v63  }
0x22e: {  	_ =	swait.ge [sflag:s7], $0x100  }
0x22f: {  	[sflag:s7] =	ssyncset.done $0x0  }
0x230: {  	[sflag:s7] =	ssyncadd.s32 $0xFFFFFF00  }
0x231: {  	[tilespmem:s9], [sflag:$0x3] =	stream.linear.gather [spmem:s4], $0x100, $0x38;
	[tilespmem:$0x3E30] =	vst v63  }
0x232: {  	_ =	swait.ge [sflag:s7], $0x100  }
0x233: {  	[sflag:s7] =	ssyncset.done $0x0  }
0x234: {  	[sflag:s7] =	ssyncadd.s32 $0xFFFFFF00  }
0x235: {  	v0 =	vld [tilespmem:$0x2C10]  }
0x236: {  	v1 =	vld [tilespmem:$0x2D10];
	_ =	sdelay $0x4  }
0x237: {  	(xrf1) =	vsort.ascd.msk.f32 $0xffff, v0, v1;
	_ =	sdelay $0x8  }
0x238: {  	s31 =	simm.s32 $0x10  }
0x239: {  	v62 =	vld [tilespmem:s31+$0x2C10]  }
0x23a: {  	v63 =	vld [tilespmem:s31+$0x2D10];
	_ =	sdelay $0x2  }
0x23b: {  	v3, v2, _ =	vpop (xrf1)  }
0x23c: {  	vm0 =	vge.f32 v3, v62  }
0x23d: {  	v0 =	vsel vm0, v3, v62;
	v1 =	vsel vm0, v2, v63  }
0x23e: {  	(xrf1) =	vsort.ascd.msk.f32 $0xffff, v0, v1;
	_ =	sdelay $0x8  }
0x23f: {  	s5 =	simm.s32 $0x20;
	s4 =	simm.s32 $0xC0  }
.LBB2_5:
0x240: {  	p0 =	sne.s32 s4, $0x3C0;
	v0 =	vld [tilespmem:s5+$0x2C10]  }
0x241: {  	v1 =	vld [tilespmem:s5+$0x2D10];
	_ =	sdelay $0x2  }
0x242: {  	v3, v2, _ =	vpop (xrf1)  }
0x243: {  	vm0 =	vge.f32 v3, v0  }
0x244: {  	v0 =	vsel vm0, v3, v0;
	v1 =	vsel vm0, v2, v1  }
0x245: {  	(xrf1) =	vsort.ascd.msk.f32 $0xffff, v0, v1;
	_ =	sdelay $0x4  }
.Ltmp3:
0x246: {  	(pc) =	sbr.rel @p0 .LBB2_5-.Ltmp3, $2  }
0x247: {  	_ =	sdelay $0x2  }
0x248: {  	s5 =	sshra.s32 s4, $0x2;
	s4 =	sadd.s32 $0x40, s4  }
0x249: {  	v0 =	vld [tilespmem:s5+$0x2C10]  }
0x24a: {  	v1 =	vld [tilespmem:s5+$0x2D10];
	_ =	sdelay $0x2  }
0x24b: {  	v2, v3, _ =	vpop (xrf1)  }
0x24c: {  	vm0 =	vge.f32 v2, v0  }
0x24d: {  	v0 =	vsel vm0, v2, v0;
	v1 =	vsel vm0, v3, v1  }
0x24e: {  	(xrf1) =	vsort.ascd.msk.f32 $0xffff, v0, v1;
	_ =	sdelay $0xd  }
0x24f: {  	v0, v1, _ =	vpop (xrf1)  }
0x250: {  	(xrf1) =	vsort.dscd.msk.f32 $0xffff, v0, v1;
	_ =	sdelay $0xd  }
0x251: {  	v0, v1, _ =	vpop (xrf1)  }
0x252: {  	[tilespmem:$0x2C10] =	vst v0  }
0x253: {  	s4 =	simm.s32 $0x0;
	s29 =	simm.s32 $0x2C10;
	s30 =	simm.s32 $0x3;
	[tilespmem:$0x2D10] =	vst v1  }
0x254: {  	[hbm4b:s2+s4] =	stream.linear.scatter [tilespmem:s29], [sflag:$0x3], $0x10, $0x38;
	[tilespmem:$0x3E30] =	vst v63  }
0x255: {  	_ =	swait.ge [sflag:s30], $0x10  }
0x256: {  	[sflag:s30] =	ssyncset.done $0x0  }
0x257: {  	s31 =	simm.s32 $0x2D10;
	[sflag:s30] =	ssyncadd.s32 $0xFFFFFFF0  }
0x258: {  	[hbm4b:s1+s4] =	stream.linear.scatter [tilespmem:s31], [sflag:$0x3], $0x10, $0x38;
	[tilespmem:$0x3E30] =	vst v63  }
0x259: {  	_ =	swait.ge [sflag:s30], $0x10  }
0x25a: {  	[sflag:s30] =	ssyncset.done $0x0  }
0x25b: {  	[sflag:s30] =	ssyncadd.s32 $0xFFFFFFF0  }
.LBB2_7:
0x25c: {  	_ =	sfence.sel $0x180000  }
0x25d: {  	[bflag:$0x0] =	sbarrier.arrive $0xFFFF  }
0x25e: {  	p0 =	sne.s32 s3, $0x0;
	_ =	strace $0x90000047  }
0x25f: {  	s0 =	sadd.s32 @!p0 $0x100000, s0;
	[bflag:$0x2] =	sbarrier.arrive $0xFFFF  }
0x260: {  	[sflag:s0] =	ssyncadd.tile.s32 @!p0 $0x1;
	_ =	shalt  }
.Lfunc_end2:
_tile_overlayer_lowered:
.L_overlay_start_2:
0x261: {  	(tag) =	ssettag $0x2  }
0x262: {  	s0 =	rddreg [dreg:$0x0];
	s2 =	stileid.u32  }
0x263: {  	s1 =	rddreg [dreg:$0x1];
	p0 =	sne.s32 s2, $0x0  }
0x264: {  	s3 =	rddreg [dreg:$0x2];
	[bflag:$0x3] =	sbarrier.arrive $0xFFFF;
	s2 =	simm.s32 @!p0 $0x1C03  }
0x265: {  	[timem:s3], [sflag:s2] =	dma.local @!p0 [hbm:s0], s1  }
0x266: {  	s0 =	simm.s32 @!p0 $0x3  }
0x267: {  	_ =	swait.ge @!p0 [sflag:s0], s1  }
0x268: {  	s1 =	ssub.s32 @!p0 $0x0, s1;
	[sflag:s0] =	ssyncset.done @!p0 $0x0  }
0x269: {  	[sflag:s0] =	ssyncadd.s32 @!p0 s1  }
0x26a: {  	[bflag:$0x3] =	sbarrier.arrive $0xFFFF  }
0x26b: {  	_ =	shalt  }

</sc_bundles>
